<compile_context>
chip_gen: v7x
topology: tpu7x:2x2x1
jax: 0.10.2.dev20260603
libtpu: 0.0.44.dev20260713+nightly
codegen_flags: <defaults>
</compile_context>

<pallas_src>
import functools

import jax
import jax.numpy as jnp
from jax import lax
from jax.experimental import pallas as pl
from jax.experimental.pallas import tpu as pltpu
from jax.experimental.pallas import tpu_sc as plsc

N = 10000
E = 320000
D_FEAT = 128
TYPE_DIM = 32
NUM_NODE_TYPES = 8
NUM_REL = 8
HEADS = 8
OUT = 16
HC = HEADS * OUT
NEG_SLOPE = 0.2

NC = 2
NS = 16
NW = NC * NS
EDGES_PER_W = E // NW
EB = 80
ITERS = EDGES_PER_W // EB
NPAD = 10240
ROWS_PER_SUB = NPAD // NS
DROWS = NPAD * HEADS // HC

ROW_BLK = 1000
GRID_N = N // ROW_BLK


def _prep_body(x_ref, ids_ref, emb_ref, w_ref, q_ref, k_ref,
               xr_ref, qn_ref, kn_ref):
    xb = x_ref[...]
    ids = ids_ref[...]
    onehot = (ids == lax.broadcasted_iota(jnp.int32, (1, NUM_NODE_TYPES), 1))
    onehot = onehot.astype(jnp.float32)
    temb = jnp.dot(onehot, emb_ref[...],
                   preferred_element_type=jnp.float32)
    zpad = jnp.zeros((HC, OUT - HEADS), jnp.float32)
    qp = jnp.concatenate([q_ref[...], zpad], axis=1)
    kp = jnp.concatenate([k_ref[...], zpad], axis=1)
    q_pieces = []
    k_pieces = []
    for r in range(NUM_REL):
        w1 = w_ref[r, :D_FEAT, :]
        w2 = w_ref[r, D_FEAT:, :]
        xr_r = (jnp.dot(xb, w1, preferred_element_type=jnp.float32)
                + jnp.dot(temb, w2, preferred_element_type=jnp.float32))
        xr_ref[:, r, :] = xr_r
        q_pieces.append(jnp.dot(xr_r, qp, preferred_element_type=jnp.float32))
        k_pieces.append(jnp.dot(xr_r, kp, preferred_element_type=jnp.float32))
    qn_ref[...] = jnp.concatenate(q_pieces, axis=1)
    kn_ref[...] = jnp.concatenate(k_pieces, axis=1)


def _prep_call(x, ids2, type_emb_table, weight, q, k):
    return pl.pallas_call(
        _prep_body,
        grid=(GRID_N,),
        in_specs=[
            pl.BlockSpec((ROW_BLK, D_FEAT), lambda i: (i, 0)),
            pl.BlockSpec((ROW_BLK, 1), lambda i: (i, 0)),
            pl.BlockSpec((NUM_NODE_TYPES, TYPE_DIM), lambda i: (0, 0)),
            pl.BlockSpec((NUM_REL, D_FEAT + TYPE_DIM, HC), lambda i: (0, 0, 0)),
            pl.BlockSpec((HC, HEADS), lambda i: (0, 0)),
            pl.BlockSpec((HC, HEADS), lambda i: (0, 0)),
        ],
        out_specs=[
            pl.BlockSpec((ROW_BLK, NUM_REL, HC), lambda i: (i, 0, 0)),
            pl.BlockSpec((ROW_BLK, HC), lambda i: (i, 0)),
            pl.BlockSpec((ROW_BLK, HC), lambda i: (i, 0)),
        ],
        out_shape=[
            jax.ShapeDtypeStruct((N, NUM_REL, HC), jnp.float32),
            jax.ShapeDtypeStruct((N, HC), jnp.float32),
            jax.ShapeDtypeStruct((N, HC), jnp.float32),
        ],
    )(x, ids2, type_emb_table, weight, q, k)


def _den_body(esrc_hbm, edst_hbm, et_hbm, qn_hbm, kn_hbm,
              ev_out, out_d, den_local,
              srci0, dsti0, relp0, dstp0, relc0, qrows0, krows0, evbuf0,
              srci1, dsti1, relp1, dstp1, relc1, qrows1, krows1, evbuf1,
              sem_i0, sem_q0, sem_k0, sem_e0,
              sem_i1, sem_q1, sem_k1, sem_e1):
    c = lax.axis_index("c")
    s = lax.axis_index("s")
    zero = jnp.zeros((16,), jnp.float32)
    wid = s * NC + c
    base = wid * EDGES_PER_W
    dmask = lax.iota(jnp.int32, 16) < HEADS

    S0 = (srci0, dsti0, relp0, dstp0, relc0, qrows0, krows0, evbuf0,
          sem_i0, sem_q0, sem_k0, sem_e0)
    S1 = (srci1, dsti1, relp1, dstp1, relc1, qrows1, krows1, evbuf1,
          sem_i1, sem_q1, sem_k1, sem_e1)

    def zden(i, carry):
        den_local[pl.ds(i * 16, 16)] = zero
        return carry

    lax.fori_loop(0, DROWS * HC // 16, zden, 0)

    def fire_idx(j, sl):
        off = base + j * EB
        pltpu.async_copy(esrc_hbm.at[pl.ds(off, EB)], sl[0], sl[8])
        pltpu.async_copy(edst_hbm.at[pl.ds(off, EB)], sl[1], sl[8])
        pltpu.async_copy(et_hbm.at[pl.ds(off, EB)], sl[2], sl[8])

    def wait_idx(sl):
        pltpu.make_async_copy(esrc_hbm.at[pl.ds(0, EB)], sl[0], sl[8]).wait()
        pltpu.make_async_copy(edst_hbm.at[pl.ds(0, EB)], sl[1], sl[8]).wait()
        pltpu.make_async_copy(et_hbm.at[pl.ds(0, EB)], sl[2], sl[8]).wait()

    def prep(sl):
        for v in range(EB // 16):
            vsl = pl.ds(v * 16, 16)
            sl[3][vsl] = sl[1][vsl]
            sl[4][vsl] = sl[2][vsl]

    HB = EB // 2

    def fire_gather(sl):
        pltpu.async_copy(qn_hbm.at[sl[1].at[pl.ds(0, HB)]],
                         sl[5].at[pl.ds(0, HB)], sl[9])
        pltpu.async_copy(qn_hbm.at[sl[1].at[pl.ds(HB, HB)]],
                         sl[5].at[pl.ds(HB, HB)], sl[9])
        pltpu.async_copy(kn_hbm.at[sl[0].at[pl.ds(0, HB)]],
                         sl[6].at[pl.ds(0, HB)], sl[10])
        pltpu.async_copy(kn_hbm.at[sl[0].at[pl.ds(HB, HB)]],
                         sl[6].at[pl.ds(HB, HB)], sl[10])

    def wait_gather(sl):
        pltpu.make_async_copy(qn_hbm.at[sl[1].at[pl.ds(0, HB)]],
                              sl[5].at[pl.ds(0, HB)], sl[9]).wait()
        pltpu.make_async_copy(qn_hbm.at[sl[1].at[pl.ds(HB, HB)]],
                              sl[5].at[pl.ds(HB, HB)], sl[9]).wait()
        pltpu.make_async_copy(kn_hbm.at[sl[0].at[pl.ds(0, HB)]],
                              sl[6].at[pl.ds(0, HB)], sl[10]).wait()
        pltpu.make_async_copy(kn_hbm.at[sl[0].at[pl.ds(HB, HB)]],
                              sl[6].at[pl.ds(HB, HB)], sl[10]).wait()

    def fire_ev(i, sl):
        pltpu.async_copy(
            sl[7], ev_out.at[pl.ds((base + i * EB) * OUT, EB * OUT)], sl[11])

    def wait_ev(sl):
        pltpu.make_async_copy(
            sl[7], ev_out.at[pl.ds(0, EB * OUT)], sl[11]).wait()

    def compute(sl):
        dstp, relc, qrows, krows, evbuf = sl[3], sl[4], sl[5], sl[6], sl[7]

        def e_body(e, carry2):
            r16 = relc[pl.ds(e, 16)][0] * OUT
            dv = dstp[pl.ds(e, 16)][0]
            av = qrows[e, pl.ds(r16, 16)] + krows[e, pl.ds(r16, 16)]
            av = jnp.maximum(av, av * NEG_SLOPE)
            ev = jnp.exp(av)
            evbuf[pl.ds(e * OUT, 16)] = ev
            dslice = pl.ds(dv * HEADS, 16)
            den_local[dslice] = den_local[dslice] + jnp.where(dmask, ev, 0.0)
            return carry2

        lax.fori_loop(0, EB, e_body, 0, unroll=2)

    def step(i, cur, nxt):
        wait_idx(nxt)
        prep(nxt)
        fire_gather(nxt)
        wait_gather(cur)

        @pl.when(i <= ITERS - 3)
        def _():
            fire_idx(i + 2, cur)

        @pl.when(i >= 2)
        def _():
            wait_ev(cur)

        compute(cur)
        fire_ev(i, cur)

    fire_idx(0, S0)
    wait_idx(S0)
    prep(S0)
    fire_gather(S0)
    fire_idx(1, S1)

    def pair(g, carry):
        step(2 * g, S0, S1)
        step(2 * g + 1, S1, S0)
        return carry

    lax.fori_loop(0, (ITERS - 1) // 2, pair, 0)

    wait_gather(S0)
    wait_ev(S0)
    compute(S0)
    fire_ev(ITERS - 1, S0)
    wait_ev(S1)
    wait_ev(S0)
    pltpu.sync_copy(den_local, out_d.at[wid])


_den_call = functools.partial(
    pl.kernel,
    out_type=[
        jax.ShapeDtypeStruct((E * OUT,), jnp.float32),
        jax.ShapeDtypeStruct((NW, DROWS * HC), jnp.float32),
    ],
    mesh=plsc.VectorSubcoreMesh(core_axis_name="c", subcore_axis_name="s"),
    scratch_types=[
        pltpu.VMEM((DROWS * HC,), jnp.float32),
    ] + 2 * [
        pltpu.VMEM((EB,), jnp.int32),
        pltpu.VMEM((EB,), jnp.int32),
        pltpu.VMEM((EB,), jnp.int32),
        pltpu.VMEM((EB + 16,), jnp.int32),
        pltpu.VMEM((EB + 16,), jnp.int32),
        pltpu.VMEM((EB, HC), jnp.float32),
        pltpu.VMEM((EB, HC), jnp.float32),
        pltpu.VMEM((EB * OUT,), jnp.float32),
    ] + 8 * [pltpu.SemaphoreType.DMA],
)(_den_body)


def _msg_body(esrc_hbm, edst_hbm, et_hbm, xr_hbm, ev_hbm,
              out_m, acc,
              srci0, dsti0, relp0, fsrc0, dsts0, xrows0, evbuf0, msg0,
              srci1, dsti1, relp1, fsrc1, dsts1, xrows1, evbuf1, msg1,
              sem_i0, sem_x0, sem_e0, sem_s0,
              sem_i1, sem_x1, sem_e1, sem_s1):
    c = lax.axis_index("c")
    s = lax.axis_index("s")
    zero = jnp.zeros((16,), jnp.float32)
    wid = s * NC + c
    base = wid * EDGES_PER_W

    S0 = (srci0, dsti0, relp0, fsrc0, dsts0, xrows0, evbuf0, msg0,
          sem_i0, sem_x0, sem_e0, sem_s0)
    S1 = (srci1, dsti1, relp1, fsrc1, dsts1, xrows1, evbuf1, msg1,
          sem_i1, sem_x1, sem_e1, sem_s1)

    def zrow_m(i, carry):
        for j in range(HC // 16):
            msg0[i, pl.ds(j * 16, 16)] = zero
        return carry

    lax.fori_loop(0, EB, zrow_m, 0)
    for t in range(ROWS_PER_SUB // EB):
        pltpu.sync_copy(msg0, acc.at[pl.ds(s * ROWS_PER_SUB + t * EB, EB)])
    plsc.subcore_barrier()

    def fire_idx(j, sl):
        off = base + j * EB
        pltpu.async_copy(esrc_hbm.at[pl.ds(off, EB)], sl[0], sl[8])
        pltpu.async_copy(edst_hbm.at[pl.ds(off, EB)], sl[1], sl[8])
        pltpu.async_copy(et_hbm.at[pl.ds(off, EB)], sl[2], sl[8])

    def wait_idx(sl):
        pltpu.make_async_copy(esrc_hbm.at[pl.ds(0, EB)], sl[0], sl[8]).wait()
        pltpu.make_async_copy(edst_hbm.at[pl.ds(0, EB)], sl[1], sl[8]).wait()
        pltpu.make_async_copy(et_hbm.at[pl.ds(0, EB)], sl[2], sl[8]).wait()

    def prep(sl):
        for v in range(EB // 16):
            vsl = pl.ds(v * 16, 16)
            sl[3][vsl] = sl[0][vsl] * NUM_REL + sl[2][vsl]

    def fire_x(sl):
        pltpu.async_copy(xr_hbm.at[sl[3]], sl[5], sl[9])

    def wait_x(sl):
        pltpu.make_async_copy(xr_hbm.at[sl[3]], sl[5], sl[9]).wait()

    def fire_evload(j, sl):
        off = (base + j * EB) * OUT
        pltpu.async_copy(ev_hbm.at[pl.ds(off, EB * OUT)], sl[6], sl[10])

    def wait_evload(sl):
        pltpu.make_async_copy(
            ev_hbm.at[pl.ds(0, EB * OUT)], sl[6], sl[10]).wait()

    def stash_dsts(sl):
        for v in range(EB // 16):
            vsl = pl.ds(v * 16, 16)
            sl[4][vsl] = sl[1][vsl]

    def fire_scatter(sl):
        pltpu.async_copy(sl[7], acc.at[sl[4]], sl[11], add=True)

    def wait_scatter(sl):
        pltpu.make_async_copy(sl[7], acc.at[sl[4]], sl[11]).wait()

    def compute(sl):
        xrows, evbuf, msg = sl[5], sl[6], sl[7]

        def e_body(e, carry2):
            ev = evbuf[pl.ds(e * OUT, 16)]
            for h in range(HEADS):
                sc = ev[h]
                msg[e, pl.ds(h * OUT, 16)] = xrows[e, pl.ds(h * OUT, 16)] * sc
            return carry2

        lax.fori_loop(0, EB, e_body, 0)

    def step(i, cur, nxt):
        wait_idx(nxt)
        prep(nxt)
        fire_x(nxt)
        wait_x(cur)

        @pl.when(i >= 2)
        def _():
            wait_scatter(cur)

        stash_dsts(cur)

        @pl.when(i <= ITERS - 3)
        def _():
            fire_idx(i + 2, cur)

        wait_evload(cur)
        compute(cur)
        fire_scatter(cur)

        @pl.when(i <= ITERS - 3)
        def _():
            fire_evload(i + 2, cur)

    fire_idx(0, S0)
    wait_idx(S0)
    prep(S0)
    fire_x(S0)
    fire_idx(1, S1)
    fire_evload(0, S0)
    fire_evload(1, S1)

    def pair(g, carry):
        step(2 * g, S0, S1)
        step(2 * g + 1, S1, S0)
        return carry

    lax.fori_loop(0, (ITERS - 1) // 2, pair, 0)

    wait_x(S0)
    wait_scatter(S0)
    stash_dsts(S0)
    wait_evload(S0)
    compute(S0)
    fire_scatter(S0)
    wait_scatter(S1)
    wait_scatter(S0)

    plsc.subcore_barrier()
    pltpu.sync_copy(acc.at[pl.ds(s * ROWS_PER_SUB, ROWS_PER_SUB)],
                    out_m.at[c, pl.ds(s * ROWS_PER_SUB, ROWS_PER_SUB)])


_msg_call = functools.partial(
    pl.kernel,
    out_type=jax.ShapeDtypeStruct((NC, NPAD, HC), jnp.float32),
    mesh=plsc.VectorSubcoreMesh(core_axis_name="c", subcore_axis_name="s"),
    scratch_types=[
        pltpu.VMEM_SHARED((NPAD, HC), jnp.float32),
    ] + 2 * [
        pltpu.VMEM((EB,), jnp.int32),
        pltpu.VMEM((EB,), jnp.int32),
        pltpu.VMEM((EB,), jnp.int32),
        pltpu.VMEM((EB,), jnp.int32),
        pltpu.VMEM((EB,), jnp.int32),
        pltpu.VMEM((EB, HC), jnp.float32),
        pltpu.VMEM((EB * OUT,), jnp.float32),
        pltpu.VMEM((EB, HC), jnp.float32),
    ] + 8 * [pltpu.SemaphoreType.DMA],
)(_msg_body)


def _dsum_body(pd_ref, out_ref):
    out_ref[...] = jnp.sum(pd_ref[...], axis=0)


def _dsum_call(part_d):
    blk = DROWS // 5
    return pl.pallas_call(
        _dsum_body,
        grid=(5,),
        in_specs=[pl.BlockSpec((NW, blk, HC), lambda i: (0, i, 0))],
        out_specs=pl.BlockSpec((blk, HC), lambda i: (i, 0)),
        out_shape=jax.ShapeDtypeStruct((DROWS, HC), jnp.float32),
    )(part_d)


def _final_body(pm_ref, dex_ref, bias_ref, out_ref):
    m = pm_ref[0] + pm_ref[1]
    out = m / (dex_ref[...] + 1e-16) + bias_ref[...]
    out_ref[...] = jnp.maximum(out, 0.0)


def _final_call(part_m, dex, bias2):
    return pl.pallas_call(
        _final_body,
        grid=(GRID_N,),
        in_specs=[
            pl.BlockSpec((NC, ROW_BLK, HC), lambda i: (0, i, 0)),
            pl.BlockSpec((ROW_BLK, HC), lambda i: (i, 0)),
            pl.BlockSpec((1, HC), lambda i: (0, 0)),
        ],
        out_specs=pl.BlockSpec((ROW_BLK, HC), lambda i: (i, 0)),
        out_shape=jax.ShapeDtypeStruct((N, HC), jnp.float32),
    )(part_m, dex, bias2)


def kernel(x, node_type_ids, edge_index, edge_type, type_emb_table, weight,
           q, k, bias):
    ids2 = node_type_ids.astype(jnp.int32).reshape(N, 1)
    xr3, qn2, kn2 = _prep_call(x, ids2, type_emb_table, weight, q, k)
    xr_flat = xr3.reshape(N * NUM_REL, HC)
    ei = edge_index.astype(jnp.int32)
    esrc, edst = ei[0], ei[1]
    et = edge_type.astype(jnp.int32)
    evtmp, part_d = _den_call(esrc, edst, et, qn2, kn2)
    part_m = _msg_call(esrc, edst, et, xr_flat, evtmp)
    dsum = _dsum_call(part_d.reshape(NW, DROWS, HC))
    dex = jnp.broadcast_to(
        dsum.reshape(NPAD, HEADS, 1), (NPAD, HEADS, OUT)).reshape(NPAD, HC)
    return _final_call(part_m, dex, bias.reshape(1, HC))

# --- scband reference (transcript-rebuilt; emitter-appended) ---
"""Pipeline reference for scband-hetero-rgat-52183852646759 (READ-ONLY COPY).

The authoritative reference and input builder live on the scoring server;
editing this copy changes nothing except your own understanding.
"""

import jax, jax.numpy as jnp
import numpy as np

N = 10000
E = 320000
D_FEAT = 128
TYPE_DIM = 32
NUM_NODE_TYPES = 8
NUM_REL = 8
HEADS = 8
OUT = 16
HC = HEADS * OUT
IN = D_FEAT + TYPE_DIM
NEG_SLOPE = 0.2


def setup_inputs(seed: int = 0) -> dict:
    key = jax.random.key(seed)
    ks = jax.random.split(key, 9)
    x = jax.random.normal(ks[0], (N, D_FEAT), dtype=jnp.float32)
    node_type_ids = jax.random.randint(ks[1], (N,), 0, NUM_NODE_TYPES)
    edge_index = jax.random.randint(ks[2], (2, E), 0, N)
    edge_type = jax.random.randint(ks[3], (E,), 0, NUM_REL)
    type_emb_table = jax.random.normal(ks[4], (NUM_NODE_TYPES, TYPE_DIM), dtype=jnp.float32) * 0.02
    weight = jax.random.normal(ks[5], (NUM_REL, IN, HC), dtype=jnp.float32) * (1.0 / np.sqrt(IN))
    q = jax.random.normal(ks[6], (HC, HEADS), dtype=jnp.float32) * (1.0 / np.sqrt(HC))
    k = jax.random.normal(ks[7], (HC, HEADS), dtype=jnp.float32) * (1.0 / np.sqrt(HC))
    bias = jnp.zeros((HC,), dtype=jnp.float32)
    return {"x": x, "node_type_ids": node_type_ids, "edge_index": edge_index,
            "edge_type": edge_type, "type_emb_table": type_emb_table,
            "weight": weight, "q": q, "k": k, "bias": bias}


def reference(x, node_type_ids, edge_index, edge_type, type_emb_table, weight, q, k, bias):
    # node type embedding lookup + concat
    type_emb = jnp.take(type_emb_table, node_type_ids, axis=0)          # [N, TYPE_DIM]
    h = jnp.concatenate([x, type_emb], axis=1)                           # [N, IN]
    # RGATConv (additive self-attention, across-relation softmax, dim=1, concat=True)
    # per-(node, relation) transform; gathering by edge_type reproduces bmm(x_e, W[edge_type])
    xr = jnp.einsum('ni,rio->nro', h, weight)                            # [N, R, HC]
    src = edge_index[0]
    dst = edge_index[1]
    x_j = xr[src, edge_type]                                             # [E, HC]
    x_i = xr[dst, edge_type]                                             # [E, HC]
    qi = x_i @ q                                                         # [E, HEADS]
    kj = x_j @ k                                                         # [E, HEADS]
    alpha = qi + kj
    alpha = jnp.where(alpha > 0, alpha, NEG_SLOPE * alpha)               # leaky_relu(0.2)
    # segment softmax over incoming edges of each dst node (across-relation)
    amax = jax.ops.segment_max(alpha, dst, num_segments=N)               # [N, HEADS]
    amax = jnp.where(jnp.isfinite(amax), amax, 0.0)
    amax = jax.lax.stop_gradient(amax)
    ex = jnp.exp(alpha - amax[dst])
    denom = jax.ops.segment_sum(ex, dst, num_segments=N)                 # [N, HEADS]
    attn = ex / (denom[dst] + 1e-16)                                     # [E, HEADS]
    msg = attn[:, :, None] * x_j.reshape(E, HEADS, OUT)                  # [E, HEADS, OUT]
    out = jax.ops.segment_sum(msg.reshape(E, HC), dst, num_segments=N)   # [N, HC]
    out = out + bias
    out = jax.nn.relu(out)
    # dropout is identity in eval mode
    return out

if __name__ == "__main__":
    import jax
    _d = setup_inputs()
    print(jax.jit(kernel)(*tuple(_d.values())))

</pallas_src>

<mosaic_0001>
#map = affine_map<(d0, d1) -> (0)>
#map1 = affine_map<(d0, d1) -> (0, 0)>
module attributes {stable_mosaic.version = 14 : i64} {
  func.func @_den_body(%arg0: i32, %arg1: i32, %arg2: memref<320000xi32, #tpu.memory_space<hbm>>, %arg3: memref<320000xi32, #tpu.memory_space<hbm>>, %arg4: memref<320000xi32, #tpu.memory_space<hbm>>, %arg5: memref<10000x128xf32, #tpu.memory_space<hbm>>, %arg6: memref<10000x128xf32, #tpu.memory_space<hbm>>, %arg7: memref<5120000xf32, #tpu.memory_space<hbm>>, %arg8: memref<32x81920xf32, #tpu.memory_space<hbm>>, %arg9: memref<81920xf32, #tpu.memory_space<vmem>>, %arg10: memref<80xi32, #tpu.memory_space<vmem>>, %arg11: memref<80xi32, #tpu.memory_space<vmem>>, %arg12: memref<80xi32, #tpu.memory_space<vmem>>, %arg13: memref<96xi32, #tpu.memory_space<vmem>>, %arg14: memref<96xi32, #tpu.memory_space<vmem>>, %arg15: memref<80x128xf32, #tpu.memory_space<vmem>>, %arg16: memref<80x128xf32, #tpu.memory_space<vmem>>, %arg17: memref<1280xf32, #tpu.memory_space<vmem>>, %arg18: memref<80xi32, #tpu.memory_space<vmem>>, %arg19: memref<80xi32, #tpu.memory_space<vmem>>, %arg20: memref<80xi32, #tpu.memory_space<vmem>>, %arg21: memref<96xi32, #tpu.memory_space<vmem>>, %arg22: memref<96xi32, #tpu.memory_space<vmem>>, %arg23: memref<80x128xf32, #tpu.memory_space<vmem>>, %arg24: memref<80x128xf32, #tpu.memory_space<vmem>>, %arg25: memref<1280xf32, #tpu.memory_space<vmem>>, %arg26: memref<!tpu.dma_semaphore, #tpu.memory_space<semaphore_mem>>, %arg27: memref<!tpu.dma_semaphore, #tpu.memory_space<semaphore_mem>>, %arg28: memref<!tpu.dma_semaphore, #tpu.memory_space<semaphore_mem>>, %arg29: memref<!tpu.dma_semaphore, #tpu.memory_space<semaphore_mem>>, %arg30: memref<!tpu.dma_semaphore, #tpu.memory_space<semaphore_mem>>, %arg31: memref<!tpu.dma_semaphore, #tpu.memory_space<semaphore_mem>>, %arg32: memref<!tpu.dma_semaphore, #tpu.memory_space<semaphore_mem>>, %arg33: memref<!tpu.dma_semaphore, #tpu.memory_space<semaphore_mem>>) attributes {dimension_semantics = [#tpu.dimension_semantics<core_parallel>, #tpu.dimension_semantics<subcore_parallel>], iteration_bounds = array<i64: 2, 16>, scalar_prefetch = 0 : i64, scratch_operands = 25 : i64, tpu.core_type = #tpu.core_type<sc_vector_subcore>, window_params = [{transform_indices = #map}, {transform_indices = #map}, {transform_indices = #map}, {transform_indices = #map1}, {transform_indices = #map1}, {transform_indices = #map}, {transform_indices = #map1}]} {
    %broadcast_in_dim3A = arith.constant 0.000000e+00 : f32
    %broadcast_in_dim3A_0 = vector.broadcast %broadcast_in_dim3A : f32 to vector<16xf32>
    %mul3A = arith.constant 2 : i32
    %mul3A_1 = arith.muli %arg1, %mul3A : i32
    %add3A = arith.addi %mul3A_1, %arg0 : i32
    %mul3A_2 = arith.constant 10000 : i32
    %mul3A_3 = arith.muli %add3A, %mul3A_2 : i32
    %iota3A = tpu.iota {dimensions = array<i32: 0>} : vector<16xi32>
    %lt3A = arith.constant 8 : i32
    %lt3A_4 = vector.broadcast %lt3A : i32 to vector<16xi32>
    %lt3A_5 = arith.cmpi slt, %iota3A, %lt3A_4 : vector<16xi32>
    %scan3A = arith.constant 0 : i32
    %scan3A_6 = arith.constant 0 : i32
    %scan3A_7 = arith.constant 5120 : i32
    %scan3A_8 = arith.addi %scan3A_6, %scan3A_7 : i32
    %scan3A_9 = arith.constant 1 : i32
    scf.for %scan3A_199 = %scan3A_6 to %scan3A_8 step %scan3A_9  : i32 {
      %mul3A_200 = arith.constant 16 : i32
      %mul3A_201 = arith.muli %scan3A_199, %mul3A_200 : i32
      %swap3A_202 = arith.index_cast %mul3A_201 : i32 to index
      %swap3A_203 = tpu.vector_load %arg9[%swap3A_202] {strides = array<i32>} : memref<81920xf32, #tpu.memory_space<vmem>>, vector<16xf32>,
      %swap3A_204 = vector.shape_cast %swap3A_203 : vector<16xf32> to vector<16xf32>
      %swap3A_205 = vector.shape_cast %broadcast_in_dim3A_0 : vector<16xf32> to vector<16xf32>
      tpu.vector_store %arg9[%swap3A_202], %swap3A_205 {strides = array<i32>} : memref<81920xf32, #tpu.memory_space<vmem>>, vector<16xf32>,
    }
    %scan3A_10 = arith.constant 5120 : i32
    %add3A_11 = arith.constant 0 : i32
    %add3A_12 = arith.addi %mul3A_3, %add3A_11 : i32
    %dma_start3A = tpu.memref_slice %arg2[%add3A_12] : memref<320000xi32, #tpu.memory_space<hbm>> -> memref<80xi32, #tpu.memory_space<hbm>>
    %dma_start3A_13 = tpu.memref_slice %arg2[%add3A_12] : memref<320000xi32, #tpu.memory_space<hbm>> -> memref<80xi32, #tpu.memory_space<hbm>>
    tpu.enqueue_dma source(%dma_start3A_13 : memref<80xi32, #tpu.memory_space<hbm>>) target(%arg10 : memref<80xi32, #tpu.memory_space<vmem>>) target_semaphore(%arg26 : memref<!tpu.dma_semaphore, #tpu.memory_space<semaphore_mem>>)
    %dma_start3A_14 = tpu.memref_slice %arg3[%add3A_12] : memref<320000xi32, #tpu.memory_space<hbm>> -> memref<80xi32, #tpu.memory_space<hbm>>
    %dma_start3A_15 = tpu.memref_slice %arg3[%add3A_12] : memref<320000xi32, #tpu.memory_space<hbm>> -> memref<80xi32, #tpu.memory_space<hbm>>
    tpu.enqueue_dma source(%dma_start3A_15 : memref<80xi32, #tpu.memory_space<hbm>>) target(%arg11 : memref<80xi32, #tpu.memory_space<vmem>>) target_semaphore(%arg26 : memref<!tpu.dma_semaphore, #tpu.memory_space<semaphore_mem>>)
    %dma_start3A_16 = tpu.memref_slice %arg4[%add3A_12] : memref<320000xi32, #tpu.memory_space<hbm>> -> memref<80xi32, #tpu.memory_space<hbm>>
    %dma_start3A_17 = tpu.memref_slice %arg4[%add3A_12] : memref<320000xi32, #tpu.memory_space<hbm>> -> memref<80xi32, #tpu.memory_space<hbm>>
    tpu.enqueue_dma source(%dma_start3A_17 : memref<80xi32, #tpu.memory_space<hbm>>) target(%arg12 : memref<80xi32, #tpu.memory_space<vmem>>) target_semaphore(%arg26 : memref<!tpu.dma_semaphore, #tpu.memory_space<semaphore_mem>>)
    %dma_wait3A = arith.constant 0 : i32
    %dma_wait3A_18 = tpu.memref_slice %arg2[%dma_wait3A] : memref<320000xi32, #tpu.memory_space<hbm>> -> memref<80xi32, #tpu.memory_space<hbm>>
    %dma_wait3A_19 = arith.constant 0 : i32
    %dma_wait3A_20 = tpu.memref_slice %arg2[%dma_wait3A_19] : memref<320000xi32, #tpu.memory_space<hbm>> -> memref<80xi32, #tpu.memory_space<hbm>>
    tpu.wait_dma2 semaphore(%arg26 : memref<!tpu.dma_semaphore, #tpu.memory_space<semaphore_mem>>) src(%dma_wait3A_20 : memref<80xi32, #tpu.memory_space<hbm>>) dst(%arg10 : memref<80xi32, #tpu.memory_space<vmem>>)
    %dma_wait3A_21 = arith.constant 0 : i32
    %dma_wait3A_22 = tpu.memref_slice %arg3[%dma_wait3A_21] : memref<320000xi32, #tpu.memory_space<hbm>> -> memref<80xi32, #tpu.memory_space<hbm>>
    %dma_wait3A_23 = arith.constant 0 : i32
    %dma_wait3A_24 = tpu.memref_slice %arg3[%dma_wait3A_23] : memref<320000xi32, #tpu.memory_space<hbm>> -> memref<80xi32, #tpu.memory_space<hbm>>
    tpu.wait_dma2 semaphore(%arg26 : memref<!tpu.dma_semaphore, #tpu.memory_space<semaphore_mem>>) src(%dma_wait3A_24 : memref<80xi32, #tpu.memory_space<hbm>>) dst(%arg11 : memref<80xi32, #tpu.memory_space<vmem>>)
    %dma_wait3A_25 = arith.constant 0 : i32
    %dma_wait3A_26 = tpu.memref_slice %arg4[%dma_wait3A_25] : memref<320000xi32, #tpu.memory_space<hbm>> -> memref<80xi32, #tpu.memory_space<hbm>>
    %dma_wait3A_27 = arith.constant 0 : i32
    %dma_wait3A_28 = tpu.memref_slice %arg4[%dma_wait3A_27] : memref<320000xi32, #tpu.memory_space<hbm>> -> memref<80xi32, #tpu.memory_space<hbm>>
    tpu.wait_dma2 semaphore(%arg26 : memref<!tpu.dma_semaphore, #tpu.memory_space<semaphore_mem>>) src(%dma_wait3A_28 : memref<80xi32, #tpu.memory_space<hbm>>) dst(%arg12 : memref<80xi32, #tpu.memory_space<vmem>>)
    %get3A = arith.constant 0 : index
    %get3A_29 = tpu.vector_load %arg11[%get3A] {strides = array<i32>} : memref<80xi32, #tpu.memory_space<vmem>>, vector<16xi32>,
    %get3A_30 = vector.shape_cast %get3A_29 : vector<16xi32> to vector<16xi32>
    %swap3A = arith.constant 0 : index
    %swap3A_31 = tpu.vector_load %arg13[%swap3A] {strides = array<i32>} : memref<96xi32, #tpu.memory_space<vmem>>, vector<16xi32>,
    %swap3A_32 = vector.shape_cast %swap3A_31 : vector<16xi32> to vector<16xi32>
    %swap3A_33 = vector.shape_cast %get3A_30 : vector<16xi32> to vector<16xi32>
    tpu.vector_store %arg13[%swap3A], %swap3A_33 {strides = array<i32>} : memref<96xi32, #tpu.memory_space<vmem>>, vector<16xi32>,
    %get3A_34 = arith.constant 0 : index
    %get3A_35 = tpu.vector_load %arg12[%get3A_34] {strides = array<i32>} : memref<80xi32, #tpu.memory_space<vmem>>, vector<16xi32>,
    %get3A_36 = vector.shape_cast %get3A_35 : vector<16xi32> to vector<16xi32>
    %swap3A_37 = arith.constant 0 : index
    %swap3A_38 = tpu.vector_load %arg14[%swap3A_37] {strides = array<i32>} : memref<96xi32, #tpu.memory_space<vmem>>, vector<16xi32>,
    %swap3A_39 = vector.shape_cast %swap3A_38 : vector<16xi32> to vector<16xi32>
    %swap3A_40 = vector.shape_cast %get3A_36 : vector<16xi32> to vector<16xi32>
    tpu.vector_store %arg14[%swap3A_37], %swap3A_40 {strides = array<i32>} : memref<96xi32, #tpu.memory_space<vmem>>, vector<16xi32>,
    %get3A_41 = arith.constant 16 : index
    %get3A_42 = tpu.vector_load %arg11[%get3A_41] {strides = array<i32>} : memref<80xi32, #tpu.memory_space<vmem>>, vector<16xi32>,
    %get3A_43 = vector.shape_cast %get3A_42 : vector<16xi32> to vector<16xi32>
    %swap3A_44 = arith.constant 16 : index
    %swap3A_45 = tpu.vector_load %arg13[%swap3A_44] {strides = array<i32>} : memref<96xi32, #tpu.memory_space<vmem>>, vector<16xi32>,
    %swap3A_46 = vector.shape_cast %swap3A_45 : vector<16xi32> to vector<16xi32>
    %swap3A_47 = vector.shape_cast %get3A_43 : vector<16xi32> to vector<16xi32>
    tpu.vector_store %arg13[%swap3A_44], %swap3A_47 {strides = array<i32>} : memref<96xi32, #tpu.memory_space<vmem>>, vector<16xi32>,
    %get3A_48 = arith.constant 16 : index
    %get3A_49 = tpu.vector_load %arg12[%get3A_48] {strides = array<i32>} : memref<80xi32, #tpu.memory_space<vmem>>, vector<16xi32>,
    %get3A_50 = vector.shape_cast %get3A_49 : vector<16xi32> to vector<16xi32>
    %swap3A_51 = arith.constant 16 : index
    %swap3A_52 = tpu.vector_load %arg14[%swap3A_51] {strides = array<i32>} : memref<96xi32, #tpu.memory_space<vmem>>, vector<16xi32>,
    %swap3A_53 = vector.shape_cast %swap3A_52 : vector<16xi32> to vector<16xi32>
    %swap3A_54 = vector.shape_cast %get3A_50 : vector<16xi32> to vector<16xi32>
    tpu.vector_store %arg14[%swap3A_51], %swap3A_54 {strides = array<i32>} : memref<96xi32, #tpu.memory_space<vmem>>, vector<16xi32>,
    %get3A_55 = arith.constant 32 : index
    %get3A_56 = tpu.vector_load %arg11[%get3A_55] {strides = array<i32>} : memref<80xi32, #tpu.memory_space<vmem>>, vector<16xi32>,
    %get3A_57 = vector.shape_cast %get3A_56 : vector<16xi32> to vector<16xi32>
    %swap3A_58 = arith.constant 32 : index
    %swap3A_59 = tpu.vector_load %arg13[%swap3A_58] {strides = array<i32>} : memref<96xi32, #tpu.memory_space<vmem>>, vector<16xi32>,
    %swap3A_60 = vector.shape_cast %swap3A_59 : vector<16xi32> to vector<16xi32>
    %swap3A_61 = vector.shape_cast %get3A_57 : vector<16xi32> to vector<16xi32>
    tpu.vector_store %arg13[%swap3A_58], %swap3A_61 {strides = array<i32>} : memref<96xi32, #tpu.memory_space<vmem>>, vector<16xi32>,
    %get3A_62 = arith.constant 32 : index
    %get3A_63 = tpu.vector_load %arg12[%get3A_62] {strides = array<i32>} : memref<80xi32, #tpu.memory_space<vmem>>, vector<16xi32>,
    %get3A_64 = vector.shape_cast %get3A_63 : vector<16xi32> to vector<16xi32>
    %swap3A_65 = arith.constant 32 : index
    %swap3A_66 = tpu.vector_load %arg14[%swap3A_65] {strides = array<i32>} : memref<96xi32, #tpu.memory_space<vmem>>, vector<16xi32>,
    %swap3A_67 = vector.shape_cast %swap3A_66 : vector<16xi32> to vector<16xi32>
    %swap3A_68 = vector.shape_cast %get3A_64 : vector<16xi32> to vector<16xi32>
    tpu.vector_store %arg14[%swap3A_65], %swap3A_68 {strides = array<i32>} : memref<96xi32, #tpu.memory_space<vmem>>, vector<16xi32>,
    %get3A_69 = arith.constant 48 : index
    %get3A_70 = tpu.vector_load %arg11[%get3A_69] {strides = array<i32>} : memref<80xi32, #tpu.memory_space<vmem>>, vector<16xi32>,
    %get3A_71 = vector.shape_cast %get3A_70 : vector<16xi32> to vector<16xi32>
    %swap3A_72 = arith.constant 48 : index
    %swap3A_73 = tpu.vector_load %arg13[%swap3A_72] {strides = array<i32>} : memref<96xi32, #tpu.memory_space<vmem>>, vector<16xi32>,
    %swap3A_74 = vector.shape_cast %swap3A_73 : vector<16xi32> to vector<16xi32>
    %swap3A_75 = vector.shape_cast %get3A_71 : vector<16xi32> to vector<16xi32>
    tpu.vector_store %arg13[%swap3A_72], %swap3A_75 {strides = array<i32>} : memref<96xi32, #tpu.memory_space<vmem>>, vector<16xi32>,
    %get3A_76 = arith.constant 48 : index
    %get3A_77 = tpu.vector_load %arg12[%get3A_76] {strides = array<i32>} : memref<80xi32, #tpu.memory_space<vmem>>, vector<16xi32>,
    %get3A_78 = vector.shape_cast %get3A_77 : vector<16xi32> to vector<16xi32>
    %swap3A_79 = arith.constant 48 : index
    %swap3A_80 = tpu.vector_load %arg14[%swap3A_79] {strides = array<i32>} : memref<96xi32, #tpu.memory_space<vmem>>, vector<16xi32>,
    %swap3A_81 = vector.shape_cast %swap3A_80 : vector<16xi32> to vector<16xi32>
    %swap3A_82 = vector.shape_cast %get3A_78 : vector<16xi32> to vector<16xi32>
    tpu.vector_store %arg14[%swap3A_79], %swap3A_82 {strides = array<i32>} : memref<96xi32, #tpu.memory_space<vmem>>, vector<16xi32>,
    %get3A_83 = arith.constant 64 : index
    %get3A_84 = tpu.vector_load %arg11[%get3A_83] {strides = array<i32>} : memref<80xi32, #tpu.memory_space<vmem>>, vector<16xi32>,
    %get3A_85 = vector.shape_cast %get3A_84 : vector<16xi32> to vector<16xi32>
    %swap3A_86 = arith.constant 64 : index
    %swap3A_87 = tpu.vector_load %arg13[%swap3A_86] {strides = array<i32>} : memref<96xi32, #tpu.memory_space<vmem>>, vector<16xi32>,
    %swap3A_88 = vector.shape_cast %swap3A_87 : vector<16xi32> to vector<16xi32>
    %swap3A_89 = vector.shape_cast %get3A_85 : vector<16xi32> to vector<16xi32>
    tpu.vector_store %arg13[%swap3A_86], %swap3A_89 {strides = array<i32>} : memref<96xi32, #tpu.memory_space<vmem>>, vector<16xi32>,
    %get3A_90 = arith.constant 64 : index
    %get3A_91 = tpu.vector_load %arg12[%get3A_90] {strides = array<i32>} : memref<80xi32, #tpu.memory_space<vmem>>, vector<16xi32>,
    %get3A_92 = vector.shape_cast %get3A_91 : vector<16xi32> to vector<16xi32>
    %swap3A_93 = arith.constant 64 : index
    %swap3A_94 = tpu.vector_load %arg14[%swap3A_93] {strides = array<i32>} : memref<96xi32, #tpu.memory_space<vmem>>, vector<16xi32>,
    %swap3A_95 = vector.shape_cast %swap3A_94 : vector<16xi32> to vector<16xi32>
    %swap3A_96 = vector.shape_cast %get3A_92 : vector<16xi32> to vector<16xi32>
    tpu.vector_store %arg14[%swap3A_93], %swap3A_96 {strides = array<i32>} : memref<96xi32, #tpu.memory_space<vmem>>, vector<16xi32>,
    %dma_start3A_97 = arith.constant 0 : i32
    %dma_start3A_98 = arith.constant 0 : i32
    %dma_start3A_99 = tpu.memref_slice %arg15[%dma_start3A_97, %dma_start3A_98] : memref<80x128xf32, #tpu.memory_space<vmem>> -> memref<40x128xf32, #tpu.memory_space<vmem>>
    %dma_start3A_100 = arith.constant 0 : i32
    %dma_start3A_101 = tpu.memref_slice %arg11[%dma_start3A_100] : memref<80xi32, #tpu.memory_space<vmem>> -> memref<40xi32, #tpu.memory_space<vmem>>
    %dma_start3A_102 = arith.constant 0 : i32
    %dma_start3A_103 = arith.constant 0 : i32
    %dma_start3A_104 = tpu.memref_slice %arg5[%dma_start3A_102, %dma_start3A_103] : memref<10000x128xf32, #tpu.memory_space<hbm>> -> memref<10000x128xf32, #tpu.memory_space<hbm>>
    tpu.enqueue_indirect_dma source(%dma_start3A_104 : memref<10000x128xf32, #tpu.memory_space<hbm>>) target(%dma_start3A_99 : memref<40x128xf32, #tpu.memory_space<vmem>>) offsets(%dma_start3A_101 : memref<40xi32, #tpu.memory_space<vmem>>) semaphore(%arg27 : memref<!tpu.dma_semaphore, #tpu.memory_space<semaphore_mem>>)
    %dma_start3A_105 = arith.constant 40 : i32
    %dma_start3A_106 = arith.constant 0 : i32
    %dma_start3A_107 = tpu.memref_slice %arg15[%dma_start3A_105, %dma_start3A_106] : memref<80x128xf32, #tpu.memory_space<vmem>> -> memref<40x128xf32, #tpu.memory_space<vmem>>
    %dma_start3A_108 = arith.constant 40 : i32
    %dma_start3A_109 = tpu.memref_slice %arg11[%dma_start3A_108] : memref<80xi32, #tpu.memory_space<vmem>> -> memref<40xi32, #tpu.memory_space<vmem>>
    %dma_start3A_110 = arith.constant 0 : i32
    %dma_start3A_111 = arith.constant 0 : i32
    %dma_start3A_112 = tpu.memref_slice %arg5[%dma_start3A_110, %dma_start3A_111] : memref<10000x128xf32, #tpu.memory_space<hbm>> -> memref<10000x128xf32, #tpu.memory_space<hbm>>
    tpu.enqueue_indirect_dma source(%dma_start3A_112 : memref<10000x128xf32, #tpu.memory_space<hbm>>) target(%dma_start3A_107 : memref<40x128xf32, #tpu.memory_space<vmem>>) offsets(%dma_start3A_109 : memref<40xi32, #tpu.memory_space<vmem>>) semaphore(%arg27 : memref<!tpu.dma_semaphore, #tpu.memory_space<semaphore_mem>>)
    %dma_start3A_113 = arith.constant 0 : i32
    %dma_start3A_114 = arith.constant 0 : i32
    %dma_start3A_115 = tpu.memref_slice %arg16[%dma_start3A_113, %dma_start3A_114] : memref<80x128xf32, #tpu.memory_space<vmem>> -> memref<40x128xf32, #tpu.memory_space<vmem>>
    %dma_start3A_116 = arith.constant 0 : i32
    %dma_start3A_117 = tpu.memref_slice %arg10[%dma_start3A_116] : memref<80xi32, #tpu.memory_space<vmem>> -> memref<40xi32, #tpu.memory_space<vmem>>
    %dma_start3A_118 = arith.constant 0 : i32
    %dma_start3A_119 = arith.constant 0 : i32
    %dma_start3A_120 = tpu.memref_slice %arg6[%dma_start3A_118, %dma_start3A_119] : memref<10000x128xf32, #tpu.memory_space<hbm>> -> memref<10000x128xf32, #tpu.memory_space<hbm>>
    tpu.enqueue_indirect_dma source(%dma_start3A_120 : memref<10000x128xf32, #tpu.memory_space<hbm>>) target(%dma_start3A_115 : memref<40x128xf32, #tpu.memory_space<vmem>>) offsets(%dma_start3A_117 : memref<40xi32, #tpu.memory_space<vmem>>) semaphore(%arg28 : memref<!tpu.dma_semaphore, #tpu.memory_space<semaphore_mem>>)
    %dma_start3A_121 = arith.constant 40 : i32
    %dma_start3A_122 = arith.constant 0 : i32
    %dma_start3A_123 = tpu.memref_slice %arg16[%dma_start3A_121, %dma_start3A_122] : memref<80x128xf32, #tpu.memory_space<vmem>> -> memref<40x128xf32, #tpu.memory_space<vmem>>
    %dma_start3A_124 = arith.constant 40 : i32
    %dma_start3A_125 = tpu.memref_slice %arg10[%dma_start3A_124] : memref<80xi32, #tpu.memory_space<vmem>> -> memref<40xi32, #tpu.memory_space<vmem>>
    %dma_start3A_126 = arith.constant 0 : i32
    %dma_start3A_127 = arith.constant 0 : i32
    %dma_start3A_128 = tpu.memref_slice %arg6[%dma_start3A_126, %dma_start3A_127] : memref<10000x128xf32, #tpu.memory_space<hbm>> -> memref<10000x128xf32, #tpu.memory_space<hbm>>
    tpu.enqueue_indirect_dma source(%dma_start3A_128 : memref<10000x128xf32, #tpu.memory_space<hbm>>) target(%dma_start3A_123 : memref<40x128xf32, #tpu.memory_space<vmem>>) offsets(%dma_start3A_125 : memref<40xi32, #tpu.memory_space<vmem>>) semaphore(%arg28 : memref<!tpu.dma_semaphore, #tpu.memory_space<semaphore_mem>>)
    %add3A_129 = arith.constant 80 : i32
    %add3A_130 = arith.addi %mul3A_3, %add3A_129 : i32
    %dma_start3A_131 = tpu.memref_slice %arg2[%add3A_130] : memref<320000xi32, #tpu.memory_space<hbm>> -> memref<80xi32, #tpu.memory_space<hbm>>
    %dma_start3A_132 = tpu.memref_slice %arg2[%add3A_130] : memref<320000xi32, #tpu.memory_space<hbm>> -> memref<80xi32, #tpu.memory_space<hbm>>
    tpu.enqueue_dma source(%dma_start3A_132 : memref<80xi32, #tpu.memory_space<hbm>>) target(%arg18 : memref<80xi32, #tpu.memory_space<vmem>>) target_semaphore(%arg30 : memref<!tpu.dma_semaphore, #tpu.memory_space<semaphore_mem>>)
    %dma_start3A_133 = tpu.memref_slice %arg3[%add3A_130] : memref<320000xi32, #tpu.memory_space<hbm>> -> memref<80xi32, #tpu.memory_space<hbm>>
    %dma_start3A_134 = tpu.memref_slice %arg3[%add3A_130] : memref<320000xi32, #tpu.memory_space<hbm>> -> memref<80xi32, #tpu.memory_space<hbm>>
    tpu.enqueue_dma source(%dma_start3A_134 : memref<80xi32, #tpu.memory_space<hbm>>) target(%arg19 : memref<80xi32, #tpu.memory_space<vmem>>) target_semaphore(%arg30 : memref<!tpu.dma_semaphore, #tpu.memory_space<semaphore_mem>>)
    %dma_start3A_135 = tpu.memref_slice %arg4[%add3A_130] : memref<320000xi32, #tpu.memory_space<hbm>> -> memref<80xi32, #tpu.memory_space<hbm>>
    %dma_start3A_136 = tpu.memref_slice %arg4[%add3A_130] : memref<320000xi32, #tpu.memory_space<hbm>> -> memref<80xi32, #tpu.memory_space<hbm>>
    tpu.enqueue_dma source(%dma_start3A_136 : memref<80xi32, #tpu.memory_space<hbm>>) target(%arg20 : memref<80xi32, #tpu.memory_space<vmem>>) target_semaphore(%arg30 : memref<!tpu.dma_semaphore, #tpu.memory_space<semaphore_mem>>)
    %scan3A_137 = arith.constant 0 : i32
    %scan3A_138 = arith.constant 0 : i32
    %scan3A_139 = arith.constant 62 : i32
    %scan3A_140 = arith.addi %scan3A_138, %scan3A_139 : i32
    %scan3A_141 = arith.constant 1 : i32
    scf.for %scan3A_199 = %scan3A_138 to %scan3A_140 step %scan3A_141  : i32 {
      %mul3A_200 = arith.constant 2 : i32
      %mul3A_201 = arith.muli %mul3A_200, %scan3A_199 : i32
      %dma_wait3A_202 = arith.constant 0 : i32
      %dma_wait3A_203 = tpu.memref_slice %arg2[%dma_wait3A_202] : memref<320000xi32, #tpu.memory_space<hbm>> -> memref<80xi32, #tpu.memory_space<hbm>>
      %dma_wait3A_204 = arith.constant 0 : i32
      %dma_wait3A_205 = tpu.memref_slice %arg2[%dma_wait3A_204] : memref<320000xi32, #tpu.memory_space<hbm>> -> memref<80xi32, #tpu.memory_space<hbm>>
      tpu.wait_dma2 semaphore(%arg30 : memref<!tpu.dma_semaphore, #tpu.memory_space<semaphore_mem>>) src(%dma_wait3A_205 : memref<80xi32, #tpu.memory_space<hbm>>) dst(%arg18 : memref<80xi32, #tpu.memory_space<vmem>>)
      %dma_wait3A_206 = arith.constant 0 : i32
      %dma_wait3A_207 = tpu.memref_slice %arg3[%dma_wait3A_206] : memref<320000xi32, #tpu.memory_space<hbm>> -> memref<80xi32, #tpu.memory_space<hbm>>
      %dma_wait3A_208 = arith.constant 0 : i32
      %dma_wait3A_209 = tpu.memref_slice %arg3[%dma_wait3A_208] : memref<320000xi32, #tpu.memory_space<hbm>> -> memref<80xi32, #tpu.memory_space<hbm>>
      tpu.wait_dma2 semaphore(%arg30 : memref<!tpu.dma_semaphore, #tpu.memory_space<semaphore_mem>>) src(%dma_wait3A_209 : memref<80xi32, #tpu.memory_space<hbm>>) dst(%arg19 : memref<80xi32, #tpu.memory_space<vmem>>)
      %dma_wait3A_210 = arith.constant 0 : i32
      %dma_wait3A_211 = tpu.memref_slice %arg4[%dma_wait3A_210] : memref<320000xi32, #tpu.memory_space<hbm>> -> memref<80xi32, #tpu.memory_space<hbm>>
      %dma_wait3A_212 = arith.constant 0 : i32
      %dma_wait3A_213 = tpu.memref_slice %arg4[%dma_wait3A_212] : memref<320000xi32, #tpu.memory_space<hbm>> -> memref<80xi32, #tpu.memory_space<hbm>>
      tpu.wait_dma2 semaphore(%arg30 : memref<!tpu.dma_semaphore, #tpu.memory_space<semaphore_mem>>) src(%dma_wait3A_213 : memref<80xi32, #tpu.memory_space<hbm>>) dst(%arg20 : memref<80xi32, #tpu.memory_space<vmem>>)
      %get3A_214 = arith.constant 0 : index
      %get3A_215 = tpu.vector_load %arg19[%get3A_214] {strides = array<i32>} : memref<80xi32, #tpu.memory_space<vmem>>, vector<16xi32>,
      %get3A_216 = vector.shape_cast %get3A_215 : vector<16xi32> to vector<16xi32>
      %swap3A_217 = arith.constant 0 : index
      %swap3A_218 = tpu.vector_load %arg21[%swap3A_217] {strides = array<i32>} : memref<96xi32, #tpu.memory_space<vmem>>, vector<16xi32>,
      %swap3A_219 = vector.shape_cast %swap3A_218 : vector<16xi32> to vector<16xi32>
      %swap3A_220 = vector.shape_cast %get3A_216 : vector<16xi32> to vector<16xi32>
      tpu.vector_store %arg21[%swap3A_217], %swap3A_220 {strides = array<i32>} : memref<96xi32, #tpu.memory_space<vmem>>, vector<16xi32>,
      %get3A_221 = arith.constant 0 : index
      %get3A_222 = tpu.vector_load %arg20[%get3A_221] {strides = array<i32>} : memref<80xi32, #tpu.memory_space<vmem>>, vector<16xi32>,
      %get3A_223 = vector.shape_cast %get3A_222 : vector<16xi32> to vector<16xi32>
      %swap3A_224 = arith.constant 0 : index
      %swap3A_225 = tpu.vector_load %arg22[%swap3A_224] {strides = array<i32>} : memref<96xi32, #tpu.memory_space<vmem>>, vector<16xi32>,
      %swap3A_226 = vector.shape_cast %swap3A_225 : vector<16xi32> to vector<16xi32>
      %swap3A_227 = vector.shape_cast %get3A_223 : vector<16xi32> to vector<16xi32>
      tpu.vector_store %arg22[%swap3A_224], %swap3A_227 {strides = array<i32>} : memref<96xi32, #tpu.memory_space<vmem>>, vector<16xi32>,
      %get3A_228 = arith.constant 16 : index
      %get3A_229 = tpu.vector_load %arg19[%get3A_228] {strides = array<i32>} : memref<80xi32, #tpu.memory_space<vmem>>, vector<16xi32>,
      %get3A_230 = vector.shape_cast %get3A_229 : vector<16xi32> to vector<16xi32>
      %swap3A_231 = arith.constant 16 : index
      %swap3A_232 = tpu.vector_load %arg21[%swap3A_231] {strides = array<i32>} : memref<96xi32, #tpu.memory_space<vmem>>, vector<16xi32>,
      %swap3A_233 = vector.shape_cast %swap3A_232 : vector<16xi32> to vector<16xi32>
      %swap3A_234 = vector.shape_cast %get3A_230 : vector<16xi32> to vector<16xi32>
      tpu.vector_store %arg21[%swap3A_231], %swap3A_234 {strides = array<i32>} : memref<96xi32, #tpu.memory_space<vmem>>, vector<16xi32>,
      %get3A_235 = arith.constant 16 : index
      %get3A_236 = tpu.vector_load %arg20[%get3A_235] {strides = array<i32>} : memref<80xi32, #tpu.memory_space<vmem>>, vector<16xi32>,
      %get3A_237 = vector.shape_cast %get3A_236 : vector<16xi32> to vector<16xi32>
      %swap3A_238 = arith.constant 16 : index
      %swap3A_239 = tpu.vector_load %arg22[%swap3A_238] {strides = array<i32>} : memref<96xi32, #tpu.memory_space<vmem>>, vector<16xi32>,
      %swap3A_240 = vector.shape_cast %swap3A_239 : vector<16xi32> to vector<16xi32>
      %swap3A_241 = vector.shape_cast %get3A_237 : vector<16xi32> to vector<16xi32>
      tpu.vector_store %arg22[%swap3A_238], %swap3A_241 {strides = array<i32>} : memref<96xi32, #tpu.memory_space<vmem>>, vector<16xi32>,
      %get3A_242 = arith.constant 32 : index
      %get3A_243 = tpu.vector_load %arg19[%get3A_242] {strides = array<i32>} : memref<80xi32, #tpu.memory_space<vmem>>, vector<16xi32>,
      %get3A_244 = vector.shape_cast %get3A_243 : vector<16xi32> to vector<16xi32>
      %swap3A_245 = arith.constant 32 : index
      %swap3A_246 = tpu.vector_load %arg21[%swap3A_245] {strides = array<i32>} : memref<96xi32, #tpu.memory_space<vmem>>, vector<16xi32>,
      %swap3A_247 = vector.shape_cast %swap3A_246 : vector<16xi32> to vector<16xi32>
      %swap3A_248 = vector.shape_cast %get3A_244 : vector<16xi32> to vector<16xi32>
      tpu.vector_store %arg21[%swap3A_245], %swap3A_248 {strides = array<i32>} : memref<96xi32, #tpu.memory_space<vmem>>, vector<16xi32>,
      %get3A_249 = arith.constant 32 : index
      %get3A_250 = tpu.vector_load %arg20[%get3A_249] {strides = array<i32>} : memref<80xi32, #tpu.memory_space<vmem>>, vector<16xi32>,
      %get3A_251 = vector.shape_cast %get3A_250 : vector<16xi32> to vector<16xi32>
      %swap3A_252 = arith.constant 32 : index
      %swap3A_253 = tpu.vector_load %arg22[%swap3A_252] {strides = array<i32>} : memref<96xi32, #tpu.memory_space<vmem>>, vector<16xi32>,
      %swap3A_254 = vector.shape_cast %swap3A_253 : vector<16xi32> to vector<16xi32>
      %swap3A_255 = vector.shape_cast %get3A_251 : vector<16xi32> to vector<16xi32>
      tpu.vector_store %arg22[%swap3A_252], %swap3A_255 {strides = array<i32>} : memref<96xi32, #tpu.memory_space<vmem>>, vector<16xi32>,
      %get3A_256 = arith.constant 48 : index
      %get3A_257 = tpu.vector_load %arg19[%get3A_256] {strides = array<i32>} : memref<80xi32, #tpu.memory_space<vmem>>, vector<16xi32>,
      %get3A_258 = vector.shape_cast %get3A_257 : vector<16xi32> to vector<16xi32>
      %swap3A_259 = arith.constant 48 : index
      %swap3A_260 = tpu.vector_load %arg21[%swap3A_259] {strides = array<i32>} : memref<96xi32, #tpu.memory_space<vmem>>, vector<16xi32>,
      %swap3A_261 = vector.shape_cast %swap3A_260 : vector<16xi32> to vector<16xi32>
      %swap3A_262 = vector.shape_cast %get3A_258 : vector<16xi32> to vector<16xi32>
      tpu.vector_store %arg21[%swap3A_259], %swap3A_262 {strides = array<i32>} : memref<96xi32, #tpu.memory_space<vmem>>, vector<16xi32>,
      %get3A_263 = arith.constant 48 : index
      %get3A_264 = tpu.vector_load %arg20[%get3A_263] {strides = array<i32>} : memref<80xi32, #tpu.memory_space<vmem>>, vector<16xi32>,
      %get3A_265 = vector.shape_cast %get3A_264 : vector<16xi32> to vector<16xi32>
      %swap3A_266 = arith.constant 48 : index
      %swap3A_267 = tpu.vector_load %arg22[%swap3A_266] {strides = array<i32>} : memref<96xi32, #tpu.memory_space<vmem>>, vector<16xi32>,
      %swap3A_268 = vector.shape_cast %swap3A_267 : vector<16xi32> to vector<16xi32>
      %swap3A_269 = vector.shape_cast %get3A_265 : vector<16xi32> to vector<16xi32>
      tpu.vector_store %arg22[%swap3A_266], %swap3A_269 {strides = array<i32>} : memref<96xi32, #tpu.memory_space<vmem>>, vector<16xi32>,
      %get3A_270 = arith.constant 64 : index
      %get3A_271 = tpu.vector_load %arg19[%get3A_270] {strides = array<i32>} : memref<80xi32, #tpu.memory_space<vmem>>, vector<16xi32>,
      %get3A_272 = vector.shape_cast %get3A_271 : vector<16xi32> to vector<16xi32>
      %swap3A_273 = arith.constant 64 : index
      %swap3A_274 = tpu.vector_load %arg21[%swap3A_273] {strides = array<i32>} : memref<96xi32, #tpu.memory_space<vmem>>, vector<16xi32>,
      %swap3A_275 = vector.shape_cast %swap3A_274 : vector<16xi32> to vector<16xi32>
      %swap3A_276 = vector.shape_cast %get3A_272 : vector<16xi32> to vector<16xi32>
      tpu.vector_store %arg21[%swap3A_273], %swap3A_276 {strides = array<i32>} : memref<96xi32, #tpu.memory_space<vmem>>, vector<16xi32>,
      %get3A_277 = arith.constant 64 : index
      %get3A_278 = tpu.vector_load %arg20[%get3A_277] {strides = array<i32>} : memref<80xi32, #tpu.memory_space<vmem>>, vector<16xi32>,
      %get3A_279 = vector.shape_cast %get3A_278 : vector<16xi32> to vector<16xi32>
      %swap3A_280 = arith.constant 64 : index
      %swap3A_281 = tpu.vector_load %arg22[%swap3A_280] {strides = array<i32>} : memref<96xi32, #tpu.memory_space<vmem>>, vector<16xi32>,
      %swap3A_282 = vector.shape_cast %swap3A_281 : vector<16xi32> to vector<16xi32>
      %swap3A_283 = vector.shape_cast %get3A_279 : vector<16xi32> to vector<16xi32>
      tpu.vector_store %arg22[%swap3A_280], %swap3A_283 {strides = array<i32>} : memref<96xi32, #tpu.memory_space<vmem>>, vector<16xi32>,
      %dma_start3A_284 = arith.constant 0 : i32
      %dma_start3A_285 = arith.constant 0 : i32
      %dma_start3A_286 = tpu.memref_slice %arg23[%dma_start3A_284, %dma_start3A_285] : memref<80x128xf32, #tpu.memory_space<vmem>> -> memref<40x128xf32, #tpu.memory_space<vmem>>
      %dma_start3A_287 = arith.constant 0 : i32
      %dma_start3A_288 = tpu.memref_slice %arg19[%dma_start3A_287] : memref<80xi32, #tpu.memory_space<vmem>> -> memref<40xi32, #tpu.memory_space<vmem>>
      %dma_start3A_289 = arith.constant 0 : i32
      %dma_start3A_290 = arith.constant 0 : i32
      %dma_start3A_291 = tpu.memref_slice %arg5[%dma_start3A_289, %dma_start3A_290] : memref<10000x128xf32, #tpu.memory_space<hbm>> -> memref<10000x128xf32, #tpu.memory_space<hbm>>
      tpu.enqueue_indirect_dma source(%dma_start3A_291 : memref<10000x128xf32, #tpu.memory_space<hbm>>) target(%dma_start3A_286 : memref<40x128xf32, #tpu.memory_space<vmem>>) offsets(%dma_start3A_288 : memref<40xi32, #tpu.memory_space<vmem>>) semaphore(%arg31 : memref<!tpu.dma_semaphore, #tpu.memory_space<semaphore_mem>>)
      %dma_start3A_292 = arith.constant 40 : i32
      %dma_start3A_293 = arith.constant 0 : i32
      %dma_start3A_294 = tpu.memref_slice %arg23[%dma_start3A_292, %dma_start3A_293] : memref<80x128xf32, #tpu.memory_space<vmem>> -> memref<40x128xf32, #tpu.memory_space<vmem>>
      %dma_start3A_295 = arith.constant 40 : i32
      %dma_start3A_296 = tpu.memref_slice %arg19[%dma_start3A_295] : memref<80xi32, #tpu.memory_space<vmem>> -> memref<40xi32, #tpu.memory_space<vmem>>
      %dma_start3A_297 = arith.constant 0 : i32
      %dma_start3A_298 = arith.constant 0 : i32
      %dma_start3A_299 = tpu.memref_slice %arg5[%dma_start3A_297, %dma_start3A_298] : memref<10000x128xf32, #tpu.memory_space<hbm>> -> memref<10000x128xf32, #tpu.memory_space<hbm>>
      tpu.enqueue_indirect_dma source(%dma_start3A_299 : memref<10000x128xf32, #tpu.memory_space<hbm>>) target(%dma_start3A_294 : memref<40x128xf32, #tpu.memory_space<vmem>>) offsets(%dma_start3A_296 : memref<40xi32, #tpu.memory_space<vmem>>) semaphore(%arg31 : memref<!tpu.dma_semaphore, #tpu.memory_space<semaphore_mem>>)
      %dma_start3A_300 = arith.constant 0 : i32
      %dma_start3A_301 = arith.constant 0 : i32
      %dma_start3A_302 = tpu.memref_slice %arg24[%dma_start3A_300, %dma_start3A_301] : memref<80x128xf32, #tpu.memory_space<vmem>> -> memref<40x128xf32, #tpu.memory_space<vmem>>
      %dma_start3A_303 = arith.constant 0 : i32
      %dma_start3A_304 = tpu.memref_slice %arg18[%dma_start3A_303] : memref<80xi32, #tpu.memory_space<vmem>> -> memref<40xi32, #tpu.memory_space<vmem>>
      %dma_start3A_305 = arith.constant 0 : i32
      %dma_start3A_306 = arith.constant 0 : i32
      %dma_start3A_307 = tpu.memref_slice %arg6[%dma_start3A_305, %dma_start3A_306] : memref<10000x128xf32, #tpu.memory_space<hbm>> -> memref<10000x128xf32, #tpu.memory_space<hbm>>
      tpu.enqueue_indirect_dma source(%dma_start3A_307 : memref<10000x128xf32, #tpu.memory_space<hbm>>) target(%dma_start3A_302 : memref<40x128xf32, #tpu.memory_space<vmem>>) offsets(%dma_start3A_304 : memref<40xi32, #tpu.memory_space<vmem>>) semaphore(%arg32 : memref<!tpu.dma_semaphore, #tpu.memory_space<semaphore_mem>>)
      %dma_start3A_308 = arith.constant 40 : i32
      %dma_start3A_309 = arith.constant 0 : i32
      %dma_start3A_310 = tpu.memref_slice %arg24[%dma_start3A_308, %dma_start3A_309] : memref<80x128xf32, #tpu.memory_space<vmem>> -> memref<40x128xf32, #tpu.memory_space<vmem>>
      %dma_start3A_311 = arith.constant 40 : i32
      %dma_start3A_312 = tpu.memref_slice %arg18[%dma_start3A_311] : memref<80xi32, #tpu.memory_space<vmem>> -> memref<40xi32, #tpu.memory_space<vmem>>
      %dma_start3A_313 = arith.constant 0 : i32
      %dma_start3A_314 = arith.constant 0 : i32
      %dma_start3A_315 = tpu.memref_slice %arg6[%dma_start3A_313, %dma_start3A_314] : memref<10000x128xf32, #tpu.memory_space<hbm>> -> memref<10000x128xf32, #tpu.memory_space<hbm>>
      tpu.enqueue_indirect_dma source(%dma_start3A_315 : memref<10000x128xf32, #tpu.memory_space<hbm>>) target(%dma_start3A_310 : memref<40x128xf32, #tpu.memory_space<vmem>>) offsets(%dma_start3A_312 : memref<40xi32, #tpu.memory_space<vmem>>) semaphore(%arg32 : memref<!tpu.dma_semaphore, #tpu.memory_space<semaphore_mem>>)
      %dma_wait3A_316 = arith.constant 0 : i32
      %dma_wait3A_317 = arith.constant 0 : i32
      %dma_wait3A_318 = tpu.memref_slice %arg15[%dma_wait3A_316, %dma_wait3A_317] : memref<80x128xf32, #tpu.memory_space<vmem>> -> memref<40x128xf32, #tpu.memory_space<vmem>>
      %dma_wait3A_319 = arith.constant 0 : i32
      %dma_wait3A_320 = tpu.memref_slice %arg11[%dma_wait3A_319] : memref<80xi32, #tpu.memory_space<vmem>> -> memref<40xi32, #tpu.memory_space<vmem>>
      %dma_wait3A_321 = arith.constant 0 : i32
      %dma_wait3A_322 = arith.constant 0 : i32
      %dma_wait3A_323 = tpu.memref_slice %arg5[%dma_wait3A_321, %dma_wait3A_322] : memref<10000x128xf32, #tpu.memory_space<hbm>> -> memref<10000x128xf32, #tpu.memory_space<hbm>>
      tpu.wait_indirect_dma semaphore(%arg27 : memref<!tpu.dma_semaphore, #tpu.memory_space<semaphore_mem>>) src(%dma_wait3A_323 : memref<10000x128xf32, #tpu.memory_space<hbm>>) dst(%dma_wait3A_318 : memref<40x128xf32, #tpu.memory_space<vmem>>)
      %dma_wait3A_324 = arith.constant 40 : i32
      %dma_wait3A_325 = arith.constant 0 : i32
      %dma_wait3A_326 = tpu.memref_slice %arg15[%dma_wait3A_324, %dma_wait3A_325] : memref<80x128xf32, #tpu.memory_space<vmem>> -> memref<40x128xf32, #tpu.memory_space<vmem>>
      %dma_wait3A_327 = arith.constant 40 : i32
      %dma_wait3A_328 = tpu.memref_slice %arg11[%dma_wait3A_327] : memref<80xi32, #tpu.memory_space<vmem>> -> memref<40xi32, #tpu.memory_space<vmem>>
      %dma_wait3A_329 = arith.constant 0 : i32
      %dma_wait3A_330 = arith.constant 0 : i32
      %dma_wait3A_331 = tpu.memref_slice %arg5[%dma_wait3A_329, %dma_wait3A_330] : memref<10000x128xf32, #tpu.memory_space<hbm>> -> memref<10000x128xf32, #tpu.memory_space<hbm>>
      tpu.wait_indirect_dma semaphore(%arg27 : memref<!tpu.dma_semaphore, #tpu.memory_space<semaphore_mem>>) src(%dma_wait3A_331 : memref<10000x128xf32, #tpu.memory_space<hbm>>) dst(%dma_wait3A_326 : memref<40x128xf32, #tpu.memory_space<vmem>>)
      %dma_wait3A_332 = arith.constant 0 : i32
      %dma_wait3A_333 = arith.constant 0 : i32
      %dma_wait3A_334 = tpu.memref_slice %arg16[%dma_wait3A_332, %dma_wait3A_333] : memref<80x128xf32, #tpu.memory_space<vmem>> -> memref<40x128xf32, #tpu.memory_space<vmem>>
      %dma_wait3A_335 = arith.constant 0 : i32
      %dma_wait3A_336 = tpu.memref_slice %arg10[%dma_wait3A_335] : memref<80xi32, #tpu.memory_space<vmem>> -> memref<40xi32, #tpu.memory_space<vmem>>
      %dma_wait3A_337 = arith.constant 0 : i32
      %dma_wait3A_338 = arith.constant 0 : i32
      %dma_wait3A_339 = tpu.memref_slice %arg6[%dma_wait3A_337, %dma_wait3A_338] : memref<10000x128xf32, #tpu.memory_space<hbm>> -> memref<10000x128xf32, #tpu.memory_space<hbm>>
      tpu.wait_indirect_dma semaphore(%arg28 : memref<!tpu.dma_semaphore, #tpu.memory_space<semaphore_mem>>) src(%dma_wait3A_339 : memref<10000x128xf32, #tpu.memory_space<hbm>>) dst(%dma_wait3A_334 : memref<40x128xf32, #tpu.memory_space<vmem>>)
      %dma_wait3A_340 = arith.constant 40 : i32
      %dma_wait3A_341 = arith.constant 0 : i32
      %dma_wait3A_342 = tpu.memref_slice %arg16[%dma_wait3A_340, %dma_wait3A_341] : memref<80x128xf32, #tpu.memory_space<vmem>> -> memref<40x128xf32, #tpu.memory_space<vmem>>
      %dma_wait3A_343 = arith.constant 40 : i32
      %dma_wait3A_344 = tpu.memref_slice %arg10[%dma_wait3A_343] : memref<80xi32, #tpu.memory_space<vmem>> -> memref<40xi32, #tpu.memory_space<vmem>>
      %dma_wait3A_345 = arith.constant 0 : i32
      %dma_wait3A_346 = arith.constant 0 : i32
      %dma_wait3A_347 = tpu.memref_slice %arg6[%dma_wait3A_345, %dma_wait3A_346] : memref<10000x128xf32, #tpu.memory_space<hbm>> -> memref<10000x128xf32, #tpu.memory_space<hbm>>
      tpu.wait_indirect_dma semaphore(%arg28 : memref<!tpu.dma_semaphore, #tpu.memory_space<semaphore_mem>>) src(%dma_wait3A_347 : memref<10000x128xf32, #tpu.memory_space<hbm>>) dst(%dma_wait3A_342 : memref<40x128xf32, #tpu.memory_space<vmem>>)
      %le3A = arith.constant 122 : i32
      %le3A_348 = arith.cmpi sle, %mul3A_201, %le3A : i32
      %convert_element_type3A = arith.extui %le3A_348 : i1 to i32
      %cond3A = arith.constant 0 : i32
      %cond3A_349 = arith.cmpi ne, %convert_element_type3A, %cond3A : i32
      scf.if %cond3A_349 {
        %add3A_540 = arith.constant 2 : i32
        %add3A_541 = arith.addi %mul3A_201, %add3A_540 : i32
        %mul3A_542 = arith.constant 80 : i32
        %mul3A_543 = arith.muli %add3A_541, %mul3A_542 : i32
        %add3A_544 = arith.addi %mul3A_3, %mul3A_543 : i32
        %dma_start3A_545 = tpu.memref_slice %arg2[%add3A_544] : memref<320000xi32, #tpu.memory_space<hbm>> -> memref<80xi32, #tpu.memory_space<hbm>>
        %dma_start3A_546 = tpu.memref_slice %arg2[%add3A_544] : memref<320000xi32, #tpu.memory_space<hbm>> -> memref<80xi32, #tpu.memory_space<hbm>>
        tpu.enqueue_dma source(%dma_start3A_546 : memref<80xi32, #tpu.memory_space<hbm>>) target(%arg10 : memref<80xi32, #tpu.memory_space<vmem>>) target_semaphore(%arg26 : memref<!tpu.dma_semaphore, #tpu.memory_space<semaphore_mem>>)
        %dma_start3A_547 = tpu.memref_slice %arg3[%add3A_544] : memref<320000xi32, #tpu.memory_space<hbm>> -> memref<80xi32, #tpu.memory_space<hbm>>
        %dma_start3A_548 = tpu.memref_slice %arg3[%add3A_544] : memref<320000xi32, #tpu.memory_space<hbm>> -> memref<80xi32, #tpu.memory_space<hbm>>
        tpu.enqueue_dma source(%dma_start3A_548 : memref<80xi32, #tpu.memory_space<hbm>>) target(%arg11 : memref<80xi32, #tpu.memory_space<vmem>>) target_semaphore(%arg26 : memref<!tpu.dma_semaphore, #tpu.memory_space<semaphore_mem>>)
        %dma_start3A_549 = tpu.memref_slice %arg4[%add3A_544] : memref<320000xi32, #tpu.memory_space<hbm>> -> memref<80xi32, #tpu.memory_space<hbm>>
        %dma_start3A_550 = tpu.memref_slice %arg4[%add3A_544] : memref<320000xi32, #tpu.memory_space<hbm>> -> memref<80xi32, #tpu.memory_space<hbm>>
        tpu.enqueue_dma source(%dma_start3A_550 : memref<80xi32, #tpu.memory_space<hbm>>) target(%arg12 : memref<80xi32, #tpu.memory_space<vmem>>) target_semaphore(%arg26 : memref<!tpu.dma_semaphore, #tpu.memory_space<semaphore_mem>>)
      } else {
      }
      %ge3A = arith.constant 2 : i32
      %ge3A_350 = arith.cmpi sge, %mul3A_201, %ge3A : i32
      %convert_element_type3A_351 = arith.extui %ge3A_350 : i1 to i32
      %cond3A_352 = arith.constant 0 : i32
      %cond3A_353 = arith.cmpi ne, %convert_element_type3A_351, %cond3A_352 : i32
      scf.if %cond3A_353 {
        %dma_wait3A_540 = arith.constant 0 : i32
        %dma_wait3A_541 = tpu.memref_slice %arg7[%dma_wait3A_540] : memref<5120000xf32, #tpu.memory_space<hbm>> -> memref<1280xf32, #tpu.memory_space<hbm>>
        %dma_wait3A_542 = arith.constant 0 : i32
        %dma_wait3A_543 = tpu.memref_slice %arg7[%dma_wait3A_542] : memref<5120000xf32, #tpu.memory_space<hbm>> -> memref<1280xf32, #tpu.memory_space<hbm>>
        tpu.wait_dma2 semaphore(%arg29 : memref<!tpu.dma_semaphore, #tpu.memory_space<semaphore_mem>>) src(%arg17 : memref<1280xf32, #tpu.memory_space<vmem>>) dst(%dma_wait3A_543 : memref<1280xf32, #tpu.memory_space<hbm>>)
      } else {
      }
      %scan3A_354 = arith.constant 0 : i32
      %scan3A_355 = arith.constant 0 : i32
      %scan3A_356 = arith.constant 80 : i32
      %scan3A_357 = arith.addi %scan3A_355, %scan3A_356 : i32
      %scan3A_358 = arith.constant 2 : i32
      scf.for %scan3A_540 = %scan3A_355 to %scan3A_357 step %scan3A_358  : i32 {
        %get3A_541 = arith.index_cast %scan3A_540 : i32 to index
        %get3A_542 = tpu.vector_load %arg14[%get3A_541] {strides = array<i32>} : memref<96xi32, #tpu.memory_space<vmem>>, vector<16xi32>,
        %get3A_543 = vector.shape_cast %get3A_542 : vector<16xi32> to vector<16xi32>
        %slice3A = vector.extract_strided_slice %get3A_543 {offsets = [0], sizes = [1], strides = [1]} : vector<16xi32> to vector<1xi32>
        %squeeze3A = vector.extract %slice3A[0] : i32 from vector<1xi32>
        %mul3A_544 = arith.constant 16 : i32
        %mul3A_545 = arith.muli %squeeze3A, %mul3A_544 : i32
        %get3A_546 = arith.index_cast %scan3A_540 : i32 to index
        %get3A_547 = tpu.vector_load %arg13[%get3A_546] {strides = array<i32>} : memref<96xi32, #tpu.memory_space<vmem>>, vector<16xi32>,
        %get3A_548 = vector.shape_cast %get3A_547 : vector<16xi32> to vector<16xi32>
        %slice3A_549 = vector.extract_strided_slice %get3A_548 {offsets = [0], sizes = [1], strides = [1]} : vector<16xi32> to vector<1xi32>
        %squeeze3A_550 = vector.extract %slice3A_549[0] : i32 from vector<1xi32>
        %get3A_551 = arith.index_cast %scan3A_540 : i32 to index
        %get3A_552 = arith.index_cast %mul3A_545 : i32 to index
        %get3A_553 = tpu.vector_load %arg15[%get3A_551, %get3A_552] {strides = array<i32>} : memref<80x128xf32, #tpu.memory_space<vmem>>, vector<1x16xf32>,
        %get3A_554 = vector.shape_cast %get3A_553 : vector<1x16xf32> to vector<16xf32>
        %get3A_555 = arith.index_cast %scan3A_540 : i32 to index
        %get3A_556 = arith.index_cast %mul3A_545 : i32 to index
        %get3A_557 = tpu.vector_load %arg16[%get3A_555, %get3A_556] {strides = array<i32>} : memref<80x128xf32, #tpu.memory_space<vmem>>, vector<1x16xf32>,
        %get3A_558 = vector.shape_cast %get3A_557 : vector<1x16xf32> to vector<16xf32>
        %add3A_559 = arith.addf %get3A_554, %get3A_558 : vector<16xf32>
        %mul3A_560 = arith.constant 2.000000e-01 : f32
        %mul3A_561 = vector.broadcast %mul3A_560 : f32 to vector<16xf32>
        %mul3A_562 = arith.mulf %add3A_559, %mul3A_561 : vector<16xf32>
        %max3A = arith.maximumf %add3A_559, %mul3A_562 : vector<16xf32>
        %exp3A = math.exp %max3A : vector<16xf32>
        %mul3A_563 = arith.constant 16 : i32
        %mul3A_564 = arith.muli %scan3A_540, %mul3A_563 : i32
        %swap3A_565 = arith.index_cast %mul3A_564 : i32 to index
        %swap3A_566 = tpu.vector_load %arg17[%swap3A_565] {strides = array<i32>} : memref<1280xf32, #tpu.memory_space<vmem>>, vector<16xf32>,
        %swap3A_567 = vector.shape_cast %swap3A_566 : vector<16xf32> to vector<16xf32>
        %swap3A_568 = vector.shape_cast %exp3A : vector<16xf32> to vector<16xf32>
        tpu.vector_store %arg17[%swap3A_565], %swap3A_568 {strides = array<i32>} : memref<1280xf32, #tpu.memory_space<vmem>>, vector<16xf32>,
        %mul3A_569 = arith.constant 8 : i32
        %mul3A_570 = arith.muli %squeeze3A_550, %mul3A_569 : i32
        %get3A_571 = arith.index_cast %mul3A_570 : i32 to index
        %get3A_572 = tpu.vector_load %arg9[%get3A_571] {strides = array<i32>} : memref<81920xf32, #tpu.memory_space<vmem>>, vector<16xf32>,
        %get3A_573 = vector.shape_cast %get3A_572 : vector<16xf32> to vector<16xf32>
        %jit3A = arith.constant 0.000000e+00 : f32
        %broadcast_in_dim3A_574 = vector.broadcast %jit3A : f32 to vector<16xf32>
        %select_n3A = arith.select %lt3A_5, %exp3A, %broadcast_in_dim3A_574 : vector<16xi1>, vector<16xf32>
        %add3A_575 = arith.addf %get3A_573, %select_n3A : vector<16xf32>
        %swap3A_576 = arith.index_cast %mul3A_570 : i32 to index
        %swap3A_577 = tpu.vector_load %arg9[%swap3A_576] {strides = array<i32>} : memref<81920xf32, #tpu.memory_space<vmem>>, vector<16xf32>,
        %swap3A_578 = vector.shape_cast %swap3A_577 : vector<16xf32> to vector<16xf32>
        %swap3A_579 = vector.shape_cast %add3A_575 : vector<16xf32> to vector<16xf32>
        tpu.vector_store %arg9[%swap3A_576], %swap3A_579 {strides = array<i32>} : memref<81920xf32, #tpu.memory_space<vmem>>, vector<16xf32>,
        %scan3A_580 = arith.constant 1 : i32
        %scan3A_581 = arith.addi %scan3A_540, %scan3A_580 : i32
        %get3A_582 = arith.index_cast %scan3A_581 : i32 to index
        %get3A_583 = tpu.vector_load %arg14[%get3A_582] {strides = array<i32>} : memref<96xi32, #tpu.memory_space<vmem>>, vector<16xi32>,
        %get3A_584 = vector.shape_cast %get3A_583 : vector<16xi32> to vector<16xi32>
        %slice3A_585 = vector.extract_strided_slice %get3A_584 {offsets = [0], sizes = [1], strides = [1]} : vector<16xi32> to vector<1xi32>
        %squeeze3A_586 = vector.extract %slice3A_585[0] : i32 from vector<1xi32>
        %mul3A_587 = arith.constant 16 : i32
        %mul3A_588 = arith.muli %squeeze3A_586, %mul3A_587 : i32
        %get3A_589 = arith.index_cast %scan3A_581 : i32 to index
        %get3A_590 = tpu.vector_load %arg13[%get3A_589] {strides = array<i32>} : memref<96xi32, #tpu.memory_space<vmem>>, vector<16xi32>,
        %get3A_591 = vector.shape_cast %get3A_590 : vector<16xi32> to vector<16xi32>
        %slice3A_592 = vector.extract_strided_slice %get3A_591 {offsets = [0], sizes = [1], strides = [1]} : vector<16xi32> to vector<1xi32>
        %squeeze3A_593 = vector.extract %slice3A_592[0] : i32 from vector<1xi32>
        %get3A_594 = arith.index_cast %scan3A_581 : i32 to index
        %get3A_595 = arith.index_cast %mul3A_588 : i32 to index
        %get3A_596 = tpu.vector_load %arg15[%get3A_594, %get3A_595] {strides = array<i32>} : memref<80x128xf32, #tpu.memory_space<vmem>>, vector<1x16xf32>,
        %get3A_597 = vector.shape_cast %get3A_596 : vector<1x16xf32> to vector<16xf32>
        %get3A_598 = arith.index_cast %scan3A_581 : i32 to index
        %get3A_599 = arith.index_cast %mul3A_588 : i32 to index
        %get3A_600 = tpu.vector_load %arg16[%get3A_598, %get3A_599] {strides = array<i32>} : memref<80x128xf32, #tpu.memory_space<vmem>>, vector<1x16xf32>,
        %get3A_601 = vector.shape_cast %get3A_600 : vector<1x16xf32> to vector<16xf32>
        %add3A_602 = arith.addf %get3A_597, %get3A_601 : vector<16xf32>
        %mul3A_603 = arith.constant 2.000000e-01 : f32
        %mul3A_604 = vector.broadcast %mul3A_603 : f32 to vector<16xf32>
        %mul3A_605 = arith.mulf %add3A_602, %mul3A_604 : vector<16xf32>
        %max3A_606 = arith.maximumf %add3A_602, %mul3A_605 : vector<16xf32>
        %exp3A_607 = math.exp %max3A_606 : vector<16xf32>
        %mul3A_608 = arith.constant 16 : i32
        %mul3A_609 = arith.muli %scan3A_581, %mul3A_608 : i32
        %swap3A_610 = arith.index_cast %mul3A_609 : i32 to index
        %swap3A_611 = tpu.vector_load %arg17[%swap3A_610] {strides = array<i32>} : memref<1280xf32, #tpu.memory_space<vmem>>, vector<16xf32>,
        %swap3A_612 = vector.shape_cast %swap3A_611 : vector<16xf32> to vector<16xf32>
        %swap3A_613 = vector.shape_cast %exp3A_607 : vector<16xf32> to vector<16xf32>
        tpu.vector_store %arg17[%swap3A_610], %swap3A_613 {strides = array<i32>} : memref<1280xf32, #tpu.memory_space<vmem>>, vector<16xf32>,
        %mul3A_614 = arith.constant 8 : i32
        %mul3A_615 = arith.muli %squeeze3A_593, %mul3A_614 : i32
        %get3A_616 = arith.index_cast %mul3A_615 : i32 to index
        %get3A_617 = tpu.vector_load %arg9[%get3A_616] {strides = array<i32>} : memref<81920xf32, #tpu.memory_space<vmem>>, vector<16xf32>,
        %get3A_618 = vector.shape_cast %get3A_617 : vector<16xf32> to vector<16xf32>
        %jit3A_619 = arith.constant 0.000000e+00 : f32
        %broadcast_in_dim3A_620 = vector.broadcast %jit3A_619 : f32 to vector<16xf32>
        %select_n3A_621 = arith.select %lt3A_5, %exp3A_607, %broadcast_in_dim3A_620 : vector<16xi1>, vector<16xf32>
        %add3A_622 = arith.addf %get3A_618, %select_n3A_621 : vector<16xf32>
        %swap3A_623 = arith.index_cast %mul3A_615 : i32 to index
        %swap3A_624 = tpu.vector_load %arg9[%swap3A_623] {strides = array<i32>} : memref<81920xf32, #tpu.memory_space<vmem>>, vector<16xf32>,
        %swap3A_625 = vector.shape_cast %swap3A_624 : vector<16xf32> to vector<16xf32>
        %swap3A_626 = vector.shape_cast %add3A_622 : vector<16xf32> to vector<16xf32>
        tpu.vector_store %arg9[%swap3A_623], %swap3A_626 {strides = array<i32>} : memref<81920xf32, #tpu.memory_space<vmem>>, vector<16xf32>,
      }
      %scan3A_359 = arith.constant 80 : i32
      %mul3A_360 = arith.constant 80 : i32
      %mul3A_361 = arith.muli %mul3A_201, %mul3A_360 : i32
      %add3A_362 = arith.addi %mul3A_3, %mul3A_361 : i32
      %mul3A_363 = arith.constant 16 : i32
      %mul3A_364 = arith.muli %add3A_362, %mul3A_363 : i32
      %dma_start3A_365 = tpu.memref_slice %arg7[%mul3A_364] : memref<5120000xf32, #tpu.memory_space<hbm>> -> memref<1280xf32, #tpu.memory_space<hbm>>
      %dma_start3A_366 = tpu.memref_slice %arg7[%mul3A_364] : memref<5120000xf32, #tpu.memory_space<hbm>> -> memref<1280xf32, #tpu.memory_space<hbm>>
      tpu.enqueue_dma source(%arg17 : memref<1280xf32, #tpu.memory_space<vmem>>) target(%dma_start3A_366 : memref<1280xf32, #tpu.memory_space<hbm>>) target_semaphore(%arg29 : memref<!tpu.dma_semaphore, #tpu.memory_space<semaphore_mem>>)
      %mul3A_367 = arith.constant 2 : i32
      %mul3A_368 = arith.muli %mul3A_367, %scan3A_199 : i32
      %add3A_369 = arith.constant 1 : i32
      %add3A_370 = arith.addi %mul3A_368, %add3A_369 : i32
      %dma_wait3A_371 = arith.constant 0 : i32
      %dma_wait3A_372 = tpu.memref_slice %arg2[%dma_wait3A_371] : memref<320000xi32, #tpu.memory_space<hbm>> -> memref<80xi32, #tpu.memory_space<hbm>>
      %dma_wait3A_373 = arith.constant 0 : i32
      %dma_wait3A_374 = tpu.memref_slice %arg2[%dma_wait3A_373] : memref<320000xi32, #tpu.memory_space<hbm>> -> memref<80xi32, #tpu.memory_space<hbm>>
      tpu.wait_dma2 semaphore(%arg26 : memref<!tpu.dma_semaphore, #tpu.memory_space<semaphore_mem>>) src(%dma_wait3A_374 : memref<80xi32, #tpu.memory_space<hbm>>) dst(%arg10 : memref<80xi32, #tpu.memory_space<vmem>>)
      %dma_wait3A_375 = arith.constant 0 : i32
      %dma_wait3A_376 = tpu.memref_slice %arg3[%dma_wait3A_375] : memref<320000xi32, #tpu.memory_space<hbm>> -> memref<80xi32, #tpu.memory_space<hbm>>
      %dma_wait3A_377 = arith.constant 0 : i32
      %dma_wait3A_378 = tpu.memref_slice %arg3[%dma_wait3A_377] : memref<320000xi32, #tpu.memory_space<hbm>> -> memref<80xi32, #tpu.memory_space<hbm>>
      tpu.wait_dma2 semaphore(%arg26 : memref<!tpu.dma_semaphore, #tpu.memory_space<semaphore_mem>>) src(%dma_wait3A_378 : memref<80xi32, #tpu.memory_space<hbm>>) dst(%arg11 : memref<80xi32, #tpu.memory_space<vmem>>)
      %dma_wait3A_379 = arith.constant 0 : i32
      %dma_wait3A_380 = tpu.memref_slice %arg4[%dma_wait3A_379] : memref<320000xi32, #tpu.memory_space<hbm>> -> memref<80xi32, #tpu.memory_space<hbm>>
      %dma_wait3A_381 = arith.constant 0 : i32
      %dma_wait3A_382 = tpu.memref_slice %arg4[%dma_wait3A_381] : memref<320000xi32, #tpu.memory_space<hbm>> -> memref<80xi32, #tpu.memory_space<hbm>>
      tpu.wait_dma2 semaphore(%arg26 : memref<!tpu.dma_semaphore, #tpu.memory_space<semaphore_mem>>) src(%dma_wait3A_382 : memref<80xi32, #tpu.memory_space<hbm>>) dst(%arg12 : memref<80xi32, #tpu.memory_space<vmem>>)
      %get3A_383 = arith.constant 0 : index
      %get3A_384 = tpu.vector_load %arg11[%get3A_383] {strides = array<i32>} : memref<80xi32, #tpu.memory_space<vmem>>, vector<16xi32>,
      %get3A_385 = vector.shape_cast %get3A_384 : vector<16xi32> to vector<16xi32>
      %swap3A_386 = arith.constant 0 : index
      %swap3A_387 = tpu.vector_load %arg13[%swap3A_386] {strides = array<i32>} : memref<96xi32, #tpu.memory_space<vmem>>, vector<16xi32>,
      %swap3A_388 = vector.shape_cast %swap3A_387 : vector<16xi32> to vector<16xi32>
      %swap3A_389 = vector.shape_cast %get3A_385 : vector<16xi32> to vector<16xi32>
      tpu.vector_store %arg13[%swap3A_386], %swap3A_389 {strides = array<i32>} : memref<96xi32, #tpu.memory_space<vmem>>, vector<16xi32>,
      %get3A_390 = arith.constant 0 : index
      %get3A_391 = tpu.vector_load %arg12[%get3A_390] {strides = array<i32>} : memref<80xi32, #tpu.memory_space<vmem>>, vector<16xi32>,
      %get3A_392 = vector.shape_cast %get3A_391 : vector<16xi32> to vector<16xi32>
      %swap3A_393 = arith.constant 0 : index
      %swap3A_394 = tpu.vector_load %arg14[%swap3A_393] {strides = array<i32>} : memref<96xi32, #tpu.memory_space<vmem>>, vector<16xi32>,
      %swap3A_395 = vector.shape_cast %swap3A_394 : vector<16xi32> to vector<16xi32>
      %swap3A_396 = vector.shape_cast %get3A_392 : vector<16xi32> to vector<16xi32>
      tpu.vector_store %arg14[%swap3A_393], %swap3A_396 {strides = array<i32>} : memref<96xi32, #tpu.memory_space<vmem>>, vector<16xi32>,
      %get3A_397 = arith.constant 16 : index
      %get3A_398 = tpu.vector_load %arg11[%get3A_397] {strides = array<i32>} : memref<80xi32, #tpu.memory_space<vmem>>, vector<16xi32>,
      %get3A_399 = vector.shape_cast %get3A_398 : vector<16xi32> to vector<16xi32>
      %swap3A_400 = arith.constant 16 : index
      %swap3A_401 = tpu.vector_load %arg13[%swap3A_400] {strides = array<i32>} : memref<96xi32, #tpu.memory_space<vmem>>, vector<16xi32>,
      %swap3A_402 = vector.shape_cast %swap3A_401 : vector<16xi32> to vector<16xi32>
      %swap3A_403 = vector.shape_cast %get3A_399 : vector<16xi32> to vector<16xi32>
      tpu.vector_store %arg13[%swap3A_400], %swap3A_403 {strides = array<i32>} : memref<96xi32, #tpu.memory_space<vmem>>, vector<16xi32>,
      %get3A_404 = arith.constant 16 : index
      %get3A_405 = tpu.vector_load %arg12[%get3A_404] {strides = array<i32>} : memref<80xi32, #tpu.memory_space<vmem>>, vector<16xi32>,
      %get3A_406 = vector.shape_cast %get3A_405 : vector<16xi32> to vector<16xi32>
      %swap3A_407 = arith.constant 16 : index
      %swap3A_408 = tpu.vector_load %arg14[%swap3A_407] {strides = array<i32>} : memref<96xi32, #tpu.memory_space<vmem>>, vector<16xi32>,
      %swap3A_409 = vector.shape_cast %swap3A_408 : vector<16xi32> to vector<16xi32>
      %swap3A_410 = vector.shape_cast %get3A_406 : vector<16xi32> to vector<16xi32>
      tpu.vector_store %arg14[%swap3A_407], %swap3A_410 {strides = array<i32>} : memref<96xi32, #tpu.memory_space<vmem>>, vector<16xi32>,
      %get3A_411 = arith.constant 32 : index
      %get3A_412 = tpu.vector_load %arg11[%get3A_411] {strides = array<i32>} : memref<80xi32, #tpu.memory_space<vmem>>, vector<16xi32>,
      %get3A_413 = vector.shape_cast %get3A_412 : vector<16xi32> to vector<16xi32>
      %swap3A_414 = arith.constant 32 : index
      %swap3A_415 = tpu.vector_load %arg13[%swap3A_414] {strides = array<i32>} : memref<96xi32, #tpu.memory_space<vmem>>, vector<16xi32>,
      %swap3A_416 = vector.shape_cast %swap3A_415 : vector<16xi32> to vector<16xi32>
      %swap3A_417 = vector.shape_cast %get3A_413 : vector<16xi32> to vector<16xi32>
      tpu.vector_store %arg13[%swap3A_414], %swap3A_417 {strides = array<i32>} : memref<96xi32, #tpu.memory_space<vmem>>, vector<16xi32>,
      %get3A_418 = arith.constant 32 : index
      %get3A_419 = tpu.vector_load %arg12[%get3A_418] {strides = array<i32>} : memref<80xi32, #tpu.memory_space<vmem>>, vector<16xi32>,
      %get3A_420 = vector.shape_cast %get3A_419 : vector<16xi32> to vector<16xi32>
      %swap3A_421 = arith.constant 32 : index
      %swap3A_422 = tpu.vector_load %arg14[%swap3A_421] {strides = array<i32>} : memref<96xi32, #tpu.memory_space<vmem>>, vector<16xi32>,
      %swap3A_423 = vector.shape_cast %swap3A_422 : vector<16xi32> to vector<16xi32>
      %swap3A_424 = vector.shape_cast %get3A_420 : vector<16xi32> to vector<16xi32>
      tpu.vector_store %arg14[%swap3A_421], %swap3A_424 {strides = array<i32>} : memref<96xi32, #tpu.memory_space<vmem>>, vector<16xi32>,
      %get3A_425 = arith.constant 48 : index
      %get3A_426 = tpu.vector_load %arg11[%get3A_425] {strides = array<i32>} : memref<80xi32, #tpu.memory_space<vmem>>, vector<16xi32>,
      %get3A_427 = vector.shape_cast %get3A_426 : vector<16xi32> to vector<16xi32>
      %swap3A_428 = arith.constant 48 : index
      %swap3A_429 = tpu.vector_load %arg13[%swap3A_428] {strides = array<i32>} : memref<96xi32, #tpu.memory_space<vmem>>, vector<16xi32>,
      %swap3A_430 = vector.shape_cast %swap3A_429 : vector<16xi32> to vector<16xi32>
      %swap3A_431 = vector.shape_cast %get3A_427 : vector<16xi32> to vector<16xi32>
      tpu.vector_store %arg13[%swap3A_428], %swap3A_431 {strides = array<i32>} : memref<96xi32, #tpu.memory_space<vmem>>, vector<16xi32>,
      %get3A_432 = arith.constant 48 : index
      %get3A_433 = tpu.vector_load %arg12[%get3A_432] {strides = array<i32>} : memref<80xi32, #tpu.memory_space<vmem>>, vector<16xi32>,
      %get3A_434 = vector.shape_cast %get3A_433 : vector<16xi32> to vector<16xi32>
      %swap3A_435 = arith.constant 48 : index
      %swap3A_436 = tpu.vector_load %arg14[%swap3A_435] {strides = array<i32>} : memref<96xi32, #tpu.memory_space<vmem>>, vector<16xi32>,
      %swap3A_437 = vector.shape_cast %swap3A_436 : vector<16xi32> to vector<16xi32>
      %swap3A_438 = vector.shape_cast %get3A_434 : vector<16xi32> to vector<16xi32>
      tpu.vector_store %arg14[%swap3A_435], %swap3A_438 {strides = array<i32>} : memref<96xi32, #tpu.memory_space<vmem>>, vector<16xi32>,
      %get3A_439 = arith.constant 64 : index
      %get3A_440 = tpu.vector_load %arg11[%get3A_439] {strides = array<i32>} : memref<80xi32, #tpu.memory_space<vmem>>, vector<16xi32>,
      %get3A_441 = vector.shape_cast %get3A_440 : vector<16xi32> to vector<16xi32>
      %swap3A_442 = arith.constant 64 : index
      %swap3A_443 = tpu.vector_load %arg13[%swap3A_442] {strides = array<i32>} : memref<96xi32, #tpu.memory_space<vmem>>, vector<16xi32>,
      %swap3A_444 = vector.shape_cast %swap3A_443 : vector<16xi32> to vector<16xi32>
      %swap3A_445 = vector.shape_cast %get3A_441 : vector<16xi32> to vector<16xi32>
      tpu.vector_store %arg13[%swap3A_442], %swap3A_445 {strides = array<i32>} : memref<96xi32, #tpu.memory_space<vmem>>, vector<16xi32>,
      %get3A_446 = arith.constant 64 : index
      %get3A_447 = tpu.vector_load %arg12[%get3A_446] {strides = array<i32>} : memref<80xi32, #tpu.memory_space<vmem>>, vector<16xi32>,
      %get3A_448 = vector.shape_cast %get3A_447 : vector<16xi32> to vector<16xi32>
      %swap3A_449 = arith.constant 64 : index
      %swap3A_450 = tpu.vector_load %arg14[%swap3A_449] {strides = array<i32>} : memref<96xi32, #tpu.memory_space<vmem>>, vector<16xi32>,
      %swap3A_451 = vector.shape_cast %swap3A_450 : vector<16xi32> to vector<16xi32>
      %swap3A_452 = vector.shape_cast %get3A_448 : vector<16xi32> to vector<16xi32>
      tpu.vector_store %arg14[%swap3A_449], %swap3A_452 {strides = array<i32>} : memref<96xi32, #tpu.memory_space<vmem>>, vector<16xi32>,
      %dma_start3A_453 = arith.constant 0 : i32
      %dma_start3A_454 = arith.constant 0 : i32
      %dma_start3A_455 = tpu.memref_slice %arg15[%dma_start3A_453, %dma_start3A_454] : memref<80x128xf32, #tpu.memory_space<vmem>> -> memref<40x128xf32, #tpu.memory_space<vmem>>
      %dma_start3A_456 = arith.constant 0 : i32
      %dma_start3A_457 = tpu.memref_slice %arg11[%dma_start3A_456] : memref<80xi32, #tpu.memory_space<vmem>> -> memref<40xi32, #tpu.memory_space<vmem>>
      %dma_start3A_458 = arith.constant 0 : i32
      %dma_start3A_459 = arith.constant 0 : i32
      %dma_start3A_460 = tpu.memref_slice %arg5[%dma_start3A_458, %dma_start3A_459] : memref<10000x128xf32, #tpu.memory_space<hbm>> -> memref<10000x128xf32, #tpu.memory_space<hbm>>
      tpu.enqueue_indirect_dma source(%dma_start3A_460 : memref<10000x128xf32, #tpu.memory_space<hbm>>) target(%dma_start3A_455 : memref<40x128xf32, #tpu.memory_space<vmem>>) offsets(%dma_start3A_457 : memref<40xi32, #tpu.memory_space<vmem>>) semaphore(%arg27 : memref<!tpu.dma_semaphore, #tpu.memory_space<semaphore_mem>>)
      %dma_start3A_461 = arith.constant 40 : i32
      %dma_start3A_462 = arith.constant 0 : i32
      %dma_start3A_463 = tpu.memref_slice %arg15[%dma_start3A_461, %dma_start3A_462] : memref<80x128xf32, #tpu.memory_space<vmem>> -> memref<40x128xf32, #tpu.memory_space<vmem>>
      %dma_start3A_464 = arith.constant 40 : i32
      %dma_start3A_465 = tpu.memref_slice %arg11[%dma_start3A_464] : memref<80xi32, #tpu.memory_space<vmem>> -> memref<40xi32, #tpu.memory_space<vmem>>
      %dma_start3A_466 = arith.constant 0 : i32
      %dma_start3A_467 = arith.constant 0 : i32
      %dma_start3A_468 = tpu.memref_slice %arg5[%dma_start3A_466, %dma_start3A_467] : memref<10000x128xf32, #tpu.memory_space<hbm>> -> memref<10000x128xf32, #tpu.memory_space<hbm>>
      tpu.enqueue_indirect_dma source(%dma_start3A_468 : memref<10000x128xf32, #tpu.memory_space<hbm>>) target(%dma_start3A_463 : memref<40x128xf32, #tpu.memory_space<vmem>>) offsets(%dma_start3A_465 : memref<40xi32, #tpu.memory_space<vmem>>) semaphore(%arg27 : memref<!tpu.dma_semaphore, #tpu.memory_space<semaphore_mem>>)
      %dma_start3A_469 = arith.constant 0 : i32
      %dma_start3A_470 = arith.constant 0 : i32
      %dma_start3A_471 = tpu.memref_slice %arg16[%dma_start3A_469, %dma_start3A_470] : memref<80x128xf32, #tpu.memory_space<vmem>> -> memref<40x128xf32, #tpu.memory_space<vmem>>
      %dma_start3A_472 = arith.constant 0 : i32
      %dma_start3A_473 = tpu.memref_slice %arg10[%dma_start3A_472] : memref<80xi32, #tpu.memory_space<vmem>> -> memref<40xi32, #tpu.memory_space<vmem>>
      %dma_start3A_474 = arith.constant 0 : i32
      %dma_start3A_475 = arith.constant 0 : i32
      %dma_start3A_476 = tpu.memref_slice %arg6[%dma_start3A_474, %dma_start3A_475] : memref<10000x128xf32, #tpu.memory_space<hbm>> -> memref<10000x128xf32, #tpu.memory_space<hbm>>
      tpu.enqueue_indirect_dma source(%dma_start3A_476 : memref<10000x128xf32, #tpu.memory_space<hbm>>) target(%dma_start3A_471 : memref<40x128xf32, #tpu.memory_space<vmem>>) offsets(%dma_start3A_473 : memref<40xi32, #tpu.memory_space<vmem>>) semaphore(%arg28 : memref<!tpu.dma_semaphore, #tpu.memory_space<semaphore_mem>>)
      %dma_start3A_477 = arith.constant 40 : i32
      %dma_start3A_478 = arith.constant 0 : i32
      %dma_start3A_479 = tpu.memref_slice %arg16[%dma_start3A_477, %dma_start3A_478] : memref<80x128xf32, #tpu.memory_space<vmem>> -> memref<40x128xf32, #tpu.memory_space<vmem>>
      %dma_start3A_480 = arith.constant 40 : i32
      %dma_start3A_481 = tpu.memref_slice %arg10[%dma_start3A_480] : memref<80xi32, #tpu.memory_space<vmem>> -> memref<40xi32, #tpu.memory_space<vmem>>
      %dma_start3A_482 = arith.constant 0 : i32
      %dma_start3A_483 = arith.constant 0 : i32
      %dma_start3A_484 = tpu.memref_slice %arg6[%dma_start3A_482, %dma_start3A_483] : memref<10000x128xf32, #tpu.memory_space<hbm>> -> memref<10000x128xf32, #tpu.memory_space<hbm>>
      tpu.enqueue_indirect_dma source(%dma_start3A_484 : memref<10000x128xf32, #tpu.memory_space<hbm>>) target(%dma_start3A_479 : memref<40x128xf32, #tpu.memory_space<vmem>>) offsets(%dma_start3A_481 : memref<40xi32, #tpu.memory_space<vmem>>) semaphore(%arg28 : memref<!tpu.dma_semaphore, #tpu.memory_space<semaphore_mem>>)
      %dma_wait3A_485 = arith.constant 0 : i32
      %dma_wait3A_486 = arith.constant 0 : i32
      %dma_wait3A_487 = tpu.memref_slice %arg23[%dma_wait3A_485, %dma_wait3A_486] : memref<80x128xf32, #tpu.memory_space<vmem>> -> memref<40x128xf32, #tpu.memory_space<vmem>>
      %dma_wait3A_488 = arith.constant 0 : i32
      %dma_wait3A_489 = tpu.memref_slice %arg19[%dma_wait3A_488] : memref<80xi32, #tpu.memory_space<vmem>> -> memref<40xi32, #tpu.memory_space<vmem>>
      %dma_wait3A_490 = arith.constant 0 : i32
      %dma_wait3A_491 = arith.constant 0 : i32
      %dma_wait3A_492 = tpu.memref_slice %arg5[%dma_wait3A_490, %dma_wait3A_491] : memref<10000x128xf32, #tpu.memory_space<hbm>> -> memref<10000x128xf32, #tpu.memory_space<hbm>>
      tpu.wait_indirect_dma semaphore(%arg31 : memref<!tpu.dma_semaphore, #tpu.memory_space<semaphore_mem>>) src(%dma_wait3A_492 : memref<10000x128xf32, #tpu.memory_space<hbm>>) dst(%dma_wait3A_487 : memref<40x128xf32, #tpu.memory_space<vmem>>)
      %dma_wait3A_493 = arith.constant 40 : i32
      %dma_wait3A_494 = arith.constant 0 : i32
      %dma_wait3A_495 = tpu.memref_slice %arg23[%dma_wait3A_493, %dma_wait3A_494] : memref<80x128xf32, #tpu.memory_space<vmem>> -> memref<40x128xf32, #tpu.memory_space<vmem>>
      %dma_wait3A_496 = arith.constant 40 : i32
      %dma_wait3A_497 = tpu.memref_slice %arg19[%dma_wait3A_496] : memref<80xi32, #tpu.memory_space<vmem>> -> memref<40xi32, #tpu.memory_space<vmem>>
      %dma_wait3A_498 = arith.constant 0 : i32
      %dma_wait3A_499 = arith.constant 0 : i32
      %dma_wait3A_500 = tpu.memref_slice %arg5[%dma_wait3A_498, %dma_wait3A_499] : memref<10000x128xf32, #tpu.memory_space<hbm>> -> memref<10000x128xf32, #tpu.memory_space<hbm>>
      tpu.wait_indirect_dma semaphore(%arg31 : memref<!tpu.dma_semaphore, #tpu.memory_space<semaphore_mem>>) src(%dma_wait3A_500 : memref<10000x128xf32, #tpu.memory_space<hbm>>) dst(%dma_wait3A_495 : memref<40x128xf32, #tpu.memory_space<vmem>>)
      %dma_wait3A_501 = arith.constant 0 : i32
      %dma_wait3A_502 = arith.constant 0 : i32
      %dma_wait3A_503 = tpu.memref_slice %arg24[%dma_wait3A_501, %dma_wait3A_502] : memref<80x128xf32, #tpu.memory_space<vmem>> -> memref<40x128xf32, #tpu.memory_space<vmem>>
      %dma_wait3A_504 = arith.constant 0 : i32
      %dma_wait3A_505 = tpu.memref_slice %arg18[%dma_wait3A_504] : memref<80xi32, #tpu.memory_space<vmem>> -> memref<40xi32, #tpu.memory_space<vmem>>
      %dma_wait3A_506 = arith.constant 0 : i32
      %dma_wait3A_507 = arith.constant 0 : i32
      %dma_wait3A_508 = tpu.memref_slice %arg6[%dma_wait3A_506, %dma_wait3A_507] : memref<10000x128xf32, #tpu.memory_space<hbm>> -> memref<10000x128xf32, #tpu.memory_space<hbm>>
      tpu.wait_indirect_dma semaphore(%arg32 : memref<!tpu.dma_semaphore, #tpu.memory_space<semaphore_mem>>) src(%dma_wait3A_508 : memref<10000x128xf32, #tpu.memory_space<hbm>>) dst(%dma_wait3A_503 : memref<40x128xf32, #tpu.memory_space<vmem>>)
      %dma_wait3A_509 = arith.constant 40 : i32
      %dma_wait3A_510 = arith.constant 0 : i32
      %dma_wait3A_511 = tpu.memref_slice %arg24[%dma_wait3A_509, %dma_wait3A_510] : memref<80x128xf32, #tpu.memory_space<vmem>> -> memref<40x128xf32, #tpu.memory_space<vmem>>
      %dma_wait3A_512 = arith.constant 40 : i32
      %dma_wait3A_513 = tpu.memref_slice %arg18[%dma_wait3A_512] : memref<80xi32, #tpu.memory_space<vmem>> -> memref<40xi32, #tpu.memory_space<vmem>>
      %dma_wait3A_514 = arith.constant 0 : i32
      %dma_wait3A_515 = arith.constant 0 : i32
      %dma_wait3A_516 = tpu.memref_slice %arg6[%dma_wait3A_514, %dma_wait3A_515] : memref<10000x128xf32, #tpu.memory_space<hbm>> -> memref<10000x128xf32, #tpu.memory_space<hbm>>
      tpu.wait_indirect_dma semaphore(%arg32 : memref<!tpu.dma_semaphore, #tpu.memory_space<semaphore_mem>>) src(%dma_wait3A_516 : memref<10000x128xf32, #tpu.memory_space<hbm>>) dst(%dma_wait3A_511 : memref<40x128xf32, #tpu.memory_space<vmem>>)
      %le3A_517 = arith.constant 122 : i32
      %le3A_518 = arith.cmpi sle, %add3A_370, %le3A_517 : i32
      %convert_element_type3A_519 = arith.extui %le3A_518 : i1 to i32
      %cond3A_520 = arith.constant 0 : i32
      %cond3A_521 = arith.cmpi ne, %convert_element_type3A_519, %cond3A_520 : i32
      scf.if %cond3A_521 {
        %add3A_540 = arith.constant 2 : i32
        %add3A_541 = arith.addi %add3A_370, %add3A_540 : i32
        %mul3A_542 = arith.constant 80 : i32
        %mul3A_543 = arith.muli %add3A_541, %mul3A_542 : i32
        %add3A_544 = arith.addi %mul3A_3, %mul3A_543 : i32
        %dma_start3A_545 = tpu.memref_slice %arg2[%add3A_544] : memref<320000xi32, #tpu.memory_space<hbm>> -> memref<80xi32, #tpu.memory_space<hbm>>
        %dma_start3A_546 = tpu.memref_slice %arg2[%add3A_544] : memref<320000xi32, #tpu.memory_space<hbm>> -> memref<80xi32, #tpu.memory_space<hbm>>
        tpu.enqueue_dma source(%dma_start3A_546 : memref<80xi32, #tpu.memory_space<hbm>>) target(%arg18 : memref<80xi32, #tpu.memory_space<vmem>>) target_semaphore(%arg30 : memref<!tpu.dma_semaphore, #tpu.memory_space<semaphore_mem>>)
        %dma_start3A_547 = tpu.memref_slice %arg3[%add3A_544] : memref<320000xi32, #tpu.memory_space<hbm>> -> memref<80xi32, #tpu.memory_space<hbm>>
        %dma_start3A_548 = tpu.memref_slice %arg3[%add3A_544] : memref<320000xi32, #tpu.memory_space<hbm>> -> memref<80xi32, #tpu.memory_space<hbm>>
        tpu.enqueue_dma source(%dma_start3A_548 : memref<80xi32, #tpu.memory_space<hbm>>) target(%arg19 : memref<80xi32, #tpu.memory_space<vmem>>) target_semaphore(%arg30 : memref<!tpu.dma_semaphore, #tpu.memory_space<semaphore_mem>>)
        %dma_start3A_549 = tpu.memref_slice %arg4[%add3A_544] : memref<320000xi32, #tpu.memory_space<hbm>> -> memref<80xi32, #tpu.memory_space<hbm>>
        %dma_start3A_550 = tpu.memref_slice %arg4[%add3A_544] : memref<320000xi32, #tpu.memory_space<hbm>> -> memref<80xi32, #tpu.memory_space<hbm>>
        tpu.enqueue_dma source(%dma_start3A_550 : memref<80xi32, #tpu.memory_space<hbm>>) target(%arg20 : memref<80xi32, #tpu.memory_space<vmem>>) target_semaphore(%arg30 : memref<!tpu.dma_semaphore, #tpu.memory_space<semaphore_mem>>)
      } else {
      }
      %ge3A_522 = arith.constant 2 : i32
      %ge3A_523 = arith.cmpi sge, %add3A_370, %ge3A_522 : i32
      %convert_element_type3A_524 = arith.extui %ge3A_523 : i1 to i32
      %cond3A_525 = arith.constant 0 : i32
      %cond3A_526 = arith.cmpi ne, %convert_element_type3A_524, %cond3A_525 : i32
      scf.if %cond3A_526 {
        %dma_wait3A_540 = arith.constant 0 : i32
        %dma_wait3A_541 = tpu.memref_slice %arg7[%dma_wait3A_540] : memref<5120000xf32, #tpu.memory_space<hbm>> -> memref<1280xf32, #tpu.memory_space<hbm>>
        %dma_wait3A_542 = arith.constant 0 : i32
        %dma_wait3A_543 = tpu.memref_slice %arg7[%dma_wait3A_542] : memref<5120000xf32, #tpu.memory_space<hbm>> -> memref<1280xf32, #tpu.memory_space<hbm>>
        tpu.wait_dma2 semaphore(%arg33 : memref<!tpu.dma_semaphore, #tpu.memory_space<semaphore_mem>>) src(%arg25 : memref<1280xf32, #tpu.memory_space<vmem>>) dst(%dma_wait3A_543 : memref<1280xf32, #tpu.memory_space<hbm>>)
      } else {
      }
      %scan3A_527 = arith.constant 0 : i32
      %scan3A_528 = arith.constant 0 : i32
      %scan3A_529 = arith.constant 80 : i32
      %scan3A_530 = arith.addi %scan3A_528, %scan3A_529 : i32
      %scan3A_531 = arith.constant 2 : i32
      scf.for %scan3A_540 = %scan3A_528 to %scan3A_530 step %scan3A_531  : i32 {
        %get3A_541 = arith.index_cast %scan3A_540 : i32 to index
        %get3A_542 = tpu.vector_load %arg22[%get3A_541] {strides = array<i32>} : memref<96xi32, #tpu.memory_space<vmem>>, vector<16xi32>,
        %get3A_543 = vector.shape_cast %get3A_542 : vector<16xi32> to vector<16xi32>
        %slice3A = vector.extract_strided_slice %get3A_543 {offsets = [0], sizes = [1], strides = [1]} : vector<16xi32> to vector<1xi32>
        %squeeze3A = vector.extract %slice3A[0] : i32 from vector<1xi32>
        %mul3A_544 = arith.constant 16 : i32
        %mul3A_545 = arith.muli %squeeze3A, %mul3A_544 : i32
        %get3A_546 = arith.index_cast %scan3A_540 : i32 to index
        %get3A_547 = tpu.vector_load %arg21[%get3A_546] {strides = array<i32>} : memref<96xi32, #tpu.memory_space<vmem>>, vector<16xi32>,
        %get3A_548 = vector.shape_cast %get3A_547 : vector<16xi32> to vector<16xi32>
        %slice3A_549 = vector.extract_strided_slice %get3A_548 {offsets = [0], sizes = [1], strides = [1]} : vector<16xi32> to vector<1xi32>
        %squeeze3A_550 = vector.extract %slice3A_549[0] : i32 from vector<1xi32>
        %get3A_551 = arith.index_cast %scan3A_540 : i32 to index
        %get3A_552 = arith.index_cast %mul3A_545 : i32 to index
        %get3A_553 = tpu.vector_load %arg23[%get3A_551, %get3A_552] {strides = array<i32>} : memref<80x128xf32, #tpu.memory_space<vmem>>, vector<1x16xf32>,
        %get3A_554 = vector.shape_cast %get3A_553 : vector<1x16xf32> to vector<16xf32>
        %get3A_555 = arith.index_cast %scan3A_540 : i32 to index
        %get3A_556 = arith.index_cast %mul3A_545 : i32 to index
        %get3A_557 = tpu.vector_load %arg24[%get3A_555, %get3A_556] {strides = array<i32>} : memref<80x128xf32, #tpu.memory_space<vmem>>, vector<1x16xf32>,
        %get3A_558 = vector.shape_cast %get3A_557 : vector<1x16xf32> to vector<16xf32>
        %add3A_559 = arith.addf %get3A_554, %get3A_558 : vector<16xf32>
        %mul3A_560 = arith.constant 2.000000e-01 : f32
        %mul3A_561 = vector.broadcast %mul3A_560 : f32 to vector<16xf32>
        %mul3A_562 = arith.mulf %add3A_559, %mul3A_561 : vector<16xf32>
        %max3A = arith.maximumf %add3A_559, %mul3A_562 : vector<16xf32>
        %exp3A = math.exp %max3A : vector<16xf32>
        %mul3A_563 = arith.constant 16 : i32
        %mul3A_564 = arith.muli %scan3A_540, %mul3A_563 : i32
        %swap3A_565 = arith.index_cast %mul3A_564 : i32 to index
        %swap3A_566 = tpu.vector_load %arg25[%swap3A_565] {strides = array<i32>} : memref<1280xf32, #tpu.memory_space<vmem>>, vector<16xf32>,
        %swap3A_567 = vector.shape_cast %swap3A_566 : vector<16xf32> to vector<16xf32>
        %swap3A_568 = vector.shape_cast %exp3A : vector<16xf32> to vector<16xf32>
        tpu.vector_store %arg25[%swap3A_565], %swap3A_568 {strides = array<i32>} : memref<1280xf32, #tpu.memory_space<vmem>>, vector<16xf32>,
        %mul3A_569 = arith.constant 8 : i32
        %mul3A_570 = arith.muli %squeeze3A_550, %mul3A_569 : i32
        %get3A_571 = arith.index_cast %mul3A_570 : i32 to index
        %get3A_572 = tpu.vector_load %arg9[%get3A_571] {strides = array<i32>} : memref<81920xf32, #tpu.memory_space<vmem>>, vector<16xf32>,
        %get3A_573 = vector.shape_cast %get3A_572 : vector<16xf32> to vector<16xf32>
        %jit3A = arith.constant 0.000000e+00 : f32
        %broadcast_in_dim3A_574 = vector.broadcast %jit3A : f32 to vector<16xf32>
        %select_n3A = arith.select %lt3A_5, %exp3A, %broadcast_in_dim3A_574 : vector<16xi1>, vector<16xf32>
        %add3A_575 = arith.addf %get3A_573, %select_n3A : vector<16xf32>
        %swap3A_576 = arith.index_cast %mul3A_570 : i32 to index
        %swap3A_577 = tpu.vector_load %arg9[%swap3A_576] {strides = array<i32>} : memref<81920xf32, #tpu.memory_space<vmem>>, vector<16xf32>,
        %swap3A_578 = vector.shape_cast %swap3A_577 : vector<16xf32> to vector<16xf32>
        %swap3A_579 = vector.shape_cast %add3A_575 : vector<16xf32> to vector<16xf32>
        tpu.vector_store %arg9[%swap3A_576], %swap3A_579 {strides = array<i32>} : memref<81920xf32, #tpu.memory_space<vmem>>, vector<16xf32>,
        %scan3A_580 = arith.constant 1 : i32
        %scan3A_581 = arith.addi %scan3A_540, %scan3A_580 : i32
        %get3A_582 = arith.index_cast %scan3A_581 : i32 to index
        %get3A_583 = tpu.vector_load %arg22[%get3A_582] {strides = array<i32>} : memref<96xi32, #tpu.memory_space<vmem>>, vector<16xi32>,
        %get3A_584 = vector.shape_cast %get3A_583 : vector<16xi32> to vector<16xi32>
        %slice3A_585 = vector.extract_strided_slice %get3A_584 {offsets = [0], sizes = [1], strides = [1]} : vector<16xi32> to vector<1xi32>
        %squeeze3A_586 = vector.extract %slice3A_585[0] : i32 from vector<1xi32>
        %mul3A_587 = arith.constant 16 : i32
        %mul3A_588 = arith.muli %squeeze3A_586, %mul3A_587 : i32
        %get3A_589 = arith.index_cast %scan3A_581 : i32 to index
        %get3A_590 = tpu.vector_load %arg21[%get3A_589] {strides = array<i32>} : memref<96xi32, #tpu.memory_space<vmem>>, vector<16xi32>,
        %get3A_591 = vector.shape_cast %get3A_590 : vector<16xi32> to vector<16xi32>
        %slice3A_592 = vector.extract_strided_slice %get3A_591 {offsets = [0], sizes = [1], strides = [1]} : vector<16xi32> to vector<1xi32>
        %squeeze3A_593 = vector.extract %slice3A_592[0] : i32 from vector<1xi32>
        %get3A_594 = arith.index_cast %scan3A_581 : i32 to index
        %get3A_595 = arith.index_cast %mul3A_588 : i32 to index
        %get3A_596 = tpu.vector_load %arg23[%get3A_594, %get3A_595] {strides = array<i32>} : memref<80x128xf32, #tpu.memory_space<vmem>>, vector<1x16xf32>,
        %get3A_597 = vector.shape_cast %get3A_596 : vector<1x16xf32> to vector<16xf32>
        %get3A_598 = arith.index_cast %scan3A_581 : i32 to index
        %get3A_599 = arith.index_cast %mul3A_588 : i32 to index
        %get3A_600 = tpu.vector_load %arg24[%get3A_598, %get3A_599] {strides = array<i32>} : memref<80x128xf32, #tpu.memory_space<vmem>>, vector<1x16xf32>,
        %get3A_601 = vector.shape_cast %get3A_600 : vector<1x16xf32> to vector<16xf32>
        %add3A_602 = arith.addf %get3A_597, %get3A_601 : vector<16xf32>
        %mul3A_603 = arith.constant 2.000000e-01 : f32
        %mul3A_604 = vector.broadcast %mul3A_603 : f32 to vector<16xf32>
        %mul3A_605 = arith.mulf %add3A_602, %mul3A_604 : vector<16xf32>
        %max3A_606 = arith.maximumf %add3A_602, %mul3A_605 : vector<16xf32>
        %exp3A_607 = math.exp %max3A_606 : vector<16xf32>
        %mul3A_608 = arith.constant 16 : i32
        %mul3A_609 = arith.muli %scan3A_581, %mul3A_608 : i32
        %swap3A_610 = arith.index_cast %mul3A_609 : i32 to index
        %swap3A_611 = tpu.vector_load %arg25[%swap3A_610] {strides = array<i32>} : memref<1280xf32, #tpu.memory_space<vmem>>, vector<16xf32>,
        %swap3A_612 = vector.shape_cast %swap3A_611 : vector<16xf32> to vector<16xf32>
        %swap3A_613 = vector.shape_cast %exp3A_607 : vector<16xf32> to vector<16xf32>
        tpu.vector_store %arg25[%swap3A_610], %swap3A_613 {strides = array<i32>} : memref<1280xf32, #tpu.memory_space<vmem>>, vector<16xf32>,
        %mul3A_614 = arith.constant 8 : i32
        %mul3A_615 = arith.muli %squeeze3A_593, %mul3A_614 : i32
        %get3A_616 = arith.index_cast %mul3A_615 : i32 to index
        %get3A_617 = tpu.vector_load %arg9[%get3A_616] {strides = array<i32>} : memref<81920xf32, #tpu.memory_space<vmem>>, vector<16xf32>,
        %get3A_618 = vector.shape_cast %get3A_617 : vector<16xf32> to vector<16xf32>
        %jit3A_619 = arith.constant 0.000000e+00 : f32
        %broadcast_in_dim3A_620 = vector.broadcast %jit3A_619 : f32 to vector<16xf32>
        %select_n3A_621 = arith.select %lt3A_5, %exp3A_607, %broadcast_in_dim3A_620 : vector<16xi1>, vector<16xf32>
        %add3A_622 = arith.addf %get3A_618, %select_n3A_621 : vector<16xf32>
        %swap3A_623 = arith.index_cast %mul3A_615 : i32 to index
        %swap3A_624 = tpu.vector_load %arg9[%swap3A_623] {strides = array<i32>} : memref<81920xf32, #tpu.memory_space<vmem>>, vector<16xf32>,
        %swap3A_625 = vector.shape_cast %swap3A_624 : vector<16xf32> to vector<16xf32>
        %swap3A_626 = vector.shape_cast %add3A_622 : vector<16xf32> to vector<16xf32>
        tpu.vector_store %arg9[%swap3A_623], %swap3A_626 {strides = array<i32>} : memref<81920xf32, #tpu.memory_space<vmem>>, vector<16xf32>,
      }
      %scan3A_532 = arith.constant 80 : i32
      %mul3A_533 = arith.constant 80 : i32
      %mul3A_534 = arith.muli %add3A_370, %mul3A_533 : i32
      %add3A_535 = arith.addi %mul3A_3, %mul3A_534 : i32
      %mul3A_536 = arith.constant 16 : i32
      %mul3A_537 = arith.muli %add3A_535, %mul3A_536 : i32
      %dma_start3A_538 = tpu.memref_slice %arg7[%mul3A_537] : memref<5120000xf32, #tpu.memory_space<hbm>> -> memref<1280xf32, #tpu.memory_space<hbm>>
      %dma_start3A_539 = tpu.memref_slice %arg7[%mul3A_537] : memref<5120000xf32, #tpu.memory_space<hbm>> -> memref<1280xf32, #tpu.memory_space<hbm>>
      tpu.enqueue_dma source(%arg25 : memref<1280xf32, #tpu.memory_space<vmem>>) target(%dma_start3A_539 : memref<1280xf32, #tpu.memory_space<hbm>>) target_semaphore(%arg33 : memref<!tpu.dma_semaphore, #tpu.memory_space<semaphore_mem>>)
    }
    %scan3A_142 = arith.constant 62 : i32
    %dma_wait3A_143 = arith.constant 0 : i32
    %dma_wait3A_144 = arith.constant 0 : i32
    %dma_wait3A_145 = tpu.memref_slice %arg15[%dma_wait3A_143, %dma_wait3A_144] : memref<80x128xf32, #tpu.memory_space<vmem>> -> memref<40x128xf32, #tpu.memory_space<vmem>>
    %dma_wait3A_146 = arith.constant 0 : i32
    %dma_wait3A_147 = tpu.memref_slice %arg11[%dma_wait3A_146] : memref<80xi32, #tpu.memory_space<vmem>> -> memref<40xi32, #tpu.memory_space<vmem>>
    %dma_wait3A_148 = arith.constant 0 : i32
    %dma_wait3A_149 = arith.constant 0 : i32
    %dma_wait3A_150 = tpu.memref_slice %arg5[%dma_wait3A_148, %dma_wait3A_149] : memref<10000x128xf32, #tpu.memory_space<hbm>> -> memref<10000x128xf32, #tpu.memory_space<hbm>>
    tpu.wait_indirect_dma semaphore(%arg27 : memref<!tpu.dma_semaphore, #tpu.memory_space<semaphore_mem>>) src(%dma_wait3A_150 : memref<10000x128xf32, #tpu.memory_space<hbm>>) dst(%dma_wait3A_145 : memref<40x128xf32, #tpu.memory_space<vmem>>)
    %dma_wait3A_151 = arith.constant 40 : i32
    %dma_wait3A_152 = arith.constant 0 : i32
    %dma_wait3A_153 = tpu.memref_slice %arg15[%dma_wait3A_151, %dma_wait3A_152] : memref<80x128xf32, #tpu.memory_space<vmem>> -> memref<40x128xf32, #tpu.memory_space<vmem>>
    %dma_wait3A_154 = arith.constant 40 : i32
    %dma_wait3A_155 = tpu.memref_slice %arg11[%dma_wait3A_154] : memref<80xi32, #tpu.memory_space<vmem>> -> memref<40xi32, #tpu.memory_space<vmem>>
    %dma_wait3A_156 = arith.constant 0 : i32
    %dma_wait3A_157 = arith.constant 0 : i32
    %dma_wait3A_158 = tpu.memref_slice %arg5[%dma_wait3A_156, %dma_wait3A_157] : memref<10000x128xf32, #tpu.memory_space<hbm>> -> memref<10000x128xf32, #tpu.memory_space<hbm>>
    tpu.wait_indirect_dma semaphore(%arg27 : memref<!tpu.dma_semaphore, #tpu.memory_space<semaphore_mem>>) src(%dma_wait3A_158 : memref<10000x128xf32, #tpu.memory_space<hbm>>) dst(%dma_wait3A_153 : memref<40x128xf32, #tpu.memory_space<vmem>>)
    %dma_wait3A_159 = arith.constant 0 : i32
    %dma_wait3A_160 = arith.constant 0 : i32
    %dma_wait3A_161 = tpu.memref_slice %arg16[%dma_wait3A_159, %dma_wait3A_160] : memref<80x128xf32, #tpu.memory_space<vmem>> -> memref<40x128xf32, #tpu.memory_space<vmem>>
    %dma_wait3A_162 = arith.constant 0 : i32
    %dma_wait3A_163 = tpu.memref_slice %arg10[%dma_wait3A_162] : memref<80xi32, #tpu.memory_space<vmem>> -> memref<40xi32, #tpu.memory_space<vmem>>
    %dma_wait3A_164 = arith.constant 0 : i32
    %dma_wait3A_165 = arith.constant 0 : i32
    %dma_wait3A_166 = tpu.memref_slice %arg6[%dma_wait3A_164, %dma_wait3A_165] : memref<10000x128xf32, #tpu.memory_space<hbm>> -> memref<10000x128xf32, #tpu.memory_space<hbm>>
    tpu.wait_indirect_dma semaphore(%arg28 : memref<!tpu.dma_semaphore, #tpu.memory_space<semaphore_mem>>) src(%dma_wait3A_166 : memref<10000x128xf32, #tpu.memory_space<hbm>>) dst(%dma_wait3A_161 : memref<40x128xf32, #tpu.memory_space<vmem>>)
    %dma_wait3A_167 = arith.constant 40 : i32
    %dma_wait3A_168 = arith.constant 0 : i32
    %dma_wait3A_169 = tpu.memref_slice %arg16[%dma_wait3A_167, %dma_wait3A_168] : memref<80x128xf32, #tpu.memory_space<vmem>> -> memref<40x128xf32, #tpu.memory_space<vmem>>
    %dma_wait3A_170 = arith.constant 40 : i32
    %dma_wait3A_171 = tpu.memref_slice %arg10[%dma_wait3A_170] : memref<80xi32, #tpu.memory_space<vmem>> -> memref<40xi32, #tpu.memory_space<vmem>>
    %dma_wait3A_172 = arith.constant 0 : i32
    %dma_wait3A_173 = arith.constant 0 : i32
    %dma_wait3A_174 = tpu.memref_slice %arg6[%dma_wait3A_172, %dma_wait3A_173] : memref<10000x128xf32, #tpu.memory_space<hbm>> -> memref<10000x128xf32, #tpu.memory_space<hbm>>
    tpu.wait_indirect_dma semaphore(%arg28 : memref<!tpu.dma_semaphore, #tpu.memory_space<semaphore_mem>>) src(%dma_wait3A_174 : memref<10000x128xf32, #tpu.memory_space<hbm>>) dst(%dma_wait3A_169 : memref<40x128xf32, #tpu.memory_space<vmem>>)
    %dma_wait3A_175 = arith.constant 0 : i32
    %dma_wait3A_176 = tpu.memref_slice %arg7[%dma_wait3A_175] : memref<5120000xf32, #tpu.memory_space<hbm>> -> memref<1280xf32, #tpu.memory_space<hbm>>
    %dma_wait3A_177 = arith.constant 0 : i32
    %dma_wait3A_178 = tpu.memref_slice %arg7[%dma_wait3A_177] : memref<5120000xf32, #tpu.memory_space<hbm>> -> memref<1280xf32, #tpu.memory_space<hbm>>
    tpu.wait_dma2 semaphore(%arg29 : memref<!tpu.dma_semaphore, #tpu.memory_space<semaphore_mem>>) src(%arg17 : memref<1280xf32, #tpu.memory_space<vmem>>) dst(%dma_wait3A_178 : memref<1280xf32, #tpu.memory_space<hbm>>)
    %scan3A_179 = arith.constant 0 : i32
    %scan3A_180 = arith.constant 0 : i32
    %scan3A_181 = arith.constant 80 : i32
    %scan3A_182 = arith.addi %scan3A_180, %scan3A_181 : i32
    %scan3A_183 = arith.constant 2 : i32
    scf.for %scan3A_199 = %scan3A_180 to %scan3A_182 step %scan3A_183  : i32 {
      %get3A_200 = arith.index_cast %scan3A_199 : i32 to index
      %get3A_201 = tpu.vector_load %arg14[%get3A_200] {strides = array<i32>} : memref<96xi32, #tpu.memory_space<vmem>>, vector<16xi32>,
      %get3A_202 = vector.shape_cast %get3A_201 : vector<16xi32> to vector<16xi32>
      %slice3A = vector.extract_strided_slice %get3A_202 {offsets = [0], sizes = [1], strides = [1]} : vector<16xi32> to vector<1xi32>
      %squeeze3A = vector.extract %slice3A[0] : i32 from vector<1xi32>
      %mul3A_203 = arith.constant 16 : i32
      %mul3A_204 = arith.muli %squeeze3A, %mul3A_203 : i32
      %get3A_205 = arith.index_cast %scan3A_199 : i32 to index
      %get3A_206 = tpu.vector_load %arg13[%get3A_205] {strides = array<i32>} : memref<96xi32, #tpu.memory_space<vmem>>, vector<16xi32>,
      %get3A_207 = vector.shape_cast %get3A_206 : vector<16xi32> to vector<16xi32>
      %slice3A_208 = vector.extract_strided_slice %get3A_207 {offsets = [0], sizes = [1], strides = [1]} : vector<16xi32> to vector<1xi32>
      %squeeze3A_209 = vector.extract %slice3A_208[0] : i32 from vector<1xi32>
      %get3A_210 = arith.index_cast %scan3A_199 : i32 to index
      %get3A_211 = arith.index_cast %mul3A_204 : i32 to index
      %get3A_212 = tpu.vector_load %arg15[%get3A_210, %get3A_211] {strides = array<i32>} : memref<80x128xf32, #tpu.memory_space<vmem>>, vector<1x16xf32>,
      %get3A_213 = vector.shape_cast %get3A_212 : vector<1x16xf32> to vector<16xf32>
      %get3A_214 = arith.index_cast %scan3A_199 : i32 to index
      %get3A_215 = arith.index_cast %mul3A_204 : i32 to index
      %get3A_216 = tpu.vector_load %arg16[%get3A_214, %get3A_215] {strides = array<i32>} : memref<80x128xf32, #tpu.memory_space<vmem>>, vector<1x16xf32>,
      %get3A_217 = vector.shape_cast %get3A_216 : vector<1x16xf32> to vector<16xf32>
      %add3A_218 = arith.addf %get3A_213, %get3A_217 : vector<16xf32>
      %mul3A_219 = arith.constant 2.000000e-01 : f32
      %mul3A_220 = vector.broadcast %mul3A_219 : f32 to vector<16xf32>
      %mul3A_221 = arith.mulf %add3A_218, %mul3A_220 : vector<16xf32>
      %max3A = arith.maximumf %add3A_218, %mul3A_221 : vector<16xf32>
      %exp3A = math.exp %max3A : vector<16xf32>
      %mul3A_222 = arith.constant 16 : i32
      %mul3A_223 = arith.muli %scan3A_199, %mul3A_222 : i32
      %swap3A_224 = arith.index_cast %mul3A_223 : i32 to index
      %swap3A_225 = tpu.vector_load %arg17[%swap3A_224] {strides = array<i32>} : memref<1280xf32, #tpu.memory_space<vmem>>, vector<16xf32>,
      %swap3A_226 = vector.shape_cast %swap3A_225 : vector<16xf32> to vector<16xf32>
      %swap3A_227 = vector.shape_cast %exp3A : vector<16xf32> to vector<16xf32>
      tpu.vector_store %arg17[%swap3A_224], %swap3A_227 {strides = array<i32>} : memref<1280xf32, #tpu.memory_space<vmem>>, vector<16xf32>,
      %mul3A_228 = arith.constant 8 : i32
      %mul3A_229 = arith.muli %squeeze3A_209, %mul3A_228 : i32
      %get3A_230 = arith.index_cast %mul3A_229 : i32 to index
      %get3A_231 = tpu.vector_load %arg9[%get3A_230] {strides = array<i32>} : memref<81920xf32, #tpu.memory_space<vmem>>, vector<16xf32>,
      %get3A_232 = vector.shape_cast %get3A_231 : vector<16xf32> to vector<16xf32>
      %jit3A = arith.constant 0.000000e+00 : f32
      %broadcast_in_dim3A_233 = vector.broadcast %jit3A : f32 to vector<16xf32>
      %select_n3A = arith.select %lt3A_5, %exp3A, %broadcast_in_dim3A_233 : vector<16xi1>, vector<16xf32>
      %add3A_234 = arith.addf %get3A_232, %select_n3A : vector<16xf32>
      %swap3A_235 = arith.index_cast %mul3A_229 : i32 to index
      %swap3A_236 = tpu.vector_load %arg9[%swap3A_235] {strides = array<i32>} : memref<81920xf32, #tpu.memory_space<vmem>>, vector<16xf32>,
      %swap3A_237 = vector.shape_cast %swap3A_236 : vector<16xf32> to vector<16xf32>
      %swap3A_238 = vector.shape_cast %add3A_234 : vector<16xf32> to vector<16xf32>
      tpu.vector_store %arg9[%swap3A_235], %swap3A_238 {strides = array<i32>} : memref<81920xf32, #tpu.memory_space<vmem>>, vector<16xf32>,
      %scan3A_239 = arith.constant 1 : i32
      %scan3A_240 = arith.addi %scan3A_199, %scan3A_239 : i32
      %get3A_241 = arith.index_cast %scan3A_240 : i32 to index
      %get3A_242 = tpu.vector_load %arg14[%get3A_241] {strides = array<i32>} : memref<96xi32, #tpu.memory_space<vmem>>, vector<16xi32>,
      %get3A_243 = vector.shape_cast %get3A_242 : vector<16xi32> to vector<16xi32>
      %slice3A_244 = vector.extract_strided_slice %get3A_243 {offsets = [0], sizes = [1], strides = [1]} : vector<16xi32> to vector<1xi32>
      %squeeze3A_245 = vector.extract %slice3A_244[0] : i32 from vector<1xi32>
      %mul3A_246 = arith.constant 16 : i32
      %mul3A_247 = arith.muli %squeeze3A_245, %mul3A_246 : i32
      %get3A_248 = arith.index_cast %scan3A_240 : i32 to index
      %get3A_249 = tpu.vector_load %arg13[%get3A_248] {strides = array<i32>} : memref<96xi32, #tpu.memory_space<vmem>>, vector<16xi32>,
      %get3A_250 = vector.shape_cast %get3A_249 : vector<16xi32> to vector<16xi32>
      %slice3A_251 = vector.extract_strided_slice %get3A_250 {offsets = [0], sizes = [1], strides = [1]} : vector<16xi32> to vector<1xi32>
      %squeeze3A_252 = vector.extract %slice3A_251[0] : i32 from vector<1xi32>
      %get3A_253 = arith.index_cast %scan3A_240 : i32 to index
      %get3A_254 = arith.index_cast %mul3A_247 : i32 to index
      %get3A_255 = tpu.vector_load %arg15[%get3A_253, %get3A_254] {strides = array<i32>} : memref<80x128xf32, #tpu.memory_space<vmem>>, vector<1x16xf32>,
      %get3A_256 = vector.shape_cast %get3A_255 : vector<1x16xf32> to vector<16xf32>
      %get3A_257 = arith.index_cast %scan3A_240 : i32 to index
      %get3A_258 = arith.index_cast %mul3A_247 : i32 to index
      %get3A_259 = tpu.vector_load %arg16[%get3A_257, %get3A_258] {strides = array<i32>} : memref<80x128xf32, #tpu.memory_space<vmem>>, vector<1x16xf32>,
      %get3A_260 = vector.shape_cast %get3A_259 : vector<1x16xf32> to vector<16xf32>
      %add3A_261 = arith.addf %get3A_256, %get3A_260 : vector<16xf32>
      %mul3A_262 = arith.constant 2.000000e-01 : f32
      %mul3A_263 = vector.broadcast %mul3A_262 : f32 to vector<16xf32>
      %mul3A_264 = arith.mulf %add3A_261, %mul3A_263 : vector<16xf32>
      %max3A_265 = arith.maximumf %add3A_261, %mul3A_264 : vector<16xf32>
      %exp3A_266 = math.exp %max3A_265 : vector<16xf32>
      %mul3A_267 = arith.constant 16 : i32
      %mul3A_268 = arith.muli %scan3A_240, %mul3A_267 : i32
      %swap3A_269 = arith.index_cast %mul3A_268 : i32 to index
      %swap3A_270 = tpu.vector_load %arg17[%swap3A_269] {strides = array<i32>} : memref<1280xf32, #tpu.memory_space<vmem>>, vector<16xf32>,
      %swap3A_271 = vector.shape_cast %swap3A_270 : vector<16xf32> to vector<16xf32>
      %swap3A_272 = vector.shape_cast %exp3A_266 : vector<16xf32> to vector<16xf32>
      tpu.vector_store %arg17[%swap3A_269], %swap3A_272 {strides = array<i32>} : memref<1280xf32, #tpu.memory_space<vmem>>, vector<16xf32>,
      %mul3A_273 = arith.constant 8 : i32
      %mul3A_274 = arith.muli %squeeze3A_252, %mul3A_273 : i32
      %get3A_275 = arith.index_cast %mul3A_274 : i32 to index
      %get3A_276 = tpu.vector_load %arg9[%get3A_275] {strides = array<i32>} : memref<81920xf32, #tpu.memory_space<vmem>>, vector<16xf32>,
      %get3A_277 = vector.shape_cast %get3A_276 : vector<16xf32> to vector<16xf32>
      %jit3A_278 = arith.constant 0.000000e+00 : f32
      %broadcast_in_dim3A_279 = vector.broadcast %jit3A_278 : f32 to vector<16xf32>
      %select_n3A_280 = arith.select %lt3A_5, %exp3A_266, %broadcast_in_dim3A_279 : vector<16xi1>, vector<16xf32>
      %add3A_281 = arith.addf %get3A_277, %select_n3A_280 : vector<16xf32>
      %swap3A_282 = arith.index_cast %mul3A_274 : i32 to index
      %swap3A_283 = tpu.vector_load %arg9[%swap3A_282] {strides = array<i32>} : memref<81920xf32, #tpu.memory_space<vmem>>, vector<16xf32>,
      %swap3A_284 = vector.shape_cast %swap3A_283 : vector<16xf32> to vector<16xf32>
      %swap3A_285 = vector.shape_cast %add3A_281 : vector<16xf32> to vector<16xf32>
      tpu.vector_store %arg9[%swap3A_282], %swap3A_285 {strides = array<i32>} : memref<81920xf32, #tpu.memory_space<vmem>>, vector<16xf32>,
    }
    %scan3A_184 = arith.constant 80 : i32
    %add3A_185 = arith.constant 9920 : i32
    %add3A_186 = arith.addi %mul3A_3, %add3A_185 : i32
    %mul3A_187 = arith.constant 16 : i32
    %mul3A_188 = arith.muli %add3A_186, %mul3A_187 : i32
    %dma_start3A_189 = tpu.memref_slice %arg7[%mul3A_188] : memref<5120000xf32, #tpu.memory_space<hbm>> -> memref<1280xf32, #tpu.memory_space<hbm>>
    %dma_start3A_190 = tpu.memref_slice %arg7[%mul3A_188] : memref<5120000xf32, #tpu.memory_space<hbm>> -> memref<1280xf32, #tpu.memory_space<hbm>>
    tpu.enqueue_dma source(%arg17 : memref<1280xf32, #tpu.memory_space<vmem>>) target(%dma_start3A_190 : memref<1280xf32, #tpu.memory_space<hbm>>) target_semaphore(%arg29 : memref<!tpu.dma_semaphore, #tpu.memory_space<semaphore_mem>>)
    %dma_wait3A_191 = arith.constant 0 : i32
    %dma_wait3A_192 = tpu.memref_slice %arg7[%dma_wait3A_191] : memref<5120000xf32, #tpu.memory_space<hbm>> -> memref<1280xf32, #tpu.memory_space<hbm>>
    %dma_wait3A_193 = arith.constant 0 : i32
    %dma_wait3A_194 = tpu.memref_slice %arg7[%dma_wait3A_193] : memref<5120000xf32, #tpu.memory_space<hbm>> -> memref<1280xf32, #tpu.memory_space<hbm>>
    tpu.wait_dma2 semaphore(%arg33 : memref<!tpu.dma_semaphore, #tpu.memory_space<semaphore_mem>>) src(%arg25 : memref<1280xf32, #tpu.memory_space<vmem>>) dst(%dma_wait3A_194 : memref<1280xf32, #tpu.memory_space<hbm>>)
    %dma_wait3A_195 = arith.constant 0 : i32
    %dma_wait3A_196 = tpu.memref_slice %arg7[%dma_wait3A_195] : memref<5120000xf32, #tpu.memory_space<hbm>> -> memref<1280xf32, #tpu.memory_space<hbm>>
    %dma_wait3A_197 = arith.constant 0 : i32
    %dma_wait3A_198 = tpu.memref_slice %arg7[%dma_wait3A_197] : memref<5120000xf32, #tpu.memory_space<hbm>> -> memref<1280xf32, #tpu.memory_space<hbm>>
    tpu.wait_dma2 semaphore(%arg29 : memref<!tpu.dma_semaphore, #tpu.memory_space<semaphore_mem>>) src(%arg17 : memref<1280xf32, #tpu.memory_space<vmem>>) dst(%dma_wait3A_198 : memref<1280xf32, #tpu.memory_space<hbm>>)
    "tpu.region"() ({
      %run_scoped3A = tpu.sem_alloc : memref<!tpu.dma_semaphore, #tpu.memory_space<semaphore_mem>>
      %dma_start3A_199 = arith.constant 0 : i32
      %dma_start3A_200 = tpu.memref_slice %arg8[%add3A, %dma_start3A_199] : memref<32x81920xf32, #tpu.memory_space<hbm>> -> memref<1x81920xf32, #tpu.memory_space<hbm>>
      %dma_start3A_201 = tpu.memref_squeeze %dma_start3A_200 : memref<1x81920xf32, #tpu.memory_space<hbm>> -> memref<81920xf32, #tpu.memory_space<hbm>>
      %dma_start3A_202 = arith.constant 0 : i32
      %dma_start3A_203 = tpu.memref_slice %arg8[%add3A, %dma_start3A_202] : memref<32x81920xf32, #tpu.memory_space<hbm>> -> memref<1x81920xf32, #tpu.memory_space<hbm>>
      %dma_start3A_204 = tpu.memref_squeeze %dma_start3A_203 : memref<1x81920xf32, #tpu.memory_space<hbm>> -> memref<81920xf32, #tpu.memory_space<hbm>>
      tpu.enqueue_dma source(%arg9 : memref<81920xf32, #tpu.memory_space<vmem>>) target(%dma_start3A_204 : memref<81920xf32, #tpu.memory_space<hbm>>) target_semaphore(%run_scoped3A : memref<!tpu.dma_semaphore, #tpu.memory_space<semaphore_mem>>)
      %dma_wait3A_205 = arith.constant 0 : i32
      %dma_wait3A_206 = tpu.memref_slice %arg8[%add3A, %dma_wait3A_205] : memref<32x81920xf32, #tpu.memory_space<hbm>> -> memref<1x81920xf32, #tpu.memory_space<hbm>>
      %dma_wait3A_207 = tpu.memref_squeeze %dma_wait3A_206 : memref<1x81920xf32, #tpu.memory_space<hbm>> -> memref<81920xf32, #tpu.memory_space<hbm>>
      %dma_wait3A_208 = arith.constant 0 : i32
      %dma_wait3A_209 = tpu.memref_slice %arg8[%add3A, %dma_wait3A_208] : memref<32x81920xf32, #tpu.memory_space<hbm>> -> memref<1x81920xf32, #tpu.memory_space<hbm>>
      %dma_wait3A_210 = tpu.memref_squeeze %dma_wait3A_209 : memref<1x81920xf32, #tpu.memory_space<hbm>> -> memref<81920xf32, #tpu.memory_space<hbm>>
      tpu.wait_dma2 semaphore(%run_scoped3A : memref<!tpu.dma_semaphore, #tpu.memory_space<semaphore_mem>>) src(%arg9 : memref<81920xf32, #tpu.memory_space<vmem>>) dst(%dma_wait3A_210 : memref<81920xf32, #tpu.memory_space<hbm>>)
      tpu.yield
    }) : () -> ()
    return
  }
}

#map = affine_map<(d0, d1) -> (0)>
#map1 = affine_map<(d0, d1) -> (0, 0)>
#map2 = affine_map<(d0, d1) -> (0, 0, 0)>
module attributes {stable_mosaic.version = 14 : i64} {
  func.func @_msg_body(%arg0: i32, %arg1: i32, %arg2: memref<320000xi32, #tpu.memory_space<hbm>>, %arg3: memref<320000xi32, #tpu.memory_space<hbm>>, %arg4: memref<320000xi32, #tpu.memory_space<hbm>>, %arg5: memref<80000x128xf32, #tpu.memory_space<hbm>>, %arg6: memref<5120000xf32, #tpu.memory_space<hbm>>, %arg7: memref<2x10240x128xf32, #tpu.memory_space<hbm>>, %arg8: memref<10240x128xf32, #tpu.memory_space<vmem_shared>>, %arg9: memref<80xi32, #tpu.memory_space<vmem>>, %arg10: memref<80xi32, #tpu.memory_space<vmem>>, %arg11: memref<80xi32, #tpu.memory_space<vmem>>, %arg12: memref<80xi32, #tpu.memory_space<vmem>>, %arg13: memref<80xi32, #tpu.memory_space<vmem>>, %arg14: memref<80x128xf32, #tpu.memory_space<vmem>>, %arg15: memref<1280xf32, #tpu.memory_space<vmem>>, %arg16: memref<80x128xf32, #tpu.memory_space<vmem>>, %arg17: memref<80xi32, #tpu.memory_space<vmem>>, %arg18: memref<80xi32, #tpu.memory_space<vmem>>, %arg19: memref<80xi32, #tpu.memory_space<vmem>>, %arg20: memref<80xi32, #tpu.memory_space<vmem>>, %arg21: memref<80xi32, #tpu.memory_space<vmem>>, %arg22: memref<80x128xf32, #tpu.memory_space<vmem>>, %arg23: memref<1280xf32, #tpu.memory_space<vmem>>, %arg24: memref<80x128xf32, #tpu.memory_space<vmem>>, %arg25: memref<!tpu.dma_semaphore, #tpu.memory_space<semaphore_mem>>, %arg26: memref<!tpu.dma_semaphore, #tpu.memory_space<semaphore_mem>>, %arg27: memref<!tpu.dma_semaphore, #tpu.memory_space<semaphore_mem>>, %arg28: memref<!tpu.dma_semaphore, #tpu.memory_space<semaphore_mem>>, %arg29: memref<!tpu.dma_semaphore, #tpu.memory_space<semaphore_mem>>, %arg30: memref<!tpu.dma_semaphore, #tpu.memory_space<semaphore_mem>>, %arg31: memref<!tpu.dma_semaphore, #tpu.memory_space<semaphore_mem>>, %arg32: memref<!tpu.dma_semaphore, #tpu.memory_space<semaphore_mem>>) attributes {dimension_semantics = [#tpu.dimension_semantics<core_parallel>, #tpu.dimension_semantics<subcore_parallel>], iteration_bounds = array<i64: 2, 16>, scalar_prefetch = 0 : i64, scratch_operands = 25 : i64, tpu.core_type = #tpu.core_type<sc_vector_subcore>, window_params = [{transform_indices = #map}, {transform_indices = #map}, {transform_indices = #map}, {transform_indices = #map1}, {transform_indices = #map}, {transform_indices = #map2}]} {
    %broadcast_in_dim3A = arith.constant 0.000000e+00 : f32
    %broadcast_in_dim3A_0 = vector.broadcast %broadcast_in_dim3A : f32 to vector<16xf32>
    %mul3A = arith.constant 2 : i32
    %mul3A_1 = arith.muli %arg1, %mul3A : i32
    %add3A = arith.addi %mul3A_1, %arg0 : i32
    %mul3A_2 = arith.constant 10000 : i32
    %mul3A_3 = arith.muli %add3A, %mul3A_2 : i32
    %scan3A = arith.constant 0 : i32
    %scan3A_4 = arith.constant 0 : i32
    %scan3A_5 = arith.constant 80 : i32
    %scan3A_6 = arith.addi %scan3A_4, %scan3A_5 : i32
    %scan3A_7 = arith.constant 1 : i32
    scf.for %scan3A_221 = %scan3A_4 to %scan3A_6 step %scan3A_7  : i32 {
      %swap3A_222 = arith.index_cast %scan3A_221 : i32 to index
      %swap3A_223 = arith.constant 0 : index
      %swap3A_224 = tpu.vector_load %arg16[%swap3A_222, %swap3A_223] {strides = array<i32>} : memref<80x128xf32, #tpu.memory_space<vmem>>, vector<1x16xf32>,
      %swap3A_225 = vector.shape_cast %swap3A_224 : vector<1x16xf32> to vector<16xf32>
      %swap3A_226 = vector.shape_cast %broadcast_in_dim3A_0 : vector<16xf32> to vector<1x16xf32>
      tpu.vector_store %arg16[%swap3A_222, %swap3A_223], %swap3A_226 {strides = array<i32>} : memref<80x128xf32, #tpu.memory_space<vmem>>, vector<1x16xf32>,
      %swap3A_227 = arith.index_cast %scan3A_221 : i32 to index
      %swap3A_228 = arith.constant 16 : index
      %swap3A_229 = tpu.vector_load %arg16[%swap3A_227, %swap3A_228] {strides = array<i32>} : memref<80x128xf32, #tpu.memory_space<vmem>>, vector<1x16xf32>,
      %swap3A_230 = vector.shape_cast %swap3A_229 : vector<1x16xf32> to vector<16xf32>
      %swap3A_231 = vector.shape_cast %broadcast_in_dim3A_0 : vector<16xf32> to vector<1x16xf32>
      tpu.vector_store %arg16[%swap3A_227, %swap3A_228], %swap3A_231 {strides = array<i32>} : memref<80x128xf32, #tpu.memory_space<vmem>>, vector<1x16xf32>,
      %swap3A_232 = arith.index_cast %scan3A_221 : i32 to index
      %swap3A_233 = arith.constant 32 : index
      %swap3A_234 = tpu.vector_load %arg16[%swap3A_232, %swap3A_233] {strides = array<i32>} : memref<80x128xf32, #tpu.memory_space<vmem>>, vector<1x16xf32>,
      %swap3A_235 = vector.shape_cast %swap3A_234 : vector<1x16xf32> to vector<16xf32>
      %swap3A_236 = vector.shape_cast %broadcast_in_dim3A_0 : vector<16xf32> to vector<1x16xf32>
      tpu.vector_store %arg16[%swap3A_232, %swap3A_233], %swap3A_236 {strides = array<i32>} : memref<80x128xf32, #tpu.memory_space<vmem>>, vector<1x16xf32>,
      %swap3A_237 = arith.index_cast %scan3A_221 : i32 to index
      %swap3A_238 = arith.constant 48 : index
      %swap3A_239 = tpu.vector_load %arg16[%swap3A_237, %swap3A_238] {strides = array<i32>} : memref<80x128xf32, #tpu.memory_space<vmem>>, vector<1x16xf32>,
      %swap3A_240 = vector.shape_cast %swap3A_239 : vector<1x16xf32> to vector<16xf32>
      %swap3A_241 = vector.shape_cast %broadcast_in_dim3A_0 : vector<16xf32> to vector<1x16xf32>
      tpu.vector_store %arg16[%swap3A_237, %swap3A_238], %swap3A_241 {strides = array<i32>} : memref<80x128xf32, #tpu.memory_space<vmem>>, vector<1x16xf32>,
      %swap3A_242 = arith.index_cast %scan3A_221 : i32 to index
      %swap3A_243 = arith.constant 64 : index
      %swap3A_244 = tpu.vector_load %arg16[%swap3A_242, %swap3A_243] {strides = array<i32>} : memref<80x128xf32, #tpu.memory_space<vmem>>, vector<1x16xf32>,
      %swap3A_245 = vector.shape_cast %swap3A_244 : vector<1x16xf32> to vector<16xf32>
      %swap3A_246 = vector.shape_cast %broadcast_in_dim3A_0 : vector<16xf32> to vector<1x16xf32>
      tpu.vector_store %arg16[%swap3A_242, %swap3A_243], %swap3A_246 {strides = array<i32>} : memref<80x128xf32, #tpu.memory_space<vmem>>, vector<1x16xf32>,
      %swap3A_247 = arith.index_cast %scan3A_221 : i32 to index
      %swap3A_248 = arith.constant 80 : index
      %swap3A_249 = tpu.vector_load %arg16[%swap3A_247, %swap3A_248] {strides = array<i32>} : memref<80x128xf32, #tpu.memory_space<vmem>>, vector<1x16xf32>,
      %swap3A_250 = vector.shape_cast %swap3A_249 : vector<1x16xf32> to vector<16xf32>
      %swap3A_251 = vector.shape_cast %broadcast_in_dim3A_0 : vector<16xf32> to vector<1x16xf32>
      tpu.vector_store %arg16[%swap3A_247, %swap3A_248], %swap3A_251 {strides = array<i32>} : memref<80x128xf32, #tpu.memory_space<vmem>>, vector<1x16xf32>,
      %swap3A_252 = arith.index_cast %scan3A_221 : i32 to index
      %swap3A_253 = arith.constant 96 : index
      %swap3A_254 = tpu.vector_load %arg16[%swap3A_252, %swap3A_253] {strides = array<i32>} : memref<80x128xf32, #tpu.memory_space<vmem>>, vector<1x16xf32>,
      %swap3A_255 = vector.shape_cast %swap3A_254 : vector<1x16xf32> to vector<16xf32>
      %swap3A_256 = vector.shape_cast %broadcast_in_dim3A_0 : vector<16xf32> to vector<1x16xf32>
      tpu.vector_store %arg16[%swap3A_252, %swap3A_253], %swap3A_256 {strides = array<i32>} : memref<80x128xf32, #tpu.memory_space<vmem>>, vector<1x16xf32>,
      %swap3A_257 = arith.index_cast %scan3A_221 : i32 to index
      %swap3A_258 = arith.constant 112 : index
      %swap3A_259 = tpu.vector_load %arg16[%swap3A_257, %swap3A_258] {strides = array<i32>} : memref<80x128xf32, #tpu.memory_space<vmem>>, vector<1x16xf32>,
      %swap3A_260 = vector.shape_cast %swap3A_259 : vector<1x16xf32> to vector<16xf32>
      %swap3A_261 = vector.shape_cast %broadcast_in_dim3A_0 : vector<16xf32> to vector<1x16xf32>
      tpu.vector_store %arg16[%swap3A_257, %swap3A_258], %swap3A_261 {strides = array<i32>} : memref<80x128xf32, #tpu.memory_space<vmem>>, vector<1x16xf32>,
    }
    %scan3A_8 = arith.constant 80 : i32
    %mul3A_9 = arith.constant 640 : i32
    %mul3A_10 = arith.muli %arg1, %mul3A_9 : i32
    %add3A_11 = arith.constant 0 : i32
    %add3A_12 = arith.addi %mul3A_10, %add3A_11 : i32
    "tpu.region"() ({
      %run_scoped3A = tpu.sem_alloc : memref<!tpu.dma_semaphore, #tpu.memory_space<semaphore_mem>>
      %dma_start3A_221 = arith.constant 0 : i32
      %dma_start3A_222 = tpu.memref_slice %arg8[%add3A_12, %dma_start3A_221] : memref<10240x128xf32, #tpu.memory_space<vmem_shared>> -> memref<80x128xf32, #tpu.memory_space<vmem_shared>>
      %dma_start3A_223 = arith.constant 0 : i32
      %dma_start3A_224 = tpu.memref_slice %arg8[%add3A_12, %dma_start3A_223] : memref<10240x128xf32, #tpu.memory_space<vmem_shared>> -> memref<80x128xf32, #tpu.memory_space<vmem_shared>>
      tpu.enqueue_dma source(%arg16 : memref<80x128xf32, #tpu.memory_space<vmem>>) target(%dma_start3A_224 : memref<80x128xf32, #tpu.memory_space<vmem_shared>>) target_semaphore(%run_scoped3A : memref<!tpu.dma_semaphore, #tpu.memory_space<semaphore_mem>>)
      %dma_wait3A_225 = arith.constant 0 : i32
      %dma_wait3A_226 = tpu.memref_slice %arg8[%add3A_12, %dma_wait3A_225] : memref<10240x128xf32, #tpu.memory_space<vmem_shared>> -> memref<80x128xf32, #tpu.memory_space<vmem_shared>>
      %dma_wait3A_227 = arith.constant 0 : i32
      %dma_wait3A_228 = tpu.memref_slice %arg8[%add3A_12, %dma_wait3A_227] : memref<10240x128xf32, #tpu.memory_space<vmem_shared>> -> memref<80x128xf32, #tpu.memory_space<vmem_shared>>
      tpu.wait_dma2 semaphore(%run_scoped3A : memref<!tpu.dma_semaphore, #tpu.memory_space<semaphore_mem>>) src(%arg16 : memref<80x128xf32, #tpu.memory_space<vmem>>) dst(%dma_wait3A_228 : memref<80x128xf32, #tpu.memory_space<vmem_shared>>)
      tpu.yield
    }) : () -> ()
    %mul3A_13 = arith.constant 640 : i32
    %mul3A_14 = arith.muli %arg1, %mul3A_13 : i32
    %add3A_15 = arith.constant 80 : i32
    %add3A_16 = arith.addi %mul3A_14, %add3A_15 : i32
    "tpu.region"() ({
      %run_scoped3A = tpu.sem_alloc : memref<!tpu.dma_semaphore, #tpu.memory_space<semaphore_mem>>
      %dma_start3A_221 = arith.constant 0 : i32
      %dma_start3A_222 = tpu.memref_slice %arg8[%add3A_16, %dma_start3A_221] : memref<10240x128xf32, #tpu.memory_space<vmem_shared>> -> memref<80x128xf32, #tpu.memory_space<vmem_shared>>
      %dma_start3A_223 = arith.constant 0 : i32
      %dma_start3A_224 = tpu.memref_slice %arg8[%add3A_16, %dma_start3A_223] : memref<10240x128xf32, #tpu.memory_space<vmem_shared>> -> memref<80x128xf32, #tpu.memory_space<vmem_shared>>
      tpu.enqueue_dma source(%arg16 : memref<80x128xf32, #tpu.memory_space<vmem>>) target(%dma_start3A_224 : memref<80x128xf32, #tpu.memory_space<vmem_shared>>) target_semaphore(%run_scoped3A : memref<!tpu.dma_semaphore, #tpu.memory_space<semaphore_mem>>)
      %dma_wait3A_225 = arith.constant 0 : i32
      %dma_wait3A_226 = tpu.memref_slice %arg8[%add3A_16, %dma_wait3A_225] : memref<10240x128xf32, #tpu.memory_space<vmem_shared>> -> memref<80x128xf32, #tpu.memory_space<vmem_shared>>
      %dma_wait3A_227 = arith.constant 0 : i32
      %dma_wait3A_228 = tpu.memref_slice %arg8[%add3A_16, %dma_wait3A_227] : memref<10240x128xf32, #tpu.memory_space<vmem_shared>> -> memref<80x128xf32, #tpu.memory_space<vmem_shared>>
      tpu.wait_dma2 semaphore(%run_scoped3A : memref<!tpu.dma_semaphore, #tpu.memory_space<semaphore_mem>>) src(%arg16 : memref<80x128xf32, #tpu.memory_space<vmem>>) dst(%dma_wait3A_228 : memref<80x128xf32, #tpu.memory_space<vmem_shared>>)
      tpu.yield
    }) : () -> ()
    %mul3A_17 = arith.constant 640 : i32
    %mul3A_18 = arith.muli %arg1, %mul3A_17 : i32
    %add3A_19 = arith.constant 160 : i32
    %add3A_20 = arith.addi %mul3A_18, %add3A_19 : i32
    "tpu.region"() ({
      %run_scoped3A = tpu.sem_alloc : memref<!tpu.dma_semaphore, #tpu.memory_space<semaphore_mem>>
      %dma_start3A_221 = arith.constant 0 : i32
      %dma_start3A_222 = tpu.memref_slice %arg8[%add3A_20, %dma_start3A_221] : memref<10240x128xf32, #tpu.memory_space<vmem_shared>> -> memref<80x128xf32, #tpu.memory_space<vmem_shared>>
      %dma_start3A_223 = arith.constant 0 : i32
      %dma_start3A_224 = tpu.memref_slice %arg8[%add3A_20, %dma_start3A_223] : memref<10240x128xf32, #tpu.memory_space<vmem_shared>> -> memref<80x128xf32, #tpu.memory_space<vmem_shared>>
      tpu.enqueue_dma source(%arg16 : memref<80x128xf32, #tpu.memory_space<vmem>>) target(%dma_start3A_224 : memref<80x128xf32, #tpu.memory_space<vmem_shared>>) target_semaphore(%run_scoped3A : memref<!tpu.dma_semaphore, #tpu.memory_space<semaphore_mem>>)
      %dma_wait3A_225 = arith.constant 0 : i32
      %dma_wait3A_226 = tpu.memref_slice %arg8[%add3A_20, %dma_wait3A_225] : memref<10240x128xf32, #tpu.memory_space<vmem_shared>> -> memref<80x128xf32, #tpu.memory_space<vmem_shared>>
      %dma_wait3A_227 = arith.constant 0 : i32
      %dma_wait3A_228 = tpu.memref_slice %arg8[%add3A_20, %dma_wait3A_227] : memref<10240x128xf32, #tpu.memory_space<vmem_shared>> -> memref<80x128xf32, #tpu.memory_space<vmem_shared>>
      tpu.wait_dma2 semaphore(%run_scoped3A : memref<!tpu.dma_semaphore, #tpu.memory_space<semaphore_mem>>) src(%arg16 : memref<80x128xf32, #tpu.memory_space<vmem>>) dst(%dma_wait3A_228 : memref<80x128xf32, #tpu.memory_space<vmem_shared>>)
      tpu.yield
    }) : () -> ()
    %mul3A_21 = arith.constant 640 : i32
    %mul3A_22 = arith.muli %arg1, %mul3A_21 : i32
    %add3A_23 = arith.constant 240 : i32
    %add3A_24 = arith.addi %mul3A_22, %add3A_23 : i32
    "tpu.region"() ({
      %run_scoped3A = tpu.sem_alloc : memref<!tpu.dma_semaphore, #tpu.memory_space<semaphore_mem>>
      %dma_start3A_221 = arith.constant 0 : i32
      %dma_start3A_222 = tpu.memref_slice %arg8[%add3A_24, %dma_start3A_221] : memref<10240x128xf32, #tpu.memory_space<vmem_shared>> -> memref<80x128xf32, #tpu.memory_space<vmem_shared>>
      %dma_start3A_223 = arith.constant 0 : i32
      %dma_start3A_224 = tpu.memref_slice %arg8[%add3A_24, %dma_start3A_223] : memref<10240x128xf32, #tpu.memory_space<vmem_shared>> -> memref<80x128xf32, #tpu.memory_space<vmem_shared>>
      tpu.enqueue_dma source(%arg16 : memref<80x128xf32, #tpu.memory_space<vmem>>) target(%dma_start3A_224 : memref<80x128xf32, #tpu.memory_space<vmem_shared>>) target_semaphore(%run_scoped3A : memref<!tpu.dma_semaphore, #tpu.memory_space<semaphore_mem>>)
      %dma_wait3A_225 = arith.constant 0 : i32
      %dma_wait3A_226 = tpu.memref_slice %arg8[%add3A_24, %dma_wait3A_225] : memref<10240x128xf32, #tpu.memory_space<vmem_shared>> -> memref<80x128xf32, #tpu.memory_space<vmem_shared>>
      %dma_wait3A_227 = arith.constant 0 : i32
      %dma_wait3A_228 = tpu.memref_slice %arg8[%add3A_24, %dma_wait3A_227] : memref<10240x128xf32, #tpu.memory_space<vmem_shared>> -> memref<80x128xf32, #tpu.memory_space<vmem_shared>>
      tpu.wait_dma2 semaphore(%run_scoped3A : memref<!tpu.dma_semaphore, #tpu.memory_space<semaphore_mem>>) src(%arg16 : memref<80x128xf32, #tpu.memory_space<vmem>>) dst(%dma_wait3A_228 : memref<80x128xf32, #tpu.memory_space<vmem_shared>>)
      tpu.yield
    }) : () -> ()
    %mul3A_25 = arith.constant 640 : i32
    %mul3A_26 = arith.muli %arg1, %mul3A_25 : i32
    %add3A_27 = arith.constant 320 : i32
    %add3A_28 = arith.addi %mul3A_26, %add3A_27 : i32
    "tpu.region"() ({
      %run_scoped3A = tpu.sem_alloc : memref<!tpu.dma_semaphore, #tpu.memory_space<semaphore_mem>>
      %dma_start3A_221 = arith.constant 0 : i32
      %dma_start3A_222 = tpu.memref_slice %arg8[%add3A_28, %dma_start3A_221] : memref<10240x128xf32, #tpu.memory_space<vmem_shared>> -> memref<80x128xf32, #tpu.memory_space<vmem_shared>>
      %dma_start3A_223 = arith.constant 0 : i32
      %dma_start3A_224 = tpu.memref_slice %arg8[%add3A_28, %dma_start3A_223] : memref<10240x128xf32, #tpu.memory_space<vmem_shared>> -> memref<80x128xf32, #tpu.memory_space<vmem_shared>>
      tpu.enqueue_dma source(%arg16 : memref<80x128xf32, #tpu.memory_space<vmem>>) target(%dma_start3A_224 : memref<80x128xf32, #tpu.memory_space<vmem_shared>>) target_semaphore(%run_scoped3A : memref<!tpu.dma_semaphore, #tpu.memory_space<semaphore_mem>>)
      %dma_wait3A_225 = arith.constant 0 : i32
      %dma_wait3A_226 = tpu.memref_slice %arg8[%add3A_28, %dma_wait3A_225] : memref<10240x128xf32, #tpu.memory_space<vmem_shared>> -> memref<80x128xf32, #tpu.memory_space<vmem_shared>>
      %dma_wait3A_227 = arith.constant 0 : i32
      %dma_wait3A_228 = tpu.memref_slice %arg8[%add3A_28, %dma_wait3A_227] : memref<10240x128xf32, #tpu.memory_space<vmem_shared>> -> memref<80x128xf32, #tpu.memory_space<vmem_shared>>
      tpu.wait_dma2 semaphore(%run_scoped3A : memref<!tpu.dma_semaphore, #tpu.memory_space<semaphore_mem>>) src(%arg16 : memref<80x128xf32, #tpu.memory_space<vmem>>) dst(%dma_wait3A_228 : memref<80x128xf32, #tpu.memory_space<vmem_shared>>)
      tpu.yield
    }) : () -> ()
    %mul3A_29 = arith.constant 640 : i32
    %mul3A_30 = arith.muli %arg1, %mul3A_29 : i32
    %add3A_31 = arith.constant 400 : i32
    %add3A_32 = arith.addi %mul3A_30, %add3A_31 : i32
    "tpu.region"() ({
      %run_scoped3A = tpu.sem_alloc : memref<!tpu.dma_semaphore, #tpu.memory_space<semaphore_mem>>
      %dma_start3A_221 = arith.constant 0 : i32
      %dma_start3A_222 = tpu.memref_slice %arg8[%add3A_32, %dma_start3A_221] : memref<10240x128xf32, #tpu.memory_space<vmem_shared>> -> memref<80x128xf32, #tpu.memory_space<vmem_shared>>
      %dma_start3A_223 = arith.constant 0 : i32
      %dma_start3A_224 = tpu.memref_slice %arg8[%add3A_32, %dma_start3A_223] : memref<10240x128xf32, #tpu.memory_space<vmem_shared>> -> memref<80x128xf32, #tpu.memory_space<vmem_shared>>
      tpu.enqueue_dma source(%arg16 : memref<80x128xf32, #tpu.memory_space<vmem>>) target(%dma_start3A_224 : memref<80x128xf32, #tpu.memory_space<vmem_shared>>) target_semaphore(%run_scoped3A : memref<!tpu.dma_semaphore, #tpu.memory_space<semaphore_mem>>)
      %dma_wait3A_225 = arith.constant 0 : i32
      %dma_wait3A_226 = tpu.memref_slice %arg8[%add3A_32, %dma_wait3A_225] : memref<10240x128xf32, #tpu.memory_space<vmem_shared>> -> memref<80x128xf32, #tpu.memory_space<vmem_shared>>
      %dma_wait3A_227 = arith.constant 0 : i32
      %dma_wait3A_228 = tpu.memref_slice %arg8[%add3A_32, %dma_wait3A_227] : memref<10240x128xf32, #tpu.memory_space<vmem_shared>> -> memref<80x128xf32, #tpu.memory_space<vmem_shared>>
      tpu.wait_dma2 semaphore(%run_scoped3A : memref<!tpu.dma_semaphore, #tpu.memory_space<semaphore_mem>>) src(%arg16 : memref<80x128xf32, #tpu.memory_space<vmem>>) dst(%dma_wait3A_228 : memref<80x128xf32, #tpu.memory_space<vmem_shared>>)
      tpu.yield
    }) : () -> ()
    %mul3A_33 = arith.constant 640 : i32
    %mul3A_34 = arith.muli %arg1, %mul3A_33 : i32
    %add3A_35 = arith.constant 480 : i32
    %add3A_36 = arith.addi %mul3A_34, %add3A_35 : i32
    "tpu.region"() ({
      %run_scoped3A = tpu.sem_alloc : memref<!tpu.dma_semaphore, #tpu.memory_space<semaphore_mem>>
      %dma_start3A_221 = arith.constant 0 : i32
      %dma_start3A_222 = tpu.memref_slice %arg8[%add3A_36, %dma_start3A_221] : memref<10240x128xf32, #tpu.memory_space<vmem_shared>> -> memref<80x128xf32, #tpu.memory_space<vmem_shared>>
      %dma_start3A_223 = arith.constant 0 : i32
      %dma_start3A_224 = tpu.memref_slice %arg8[%add3A_36, %dma_start3A_223] : memref<10240x128xf32, #tpu.memory_space<vmem_shared>> -> memref<80x128xf32, #tpu.memory_space<vmem_shared>>
      tpu.enqueue_dma source(%arg16 : memref<80x128xf32, #tpu.memory_space<vmem>>) target(%dma_start3A_224 : memref<80x128xf32, #tpu.memory_space<vmem_shared>>) target_semaphore(%run_scoped3A : memref<!tpu.dma_semaphore, #tpu.memory_space<semaphore_mem>>)
      %dma_wait3A_225 = arith.constant 0 : i32
      %dma_wait3A_226 = tpu.memref_slice %arg8[%add3A_36, %dma_wait3A_225] : memref<10240x128xf32, #tpu.memory_space<vmem_shared>> -> memref<80x128xf32, #tpu.memory_space<vmem_shared>>
      %dma_wait3A_227 = arith.constant 0 : i32
      %dma_wait3A_228 = tpu.memref_slice %arg8[%add3A_36, %dma_wait3A_227] : memref<10240x128xf32, #tpu.memory_space<vmem_shared>> -> memref<80x128xf32, #tpu.memory_space<vmem_shared>>
      tpu.wait_dma2 semaphore(%run_scoped3A : memref<!tpu.dma_semaphore, #tpu.memory_space<semaphore_mem>>) src(%arg16 : memref<80x128xf32, #tpu.memory_space<vmem>>) dst(%dma_wait3A_228 : memref<80x128xf32, #tpu.memory_space<vmem_shared>>)
      tpu.yield
    }) : () -> ()
    %mul3A_37 = arith.constant 640 : i32
    %mul3A_38 = arith.muli %arg1, %mul3A_37 : i32
    %add3A_39 = arith.constant 560 : i32
    %add3A_40 = arith.addi %mul3A_38, %add3A_39 : i32
    "tpu.region"() ({
      %run_scoped3A = tpu.sem_alloc : memref<!tpu.dma_semaphore, #tpu.memory_space<semaphore_mem>>
      %dma_start3A_221 = arith.constant 0 : i32
      %dma_start3A_222 = tpu.memref_slice %arg8[%add3A_40, %dma_start3A_221] : memref<10240x128xf32, #tpu.memory_space<vmem_shared>> -> memref<80x128xf32, #tpu.memory_space<vmem_shared>>
      %dma_start3A_223 = arith.constant 0 : i32
      %dma_start3A_224 = tpu.memref_slice %arg8[%add3A_40, %dma_start3A_223] : memref<10240x128xf32, #tpu.memory_space<vmem_shared>> -> memref<80x128xf32, #tpu.memory_space<vmem_shared>>
      tpu.enqueue_dma source(%arg16 : memref<80x128xf32, #tpu.memory_space<vmem>>) target(%dma_start3A_224 : memref<80x128xf32, #tpu.memory_space<vmem_shared>>) target_semaphore(%run_scoped3A : memref<!tpu.dma_semaphore, #tpu.memory_space<semaphore_mem>>)
      %dma_wait3A_225 = arith.constant 0 : i32
      %dma_wait3A_226 = tpu.memref_slice %arg8[%add3A_40, %dma_wait3A_225] : memref<10240x128xf32, #tpu.memory_space<vmem_shared>> -> memref<80x128xf32, #tpu.memory_space<vmem_shared>>
      %dma_wait3A_227 = arith.constant 0 : i32
      %dma_wait3A_228 = tpu.memref_slice %arg8[%add3A_40, %dma_wait3A_227] : memref<10240x128xf32, #tpu.memory_space<vmem_shared>> -> memref<80x128xf32, #tpu.memory_space<vmem_shared>>
      tpu.wait_dma2 semaphore(%run_scoped3A : memref<!tpu.dma_semaphore, #tpu.memory_space<semaphore_mem>>) src(%arg16 : memref<80x128xf32, #tpu.memory_space<vmem>>) dst(%dma_wait3A_228 : memref<80x128xf32, #tpu.memory_space<vmem_shared>>)
      tpu.yield
    }) : () -> ()
    %barrier3A = arith.constant 0 : index
    tpu.barrier barrier_id(%barrier3A)
    %add3A_41 = arith.constant 0 : i32
    %add3A_42 = arith.addi %mul3A_3, %add3A_41 : i32
    %dma_start3A = tpu.memref_slice %arg2[%add3A_42] : memref<320000xi32, #tpu.memory_space<hbm>> -> memref<80xi32, #tpu.memory_space<hbm>>
    %dma_start3A_43 = tpu.memref_slice %arg2[%add3A_42] : memref<320000xi32, #tpu.memory_space<hbm>> -> memref<80xi32, #tpu.memory_space<hbm>>
    tpu.enqueue_dma source(%dma_start3A_43 : memref<80xi32, #tpu.memory_space<hbm>>) target(%arg9 : memref<80xi32, #tpu.memory_space<vmem>>) target_semaphore(%arg25 : memref<!tpu.dma_semaphore, #tpu.memory_space<semaphore_mem>>)
    %dma_start3A_44 = tpu.memref_slice %arg3[%add3A_42] : memref<320000xi32, #tpu.memory_space<hbm>> -> memref<80xi32, #tpu.memory_space<hbm>>
    %dma_start3A_45 = tpu.memref_slice %arg3[%add3A_42] : memref<320000xi32, #tpu.memory_space<hbm>> -> memref<80xi32, #tpu.memory_space<hbm>>
    tpu.enqueue_dma source(%dma_start3A_45 : memref<80xi32, #tpu.memory_space<hbm>>) target(%arg10 : memref<80xi32, #tpu.memory_space<vmem>>) target_semaphore(%arg25 : memref<!tpu.dma_semaphore, #tpu.memory_space<semaphore_mem>>)
    %dma_start3A_46 = tpu.memref_slice %arg4[%add3A_42] : memref<320000xi32, #tpu.memory_space<hbm>> -> memref<80xi32, #tpu.memory_space<hbm>>
    %dma_start3A_47 = tpu.memref_slice %arg4[%add3A_42] : memref<320000xi32, #tpu.memory_space<hbm>> -> memref<80xi32, #tpu.memory_space<hbm>>
    tpu.enqueue_dma source(%dma_start3A_47 : memref<80xi32, #tpu.memory_space<hbm>>) target(%arg11 : memref<80xi32, #tpu.memory_space<vmem>>) target_semaphore(%arg25 : memref<!tpu.dma_semaphore, #tpu.memory_space<semaphore_mem>>)
    %dma_wait3A = arith.constant 0 : i32
    %dma_wait3A_48 = tpu.memref_slice %arg2[%dma_wait3A] : memref<320000xi32, #tpu.memory_space<hbm>> -> memref<80xi32, #tpu.memory_space<hbm>>
    %dma_wait3A_49 = arith.constant 0 : i32
    %dma_wait3A_50 = tpu.memref_slice %arg2[%dma_wait3A_49] : memref<320000xi32, #tpu.memory_space<hbm>> -> memref<80xi32, #tpu.memory_space<hbm>>
    tpu.wait_dma2 semaphore(%arg25 : memref<!tpu.dma_semaphore, #tpu.memory_space<semaphore_mem>>) src(%dma_wait3A_50 : memref<80xi32, #tpu.memory_space<hbm>>) dst(%arg9 : memref<80xi32, #tpu.memory_space<vmem>>)
    %dma_wait3A_51 = arith.constant 0 : i32
    %dma_wait3A_52 = tpu.memref_slice %arg3[%dma_wait3A_51] : memref<320000xi32, #tpu.memory_space<hbm>> -> memref<80xi32, #tpu.memory_space<hbm>>
    %dma_wait3A_53 = arith.constant 0 : i32
    %dma_wait3A_54 = tpu.memref_slice %arg3[%dma_wait3A_53] : memref<320000xi32, #tpu.memory_space<hbm>> -> memref<80xi32, #tpu.memory_space<hbm>>
    tpu.wait_dma2 semaphore(%arg25 : memref<!tpu.dma_semaphore, #tpu.memory_space<semaphore_mem>>) src(%dma_wait3A_54 : memref<80xi32, #tpu.memory_space<hbm>>) dst(%arg10 : memref<80xi32, #tpu.memory_space<vmem>>)
    %dma_wait3A_55 = arith.constant 0 : i32
    %dma_wait3A_56 = tpu.memref_slice %arg4[%dma_wait3A_55] : memref<320000xi32, #tpu.memory_space<hbm>> -> memref<80xi32, #tpu.memory_space<hbm>>
    %dma_wait3A_57 = arith.constant 0 : i32
    %dma_wait3A_58 = tpu.memref_slice %arg4[%dma_wait3A_57] : memref<320000xi32, #tpu.memory_space<hbm>> -> memref<80xi32, #tpu.memory_space<hbm>>
    tpu.wait_dma2 semaphore(%arg25 : memref<!tpu.dma_semaphore, #tpu.memory_space<semaphore_mem>>) src(%dma_wait3A_58 : memref<80xi32, #tpu.memory_space<hbm>>) dst(%arg11 : memref<80xi32, #tpu.memory_space<vmem>>)
    %get3A = arith.constant 0 : index
    %get3A_59 = tpu.vector_load %arg9[%get3A] {strides = array<i32>} : memref<80xi32, #tpu.memory_space<vmem>>, vector<16xi32>,
    %get3A_60 = vector.shape_cast %get3A_59 : vector<16xi32> to vector<16xi32>
    %mul3A_61 = arith.constant 8 : i32
    %mul3A_62 = vector.broadcast %mul3A_61 : i32 to vector<16xi32>
    %mul3A_63 = arith.muli %get3A_60, %mul3A_62 : vector<16xi32>
    %get3A_64 = arith.constant 0 : index
    %get3A_65 = tpu.vector_load %arg11[%get3A_64] {strides = array<i32>} : memref<80xi32, #tpu.memory_space<vmem>>, vector<16xi32>,
    %get3A_66 = vector.shape_cast %get3A_65 : vector<16xi32> to vector<16xi32>
    %add3A_67 = arith.addi %mul3A_63, %get3A_66 : vector<16xi32>
    %swap3A = arith.constant 0 : index
    %swap3A_68 = tpu.vector_load %arg12[%swap3A] {strides = array<i32>} : memref<80xi32, #tpu.memory_space<vmem>>, vector<16xi32>,
    %swap3A_69 = vector.shape_cast %swap3A_68 : vector<16xi32> to vector<16xi32>
    %swap3A_70 = vector.shape_cast %add3A_67 : vector<16xi32> to vector<16xi32>
    tpu.vector_store %arg12[%swap3A], %swap3A_70 {strides = array<i32>} : memref<80xi32, #tpu.memory_space<vmem>>, vector<16xi32>,
    %get3A_71 = arith.constant 16 : index
    %get3A_72 = tpu.vector_load %arg9[%get3A_71] {strides = array<i32>} : memref<80xi32, #tpu.memory_space<vmem>>, vector<16xi32>,
    %get3A_73 = vector.shape_cast %get3A_72 : vector<16xi32> to vector<16xi32>
    %mul3A_74 = arith.constant 8 : i32
    %mul3A_75 = vector.broadcast %mul3A_74 : i32 to vector<16xi32>
    %mul3A_76 = arith.muli %get3A_73, %mul3A_75 : vector<16xi32>
    %get3A_77 = arith.constant 16 : index
    %get3A_78 = tpu.vector_load %arg11[%get3A_77] {strides = array<i32>} : memref<80xi32, #tpu.memory_space<vmem>>, vector<16xi32>,
    %get3A_79 = vector.shape_cast %get3A_78 : vector<16xi32> to vector<16xi32>
    %add3A_80 = arith.addi %mul3A_76, %get3A_79 : vector<16xi32>
    %swap3A_81 = arith.constant 16 : index
    %swap3A_82 = tpu.vector_load %arg12[%swap3A_81] {strides = array<i32>} : memref<80xi32, #tpu.memory_space<vmem>>, vector<16xi32>,
    %swap3A_83 = vector.shape_cast %swap3A_82 : vector<16xi32> to vector<16xi32>
    %swap3A_84 = vector.shape_cast %add3A_80 : vector<16xi32> to vector<16xi32>
    tpu.vector_store %arg12[%swap3A_81], %swap3A_84 {strides = array<i32>} : memref<80xi32, #tpu.memory_space<vmem>>, vector<16xi32>,
    %get3A_85 = arith.constant 32 : index
    %get3A_86 = tpu.vector_load %arg9[%get3A_85] {strides = array<i32>} : memref<80xi32, #tpu.memory_space<vmem>>, vector<16xi32>,
    %get3A_87 = vector.shape_cast %get3A_86 : vector<16xi32> to vector<16xi32>
    %mul3A_88 = arith.constant 8 : i32
    %mul3A_89 = vector.broadcast %mul3A_88 : i32 to vector<16xi32>
    %mul3A_90 = arith.muli %get3A_87, %mul3A_89 : vector<16xi32>
    %get3A_91 = arith.constant 32 : index
    %get3A_92 = tpu.vector_load %arg11[%get3A_91] {strides = array<i32>} : memref<80xi32, #tpu.memory_space<vmem>>, vector<16xi32>,
    %get3A_93 = vector.shape_cast %get3A_92 : vector<16xi32> to vector<16xi32>
    %add3A_94 = arith.addi %mul3A_90, %get3A_93 : vector<16xi32>
    %swap3A_95 = arith.constant 32 : index
    %swap3A_96 = tpu.vector_load %arg12[%swap3A_95] {strides = array<i32>} : memref<80xi32, #tpu.memory_space<vmem>>, vector<16xi32>,
    %swap3A_97 = vector.shape_cast %swap3A_96 : vector<16xi32> to vector<16xi32>
    %swap3A_98 = vector.shape_cast %add3A_94 : vector<16xi32> to vector<16xi32>
    tpu.vector_store %arg12[%swap3A_95], %swap3A_98 {strides = array<i32>} : memref<80xi32, #tpu.memory_space<vmem>>, vector<16xi32>,
    %get3A_99 = arith.constant 48 : index
    %get3A_100 = tpu.vector_load %arg9[%get3A_99] {strides = array<i32>} : memref<80xi32, #tpu.memory_space<vmem>>, vector<16xi32>,
    %get3A_101 = vector.shape_cast %get3A_100 : vector<16xi32> to vector<16xi32>
    %mul3A_102 = arith.constant 8 : i32
    %mul3A_103 = vector.broadcast %mul3A_102 : i32 to vector<16xi32>
    %mul3A_104 = arith.muli %get3A_101, %mul3A_103 : vector<16xi32>
    %get3A_105 = arith.constant 48 : index
    %get3A_106 = tpu.vector_load %arg11[%get3A_105] {strides = array<i32>} : memref<80xi32, #tpu.memory_space<vmem>>, vector<16xi32>,
    %get3A_107 = vector.shape_cast %get3A_106 : vector<16xi32> to vector<16xi32>
    %add3A_108 = arith.addi %mul3A_104, %get3A_107 : vector<16xi32>
    %swap3A_109 = arith.constant 48 : index
    %swap3A_110 = tpu.vector_load %arg12[%swap3A_109] {strides = array<i32>} : memref<80xi32, #tpu.memory_space<vmem>>, vector<16xi32>,
    %swap3A_111 = vector.shape_cast %swap3A_110 : vector<16xi32> to vector<16xi32>
    %swap3A_112 = vector.shape_cast %add3A_108 : vector<16xi32> to vector<16xi32>
    tpu.vector_store %arg12[%swap3A_109], %swap3A_112 {strides = array<i32>} : memref<80xi32, #tpu.memory_space<vmem>>, vector<16xi32>,
    %get3A_113 = arith.constant 64 : index
    %get3A_114 = tpu.vector_load %arg9[%get3A_113] {strides = array<i32>} : memref<80xi32, #tpu.memory_space<vmem>>, vector<16xi32>,
    %get3A_115 = vector.shape_cast %get3A_114 : vector<16xi32> to vector<16xi32>
    %mul3A_116 = arith.constant 8 : i32
    %mul3A_117 = vector.broadcast %mul3A_116 : i32 to vector<16xi32>
    %mul3A_118 = arith.muli %get3A_115, %mul3A_117 : vector<16xi32>
    %get3A_119 = arith.constant 64 : index
    %get3A_120 = tpu.vector_load %arg11[%get3A_119] {strides = array<i32>} : memref<80xi32, #tpu.memory_space<vmem>>, vector<16xi32>,
    %get3A_121 = vector.shape_cast %get3A_120 : vector<16xi32> to vector<16xi32>
    %add3A_122 = arith.addi %mul3A_118, %get3A_121 : vector<16xi32>
    %swap3A_123 = arith.constant 64 : index
    %swap3A_124 = tpu.vector_load %arg12[%swap3A_123] {strides = array<i32>} : memref<80xi32, #tpu.memory_space<vmem>>, vector<16xi32>,
    %swap3A_125 = vector.shape_cast %swap3A_124 : vector<16xi32> to vector<16xi32>
    %swap3A_126 = vector.shape_cast %add3A_122 : vector<16xi32> to vector<16xi32>
    tpu.vector_store %arg12[%swap3A_123], %swap3A_126 {strides = array<i32>} : memref<80xi32, #tpu.memory_space<vmem>>, vector<16xi32>,
    %dma_start3A_127 = arith.constant 0 : i32
    %dma_start3A_128 = arith.constant 0 : i32
    %dma_start3A_129 = tpu.memref_slice %arg5[%dma_start3A_127, %dma_start3A_128] : memref<80000x128xf32, #tpu.memory_space<hbm>> -> memref<80000x128xf32, #tpu.memory_space<hbm>>
    tpu.enqueue_indirect_dma source(%dma_start3A_129 : memref<80000x128xf32, #tpu.memory_space<hbm>>) target(%arg14 : memref<80x128xf32, #tpu.memory_space<vmem>>) offsets(%arg12 : memref<80xi32, #tpu.memory_space<vmem>>) semaphore(%arg26 : memref<!tpu.dma_semaphore, #tpu.memory_space<semaphore_mem>>)
    %add3A_130 = arith.constant 80 : i32
    %add3A_131 = arith.addi %mul3A_3, %add3A_130 : i32
    %dma_start3A_132 = tpu.memref_slice %arg2[%add3A_131] : memref<320000xi32, #tpu.memory_space<hbm>> -> memref<80xi32, #tpu.memory_space<hbm>>
    %dma_start3A_133 = tpu.memref_slice %arg2[%add3A_131] : memref<320000xi32, #tpu.memory_space<hbm>> -> memref<80xi32, #tpu.memory_space<hbm>>
    tpu.enqueue_dma source(%dma_start3A_133 : memref<80xi32, #tpu.memory_space<hbm>>) target(%arg17 : memref<80xi32, #tpu.memory_space<vmem>>) target_semaphore(%arg29 : memref<!tpu.dma_semaphore, #tpu.memory_space<semaphore_mem>>)
    %dma_start3A_134 = tpu.memref_slice %arg3[%add3A_131] : memref<320000xi32, #tpu.memory_space<hbm>> -> memref<80xi32, #tpu.memory_space<hbm>>
    %dma_start3A_135 = tpu.memref_slice %arg3[%add3A_131] : memref<320000xi32, #tpu.memory_space<hbm>> -> memref<80xi32, #tpu.memory_space<hbm>>
    tpu.enqueue_dma source(%dma_start3A_135 : memref<80xi32, #tpu.memory_space<hbm>>) target(%arg18 : memref<80xi32, #tpu.memory_space<vmem>>) target_semaphore(%arg29 : memref<!tpu.dma_semaphore, #tpu.memory_space<semaphore_mem>>)
    %dma_start3A_136 = tpu.memref_slice %arg4[%add3A_131] : memref<320000xi32, #tpu.memory_space<hbm>> -> memref<80xi32, #tpu.memory_space<hbm>>
    %dma_start3A_137 = tpu.memref_slice %arg4[%add3A_131] : memref<320000xi32, #tpu.memory_space<hbm>> -> memref<80xi32, #tpu.memory_space<hbm>>
    tpu.enqueue_dma source(%dma_start3A_137 : memref<80xi32, #tpu.memory_space<hbm>>) target(%arg19 : memref<80xi32, #tpu.memory_space<vmem>>) target_semaphore(%arg29 : memref<!tpu.dma_semaphore, #tpu.memory_space<semaphore_mem>>)
    %add3A_138 = arith.constant 0 : i32
    %add3A_139 = arith.addi %mul3A_3, %add3A_138 : i32
    %mul3A_140 = arith.constant 16 : i32
    %mul3A_141 = arith.muli %add3A_139, %mul3A_140 : i32
    %dma_start3A_142 = tpu.memref_slice %arg6[%mul3A_141] : memref<5120000xf32, #tpu.memory_space<hbm>> -> memref<1280xf32, #tpu.memory_space<hbm>>
    %dma_start3A_143 = tpu.memref_slice %arg6[%mul3A_141] : memref<5120000xf32, #tpu.memory_space<hbm>> -> memref<1280xf32, #tpu.memory_space<hbm>>
    tpu.enqueue_dma source(%dma_start3A_143 : memref<1280xf32, #tpu.memory_space<hbm>>) target(%arg15 : memref<1280xf32, #tpu.memory_space<vmem>>) target_semaphore(%arg27 : memref<!tpu.dma_semaphore, #tpu.memory_space<semaphore_mem>>)
    %add3A_144 = arith.constant 80 : i32
    %add3A_145 = arith.addi %mul3A_3, %add3A_144 : i32
    %mul3A_146 = arith.constant 16 : i32
    %mul3A_147 = arith.muli %add3A_145, %mul3A_146 : i32
    %dma_start3A_148 = tpu.memref_slice %arg6[%mul3A_147] : memref<5120000xf32, #tpu.memory_space<hbm>> -> memref<1280xf32, #tpu.memory_space<hbm>>
    %dma_start3A_149 = tpu.memref_slice %arg6[%mul3A_147] : memref<5120000xf32, #tpu.memory_space<hbm>> -> memref<1280xf32, #tpu.memory_space<hbm>>
    tpu.enqueue_dma source(%dma_start3A_149 : memref<1280xf32, #tpu.memory_space<hbm>>) target(%arg23 : memref<1280xf32, #tpu.memory_space<vmem>>) target_semaphore(%arg31 : memref<!tpu.dma_semaphore, #tpu.memory_space<semaphore_mem>>)
    %scan3A_150 = arith.constant 0 : i32
    %scan3A_151 = arith.constant 0 : i32
    %scan3A_152 = arith.constant 62 : i32
    %scan3A_153 = arith.addi %scan3A_151, %scan3A_152 : i32
    %scan3A_154 = arith.constant 1 : i32
    scf.for %scan3A_221 = %scan3A_151 to %scan3A_153 step %scan3A_154  : i32 {
      %mul3A_222 = arith.constant 2 : i32
      %mul3A_223 = arith.muli %mul3A_222, %scan3A_221 : i32
      %dma_wait3A_224 = arith.constant 0 : i32
      %dma_wait3A_225 = tpu.memref_slice %arg2[%dma_wait3A_224] : memref<320000xi32, #tpu.memory_space<hbm>> -> memref<80xi32, #tpu.memory_space<hbm>>
      %dma_wait3A_226 = arith.constant 0 : i32
      %dma_wait3A_227 = tpu.memref_slice %arg2[%dma_wait3A_226] : memref<320000xi32, #tpu.memory_space<hbm>> -> memref<80xi32, #tpu.memory_space<hbm>>
      tpu.wait_dma2 semaphore(%arg29 : memref<!tpu.dma_semaphore, #tpu.memory_space<semaphore_mem>>) src(%dma_wait3A_227 : memref<80xi32, #tpu.memory_space<hbm>>) dst(%arg17 : memref<80xi32, #tpu.memory_space<vmem>>)
      %dma_wait3A_228 = arith.constant 0 : i32
      %dma_wait3A_229 = tpu.memref_slice %arg3[%dma_wait3A_228] : memref<320000xi32, #tpu.memory_space<hbm>> -> memref<80xi32, #tpu.memory_space<hbm>>
      %dma_wait3A_230 = arith.constant 0 : i32
      %dma_wait3A_231 = tpu.memref_slice %arg3[%dma_wait3A_230] : memref<320000xi32, #tpu.memory_space<hbm>> -> memref<80xi32, #tpu.memory_space<hbm>>
      tpu.wait_dma2 semaphore(%arg29 : memref<!tpu.dma_semaphore, #tpu.memory_space<semaphore_mem>>) src(%dma_wait3A_231 : memref<80xi32, #tpu.memory_space<hbm>>) dst(%arg18 : memref<80xi32, #tpu.memory_space<vmem>>)
      %dma_wait3A_232 = arith.constant 0 : i32
      %dma_wait3A_233 = tpu.memref_slice %arg4[%dma_wait3A_232] : memref<320000xi32, #tpu.memory_space<hbm>> -> memref<80xi32, #tpu.memory_space<hbm>>
      %dma_wait3A_234 = arith.constant 0 : i32
      %dma_wait3A_235 = tpu.memref_slice %arg4[%dma_wait3A_234] : memref<320000xi32, #tpu.memory_space<hbm>> -> memref<80xi32, #tpu.memory_space<hbm>>
      tpu.wait_dma2 semaphore(%arg29 : memref<!tpu.dma_semaphore, #tpu.memory_space<semaphore_mem>>) src(%dma_wait3A_235 : memref<80xi32, #tpu.memory_space<hbm>>) dst(%arg19 : memref<80xi32, #tpu.memory_space<vmem>>)
      %get3A_236 = arith.constant 0 : index
      %get3A_237 = tpu.vector_load %arg17[%get3A_236] {strides = array<i32>} : memref<80xi32, #tpu.memory_space<vmem>>, vector<16xi32>,
      %get3A_238 = vector.shape_cast %get3A_237 : vector<16xi32> to vector<16xi32>
      %mul3A_239 = arith.constant 8 : i32
      %mul3A_240 = vector.broadcast %mul3A_239 : i32 to vector<16xi32>
      %mul3A_241 = arith.muli %get3A_238, %mul3A_240 : vector<16xi32>
      %get3A_242 = arith.constant 0 : index
      %get3A_243 = tpu.vector_load %arg19[%get3A_242] {strides = array<i32>} : memref<80xi32, #tpu.memory_space<vmem>>, vector<16xi32>,
      %get3A_244 = vector.shape_cast %get3A_243 : vector<16xi32> to vector<16xi32>
      %add3A_245 = arith.addi %mul3A_241, %get3A_244 : vector<16xi32>
      %swap3A_246 = arith.constant 0 : index
      %swap3A_247 = tpu.vector_load %arg20[%swap3A_246] {strides = array<i32>} : memref<80xi32, #tpu.memory_space<vmem>>, vector<16xi32>,
      %swap3A_248 = vector.shape_cast %swap3A_247 : vector<16xi32> to vector<16xi32>
      %swap3A_249 = vector.shape_cast %add3A_245 : vector<16xi32> to vector<16xi32>
      tpu.vector_store %arg20[%swap3A_246], %swap3A_249 {strides = array<i32>} : memref<80xi32, #tpu.memory_space<vmem>>, vector<16xi32>,
      %get3A_250 = arith.constant 16 : index
      %get3A_251 = tpu.vector_load %arg17[%get3A_250] {strides = array<i32>} : memref<80xi32, #tpu.memory_space<vmem>>, vector<16xi32>,
      %get3A_252 = vector.shape_cast %get3A_251 : vector<16xi32> to vector<16xi32>
      %mul3A_253 = arith.constant 8 : i32
      %mul3A_254 = vector.broadcast %mul3A_253 : i32 to vector<16xi32>
      %mul3A_255 = arith.muli %get3A_252, %mul3A_254 : vector<16xi32>
      %get3A_256 = arith.constant 16 : index
      %get3A_257 = tpu.vector_load %arg19[%get3A_256] {strides = array<i32>} : memref<80xi32, #tpu.memory_space<vmem>>, vector<16xi32>,
      %get3A_258 = vector.shape_cast %get3A_257 : vector<16xi32> to vector<16xi32>
      %add3A_259 = arith.addi %mul3A_255, %get3A_258 : vector<16xi32>
      %swap3A_260 = arith.constant 16 : index
      %swap3A_261 = tpu.vector_load %arg20[%swap3A_260] {strides = array<i32>} : memref<80xi32, #tpu.memory_space<vmem>>, vector<16xi32>,
      %swap3A_262 = vector.shape_cast %swap3A_261 : vector<16xi32> to vector<16xi32>
      %swap3A_263 = vector.shape_cast %add3A_259 : vector<16xi32> to vector<16xi32>
      tpu.vector_store %arg20[%swap3A_260], %swap3A_263 {strides = array<i32>} : memref<80xi32, #tpu.memory_space<vmem>>, vector<16xi32>,
      %get3A_264 = arith.constant 32 : index
      %get3A_265 = tpu.vector_load %arg17[%get3A_264] {strides = array<i32>} : memref<80xi32, #tpu.memory_space<vmem>>, vector<16xi32>,
      %get3A_266 = vector.shape_cast %get3A_265 : vector<16xi32> to vector<16xi32>
      %mul3A_267 = arith.constant 8 : i32
      %mul3A_268 = vector.broadcast %mul3A_267 : i32 to vector<16xi32>
      %mul3A_269 = arith.muli %get3A_266, %mul3A_268 : vector<16xi32>
      %get3A_270 = arith.constant 32 : index
      %get3A_271 = tpu.vector_load %arg19[%get3A_270] {strides = array<i32>} : memref<80xi32, #tpu.memory_space<vmem>>, vector<16xi32>,
      %get3A_272 = vector.shape_cast %get3A_271 : vector<16xi32> to vector<16xi32>
      %add3A_273 = arith.addi %mul3A_269, %get3A_272 : vector<16xi32>
      %swap3A_274 = arith.constant 32 : index
      %swap3A_275 = tpu.vector_load %arg20[%swap3A_274] {strides = array<i32>} : memref<80xi32, #tpu.memory_space<vmem>>, vector<16xi32>,
      %swap3A_276 = vector.shape_cast %swap3A_275 : vector<16xi32> to vector<16xi32>
      %swap3A_277 = vector.shape_cast %add3A_273 : vector<16xi32> to vector<16xi32>
      tpu.vector_store %arg20[%swap3A_274], %swap3A_277 {strides = array<i32>} : memref<80xi32, #tpu.memory_space<vmem>>, vector<16xi32>,
      %get3A_278 = arith.constant 48 : index
      %get3A_279 = tpu.vector_load %arg17[%get3A_278] {strides = array<i32>} : memref<80xi32, #tpu.memory_space<vmem>>, vector<16xi32>,
      %get3A_280 = vector.shape_cast %get3A_279 : vector<16xi32> to vector<16xi32>
      %mul3A_281 = arith.constant 8 : i32
      %mul3A_282 = vector.broadcast %mul3A_281 : i32 to vector<16xi32>
      %mul3A_283 = arith.muli %get3A_280, %mul3A_282 : vector<16xi32>
      %get3A_284 = arith.constant 48 : index
      %get3A_285 = tpu.vector_load %arg19[%get3A_284] {strides = array<i32>} : memref<80xi32, #tpu.memory_space<vmem>>, vector<16xi32>,
      %get3A_286 = vector.shape_cast %get3A_285 : vector<16xi32> to vector<16xi32>
      %add3A_287 = arith.addi %mul3A_283, %get3A_286 : vector<16xi32>
      %swap3A_288 = arith.constant 48 : index
      %swap3A_289 = tpu.vector_load %arg20[%swap3A_288] {strides = array<i32>} : memref<80xi32, #tpu.memory_space<vmem>>, vector<16xi32>,
      %swap3A_290 = vector.shape_cast %swap3A_289 : vector<16xi32> to vector<16xi32>
      %swap3A_291 = vector.shape_cast %add3A_287 : vector<16xi32> to vector<16xi32>
      tpu.vector_store %arg20[%swap3A_288], %swap3A_291 {strides = array<i32>} : memref<80xi32, #tpu.memory_space<vmem>>, vector<16xi32>,
      %get3A_292 = arith.constant 64 : index
      %get3A_293 = tpu.vector_load %arg17[%get3A_292] {strides = array<i32>} : memref<80xi32, #tpu.memory_space<vmem>>, vector<16xi32>,
      %get3A_294 = vector.shape_cast %get3A_293 : vector<16xi32> to vector<16xi32>
      %mul3A_295 = arith.constant 8 : i32
      %mul3A_296 = vector.broadcast %mul3A_295 : i32 to vector<16xi32>
      %mul3A_297 = arith.muli %get3A_294, %mul3A_296 : vector<16xi32>
      %get3A_298 = arith.constant 64 : index
      %get3A_299 = tpu.vector_load %arg19[%get3A_298] {strides = array<i32>} : memref<80xi32, #tpu.memory_space<vmem>>, vector<16xi32>,
      %get3A_300 = vector.shape_cast %get3A_299 : vector<16xi32> to vector<16xi32>
      %add3A_301 = arith.addi %mul3A_297, %get3A_300 : vector<16xi32>
      %swap3A_302 = arith.constant 64 : index
      %swap3A_303 = tpu.vector_load %arg20[%swap3A_302] {strides = array<i32>} : memref<80xi32, #tpu.memory_space<vmem>>, vector<16xi32>,
      %swap3A_304 = vector.shape_cast %swap3A_303 : vector<16xi32> to vector<16xi32>
      %swap3A_305 = vector.shape_cast %add3A_301 : vector<16xi32> to vector<16xi32>
      tpu.vector_store %arg20[%swap3A_302], %swap3A_305 {strides = array<i32>} : memref<80xi32, #tpu.memory_space<vmem>>, vector<16xi32>,
      %dma_start3A_306 = arith.constant 0 : i32
      %dma_start3A_307 = arith.constant 0 : i32
      %dma_start3A_308 = tpu.memref_slice %arg5[%dma_start3A_306, %dma_start3A_307] : memref<80000x128xf32, #tpu.memory_space<hbm>> -> memref<80000x128xf32, #tpu.memory_space<hbm>>
      tpu.enqueue_indirect_dma source(%dma_start3A_308 : memref<80000x128xf32, #tpu.memory_space<hbm>>) target(%arg22 : memref<80x128xf32, #tpu.memory_space<vmem>>) offsets(%arg20 : memref<80xi32, #tpu.memory_space<vmem>>) semaphore(%arg30 : memref<!tpu.dma_semaphore, #tpu.memory_space<semaphore_mem>>)
      %dma_wait3A_309 = arith.constant 0 : i32
      %dma_wait3A_310 = arith.constant 0 : i32
      %dma_wait3A_311 = tpu.memref_slice %arg5[%dma_wait3A_309, %dma_wait3A_310] : memref<80000x128xf32, #tpu.memory_space<hbm>> -> memref<80000x128xf32, #tpu.memory_space<hbm>>
      tpu.wait_indirect_dma semaphore(%arg26 : memref<!tpu.dma_semaphore, #tpu.memory_space<semaphore_mem>>) src(%dma_wait3A_311 : memref<80000x128xf32, #tpu.memory_space<hbm>>) dst(%arg14 : memref<80x128xf32, #tpu.memory_space<vmem>>)
      %ge3A = arith.constant 2 : i32
      %ge3A_312 = arith.cmpi sge, %mul3A_223, %ge3A : i32
      %convert_element_type3A = arith.extui %ge3A_312 : i1 to i32
      %cond3A = arith.constant 0 : i32
      %cond3A_313 = arith.cmpi ne, %convert_element_type3A, %cond3A : i32
      scf.if %cond3A_313 {
        %dma_wait3A_526 = arith.constant 0 : i32
        %dma_wait3A_527 = arith.constant 0 : i32
        %dma_wait3A_528 = tpu.memref_slice %arg8[%dma_wait3A_526, %dma_wait3A_527] : memref<10240x128xf32, #tpu.memory_space<vmem_shared>> -> memref<10240x128xf32, #tpu.memory_space<vmem_shared>>
        tpu.wait_indirect_dma semaphore(%arg28 : memref<!tpu.dma_semaphore, #tpu.memory_space<semaphore_mem>>) src(%arg16 : memref<80x128xf32, #tpu.memory_space<vmem>>) dst(%dma_wait3A_528 : memref<10240x128xf32, #tpu.memory_space<vmem_shared>>)
      } else {
      }
      %get3A_314 = arith.constant 0 : index
      %get3A_315 = tpu.vector_load %arg10[%get3A_314] {strides = array<i32>} : memref<80xi32, #tpu.memory_space<vmem>>, vector<16xi32>,
      %get3A_316 = vector.shape_cast %get3A_315 : vector<16xi32> to vector<16xi32>
      %swap3A_317 = arith.constant 0 : index
      %swap3A_318 = tpu.vector_load %arg13[%swap3A_317] {strides = array<i32>} : memref<80xi32, #tpu.memory_space<vmem>>, vector<16xi32>,
      %swap3A_319 = vector.shape_cast %swap3A_318 : vector<16xi32> to vector<16xi32>
      %swap3A_320 = vector.shape_cast %get3A_316 : vector<16xi32> to vector<16xi32>
      tpu.vector_store %arg13[%swap3A_317], %swap3A_320 {strides = array<i32>} : memref<80xi32, #tpu.memory_space<vmem>>, vector<16xi32>,
      %get3A_321 = arith.constant 16 : index
      %get3A_322 = tpu.vector_load %arg10[%get3A_321] {strides = array<i32>} : memref<80xi32, #tpu.memory_space<vmem>>, vector<16xi32>,
      %get3A_323 = vector.shape_cast %get3A_322 : vector<16xi32> to vector<16xi32>
      %swap3A_324 = arith.constant 16 : index
      %swap3A_325 = tpu.vector_load %arg13[%swap3A_324] {strides = array<i32>} : memref<80xi32, #tpu.memory_space<vmem>>, vector<16xi32>,
      %swap3A_326 = vector.shape_cast %swap3A_325 : vector<16xi32> to vector<16xi32>
      %swap3A_327 = vector.shape_cast %get3A_323 : vector<16xi32> to vector<16xi32>
      tpu.vector_store %arg13[%swap3A_324], %swap3A_327 {strides = array<i32>} : memref<80xi32, #tpu.memory_space<vmem>>, vector<16xi32>,
      %get3A_328 = arith.constant 32 : index
      %get3A_329 = tpu.vector_load %arg10[%get3A_328] {strides = array<i32>} : memref<80xi32, #tpu.memory_space<vmem>>, vector<16xi32>,
      %get3A_330 = vector.shape_cast %get3A_329 : vector<16xi32> to vector<16xi32>
      %swap3A_331 = arith.constant 32 : index
      %swap3A_332 = tpu.vector_load %arg13[%swap3A_331] {strides = array<i32>} : memref<80xi32, #tpu.memory_space<vmem>>, vector<16xi32>,
      %swap3A_333 = vector.shape_cast %swap3A_332 : vector<16xi32> to vector<16xi32>
      %swap3A_334 = vector.shape_cast %get3A_330 : vector<16xi32> to vector<16xi32>
      tpu.vector_store %arg13[%swap3A_331], %swap3A_334 {strides = array<i32>} : memref<80xi32, #tpu.memory_space<vmem>>, vector<16xi32>,
      %get3A_335 = arith.constant 48 : index
      %get3A_336 = tpu.vector_load %arg10[%get3A_335] {strides = array<i32>} : memref<80xi32, #tpu.memory_space<vmem>>, vector<16xi32>,
      %get3A_337 = vector.shape_cast %get3A_336 : vector<16xi32> to vector<16xi32>
      %swap3A_338 = arith.constant 48 : index
      %swap3A_339 = tpu.vector_load %arg13[%swap3A_338] {strides = array<i32>} : memref<80xi32, #tpu.memory_space<vmem>>, vector<16xi32>,
      %swap3A_340 = vector.shape_cast %swap3A_339 : vector<16xi32> to vector<16xi32>
      %swap3A_341 = vector.shape_cast %get3A_337 : vector<16xi32> to vector<16xi32>
      tpu.vector_store %arg13[%swap3A_338], %swap3A_341 {strides = array<i32>} : memref<80xi32, #tpu.memory_space<vmem>>, vector<16xi32>,
      %get3A_342 = arith.constant 64 : index
      %get3A_343 = tpu.vector_load %arg10[%get3A_342] {strides = array<i32>} : memref<80xi32, #tpu.memory_space<vmem>>, vector<16xi32>,
      %get3A_344 = vector.shape_cast %get3A_343 : vector<16xi32> to vector<16xi32>
      %swap3A_345 = arith.constant 64 : index
      %swap3A_346 = tpu.vector_load %arg13[%swap3A_345] {strides = array<i32>} : memref<80xi32, #tpu.memory_space<vmem>>, vector<16xi32>,
      %swap3A_347 = vector.shape_cast %swap3A_346 : vector<16xi32> to vector<16xi32>
      %swap3A_348 = vector.shape_cast %get3A_344 : vector<16xi32> to vector<16xi32>
      tpu.vector_store %arg13[%swap3A_345], %swap3A_348 {strides = array<i32>} : memref<80xi32, #tpu.memory_space<vmem>>, vector<16xi32>,
      %le3A = arith.constant 122 : i32
      %le3A_349 = arith.cmpi sle, %mul3A_223, %le3A : i32
      %convert_element_type3A_350 = arith.extui %le3A_349 : i1 to i32
      %cond3A_351 = arith.constant 0 : i32
      %cond3A_352 = arith.cmpi ne, %convert_element_type3A_350, %cond3A_351 : i32
      scf.if %cond3A_352 {
        %add3A_526 = arith.constant 2 : i32
        %add3A_527 = arith.addi %mul3A_223, %add3A_526 : i32
        %mul3A_528 = arith.constant 80 : i32
        %mul3A_529 = arith.muli %add3A_527, %mul3A_528 : i32
        %add3A_530 = arith.addi %mul3A_3, %mul3A_529 : i32
        %dma_start3A_531 = tpu.memref_slice %arg2[%add3A_530] : memref<320000xi32, #tpu.memory_space<hbm>> -> memref<80xi32, #tpu.memory_space<hbm>>
        %dma_start3A_532 = tpu.memref_slice %arg2[%add3A_530] : memref<320000xi32, #tpu.memory_space<hbm>> -> memref<80xi32, #tpu.memory_space<hbm>>
        tpu.enqueue_dma source(%dma_start3A_532 : memref<80xi32, #tpu.memory_space<hbm>>) target(%arg9 : memref<80xi32, #tpu.memory_space<vmem>>) target_semaphore(%arg25 : memref<!tpu.dma_semaphore, #tpu.memory_space<semaphore_mem>>)
        %dma_start3A_533 = tpu.memref_slice %arg3[%add3A_530] : memref<320000xi32, #tpu.memory_space<hbm>> -> memref<80xi32, #tpu.memory_space<hbm>>
        %dma_start3A_534 = tpu.memref_slice %arg3[%add3A_530] : memref<320000xi32, #tpu.memory_space<hbm>> -> memref<80xi32, #tpu.memory_space<hbm>>
        tpu.enqueue_dma source(%dma_start3A_534 : memref<80xi32, #tpu.memory_space<hbm>>) target(%arg10 : memref<80xi32, #tpu.memory_space<vmem>>) target_semaphore(%arg25 : memref<!tpu.dma_semaphore, #tpu.memory_space<semaphore_mem>>)
        %dma_start3A_535 = tpu.memref_slice %arg4[%add3A_530] : memref<320000xi32, #tpu.memory_space<hbm>> -> memref<80xi32, #tpu.memory_space<hbm>>
        %dma_start3A_536 = tpu.memref_slice %arg4[%add3A_530] : memref<320000xi32, #tpu.memory_space<hbm>> -> memref<80xi32, #tpu.memory_space<hbm>>
        tpu.enqueue_dma source(%dma_start3A_536 : memref<80xi32, #tpu.memory_space<hbm>>) target(%arg11 : memref<80xi32, #tpu.memory_space<vmem>>) target_semaphore(%arg25 : memref<!tpu.dma_semaphore, #tpu.memory_space<semaphore_mem>>)
      } else {
      }
      %dma_wait3A_353 = arith.constant 0 : i32
      %dma_wait3A_354 = tpu.memref_slice %arg6[%dma_wait3A_353] : memref<5120000xf32, #tpu.memory_space<hbm>> -> memref<1280xf32, #tpu.memory_space<hbm>>
      %dma_wait3A_355 = arith.constant 0 : i32
      %dma_wait3A_356 = tpu.memref_slice %arg6[%dma_wait3A_355] : memref<5120000xf32, #tpu.memory_space<hbm>> -> memref<1280xf32, #tpu.memory_space<hbm>>
      tpu.wait_dma2 semaphore(%arg27 : memref<!tpu.dma_semaphore, #tpu.memory_space<semaphore_mem>>) src(%dma_wait3A_356 : memref<1280xf32, #tpu.memory_space<hbm>>) dst(%arg15 : memref<1280xf32, #tpu.memory_space<vmem>>)
      %scan3A_357 = arith.constant 0 : i32
      %scan3A_358 = arith.constant 0 : i32
      %scan3A_359 = arith.constant 80 : i32
      %scan3A_360 = arith.addi %scan3A_358, %scan3A_359 : i32
      %scan3A_361 = arith.constant 1 : i32
      scf.for %scan3A_526 = %scan3A_358 to %scan3A_360 step %scan3A_361  : i32 {
        %mul3A_527 = arith.constant 16 : i32
        %mul3A_528 = arith.muli %scan3A_526, %mul3A_527 : i32
        %get3A_529 = arith.index_cast %mul3A_528 : i32 to index
        %get3A_530 = tpu.vector_load %arg15[%get3A_529] {strides = array<i32>} : memref<1280xf32, #tpu.memory_space<vmem>>, vector<16xf32>,
        %get3A_531 = vector.shape_cast %get3A_530 : vector<16xf32> to vector<16xf32>
        %slice3A = vector.extract_strided_slice %get3A_531 {offsets = [0], sizes = [1], strides = [1]} : vector<16xf32> to vector<1xf32>
        %squeeze3A = vector.extract %slice3A[0] : f32 from vector<1xf32>
        %get3A_532 = arith.index_cast %scan3A_526 : i32 to index
        %get3A_533 = arith.constant 0 : index
        %get3A_534 = tpu.vector_load %arg14[%get3A_532, %get3A_533] {strides = array<i32>} : memref<80x128xf32, #tpu.memory_space<vmem>>, vector<1x16xf32>,
        %get3A_535 = vector.shape_cast %get3A_534 : vector<1x16xf32> to vector<16xf32>
        %mul3A_536 = vector.broadcast %squeeze3A : f32 to vector<16xf32>
        %mul3A_537 = arith.mulf %get3A_535, %mul3A_536 : vector<16xf32>
        %swap3A_538 = arith.index_cast %scan3A_526 : i32 to index
        %swap3A_539 = arith.constant 0 : index
        %swap3A_540 = tpu.vector_load %arg16[%swap3A_538, %swap3A_539] {strides = array<i32>} : memref<80x128xf32, #tpu.memory_space<vmem>>, vector<1x16xf32>,
        %swap3A_541 = vector.shape_cast %swap3A_540 : vector<1x16xf32> to vector<16xf32>
        %swap3A_542 = vector.shape_cast %mul3A_537 : vector<16xf32> to vector<1x16xf32>
        tpu.vector_store %arg16[%swap3A_538, %swap3A_539], %swap3A_542 {strides = array<i32>} : memref<80x128xf32, #tpu.memory_space<vmem>>, vector<1x16xf32>,
        %slice3A_543 = vector.extract_strided_slice %get3A_531 {offsets = [1], sizes = [1], strides = [1]} : vector<16xf32> to vector<1xf32>
        %squeeze3A_544 = vector.extract %slice3A_543[0] : f32 from vector<1xf32>
        %get3A_545 = arith.index_cast %scan3A_526 : i32 to index
        %get3A_546 = arith.constant 16 : index
        %get3A_547 = tpu.vector_load %arg14[%get3A_545, %get3A_546] {strides = array<i32>} : memref<80x128xf32, #tpu.memory_space<vmem>>, vector<1x16xf32>,
        %get3A_548 = vector.shape_cast %get3A_547 : vector<1x16xf32> to vector<16xf32>
        %mul3A_549 = vector.broadcast %squeeze3A_544 : f32 to vector<16xf32>
        %mul3A_550 = arith.mulf %get3A_548, %mul3A_549 : vector<16xf32>
        %swap3A_551 = arith.index_cast %scan3A_526 : i32 to index
        %swap3A_552 = arith.constant 16 : index
        %swap3A_553 = tpu.vector_load %arg16[%swap3A_551, %swap3A_552] {strides = array<i32>} : memref<80x128xf32, #tpu.memory_space<vmem>>, vector<1x16xf32>,
        %swap3A_554 = vector.shape_cast %swap3A_553 : vector<1x16xf32> to vector<16xf32>
        %swap3A_555 = vector.shape_cast %mul3A_550 : vector<16xf32> to vector<1x16xf32>
        tpu.vector_store %arg16[%swap3A_551, %swap3A_552], %swap3A_555 {strides = array<i32>} : memref<80x128xf32, #tpu.memory_space<vmem>>, vector<1x16xf32>,
        %slice3A_556 = vector.extract_strided_slice %get3A_531 {offsets = [2], sizes = [1], strides = [1]} : vector<16xf32> to vector<1xf32>
        %squeeze3A_557 = vector.extract %slice3A_556[0] : f32 from vector<1xf32>
        %get3A_558 = arith.index_cast %scan3A_526 : i32 to index
        %get3A_559 = arith.constant 32 : index
        %get3A_560 = tpu.vector_load %arg14[%get3A_558, %get3A_559] {strides = array<i32>} : memref<80x128xf32, #tpu.memory_space<vmem>>, vector<1x16xf32>,
        %get3A_561 = vector.shape_cast %get3A_560 : vector<1x16xf32> to vector<16xf32>
        %mul3A_562 = vector.broadcast %squeeze3A_557 : f32 to vector<16xf32>
        %mul3A_563 = arith.mulf %get3A_561, %mul3A_562 : vector<16xf32>
        %swap3A_564 = arith.index_cast %scan3A_526 : i32 to index
        %swap3A_565 = arith.constant 32 : index
        %swap3A_566 = tpu.vector_load %arg16[%swap3A_564, %swap3A_565] {strides = array<i32>} : memref<80x128xf32, #tpu.memory_space<vmem>>, vector<1x16xf32>,
        %swap3A_567 = vector.shape_cast %swap3A_566 : vector<1x16xf32> to vector<16xf32>
        %swap3A_568 = vector.shape_cast %mul3A_563 : vector<16xf32> to vector<1x16xf32>
        tpu.vector_store %arg16[%swap3A_564, %swap3A_565], %swap3A_568 {strides = array<i32>} : memref<80x128xf32, #tpu.memory_space<vmem>>, vector<1x16xf32>,
        %slice3A_569 = vector.extract_strided_slice %get3A_531 {offsets = [3], sizes = [1], strides = [1]} : vector<16xf32> to vector<1xf32>
        %squeeze3A_570 = vector.extract %slice3A_569[0] : f32 from vector<1xf32>
        %get3A_571 = arith.index_cast %scan3A_526 : i32 to index
        %get3A_572 = arith.constant 48 : index
        %get3A_573 = tpu.vector_load %arg14[%get3A_571, %get3A_572] {strides = array<i32>} : memref<80x128xf32, #tpu.memory_space<vmem>>, vector<1x16xf32>,
        %get3A_574 = vector.shape_cast %get3A_573 : vector<1x16xf32> to vector<16xf32>
        %mul3A_575 = vector.broadcast %squeeze3A_570 : f32 to vector<16xf32>
        %mul3A_576 = arith.mulf %get3A_574, %mul3A_575 : vector<16xf32>
        %swap3A_577 = arith.index_cast %scan3A_526 : i32 to index
        %swap3A_578 = arith.constant 48 : index
        %swap3A_579 = tpu.vector_load %arg16[%swap3A_577, %swap3A_578] {strides = array<i32>} : memref<80x128xf32, #tpu.memory_space<vmem>>, vector<1x16xf32>,
        %swap3A_580 = vector.shape_cast %swap3A_579 : vector<1x16xf32> to vector<16xf32>
        %swap3A_581 = vector.shape_cast %mul3A_576 : vector<16xf32> to vector<1x16xf32>
        tpu.vector_store %arg16[%swap3A_577, %swap3A_578], %swap3A_581 {strides = array<i32>} : memref<80x128xf32, #tpu.memory_space<vmem>>, vector<1x16xf32>,
        %slice3A_582 = vector.extract_strided_slice %get3A_531 {offsets = [4], sizes = [1], strides = [1]} : vector<16xf32> to vector<1xf32>
        %squeeze3A_583 = vector.extract %slice3A_582[0] : f32 from vector<1xf32>
        %get3A_584 = arith.index_cast %scan3A_526 : i32 to index
        %get3A_585 = arith.constant 64 : index
        %get3A_586 = tpu.vector_load %arg14[%get3A_584, %get3A_585] {strides = array<i32>} : memref<80x128xf32, #tpu.memory_space<vmem>>, vector<1x16xf32>,
        %get3A_587 = vector.shape_cast %get3A_586 : vector<1x16xf32> to vector<16xf32>
        %mul3A_588 = vector.broadcast %squeeze3A_583 : f32 to vector<16xf32>
        %mul3A_589 = arith.mulf %get3A_587, %mul3A_588 : vector<16xf32>
        %swap3A_590 = arith.index_cast %scan3A_526 : i32 to index
        %swap3A_591 = arith.constant 64 : index
        %swap3A_592 = tpu.vector_load %arg16[%swap3A_590, %swap3A_591] {strides = array<i32>} : memref<80x128xf32, #tpu.memory_space<vmem>>, vector<1x16xf32>,
        %swap3A_593 = vector.shape_cast %swap3A_592 : vector<1x16xf32> to vector<16xf32>
        %swap3A_594 = vector.shape_cast %mul3A_589 : vector<16xf32> to vector<1x16xf32>
        tpu.vector_store %arg16[%swap3A_590, %swap3A_591], %swap3A_594 {strides = array<i32>} : memref<80x128xf32, #tpu.memory_space<vmem>>, vector<1x16xf32>,
        %slice3A_595 = vector.extract_strided_slice %get3A_531 {offsets = [5], sizes = [1], strides = [1]} : vector<16xf32> to vector<1xf32>
        %squeeze3A_596 = vector.extract %slice3A_595[0] : f32 from vector<1xf32>
        %get3A_597 = arith.index_cast %scan3A_526 : i32 to index
        %get3A_598 = arith.constant 80 : index
        %get3A_599 = tpu.vector_load %arg14[%get3A_597, %get3A_598] {strides = array<i32>} : memref<80x128xf32, #tpu.memory_space<vmem>>, vector<1x16xf32>,
        %get3A_600 = vector.shape_cast %get3A_599 : vector<1x16xf32> to vector<16xf32>
        %mul3A_601 = vector.broadcast %squeeze3A_596 : f32 to vector<16xf32>
        %mul3A_602 = arith.mulf %get3A_600, %mul3A_601 : vector<16xf32>
        %swap3A_603 = arith.index_cast %scan3A_526 : i32 to index
        %swap3A_604 = arith.constant 80 : index
        %swap3A_605 = tpu.vector_load %arg16[%swap3A_603, %swap3A_604] {strides = array<i32>} : memref<80x128xf32, #tpu.memory_space<vmem>>, vector<1x16xf32>,
        %swap3A_606 = vector.shape_cast %swap3A_605 : vector<1x16xf32> to vector<16xf32>
        %swap3A_607 = vector.shape_cast %mul3A_602 : vector<16xf32> to vector<1x16xf32>
        tpu.vector_store %arg16[%swap3A_603, %swap3A_604], %swap3A_607 {strides = array<i32>} : memref<80x128xf32, #tpu.memory_space<vmem>>, vector<1x16xf32>,
        %slice3A_608 = vector.extract_strided_slice %get3A_531 {offsets = [6], sizes = [1], strides = [1]} : vector<16xf32> to vector<1xf32>
        %squeeze3A_609 = vector.extract %slice3A_608[0] : f32 from vector<1xf32>
        %get3A_610 = arith.index_cast %scan3A_526 : i32 to index
        %get3A_611 = arith.constant 96 : index
        %get3A_612 = tpu.vector_load %arg14[%get3A_610, %get3A_611] {strides = array<i32>} : memref<80x128xf32, #tpu.memory_space<vmem>>, vector<1x16xf32>,
        %get3A_613 = vector.shape_cast %get3A_612 : vector<1x16xf32> to vector<16xf32>
        %mul3A_614 = vector.broadcast %squeeze3A_609 : f32 to vector<16xf32>
        %mul3A_615 = arith.mulf %get3A_613, %mul3A_614 : vector<16xf32>
        %swap3A_616 = arith.index_cast %scan3A_526 : i32 to index
        %swap3A_617 = arith.constant 96 : index
        %swap3A_618 = tpu.vector_load %arg16[%swap3A_616, %swap3A_617] {strides = array<i32>} : memref<80x128xf32, #tpu.memory_space<vmem>>, vector<1x16xf32>,
        %swap3A_619 = vector.shape_cast %swap3A_618 : vector<1x16xf32> to vector<16xf32>
        %swap3A_620 = vector.shape_cast %mul3A_615 : vector<16xf32> to vector<1x16xf32>
        tpu.vector_store %arg16[%swap3A_616, %swap3A_617], %swap3A_620 {strides = array<i32>} : memref<80x128xf32, #tpu.memory_space<vmem>>, vector<1x16xf32>,
        %slice3A_621 = vector.extract_strided_slice %get3A_531 {offsets = [7], sizes = [1], strides = [1]} : vector<16xf32> to vector<1xf32>
        %squeeze3A_622 = vector.extract %slice3A_621[0] : f32 from vector<1xf32>
        %get3A_623 = arith.index_cast %scan3A_526 : i32 to index
        %get3A_624 = arith.constant 112 : index
        %get3A_625 = tpu.vector_load %arg14[%get3A_623, %get3A_624] {strides = array<i32>} : memref<80x128xf32, #tpu.memory_space<vmem>>, vector<1x16xf32>,
        %get3A_626 = vector.shape_cast %get3A_625 : vector<1x16xf32> to vector<16xf32>
        %mul3A_627 = vector.broadcast %squeeze3A_622 : f32 to vector<16xf32>
        %mul3A_628 = arith.mulf %get3A_626, %mul3A_627 : vector<16xf32>
        %swap3A_629 = arith.index_cast %scan3A_526 : i32 to index
        %swap3A_630 = arith.constant 112 : index
        %swap3A_631 = tpu.vector_load %arg16[%swap3A_629, %swap3A_630] {strides = array<i32>} : memref<80x128xf32, #tpu.memory_space<vmem>>, vector<1x16xf32>,
        %swap3A_632 = vector.shape_cast %swap3A_631 : vector<1x16xf32> to vector<16xf32>
        %swap3A_633 = vector.shape_cast %mul3A_628 : vector<16xf32> to vector<1x16xf32>
        tpu.vector_store %arg16[%swap3A_629, %swap3A_630], %swap3A_633 {strides = array<i32>} : memref<80x128xf32, #tpu.memory_space<vmem>>, vector<1x16xf32>,
      }
      %scan3A_362 = arith.constant 80 : i32
      %dma_start3A_363 = arith.constant 0 : i32
      %dma_start3A_364 = arith.constant 0 : i32
      %dma_start3A_365 = tpu.memref_slice %arg8[%dma_start3A_363, %dma_start3A_364] : memref<10240x128xf32, #tpu.memory_space<vmem_shared>> -> memref<10240x128xf32, #tpu.memory_space<vmem_shared>>
      tpu.enqueue_indirect_dma source(%arg16 : memref<80x128xf32, #tpu.memory_space<vmem>>) target(%dma_start3A_365 : memref<10240x128xf32, #tpu.memory_space<vmem_shared>>) offsets(%arg13 : memref<80xi32, #tpu.memory_space<vmem>>) semaphore(%arg28 : memref<!tpu.dma_semaphore, #tpu.memory_space<semaphore_mem>>) {add = true}
      %le3A_366 = arith.constant 122 : i32
      %le3A_367 = arith.cmpi sle, %mul3A_223, %le3A_366 : i32
      %convert_element_type3A_368 = arith.extui %le3A_367 : i1 to i32
      %cond3A_369 = arith.constant 0 : i32
      %cond3A_370 = arith.cmpi ne, %convert_element_type3A_368, %cond3A_369 : i32
      scf.if %cond3A_370 {
        %add3A_526 = arith.constant 2 : i32
        %add3A_527 = arith.addi %mul3A_223, %add3A_526 : i32
        %mul3A_528 = arith.constant 80 : i32
        %mul3A_529 = arith.muli %add3A_527, %mul3A_528 : i32
        %add3A_530 = arith.addi %mul3A_3, %mul3A_529 : i32
        %mul3A_531 = arith.constant 16 : i32
        %mul3A_532 = arith.muli %add3A_530, %mul3A_531 : i32
        %dma_start3A_533 = tpu.memref_slice %arg6[%mul3A_532] : memref<5120000xf32, #tpu.memory_space<hbm>> -> memref<1280xf32, #tpu.memory_space<hbm>>
        %dma_start3A_534 = tpu.memref_slice %arg6[%mul3A_532] : memref<5120000xf32, #tpu.memory_space<hbm>> -> memref<1280xf32, #tpu.memory_space<hbm>>
        tpu.enqueue_dma source(%dma_start3A_534 : memref<1280xf32, #tpu.memory_space<hbm>>) target(%arg15 : memref<1280xf32, #tpu.memory_space<vmem>>) target_semaphore(%arg27 : memref<!tpu.dma_semaphore, #tpu.memory_space<semaphore_mem>>)
      } else {
      }
      %mul3A_371 = arith.constant 2 : i32
      %mul3A_372 = arith.muli %mul3A_371, %scan3A_221 : i32
      %add3A_373 = arith.constant 1 : i32
      %add3A_374 = arith.addi %mul3A_372, %add3A_373 : i32
      %dma_wait3A_375 = arith.constant 0 : i32
      %dma_wait3A_376 = tpu.memref_slice %arg2[%dma_wait3A_375] : memref<320000xi32, #tpu.memory_space<hbm>> -> memref<80xi32, #tpu.memory_space<hbm>>
      %dma_wait3A_377 = arith.constant 0 : i32
      %dma_wait3A_378 = tpu.memref_slice %arg2[%dma_wait3A_377] : memref<320000xi32, #tpu.memory_space<hbm>> -> memref<80xi32, #tpu.memory_space<hbm>>
      tpu.wait_dma2 semaphore(%arg25 : memref<!tpu.dma_semaphore, #tpu.memory_space<semaphore_mem>>) src(%dma_wait3A_378 : memref<80xi32, #tpu.memory_space<hbm>>) dst(%arg9 : memref<80xi32, #tpu.memory_space<vmem>>)
      %dma_wait3A_379 = arith.constant 0 : i32
      %dma_wait3A_380 = tpu.memref_slice %arg3[%dma_wait3A_379] : memref<320000xi32, #tpu.memory_space<hbm>> -> memref<80xi32, #tpu.memory_space<hbm>>
      %dma_wait3A_381 = arith.constant 0 : i32
      %dma_wait3A_382 = tpu.memref_slice %arg3[%dma_wait3A_381] : memref<320000xi32, #tpu.memory_space<hbm>> -> memref<80xi32, #tpu.memory_space<hbm>>
      tpu.wait_dma2 semaphore(%arg25 : memref<!tpu.dma_semaphore, #tpu.memory_space<semaphore_mem>>) src(%dma_wait3A_382 : memref<80xi32, #tpu.memory_space<hbm>>) dst(%arg10 : memref<80xi32, #tpu.memory_space<vmem>>)
      %dma_wait3A_383 = arith.constant 0 : i32
      %dma_wait3A_384 = tpu.memref_slice %arg4[%dma_wait3A_383] : memref<320000xi32, #tpu.memory_space<hbm>> -> memref<80xi32, #tpu.memory_space<hbm>>
      %dma_wait3A_385 = arith.constant 0 : i32
      %dma_wait3A_386 = tpu.memref_slice %arg4[%dma_wait3A_385] : memref<320000xi32, #tpu.memory_space<hbm>> -> memref<80xi32, #tpu.memory_space<hbm>>
      tpu.wait_dma2 semaphore(%arg25 : memref<!tpu.dma_semaphore, #tpu.memory_space<semaphore_mem>>) src(%dma_wait3A_386 : memref<80xi32, #tpu.memory_space<hbm>>) dst(%arg11 : memref<80xi32, #tpu.memory_space<vmem>>)
      %get3A_387 = arith.constant 0 : index
      %get3A_388 = tpu.vector_load %arg9[%get3A_387] {strides = array<i32>} : memref<80xi32, #tpu.memory_space<vmem>>, vector<16xi32>,
      %get3A_389 = vector.shape_cast %get3A_388 : vector<16xi32> to vector<16xi32>
      %mul3A_390 = arith.constant 8 : i32
      %mul3A_391 = vector.broadcast %mul3A_390 : i32 to vector<16xi32>
      %mul3A_392 = arith.muli %get3A_389, %mul3A_391 : vector<16xi32>
      %get3A_393 = arith.constant 0 : index
      %get3A_394 = tpu.vector_load %arg11[%get3A_393] {strides = array<i32>} : memref<80xi32, #tpu.memory_space<vmem>>, vector<16xi32>,
      %get3A_395 = vector.shape_cast %get3A_394 : vector<16xi32> to vector<16xi32>
      %add3A_396 = arith.addi %mul3A_392, %get3A_395 : vector<16xi32>
      %swap3A_397 = arith.constant 0 : index
      %swap3A_398 = tpu.vector_load %arg12[%swap3A_397] {strides = array<i32>} : memref<80xi32, #tpu.memory_space<vmem>>, vector<16xi32>,
      %swap3A_399 = vector.shape_cast %swap3A_398 : vector<16xi32> to vector<16xi32>
      %swap3A_400 = vector.shape_cast %add3A_396 : vector<16xi32> to vector<16xi32>
      tpu.vector_store %arg12[%swap3A_397], %swap3A_400 {strides = array<i32>} : memref<80xi32, #tpu.memory_space<vmem>>, vector<16xi32>,
      %get3A_401 = arith.constant 16 : index
      %get3A_402 = tpu.vector_load %arg9[%get3A_401] {strides = array<i32>} : memref<80xi32, #tpu.memory_space<vmem>>, vector<16xi32>,
      %get3A_403 = vector.shape_cast %get3A_402 : vector<16xi32> to vector<16xi32>
      %mul3A_404 = arith.constant 8 : i32
      %mul3A_405 = vector.broadcast %mul3A_404 : i32 to vector<16xi32>
      %mul3A_406 = arith.muli %get3A_403, %mul3A_405 : vector<16xi32>
      %get3A_407 = arith.constant 16 : index
      %get3A_408 = tpu.vector_load %arg11[%get3A_407] {strides = array<i32>} : memref<80xi32, #tpu.memory_space<vmem>>, vector<16xi32>,
      %get3A_409 = vector.shape_cast %get3A_408 : vector<16xi32> to vector<16xi32>
      %add3A_410 = arith.addi %mul3A_406, %get3A_409 : vector<16xi32>
      %swap3A_411 = arith.constant 16 : index
      %swap3A_412 = tpu.vector_load %arg12[%swap3A_411] {strides = array<i32>} : memref<80xi32, #tpu.memory_space<vmem>>, vector<16xi32>,
      %swap3A_413 = vector.shape_cast %swap3A_412 : vector<16xi32> to vector<16xi32>
      %swap3A_414 = vector.shape_cast %add3A_410 : vector<16xi32> to vector<16xi32>
      tpu.vector_store %arg12[%swap3A_411], %swap3A_414 {strides = array<i32>} : memref<80xi32, #tpu.memory_space<vmem>>, vector<16xi32>,
      %get3A_415 = arith.constant 32 : index
      %get3A_416 = tpu.vector_load %arg9[%get3A_415] {strides = array<i32>} : memref<80xi32, #tpu.memory_space<vmem>>, vector<16xi32>,
      %get3A_417 = vector.shape_cast %get3A_416 : vector<16xi32> to vector<16xi32>
      %mul3A_418 = arith.constant 8 : i32
      %mul3A_419 = vector.broadcast %mul3A_418 : i32 to vector<16xi32>
      %mul3A_420 = arith.muli %get3A_417, %mul3A_419 : vector<16xi32>
      %get3A_421 = arith.constant 32 : index
      %get3A_422 = tpu.vector_load %arg11[%get3A_421] {strides = array<i32>} : memref<80xi32, #tpu.memory_space<vmem>>, vector<16xi32>,
      %get3A_423 = vector.shape_cast %get3A_422 : vector<16xi32> to vector<16xi32>
      %add3A_424 = arith.addi %mul3A_420, %get3A_423 : vector<16xi32>
      %swap3A_425 = arith.constant 32 : index
      %swap3A_426 = tpu.vector_load %arg12[%swap3A_425] {strides = array<i32>} : memref<80xi32, #tpu.memory_space<vmem>>, vector<16xi32>,
      %swap3A_427 = vector.shape_cast %swap3A_426 : vector<16xi32> to vector<16xi32>
      %swap3A_428 = vector.shape_cast %add3A_424 : vector<16xi32> to vector<16xi32>
      tpu.vector_store %arg12[%swap3A_425], %swap3A_428 {strides = array<i32>} : memref<80xi32, #tpu.memory_space<vmem>>, vector<16xi32>,
      %get3A_429 = arith.constant 48 : index
      %get3A_430 = tpu.vector_load %arg9[%get3A_429] {strides = array<i32>} : memref<80xi32, #tpu.memory_space<vmem>>, vector<16xi32>,
      %get3A_431 = vector.shape_cast %get3A_430 : vector<16xi32> to vector<16xi32>
      %mul3A_432 = arith.constant 8 : i32
      %mul3A_433 = vector.broadcast %mul3A_432 : i32 to vector<16xi32>
      %mul3A_434 = arith.muli %get3A_431, %mul3A_433 : vector<16xi32>
      %get3A_435 = arith.constant 48 : index
      %get3A_436 = tpu.vector_load %arg11[%get3A_435] {strides = array<i32>} : memref<80xi32, #tpu.memory_space<vmem>>, vector<16xi32>,
      %get3A_437 = vector.shape_cast %get3A_436 : vector<16xi32> to vector<16xi32>
      %add3A_438 = arith.addi %mul3A_434, %get3A_437 : vector<16xi32>
      %swap3A_439 = arith.constant 48 : index
      %swap3A_440 = tpu.vector_load %arg12[%swap3A_439] {strides = array<i32>} : memref<80xi32, #tpu.memory_space<vmem>>, vector<16xi32>,
      %swap3A_441 = vector.shape_cast %swap3A_440 : vector<16xi32> to vector<16xi32>
      %swap3A_442 = vector.shape_cast %add3A_438 : vector<16xi32> to vector<16xi32>
      tpu.vector_store %arg12[%swap3A_439], %swap3A_442 {strides = array<i32>} : memref<80xi32, #tpu.memory_space<vmem>>, vector<16xi32>,
      %get3A_443 = arith.constant 64 : index
      %get3A_444 = tpu.vector_load %arg9[%get3A_443] {strides = array<i32>} : memref<80xi32, #tpu.memory_space<vmem>>, vector<16xi32>,
      %get3A_445 = vector.shape_cast %get3A_444 : vector<16xi32> to vector<16xi32>
      %mul3A_446 = arith.constant 8 : i32
      %mul3A_447 = vector.broadcast %mul3A_446 : i32 to vector<16xi32>
      %mul3A_448 = arith.muli %get3A_445, %mul3A_447 : vector<16xi32>
      %get3A_449 = arith.constant 64 : index
      %get3A_450 = tpu.vector_load %arg11[%get3A_449] {strides = array<i32>} : memref<80xi32, #tpu.memory_space<vmem>>, vector<16xi32>,
      %get3A_451 = vector.shape_cast %get3A_450 : vector<16xi32> to vector<16xi32>
      %add3A_452 = arith.addi %mul3A_448, %get3A_451 : vector<16xi32>
      %swap3A_453 = arith.constant 64 : index
      %swap3A_454 = tpu.vector_load %arg12[%swap3A_453] {strides = array<i32>} : memref<80xi32, #tpu.memory_space<vmem>>, vector<16xi32>,
      %swap3A_455 = vector.shape_cast %swap3A_454 : vector<16xi32> to vector<16xi32>
      %swap3A_456 = vector.shape_cast %add3A_452 : vector<16xi32> to vector<16xi32>
      tpu.vector_store %arg12[%swap3A_453], %swap3A_456 {strides = array<i32>} : memref<80xi32, #tpu.memory_space<vmem>>, vector<16xi32>,
      %dma_start3A_457 = arith.constant 0 : i32
      %dma_start3A_458 = arith.constant 0 : i32
      %dma_start3A_459 = tpu.memref_slice %arg5[%dma_start3A_457, %dma_start3A_458] : memref<80000x128xf32, #tpu.memory_space<hbm>> -> memref<80000x128xf32, #tpu.memory_space<hbm>>
      tpu.enqueue_indirect_dma source(%dma_start3A_459 : memref<80000x128xf32, #tpu.memory_space<hbm>>) target(%arg14 : memref<80x128xf32, #tpu.memory_space<vmem>>) offsets(%arg12 : memref<80xi32, #tpu.memory_space<vmem>>) semaphore(%arg26 : memref<!tpu.dma_semaphore, #tpu.memory_space<semaphore_mem>>)
      %dma_wait3A_460 = arith.constant 0 : i32
      %dma_wait3A_461 = arith.constant 0 : i32
      %dma_wait3A_462 = tpu.memref_slice %arg5[%dma_wait3A_460, %dma_wait3A_461] : memref<80000x128xf32, #tpu.memory_space<hbm>> -> memref<80000x128xf32, #tpu.memory_space<hbm>>
      tpu.wait_indirect_dma semaphore(%arg30 : memref<!tpu.dma_semaphore, #tpu.memory_space<semaphore_mem>>) src(%dma_wait3A_462 : memref<80000x128xf32, #tpu.memory_space<hbm>>) dst(%arg22 : memref<80x128xf32, #tpu.memory_space<vmem>>)
      %ge3A_463 = arith.constant 2 : i32
      %ge3A_464 = arith.cmpi sge, %add3A_374, %ge3A_463 : i32
      %convert_element_type3A_465 = arith.extui %ge3A_464 : i1 to i32
      %cond3A_466 = arith.constant 0 : i32
      %cond3A_467 = arith.cmpi ne, %convert_element_type3A_465, %cond3A_466 : i32
      scf.if %cond3A_467 {
        %dma_wait3A_526 = arith.constant 0 : i32
        %dma_wait3A_527 = arith.constant 0 : i32
        %dma_wait3A_528 = tpu.memref_slice %arg8[%dma_wait3A_526, %dma_wait3A_527] : memref<10240x128xf32, #tpu.memory_space<vmem_shared>> -> memref<10240x128xf32, #tpu.memory_space<vmem_shared>>
        tpu.wait_indirect_dma semaphore(%arg32 : memref<!tpu.dma_semaphore, #tpu.memory_space<semaphore_mem>>) src(%arg24 : memref<80x128xf32, #tpu.memory_space<vmem>>) dst(%dma_wait3A_528 : memref<10240x128xf32, #tpu.memory_space<vmem_shared>>)
      } else {
      }
      %get3A_468 = arith.constant 0 : index
      %get3A_469 = tpu.vector_load %arg18[%get3A_468] {strides = array<i32>} : memref<80xi32, #tpu.memory_space<vmem>>, vector<16xi32>,
      %get3A_470 = vector.shape_cast %get3A_469 : vector<16xi32> to vector<16xi32>
      %swap3A_471 = arith.constant 0 : index
      %swap3A_472 = tpu.vector_load %arg21[%swap3A_471] {strides = array<i32>} : memref<80xi32, #tpu.memory_space<vmem>>, vector<16xi32>,
      %swap3A_473 = vector.shape_cast %swap3A_472 : vector<16xi32> to vector<16xi32>
      %swap3A_474 = vector.shape_cast %get3A_470 : vector<16xi32> to vector<16xi32>
      tpu.vector_store %arg21[%swap3A_471], %swap3A_474 {strides = array<i32>} : memref<80xi32, #tpu.memory_space<vmem>>, vector<16xi32>,
      %get3A_475 = arith.constant 16 : index
      %get3A_476 = tpu.vector_load %arg18[%get3A_475] {strides = array<i32>} : memref<80xi32, #tpu.memory_space<vmem>>, vector<16xi32>,
      %get3A_477 = vector.shape_cast %get3A_476 : vector<16xi32> to vector<16xi32>
      %swap3A_478 = arith.constant 16 : index
      %swap3A_479 = tpu.vector_load %arg21[%swap3A_478] {strides = array<i32>} : memref<80xi32, #tpu.memory_space<vmem>>, vector<16xi32>,
      %swap3A_480 = vector.shape_cast %swap3A_479 : vector<16xi32> to vector<16xi32>
      %swap3A_481 = vector.shape_cast %get3A_477 : vector<16xi32> to vector<16xi32>
      tpu.vector_store %arg21[%swap3A_478], %swap3A_481 {strides = array<i32>} : memref<80xi32, #tpu.memory_space<vmem>>, vector<16xi32>,
      %get3A_482 = arith.constant 32 : index
      %get3A_483 = tpu.vector_load %arg18[%get3A_482] {strides = array<i32>} : memref<80xi32, #tpu.memory_space<vmem>>, vector<16xi32>,
      %get3A_484 = vector.shape_cast %get3A_483 : vector<16xi32> to vector<16xi32>
      %swap3A_485 = arith.constant 32 : index
      %swap3A_486 = tpu.vector_load %arg21[%swap3A_485] {strides = array<i32>} : memref<80xi32, #tpu.memory_space<vmem>>, vector<16xi32>,
      %swap3A_487 = vector.shape_cast %swap3A_486 : vector<16xi32> to vector<16xi32>
      %swap3A_488 = vector.shape_cast %get3A_484 : vector<16xi32> to vector<16xi32>
      tpu.vector_store %arg21[%swap3A_485], %swap3A_488 {strides = array<i32>} : memref<80xi32, #tpu.memory_space<vmem>>, vector<16xi32>,
      %get3A_489 = arith.constant 48 : index
      %get3A_490 = tpu.vector_load %arg18[%get3A_489] {strides = array<i32>} : memref<80xi32, #tpu.memory_space<vmem>>, vector<16xi32>,
      %get3A_491 = vector.shape_cast %get3A_490 : vector<16xi32> to vector<16xi32>
      %swap3A_492 = arith.constant 48 : index
      %swap3A_493 = tpu.vector_load %arg21[%swap3A_492] {strides = array<i32>} : memref<80xi32, #tpu.memory_space<vmem>>, vector<16xi32>,
      %swap3A_494 = vector.shape_cast %swap3A_493 : vector<16xi32> to vector<16xi32>
      %swap3A_495 = vector.shape_cast %get3A_491 : vector<16xi32> to vector<16xi32>
      tpu.vector_store %arg21[%swap3A_492], %swap3A_495 {strides = array<i32>} : memref<80xi32, #tpu.memory_space<vmem>>, vector<16xi32>,
      %get3A_496 = arith.constant 64 : index
      %get3A_497 = tpu.vector_load %arg18[%get3A_496] {strides = array<i32>} : memref<80xi32, #tpu.memory_space<vmem>>, vector<16xi32>,
      %get3A_498 = vector.shape_cast %get3A_497 : vector<16xi32> to vector<16xi32>
      %swap3A_499 = arith.constant 64 : index
      %swap3A_500 = tpu.vector_load %arg21[%swap3A_499] {strides = array<i32>} : memref<80xi32, #tpu.memory_space<vmem>>, vector<16xi32>,
      %swap3A_501 = vector.shape_cast %swap3A_500 : vector<16xi32> to vector<16xi32>
      %swap3A_502 = vector.shape_cast %get3A_498 : vector<16xi32> to vector<16xi32>
      tpu.vector_store %arg21[%swap3A_499], %swap3A_502 {strides = array<i32>} : memref<80xi32, #tpu.memory_space<vmem>>, vector<16xi32>,
      %le3A_503 = arith.constant 122 : i32
      %le3A_504 = arith.cmpi sle, %add3A_374, %le3A_503 : i32
      %convert_element_type3A_505 = arith.extui %le3A_504 : i1 to i32
      %cond3A_506 = arith.constant 0 : i32
      %cond3A_507 = arith.cmpi ne, %convert_element_type3A_505, %cond3A_506 : i32
      scf.if %cond3A_507 {
        %add3A_526 = arith.constant 2 : i32
        %add3A_527 = arith.addi %add3A_374, %add3A_526 : i32
        %mul3A_528 = arith.constant 80 : i32
        %mul3A_529 = arith.muli %add3A_527, %mul3A_528 : i32
        %add3A_530 = arith.addi %mul3A_3, %mul3A_529 : i32
        %dma_start3A_531 = tpu.memref_slice %arg2[%add3A_530] : memref<320000xi32, #tpu.memory_space<hbm>> -> memref<80xi32, #tpu.memory_space<hbm>>
        %dma_start3A_532 = tpu.memref_slice %arg2[%add3A_530] : memref<320000xi32, #tpu.memory_space<hbm>> -> memref<80xi32, #tpu.memory_space<hbm>>
        tpu.enqueue_dma source(%dma_start3A_532 : memref<80xi32, #tpu.memory_space<hbm>>) target(%arg17 : memref<80xi32, #tpu.memory_space<vmem>>) target_semaphore(%arg29 : memref<!tpu.dma_semaphore, #tpu.memory_space<semaphore_mem>>)
        %dma_start3A_533 = tpu.memref_slice %arg3[%add3A_530] : memref<320000xi32, #tpu.memory_space<hbm>> -> memref<80xi32, #tpu.memory_space<hbm>>
        %dma_start3A_534 = tpu.memref_slice %arg3[%add3A_530] : memref<320000xi32, #tpu.memory_space<hbm>> -> memref<80xi32, #tpu.memory_space<hbm>>
        tpu.enqueue_dma source(%dma_start3A_534 : memref<80xi32, #tpu.memory_space<hbm>>) target(%arg18 : memref<80xi32, #tpu.memory_space<vmem>>) target_semaphore(%arg29 : memref<!tpu.dma_semaphore, #tpu.memory_space<semaphore_mem>>)
        %dma_start3A_535 = tpu.memref_slice %arg4[%add3A_530] : memref<320000xi32, #tpu.memory_space<hbm>> -> memref<80xi32, #tpu.memory_space<hbm>>
        %dma_start3A_536 = tpu.memref_slice %arg4[%add3A_530] : memref<320000xi32, #tpu.memory_space<hbm>> -> memref<80xi32, #tpu.memory_space<hbm>>
        tpu.enqueue_dma source(%dma_start3A_536 : memref<80xi32, #tpu.memory_space<hbm>>) target(%arg19 : memref<80xi32, #tpu.memory_space<vmem>>) target_semaphore(%arg29 : memref<!tpu.dma_semaphore, #tpu.memory_space<semaphore_mem>>)
      } else {
      }
      %dma_wait3A_508 = arith.constant 0 : i32
      %dma_wait3A_509 = tpu.memref_slice %arg6[%dma_wait3A_508] : memref<5120000xf32, #tpu.memory_space<hbm>> -> memref<1280xf32, #tpu.memory_space<hbm>>
      %dma_wait3A_510 = arith.constant 0 : i32
      %dma_wait3A_511 = tpu.memref_slice %arg6[%dma_wait3A_510] : memref<5120000xf32, #tpu.memory_space<hbm>> -> memref<1280xf32, #tpu.memory_space<hbm>>
      tpu.wait_dma2 semaphore(%arg31 : memref<!tpu.dma_semaphore, #tpu.memory_space<semaphore_mem>>) src(%dma_wait3A_511 : memref<1280xf32, #tpu.memory_space<hbm>>) dst(%arg23 : memref<1280xf32, #tpu.memory_space<vmem>>)
      %scan3A_512 = arith.constant 0 : i32
      %scan3A_513 = arith.constant 0 : i32
      %scan3A_514 = arith.constant 80 : i32
      %scan3A_515 = arith.addi %scan3A_513, %scan3A_514 : i32
      %scan3A_516 = arith.constant 1 : i32
      scf.for %scan3A_526 = %scan3A_513 to %scan3A_515 step %scan3A_516  : i32 {
        %mul3A_527 = arith.constant 16 : i32
        %mul3A_528 = arith.muli %scan3A_526, %mul3A_527 : i32
        %get3A_529 = arith.index_cast %mul3A_528 : i32 to index
        %get3A_530 = tpu.vector_load %arg23[%get3A_529] {strides = array<i32>} : memref<1280xf32, #tpu.memory_space<vmem>>, vector<16xf32>,
        %get3A_531 = vector.shape_cast %get3A_530 : vector<16xf32> to vector<16xf32>
        %slice3A = vector.extract_strided_slice %get3A_531 {offsets = [0], sizes = [1], strides = [1]} : vector<16xf32> to vector<1xf32>
        %squeeze3A = vector.extract %slice3A[0] : f32 from vector<1xf32>
        %get3A_532 = arith.index_cast %scan3A_526 : i32 to index
        %get3A_533 = arith.constant 0 : index
        %get3A_534 = tpu.vector_load %arg22[%get3A_532, %get3A_533] {strides = array<i32>} : memref<80x128xf32, #tpu.memory_space<vmem>>, vector<1x16xf32>,
        %get3A_535 = vector.shape_cast %get3A_534 : vector<1x16xf32> to vector<16xf32>
        %mul3A_536 = vector.broadcast %squeeze3A : f32 to vector<16xf32>
        %mul3A_537 = arith.mulf %get3A_535, %mul3A_536 : vector<16xf32>
        %swap3A_538 = arith.index_cast %scan3A_526 : i32 to index
        %swap3A_539 = arith.constant 0 : index
        %swap3A_540 = tpu.vector_load %arg24[%swap3A_538, %swap3A_539] {strides = array<i32>} : memref<80x128xf32, #tpu.memory_space<vmem>>, vector<1x16xf32>,
        %swap3A_541 = vector.shape_cast %swap3A_540 : vector<1x16xf32> to vector<16xf32>
        %swap3A_542 = vector.shape_cast %mul3A_537 : vector<16xf32> to vector<1x16xf32>
        tpu.vector_store %arg24[%swap3A_538, %swap3A_539], %swap3A_542 {strides = array<i32>} : memref<80x128xf32, #tpu.memory_space<vmem>>, vector<1x16xf32>,
        %slice3A_543 = vector.extract_strided_slice %get3A_531 {offsets = [1], sizes = [1], strides = [1]} : vector<16xf32> to vector<1xf32>
        %squeeze3A_544 = vector.extract %slice3A_543[0] : f32 from vector<1xf32>
        %get3A_545 = arith.index_cast %scan3A_526 : i32 to index
        %get3A_546 = arith.constant 16 : index
        %get3A_547 = tpu.vector_load %arg22[%get3A_545, %get3A_546] {strides = array<i32>} : memref<80x128xf32, #tpu.memory_space<vmem>>, vector<1x16xf32>,
        %get3A_548 = vector.shape_cast %get3A_547 : vector<1x16xf32> to vector<16xf32>
        %mul3A_549 = vector.broadcast %squeeze3A_544 : f32 to vector<16xf32>
        %mul3A_550 = arith.mulf %get3A_548, %mul3A_549 : vector<16xf32>
        %swap3A_551 = arith.index_cast %scan3A_526 : i32 to index
        %swap3A_552 = arith.constant 16 : index
        %swap3A_553 = tpu.vector_load %arg24[%swap3A_551, %swap3A_552] {strides = array<i32>} : memref<80x128xf32, #tpu.memory_space<vmem>>, vector<1x16xf32>,
        %swap3A_554 = vector.shape_cast %swap3A_553 : vector<1x16xf32> to vector<16xf32>
        %swap3A_555 = vector.shape_cast %mul3A_550 : vector<16xf32> to vector<1x16xf32>
        tpu.vector_store %arg24[%swap3A_551, %swap3A_552], %swap3A_555 {strides = array<i32>} : memref<80x128xf32, #tpu.memory_space<vmem>>, vector<1x16xf32>,
        %slice3A_556 = vector.extract_strided_slice %get3A_531 {offsets = [2], sizes = [1], strides = [1]} : vector<16xf32> to vector<1xf32>
        %squeeze3A_557 = vector.extract %slice3A_556[0] : f32 from vector<1xf32>
        %get3A_558 = arith.index_cast %scan3A_526 : i32 to index
        %get3A_559 = arith.constant 32 : index
        %get3A_560 = tpu.vector_load %arg22[%get3A_558, %get3A_559] {strides = array<i32>} : memref<80x128xf32, #tpu.memory_space<vmem>>, vector<1x16xf32>,
        %get3A_561 = vector.shape_cast %get3A_560 : vector<1x16xf32> to vector<16xf32>
        %mul3A_562 = vector.broadcast %squeeze3A_557 : f32 to vector<16xf32>
        %mul3A_563 = arith.mulf %get3A_561, %mul3A_562 : vector<16xf32>
        %swap3A_564 = arith.index_cast %scan3A_526 : i32 to index
        %swap3A_565 = arith.constant 32 : index
        %swap3A_566 = tpu.vector_load %arg24[%swap3A_564, %swap3A_565] {strides = array<i32>} : memref<80x128xf32, #tpu.memory_space<vmem>>, vector<1x16xf32>,
        %swap3A_567 = vector.shape_cast %swap3A_566 : vector<1x16xf32> to vector<16xf32>
        %swap3A_568 = vector.shape_cast %mul3A_563 : vector<16xf32> to vector<1x16xf32>
        tpu.vector_store %arg24[%swap3A_564, %swap3A_565], %swap3A_568 {strides = array<i32>} : memref<80x128xf32, #tpu.memory_space<vmem>>, vector<1x16xf32>,
        %slice3A_569 = vector.extract_strided_slice %get3A_531 {offsets = [3], sizes = [1], strides = [1]} : vector<16xf32> to vector<1xf32>
        %squeeze3A_570 = vector.extract %slice3A_569[0] : f32 from vector<1xf32>
        %get3A_571 = arith.index_cast %scan3A_526 : i32 to index
        %get3A_572 = arith.constant 48 : index
        %get3A_573 = tpu.vector_load %arg22[%get3A_571, %get3A_572] {strides = array<i32>} : memref<80x128xf32, #tpu.memory_space<vmem>>, vector<1x16xf32>,
        %get3A_574 = vector.shape_cast %get3A_573 : vector<1x16xf32> to vector<16xf32>
        %mul3A_575 = vector.broadcast %squeeze3A_570 : f32 to vector<16xf32>
        %mul3A_576 = arith.mulf %get3A_574, %mul3A_575 : vector<16xf32>
        %swap3A_577 = arith.index_cast %scan3A_526 : i32 to index
        %swap3A_578 = arith.constant 48 : index
        %swap3A_579 = tpu.vector_load %arg24[%swap3A_577, %swap3A_578] {strides = array<i32>} : memref<80x128xf32, #tpu.memory_space<vmem>>, vector<1x16xf32>,
        %swap3A_580 = vector.shape_cast %swap3A_579 : vector<1x16xf32> to vector<16xf32>
        %swap3A_581 = vector.shape_cast %mul3A_576 : vector<16xf32> to vector<1x16xf32>
        tpu.vector_store %arg24[%swap3A_577, %swap3A_578], %swap3A_581 {strides = array<i32>} : memref<80x128xf32, #tpu.memory_space<vmem>>, vector<1x16xf32>,
        %slice3A_582 = vector.extract_strided_slice %get3A_531 {offsets = [4], sizes = [1], strides = [1]} : vector<16xf32> to vector<1xf32>
        %squeeze3A_583 = vector.extract %slice3A_582[0] : f32 from vector<1xf32>
        %get3A_584 = arith.index_cast %scan3A_526 : i32 to index
        %get3A_585 = arith.constant 64 : index
        %get3A_586 = tpu.vector_load %arg22[%get3A_584, %get3A_585] {strides = array<i32>} : memref<80x128xf32, #tpu.memory_space<vmem>>, vector<1x16xf32>,
        %get3A_587 = vector.shape_cast %get3A_586 : vector<1x16xf32> to vector<16xf32>
        %mul3A_588 = vector.broadcast %squeeze3A_583 : f32 to vector<16xf32>
        %mul3A_589 = arith.mulf %get3A_587, %mul3A_588 : vector<16xf32>
        %swap3A_590 = arith.index_cast %scan3A_526 : i32 to index
        %swap3A_591 = arith.constant 64 : index
        %swap3A_592 = tpu.vector_load %arg24[%swap3A_590, %swap3A_591] {strides = array<i32>} : memref<80x128xf32, #tpu.memory_space<vmem>>, vector<1x16xf32>,
        %swap3A_593 = vector.shape_cast %swap3A_592 : vector<1x16xf32> to vector<16xf32>
        %swap3A_594 = vector.shape_cast %mul3A_589 : vector<16xf32> to vector<1x16xf32>
        tpu.vector_store %arg24[%swap3A_590, %swap3A_591], %swap3A_594 {strides = array<i32>} : memref<80x128xf32, #tpu.memory_space<vmem>>, vector<1x16xf32>,
        %slice3A_595 = vector.extract_strided_slice %get3A_531 {offsets = [5], sizes = [1], strides = [1]} : vector<16xf32> to vector<1xf32>
        %squeeze3A_596 = vector.extract %slice3A_595[0] : f32 from vector<1xf32>
        %get3A_597 = arith.index_cast %scan3A_526 : i32 to index
        %get3A_598 = arith.constant 80 : index
        %get3A_599 = tpu.vector_load %arg22[%get3A_597, %get3A_598] {strides = array<i32>} : memref<80x128xf32, #tpu.memory_space<vmem>>, vector<1x16xf32>,
        %get3A_600 = vector.shape_cast %get3A_599 : vector<1x16xf32> to vector<16xf32>
        %mul3A_601 = vector.broadcast %squeeze3A_596 : f32 to vector<16xf32>
        %mul3A_602 = arith.mulf %get3A_600, %mul3A_601 : vector<16xf32>
        %swap3A_603 = arith.index_cast %scan3A_526 : i32 to index
        %swap3A_604 = arith.constant 80 : index
        %swap3A_605 = tpu.vector_load %arg24[%swap3A_603, %swap3A_604] {strides = array<i32>} : memref<80x128xf32, #tpu.memory_space<vmem>>, vector<1x16xf32>,
        %swap3A_606 = vector.shape_cast %swap3A_605 : vector<1x16xf32> to vector<16xf32>
        %swap3A_607 = vector.shape_cast %mul3A_602 : vector<16xf32> to vector<1x16xf32>
        tpu.vector_store %arg24[%swap3A_603, %swap3A_604], %swap3A_607 {strides = array<i32>} : memref<80x128xf32, #tpu.memory_space<vmem>>, vector<1x16xf32>,
        %slice3A_608 = vector.extract_strided_slice %get3A_531 {offsets = [6], sizes = [1], strides = [1]} : vector<16xf32> to vector<1xf32>
        %squeeze3A_609 = vector.extract %slice3A_608[0] : f32 from vector<1xf32>
        %get3A_610 = arith.index_cast %scan3A_526 : i32 to index
        %get3A_611 = arith.constant 96 : index
        %get3A_612 = tpu.vector_load %arg22[%get3A_610, %get3A_611] {strides = array<i32>} : memref<80x128xf32, #tpu.memory_space<vmem>>, vector<1x16xf32>,
        %get3A_613 = vector.shape_cast %get3A_612 : vector<1x16xf32> to vector<16xf32>
        %mul3A_614 = vector.broadcast %squeeze3A_609 : f32 to vector<16xf32>
        %mul3A_615 = arith.mulf %get3A_613, %mul3A_614 : vector<16xf32>
        %swap3A_616 = arith.index_cast %scan3A_526 : i32 to index
        %swap3A_617 = arith.constant 96 : index
        %swap3A_618 = tpu.vector_load %arg24[%swap3A_616, %swap3A_617] {strides = array<i32>} : memref<80x128xf32, #tpu.memory_space<vmem>>, vector<1x16xf32>,
        %swap3A_619 = vector.shape_cast %swap3A_618 : vector<1x16xf32> to vector<16xf32>
        %swap3A_620 = vector.shape_cast %mul3A_615 : vector<16xf32> to vector<1x16xf32>
        tpu.vector_store %arg24[%swap3A_616, %swap3A_617], %swap3A_620 {strides = array<i32>} : memref<80x128xf32, #tpu.memory_space<vmem>>, vector<1x16xf32>,
        %slice3A_621 = vector.extract_strided_slice %get3A_531 {offsets = [7], sizes = [1], strides = [1]} : vector<16xf32> to vector<1xf32>
        %squeeze3A_622 = vector.extract %slice3A_621[0] : f32 from vector<1xf32>
        %get3A_623 = arith.index_cast %scan3A_526 : i32 to index
        %get3A_624 = arith.constant 112 : index
        %get3A_625 = tpu.vector_load %arg22[%get3A_623, %get3A_624] {strides = array<i32>} : memref<80x128xf32, #tpu.memory_space<vmem>>, vector<1x16xf32>,
        %get3A_626 = vector.shape_cast %get3A_625 : vector<1x16xf32> to vector<16xf32>
        %mul3A_627 = vector.broadcast %squeeze3A_622 : f32 to vector<16xf32>
        %mul3A_628 = arith.mulf %get3A_626, %mul3A_627 : vector<16xf32>
        %swap3A_629 = arith.index_cast %scan3A_526 : i32 to index
        %swap3A_630 = arith.constant 112 : index
        %swap3A_631 = tpu.vector_load %arg24[%swap3A_629, %swap3A_630] {strides = array<i32>} : memref<80x128xf32, #tpu.memory_space<vmem>>, vector<1x16xf32>,
        %swap3A_632 = vector.shape_cast %swap3A_631 : vector<1x16xf32> to vector<16xf32>
        %swap3A_633 = vector.shape_cast %mul3A_628 : vector<16xf32> to vector<1x16xf32>
        tpu.vector_store %arg24[%swap3A_629, %swap3A_630], %swap3A_633 {strides = array<i32>} : memref<80x128xf32, #tpu.memory_space<vmem>>, vector<1x16xf32>,
      }
      %scan3A_517 = arith.constant 80 : i32
      %dma_start3A_518 = arith.constant 0 : i32
      %dma_start3A_519 = arith.constant 0 : i32
      %dma_start3A_520 = tpu.memref_slice %arg8[%dma_start3A_518, %dma_start3A_519] : memref<10240x128xf32, #tpu.memory_space<vmem_shared>> -> memref<10240x128xf32, #tpu.memory_space<vmem_shared>>
      tpu.enqueue_indirect_dma source(%arg24 : memref<80x128xf32, #tpu.memory_space<vmem>>) target(%dma_start3A_520 : memref<10240x128xf32, #tpu.memory_space<vmem_shared>>) offsets(%arg21 : memref<80xi32, #tpu.memory_space<vmem>>) semaphore(%arg32 : memref<!tpu.dma_semaphore, #tpu.memory_space<semaphore_mem>>) {add = true}
      %le3A_521 = arith.constant 122 : i32
      %le3A_522 = arith.cmpi sle, %add3A_374, %le3A_521 : i32
      %convert_element_type3A_523 = arith.extui %le3A_522 : i1 to i32
      %cond3A_524 = arith.constant 0 : i32
      %cond3A_525 = arith.cmpi ne, %convert_element_type3A_523, %cond3A_524 : i32
      scf.if %cond3A_525 {
        %add3A_526 = arith.constant 2 : i32
        %add3A_527 = arith.addi %add3A_374, %add3A_526 : i32
        %mul3A_528 = arith.constant 80 : i32
        %mul3A_529 = arith.muli %add3A_527, %mul3A_528 : i32
        %add3A_530 = arith.addi %mul3A_3, %mul3A_529 : i32
        %mul3A_531 = arith.constant 16 : i32
        %mul3A_532 = arith.muli %add3A_530, %mul3A_531 : i32
        %dma_start3A_533 = tpu.memref_slice %arg6[%mul3A_532] : memref<5120000xf32, #tpu.memory_space<hbm>> -> memref<1280xf32, #tpu.memory_space<hbm>>
        %dma_start3A_534 = tpu.memref_slice %arg6[%mul3A_532] : memref<5120000xf32, #tpu.memory_space<hbm>> -> memref<1280xf32, #tpu.memory_space<hbm>>
        tpu.enqueue_dma source(%dma_start3A_534 : memref<1280xf32, #tpu.memory_space<hbm>>) target(%arg23 : memref<1280xf32, #tpu.memory_space<vmem>>) target_semaphore(%arg31 : memref<!tpu.dma_semaphore, #tpu.memory_space<semaphore_mem>>)
      } else {
      }
    }
    %scan3A_155 = arith.constant 62 : i32
    %dma_wait3A_156 = arith.constant 0 : i32
    %dma_wait3A_157 = arith.constant 0 : i32
    %dma_wait3A_158 = tpu.memref_slice %arg5[%dma_wait3A_156, %dma_wait3A_157] : memref<80000x128xf32, #tpu.memory_space<hbm>> -> memref<80000x128xf32, #tpu.memory_space<hbm>>
    tpu.wait_indirect_dma semaphore(%arg26 : memref<!tpu.dma_semaphore, #tpu.memory_space<semaphore_mem>>) src(%dma_wait3A_158 : memref<80000x128xf32, #tpu.memory_space<hbm>>) dst(%arg14 : memref<80x128xf32, #tpu.memory_space<vmem>>)
    %dma_wait3A_159 = arith.constant 0 : i32
    %dma_wait3A_160 = arith.constant 0 : i32
    %dma_wait3A_161 = tpu.memref_slice %arg8[%dma_wait3A_159, %dma_wait3A_160] : memref<10240x128xf32, #tpu.memory_space<vmem_shared>> -> memref<10240x128xf32, #tpu.memory_space<vmem_shared>>
    tpu.wait_indirect_dma semaphore(%arg28 : memref<!tpu.dma_semaphore, #tpu.memory_space<semaphore_mem>>) src(%arg16 : memref<80x128xf32, #tpu.memory_space<vmem>>) dst(%dma_wait3A_161 : memref<10240x128xf32, #tpu.memory_space<vmem_shared>>)
    %get3A_162 = arith.constant 0 : index
    %get3A_163 = tpu.vector_load %arg10[%get3A_162] {strides = array<i32>} : memref<80xi32, #tpu.memory_space<vmem>>, vector<16xi32>,
    %get3A_164 = vector.shape_cast %get3A_163 : vector<16xi32> to vector<16xi32>
    %swap3A_165 = arith.constant 0 : index
    %swap3A_166 = tpu.vector_load %arg13[%swap3A_165] {strides = array<i32>} : memref<80xi32, #tpu.memory_space<vmem>>, vector<16xi32>,
    %swap3A_167 = vector.shape_cast %swap3A_166 : vector<16xi32> to vector<16xi32>
    %swap3A_168 = vector.shape_cast %get3A_164 : vector<16xi32> to vector<16xi32>
    tpu.vector_store %arg13[%swap3A_165], %swap3A_168 {strides = array<i32>} : memref<80xi32, #tpu.memory_space<vmem>>, vector<16xi32>,
    %get3A_169 = arith.constant 16 : index
    %get3A_170 = tpu.vector_load %arg10[%get3A_169] {strides = array<i32>} : memref<80xi32, #tpu.memory_space<vmem>>, vector<16xi32>,
    %get3A_171 = vector.shape_cast %get3A_170 : vector<16xi32> to vector<16xi32>
    %swap3A_172 = arith.constant 16 : index
    %swap3A_173 = tpu.vector_load %arg13[%swap3A_172] {strides = array<i32>} : memref<80xi32, #tpu.memory_space<vmem>>, vector<16xi32>,
    %swap3A_174 = vector.shape_cast %swap3A_173 : vector<16xi32> to vector<16xi32>
    %swap3A_175 = vector.shape_cast %get3A_171 : vector<16xi32> to vector<16xi32>
    tpu.vector_store %arg13[%swap3A_172], %swap3A_175 {strides = array<i32>} : memref<80xi32, #tpu.memory_space<vmem>>, vector<16xi32>,
    %get3A_176 = arith.constant 32 : index
    %get3A_177 = tpu.vector_load %arg10[%get3A_176] {strides = array<i32>} : memref<80xi32, #tpu.memory_space<vmem>>, vector<16xi32>,
    %get3A_178 = vector.shape_cast %get3A_177 : vector<16xi32> to vector<16xi32>
    %swap3A_179 = arith.constant 32 : index
    %swap3A_180 = tpu.vector_load %arg13[%swap3A_179] {strides = array<i32>} : memref<80xi32, #tpu.memory_space<vmem>>, vector<16xi32>,
    %swap3A_181 = vector.shape_cast %swap3A_180 : vector<16xi32> to vector<16xi32>
    %swap3A_182 = vector.shape_cast %get3A_178 : vector<16xi32> to vector<16xi32>
    tpu.vector_store %arg13[%swap3A_179], %swap3A_182 {strides = array<i32>} : memref<80xi32, #tpu.memory_space<vmem>>, vector<16xi32>,
    %get3A_183 = arith.constant 48 : index
    %get3A_184 = tpu.vector_load %arg10[%get3A_183] {strides = array<i32>} : memref<80xi32, #tpu.memory_space<vmem>>, vector<16xi32>,
    %get3A_185 = vector.shape_cast %get3A_184 : vector<16xi32> to vector<16xi32>
    %swap3A_186 = arith.constant 48 : index
    %swap3A_187 = tpu.vector_load %arg13[%swap3A_186] {strides = array<i32>} : memref<80xi32, #tpu.memory_space<vmem>>, vector<16xi32>,
    %swap3A_188 = vector.shape_cast %swap3A_187 : vector<16xi32> to vector<16xi32>
    %swap3A_189 = vector.shape_cast %get3A_185 : vector<16xi32> to vector<16xi32>
    tpu.vector_store %arg13[%swap3A_186], %swap3A_189 {strides = array<i32>} : memref<80xi32, #tpu.memory_space<vmem>>, vector<16xi32>,
    %get3A_190 = arith.constant 64 : index
    %get3A_191 = tpu.vector_load %arg10[%get3A_190] {strides = array<i32>} : memref<80xi32, #tpu.memory_space<vmem>>, vector<16xi32>,
    %get3A_192 = vector.shape_cast %get3A_191 : vector<16xi32> to vector<16xi32>
    %swap3A_193 = arith.constant 64 : index
    %swap3A_194 = tpu.vector_load %arg13[%swap3A_193] {strides = array<i32>} : memref<80xi32, #tpu.memory_space<vmem>>, vector<16xi32>,
    %swap3A_195 = vector.shape_cast %swap3A_194 : vector<16xi32> to vector<16xi32>
    %swap3A_196 = vector.shape_cast %get3A_192 : vector<16xi32> to vector<16xi32>
    tpu.vector_store %arg13[%swap3A_193], %swap3A_196 {strides = array<i32>} : memref<80xi32, #tpu.memory_space<vmem>>, vector<16xi32>,
    %dma_wait3A_197 = arith.constant 0 : i32
    %dma_wait3A_198 = tpu.memref_slice %arg6[%dma_wait3A_197] : memref<5120000xf32, #tpu.memory_space<hbm>> -> memref<1280xf32, #tpu.memory_space<hbm>>
    %dma_wait3A_199 = arith.constant 0 : i32
    %dma_wait3A_200 = tpu.memref_slice %arg6[%dma_wait3A_199] : memref<5120000xf32, #tpu.memory_space<hbm>> -> memref<1280xf32, #tpu.memory_space<hbm>>
    tpu.wait_dma2 semaphore(%arg27 : memref<!tpu.dma_semaphore, #tpu.memory_space<semaphore_mem>>) src(%dma_wait3A_200 : memref<1280xf32, #tpu.memory_space<hbm>>) dst(%arg15 : memref<1280xf32, #tpu.memory_space<vmem>>)
    %scan3A_201 = arith.constant 0 : i32
    %scan3A_202 = arith.constant 0 : i32
    %scan3A_203 = arith.constant 80 : i32
    %scan3A_204 = arith.addi %scan3A_202, %scan3A_203 : i32
    %scan3A_205 = arith.constant 1 : i32
    scf.for %scan3A_221 = %scan3A_202 to %scan3A_204 step %scan3A_205  : i32 {
      %mul3A_222 = arith.constant 16 : i32
      %mul3A_223 = arith.muli %scan3A_221, %mul3A_222 : i32
      %get3A_224 = arith.index_cast %mul3A_223 : i32 to index
      %get3A_225 = tpu.vector_load %arg15[%get3A_224] {strides = array<i32>} : memref<1280xf32, #tpu.memory_space<vmem>>, vector<16xf32>,
      %get3A_226 = vector.shape_cast %get3A_225 : vector<16xf32> to vector<16xf32>
      %slice3A = vector.extract_strided_slice %get3A_226 {offsets = [0], sizes = [1], strides = [1]} : vector<16xf32> to vector<1xf32>
      %squeeze3A = vector.extract %slice3A[0] : f32 from vector<1xf32>
      %get3A_227 = arith.index_cast %scan3A_221 : i32 to index
      %get3A_228 = arith.constant 0 : index
      %get3A_229 = tpu.vector_load %arg14[%get3A_227, %get3A_228] {strides = array<i32>} : memref<80x128xf32, #tpu.memory_space<vmem>>, vector<1x16xf32>,
      %get3A_230 = vector.shape_cast %get3A_229 : vector<1x16xf32> to vector<16xf32>
      %mul3A_231 = vector.broadcast %squeeze3A : f32 to vector<16xf32>
      %mul3A_232 = arith.mulf %get3A_230, %mul3A_231 : vector<16xf32>
      %swap3A_233 = arith.index_cast %scan3A_221 : i32 to index
      %swap3A_234 = arith.constant 0 : index
      %swap3A_235 = tpu.vector_load %arg16[%swap3A_233, %swap3A_234] {strides = array<i32>} : memref<80x128xf32, #tpu.memory_space<vmem>>, vector<1x16xf32>,
      %swap3A_236 = vector.shape_cast %swap3A_235 : vector<1x16xf32> to vector<16xf32>
      %swap3A_237 = vector.shape_cast %mul3A_232 : vector<16xf32> to vector<1x16xf32>
      tpu.vector_store %arg16[%swap3A_233, %swap3A_234], %swap3A_237 {strides = array<i32>} : memref<80x128xf32, #tpu.memory_space<vmem>>, vector<1x16xf32>,
      %slice3A_238 = vector.extract_strided_slice %get3A_226 {offsets = [1], sizes = [1], strides = [1]} : vector<16xf32> to vector<1xf32>
      %squeeze3A_239 = vector.extract %slice3A_238[0] : f32 from vector<1xf32>
      %get3A_240 = arith.index_cast %scan3A_221 : i32 to index
      %get3A_241 = arith.constant 16 : index
      %get3A_242 = tpu.vector_load %arg14[%get3A_240, %get3A_241] {strides = array<i32>} : memref<80x128xf32, #tpu.memory_space<vmem>>, vector<1x16xf32>,
      %get3A_243 = vector.shape_cast %get3A_242 : vector<1x16xf32> to vector<16xf32>
      %mul3A_244 = vector.broadcast %squeeze3A_239 : f32 to vector<16xf32>
      %mul3A_245 = arith.mulf %get3A_243, %mul3A_244 : vector<16xf32>
      %swap3A_246 = arith.index_cast %scan3A_221 : i32 to index
      %swap3A_247 = arith.constant 16 : index
      %swap3A_248 = tpu.vector_load %arg16[%swap3A_246, %swap3A_247] {strides = array<i32>} : memref<80x128xf32, #tpu.memory_space<vmem>>, vector<1x16xf32>,
      %swap3A_249 = vector.shape_cast %swap3A_248 : vector<1x16xf32> to vector<16xf32>
      %swap3A_250 = vector.shape_cast %mul3A_245 : vector<16xf32> to vector<1x16xf32>
      tpu.vector_store %arg16[%swap3A_246, %swap3A_247], %swap3A_250 {strides = array<i32>} : memref<80x128xf32, #tpu.memory_space<vmem>>, vector<1x16xf32>,
      %slice3A_251 = vector.extract_strided_slice %get3A_226 {offsets = [2], sizes = [1], strides = [1]} : vector<16xf32> to vector<1xf32>
      %squeeze3A_252 = vector.extract %slice3A_251[0] : f32 from vector<1xf32>
      %get3A_253 = arith.index_cast %scan3A_221 : i32 to index
      %get3A_254 = arith.constant 32 : index
      %get3A_255 = tpu.vector_load %arg14[%get3A_253, %get3A_254] {strides = array<i32>} : memref<80x128xf32, #tpu.memory_space<vmem>>, vector<1x16xf32>,
      %get3A_256 = vector.shape_cast %get3A_255 : vector<1x16xf32> to vector<16xf32>
      %mul3A_257 = vector.broadcast %squeeze3A_252 : f32 to vector<16xf32>
      %mul3A_258 = arith.mulf %get3A_256, %mul3A_257 : vector<16xf32>
      %swap3A_259 = arith.index_cast %scan3A_221 : i32 to index
      %swap3A_260 = arith.constant 32 : index
      %swap3A_261 = tpu.vector_load %arg16[%swap3A_259, %swap3A_260] {strides = array<i32>} : memref<80x128xf32, #tpu.memory_space<vmem>>, vector<1x16xf32>,
      %swap3A_262 = vector.shape_cast %swap3A_261 : vector<1x16xf32> to vector<16xf32>
      %swap3A_263 = vector.shape_cast %mul3A_258 : vector<16xf32> to vector<1x16xf32>
      tpu.vector_store %arg16[%swap3A_259, %swap3A_260], %swap3A_263 {strides = array<i32>} : memref<80x128xf32, #tpu.memory_space<vmem>>, vector<1x16xf32>,
      %slice3A_264 = vector.extract_strided_slice %get3A_226 {offsets = [3], sizes = [1], strides = [1]} : vector<16xf32> to vector<1xf32>
      %squeeze3A_265 = vector.extract %slice3A_264[0] : f32 from vector<1xf32>
      %get3A_266 = arith.index_cast %scan3A_221 : i32 to index
      %get3A_267 = arith.constant 48 : index
      %get3A_268 = tpu.vector_load %arg14[%get3A_266, %get3A_267] {strides = array<i32>} : memref<80x128xf32, #tpu.memory_space<vmem>>, vector<1x16xf32>,
      %get3A_269 = vector.shape_cast %get3A_268 : vector<1x16xf32> to vector<16xf32>
      %mul3A_270 = vector.broadcast %squeeze3A_265 : f32 to vector<16xf32>
      %mul3A_271 = arith.mulf %get3A_269, %mul3A_270 : vector<16xf32>
      %swap3A_272 = arith.index_cast %scan3A_221 : i32 to index
      %swap3A_273 = arith.constant 48 : index
      %swap3A_274 = tpu.vector_load %arg16[%swap3A_272, %swap3A_273] {strides = array<i32>} : memref<80x128xf32, #tpu.memory_space<vmem>>, vector<1x16xf32>,
      %swap3A_275 = vector.shape_cast %swap3A_274 : vector<1x16xf32> to vector<16xf32>
      %swap3A_276 = vector.shape_cast %mul3A_271 : vector<16xf32> to vector<1x16xf32>
      tpu.vector_store %arg16[%swap3A_272, %swap3A_273], %swap3A_276 {strides = array<i32>} : memref<80x128xf32, #tpu.memory_space<vmem>>, vector<1x16xf32>,
      %slice3A_277 = vector.extract_strided_slice %get3A_226 {offsets = [4], sizes = [1], strides = [1]} : vector<16xf32> to vector<1xf32>
      %squeeze3A_278 = vector.extract %slice3A_277[0] : f32 from vector<1xf32>
      %get3A_279 = arith.index_cast %scan3A_221 : i32 to index
      %get3A_280 = arith.constant 64 : index
      %get3A_281 = tpu.vector_load %arg14[%get3A_279, %get3A_280] {strides = array<i32>} : memref<80x128xf32, #tpu.memory_space<vmem>>, vector<1x16xf32>,
      %get3A_282 = vector.shape_cast %get3A_281 : vector<1x16xf32> to vector<16xf32>
      %mul3A_283 = vector.broadcast %squeeze3A_278 : f32 to vector<16xf32>
      %mul3A_284 = arith.mulf %get3A_282, %mul3A_283 : vector<16xf32>
      %swap3A_285 = arith.index_cast %scan3A_221 : i32 to index
      %swap3A_286 = arith.constant 64 : index
      %swap3A_287 = tpu.vector_load %arg16[%swap3A_285, %swap3A_286] {strides = array<i32>} : memref<80x128xf32, #tpu.memory_space<vmem>>, vector<1x16xf32>,
      %swap3A_288 = vector.shape_cast %swap3A_287 : vector<1x16xf32> to vector<16xf32>
      %swap3A_289 = vector.shape_cast %mul3A_284 : vector<16xf32> to vector<1x16xf32>
      tpu.vector_store %arg16[%swap3A_285, %swap3A_286], %swap3A_289 {strides = array<i32>} : memref<80x128xf32, #tpu.memory_space<vmem>>, vector<1x16xf32>,
      %slice3A_290 = vector.extract_strided_slice %get3A_226 {offsets = [5], sizes = [1], strides = [1]} : vector<16xf32> to vector<1xf32>
      %squeeze3A_291 = vector.extract %slice3A_290[0] : f32 from vector<1xf32>
      %get3A_292 = arith.index_cast %scan3A_221 : i32 to index
      %get3A_293 = arith.constant 80 : index
      %get3A_294 = tpu.vector_load %arg14[%get3A_292, %get3A_293] {strides = array<i32>} : memref<80x128xf32, #tpu.memory_space<vmem>>, vector<1x16xf32>,
      %get3A_295 = vector.shape_cast %get3A_294 : vector<1x16xf32> to vector<16xf32>
      %mul3A_296 = vector.broadcast %squeeze3A_291 : f32 to vector<16xf32>
      %mul3A_297 = arith.mulf %get3A_295, %mul3A_296 : vector<16xf32>
      %swap3A_298 = arith.index_cast %scan3A_221 : i32 to index
      %swap3A_299 = arith.constant 80 : index
      %swap3A_300 = tpu.vector_load %arg16[%swap3A_298, %swap3A_299] {strides = array<i32>} : memref<80x128xf32, #tpu.memory_space<vmem>>, vector<1x16xf32>,
      %swap3A_301 = vector.shape_cast %swap3A_300 : vector<1x16xf32> to vector<16xf32>
      %swap3A_302 = vector.shape_cast %mul3A_297 : vector<16xf32> to vector<1x16xf32>
      tpu.vector_store %arg16[%swap3A_298, %swap3A_299], %swap3A_302 {strides = array<i32>} : memref<80x128xf32, #tpu.memory_space<vmem>>, vector<1x16xf32>,
      %slice3A_303 = vector.extract_strided_slice %get3A_226 {offsets = [6], sizes = [1], strides = [1]} : vector<16xf32> to vector<1xf32>
      %squeeze3A_304 = vector.extract %slice3A_303[0] : f32 from vector<1xf32>
      %get3A_305 = arith.index_cast %scan3A_221 : i32 to index
      %get3A_306 = arith.constant 96 : index
      %get3A_307 = tpu.vector_load %arg14[%get3A_305, %get3A_306] {strides = array<i32>} : memref<80x128xf32, #tpu.memory_space<vmem>>, vector<1x16xf32>,
      %get3A_308 = vector.shape_cast %get3A_307 : vector<1x16xf32> to vector<16xf32>
      %mul3A_309 = vector.broadcast %squeeze3A_304 : f32 to vector<16xf32>
      %mul3A_310 = arith.mulf %get3A_308, %mul3A_309 : vector<16xf32>
      %swap3A_311 = arith.index_cast %scan3A_221 : i32 to index
      %swap3A_312 = arith.constant 96 : index
      %swap3A_313 = tpu.vector_load %arg16[%swap3A_311, %swap3A_312] {strides = array<i32>} : memref<80x128xf32, #tpu.memory_space<vmem>>, vector<1x16xf32>,
      %swap3A_314 = vector.shape_cast %swap3A_313 : vector<1x16xf32> to vector<16xf32>
      %swap3A_315 = vector.shape_cast %mul3A_310 : vector<16xf32> to vector<1x16xf32>
      tpu.vector_store %arg16[%swap3A_311, %swap3A_312], %swap3A_315 {strides = array<i32>} : memref<80x128xf32, #tpu.memory_space<vmem>>, vector<1x16xf32>,
      %slice3A_316 = vector.extract_strided_slice %get3A_226 {offsets = [7], sizes = [1], strides = [1]} : vector<16xf32> to vector<1xf32>
      %squeeze3A_317 = vector.extract %slice3A_316[0] : f32 from vector<1xf32>
      %get3A_318 = arith.index_cast %scan3A_221 : i32 to index
      %get3A_319 = arith.constant 112 : index
      %get3A_320 = tpu.vector_load %arg14[%get3A_318, %get3A_319] {strides = array<i32>} : memref<80x128xf32, #tpu.memory_space<vmem>>, vector<1x16xf32>,
      %get3A_321 = vector.shape_cast %get3A_320 : vector<1x16xf32> to vector<16xf32>
      %mul3A_322 = vector.broadcast %squeeze3A_317 : f32 to vector<16xf32>
      %mul3A_323 = arith.mulf %get3A_321, %mul3A_322 : vector<16xf32>
      %swap3A_324 = arith.index_cast %scan3A_221 : i32 to index
      %swap3A_325 = arith.constant 112 : index
      %swap3A_326 = tpu.vector_load %arg16[%swap3A_324, %swap3A_325] {strides = array<i32>} : memref<80x128xf32, #tpu.memory_space<vmem>>, vector<1x16xf32>,
      %swap3A_327 = vector.shape_cast %swap3A_326 : vector<1x16xf32> to vector<16xf32>
      %swap3A_328 = vector.shape_cast %mul3A_323 : vector<16xf32> to vector<1x16xf32>
      tpu.vector_store %arg16[%swap3A_324, %swap3A_325], %swap3A_328 {strides = array<i32>} : memref<80x128xf32, #tpu.memory_space<vmem>>, vector<1x16xf32>,
    }
    %scan3A_206 = arith.constant 80 : i32
    %dma_start3A_207 = arith.constant 0 : i32
    %dma_start3A_208 = arith.constant 0 : i32
    %dma_start3A_209 = tpu.memref_slice %arg8[%dma_start3A_207, %dma_start3A_208] : memref<10240x128xf32, #tpu.memory_space<vmem_shared>> -> memref<10240x128xf32, #tpu.memory_space<vmem_shared>>
    tpu.enqueue_indirect_dma source(%arg16 : memref<80x128xf32, #tpu.memory_space<vmem>>) target(%dma_start3A_209 : memref<10240x128xf32, #tpu.memory_space<vmem_shared>>) offsets(%arg13 : memref<80xi32, #tpu.memory_space<vmem>>) semaphore(%arg28 : memref<!tpu.dma_semaphore, #tpu.memory_space<semaphore_mem>>) {add = true}
    %dma_wait3A_210 = arith.constant 0 : i32
    %dma_wait3A_211 = arith.constant 0 : i32
    %dma_wait3A_212 = tpu.memref_slice %arg8[%dma_wait3A_210, %dma_wait3A_211] : memref<10240x128xf32, #tpu.memory_space<vmem_shared>> -> memref<10240x128xf32, #tpu.memory_space<vmem_shared>>
    tpu.wait_indirect_dma semaphore(%arg32 : memref<!tpu.dma_semaphore, #tpu.memory_space<semaphore_mem>>) src(%arg24 : memref<80x128xf32, #tpu.memory_space<vmem>>) dst(%dma_wait3A_212 : memref<10240x128xf32, #tpu.memory_space<vmem_shared>>)
    %dma_wait3A_213 = arith.constant 0 : i32
    %dma_wait3A_214 = arith.constant 0 : i32
    %dma_wait3A_215 = tpu.memref_slice %arg8[%dma_wait3A_213, %dma_wait3A_214] : memref<10240x128xf32, #tpu.memory_space<vmem_shared>> -> memref<10240x128xf32, #tpu.memory_space<vmem_shared>>
    tpu.wait_indirect_dma semaphore(%arg28 : memref<!tpu.dma_semaphore, #tpu.memory_space<semaphore_mem>>) src(%arg16 : memref<80x128xf32, #tpu.memory_space<vmem>>) dst(%dma_wait3A_215 : memref<10240x128xf32, #tpu.memory_space<vmem_shared>>)
    %barrier3A_216 = arith.constant 0 : index
    tpu.barrier barrier_id(%barrier3A_216)
    %mul3A_217 = arith.constant 640 : i32
    %mul3A_218 = arith.muli %arg1, %mul3A_217 : i32
    %mul3A_219 = arith.constant 640 : i32
    %mul3A_220 = arith.muli %arg1, %mul3A_219 : i32
    "tpu.region"() ({
      %run_scoped3A = tpu.sem_alloc : memref<!tpu.dma_semaphore, #tpu.memory_space<semaphore_mem>>
      %dma_start3A_221 = arith.constant 0 : i32
      %dma_start3A_222 = tpu.memref_slice %arg7[%arg0, %mul3A_220, %dma_start3A_221] : memref<2x10240x128xf32, #tpu.memory_space<hbm>> -> memref<1x640x128xf32, #tpu.memory_space<hbm>>
      %dma_start3A_223 = tpu.memref_squeeze %dma_start3A_222 : memref<1x640x128xf32, #tpu.memory_space<hbm>> -> memref<640x128xf32, #tpu.memory_space<hbm>>
      %dma_start3A_224 = arith.constant 0 : i32
      %dma_start3A_225 = tpu.memref_slice %arg8[%mul3A_218, %dma_start3A_224] : memref<10240x128xf32, #tpu.memory_space<vmem_shared>> -> memref<640x128xf32, #tpu.memory_space<vmem_shared>>
      tpu.enqueue_dma source(%dma_start3A_225 : memref<640x128xf32, #tpu.memory_space<vmem_shared>>) target(%dma_start3A_223 : memref<640x128xf32, #tpu.memory_space<hbm>>) target_semaphore(%run_scoped3A : memref<!tpu.dma_semaphore, #tpu.memory_space<semaphore_mem>>)
      %dma_wait3A_226 = arith.constant 0 : i32
      %dma_wait3A_227 = tpu.memref_slice %arg7[%arg0, %mul3A_220, %dma_wait3A_226] : memref<2x10240x128xf32, #tpu.memory_space<hbm>> -> memref<1x640x128xf32, #tpu.memory_space<hbm>>
      %dma_wait3A_228 = tpu.memref_squeeze %dma_wait3A_227 : memref<1x640x128xf32, #tpu.memory_space<hbm>> -> memref<640x128xf32, #tpu.memory_space<hbm>>
      %dma_wait3A_229 = arith.constant 0 : i32
      %dma_wait3A_230 = tpu.memref_slice %arg8[%mul3A_218, %dma_wait3A_229] : memref<10240x128xf32, #tpu.memory_space<vmem_shared>> -> memref<640x128xf32, #tpu.memory_space<vmem_shared>>
      tpu.wait_dma2 semaphore(%run_scoped3A : memref<!tpu.dma_semaphore, #tpu.memory_space<semaphore_mem>>) src(%dma_wait3A_230 : memref<640x128xf32, #tpu.memory_space<vmem_shared>>) dst(%dma_wait3A_228 : memref<640x128xf32, #tpu.memory_space<hbm>>)
      tpu.yield
    }) : () -> ()
    return
  }
}

module attributes {stable_mosaic.version = 14 : i64} {
  func.func @_prep_body(%arg0: i32, %arg1: memref<1000x128xf32, #tpu.memory_space<vmem>>, %arg2: memref<1000x1xi32, #tpu.memory_space<vmem>>, %arg3: memref<8x32xf32, #tpu.memory_space<vmem>>, %arg4: memref<8x160x128xf32, #tpu.memory_space<vmem>>, %arg5: memref<128x8xf32, #tpu.memory_space<vmem>>, %arg6: memref<128x8xf32, #tpu.memory_space<vmem>>, %arg7: memref<1000x8x128xf32, #tpu.memory_space<vmem>>, %arg8: memref<1000x128xf32, #tpu.memory_space<vmem>>, %arg9: memref<1000x128xf32, #tpu.memory_space<vmem>>) attributes {dimension_semantics = [#tpu.dimension_semantics<arbitrary>], iteration_bounds = array<i64: 10>, scalar_prefetch = 0 : i64, scratch_operands = 0 : i64, tpu.core_type = #tpu.core_type<tc>, window_params = [{transform_indices = @transform_0, window_bounds = array<i64: 1000, 128>}, {transform_indices = @transform_1, window_bounds = array<i64: 1000, 1>}, {pipeline_mode = #tpu.pipeline_mode<synchronous>, transform_indices = @transform_2, window_bounds = array<i64: 8, 32>}, {pipeline_mode = #tpu.pipeline_mode<synchronous>, transform_indices = @transform_3, window_bounds = array<i64: 8, 160, 128>}, {pipeline_mode = #tpu.pipeline_mode<synchronous>, transform_indices = @transform_4, window_bounds = array<i64: 128, 8>}, {pipeline_mode = #tpu.pipeline_mode<synchronous>, transform_indices = @transform_5, window_bounds = array<i64: 128, 8>}, {transform_indices = @transform_6, window_bounds = array<i64: 1000, 8, 128>}, {transform_indices = @transform_7, window_bounds = array<i64: 1000, 128>}, {transform_indices = @transform_8, window_bounds = array<i64: 1000, 128>}]} {
    %get3A = arith.constant 0 : index
    %get3A_0 = arith.constant 0 : index
    %get3A_1 = vector.load %arg1[%get3A, %get3A_0] : memref<1000x128xf32, #tpu.memory_space<vmem>>, vector<1000x128xf32>
    %get3A_2 = arith.constant 0 : index
    %get3A_3 = arith.constant 0 : index
    %get3A_4 = vector.load %arg2[%get3A_2, %get3A_3] : memref<1000x1xi32, #tpu.memory_space<vmem>>, vector<1000x1xi32>
    %iota3A = tpu.iota {dimensions = array<i32: 1>} : vector<1x8xi32>
    %eq3A = vector.broadcast %get3A_4 : vector<1000x1xi32> to vector<1000x8xi32>
    %eq3A_5 = vector.broadcast %iota3A : vector<1x8xi32> to vector<1000x8xi32>
    %eq3A_6 = arith.cmpi eq, %eq3A, %eq3A_5 : vector<1000x8xi32>
    %convert_element_type3A = arith.extui %eq3A_6 : vector<1000x8xi1> to vector<1000x8xi32>
    %convert_element_type3A_7 = arith.sitofp %convert_element_type3A : vector<1000x8xi32> to vector<1000x8xf32>
    %get3A_8 = arith.constant 0 : index
    %get3A_9 = arith.constant 0 : index
    %get3A_10 = vector.load %arg3[%get3A_8, %get3A_9] : memref<8x32xf32, #tpu.memory_space<vmem>>, vector<8x32xf32>
    %dot_general3A = arith.constant dense<0.000000e+00> : vector<1000x32xf32>
    %dot_general3A_11 = tpu.matmul %convert_element_type3A_7, %get3A_10, %dot_general3A {dimension_numbers = #tpu.dot_dimension_numbers<[1], [0], [0], [1], [0, 0, 1, 1], [], []>, transpose_lhs_hint = false} : vector<1000x8xf32>, vector<8x32xf32>, vector<1000x32xf32> -> vector<1000x32xf32>
    %broadcast_in_dim3A = arith.constant 0.000000e+00 : f32
    %broadcast_in_dim3A_12 = vector.broadcast %broadcast_in_dim3A : f32 to vector<128x8xf32>
    %get3A_13 = arith.constant 0 : index
    %get3A_14 = arith.constant 0 : index
    %get3A_15 = vector.load %arg5[%get3A_13, %get3A_14] : memref<128x8xf32, #tpu.memory_space<vmem>>, vector<128x8xf32>
    %concatenate3A = tpu.concatenate %get3A_15, %broadcast_in_dim3A_12 in 1 : vector<128x8xf32>, vector<128x8xf32> -> vector<128x16xf32>
    %get3A_16 = arith.constant 0 : index
    %get3A_17 = arith.constant 0 : index
    %get3A_18 = vector.load %arg6[%get3A_16, %get3A_17] : memref<128x8xf32, #tpu.memory_space<vmem>>, vector<128x8xf32>
    %concatenate3A_19 = tpu.concatenate %get3A_18, %broadcast_in_dim3A_12 in 1 : vector<128x8xf32>, vector<128x8xf32> -> vector<128x16xf32>
    %get3A_20 = arith.constant 0 : index
    %get3A_21 = arith.constant 0 : index
    %get3A_22 = arith.constant 0 : index
    %get3A_23 = vector.load %arg4[%get3A_20, %get3A_21, %get3A_22] : memref<8x160x128xf32, #tpu.memory_space<vmem>>, vector<1x128x128xf32>
    %get3A_24 = vector.shape_cast %get3A_23 : vector<1x128x128xf32> to vector<128x128xf32>
    %get3A_25 = arith.constant 0 : index
    %get3A_26 = arith.constant 128 : index
    %get3A_27 = arith.constant 0 : index
    %get3A_28 = vector.load %arg4[%get3A_25, %get3A_26, %get3A_27] : memref<8x160x128xf32, #tpu.memory_space<vmem>>, vector<1x32x128xf32>
    %get3A_29 = vector.shape_cast %get3A_28 : vector<1x32x128xf32> to vector<32x128xf32>
    %dot_general3A_30 = arith.constant dense<0.000000e+00> : vector<1000x128xf32>
    %dot_general3A_31 = tpu.matmul %get3A_1, %get3A_24, %dot_general3A_30 {dimension_numbers = #tpu.dot_dimension_numbers<[1], [0], [0], [1], [0, 0, 1, 1], [], []>, transpose_lhs_hint = false} : vector<1000x128xf32>, vector<128x128xf32>, vector<1000x128xf32> -> vector<1000x128xf32>
    %dot_general3A_32 = arith.constant dense<0.000000e+00> : vector<1000x128xf32>
    %dot_general3A_33 = tpu.matmul %dot_general3A_11, %get3A_29, %dot_general3A_32 {dimension_numbers = #tpu.dot_dimension_numbers<[1], [0], [0], [1], [0, 0, 1, 1], [], []>, transpose_lhs_hint = false} : vector<1000x32xf32>, vector<32x128xf32>, vector<1000x128xf32> -> vector<1000x128xf32>
    %add3A = arith.addf %dot_general3A_31, %dot_general3A_33 : vector<1000x128xf32>
    %swap3A = arith.constant 0 : index
    %swap3A_34 = arith.constant 0 : index
    %swap3A_35 = arith.constant 0 : index
    %swap3A_36 = vector.load %arg7[%swap3A, %swap3A_34, %swap3A_35] : memref<1000x8x128xf32, #tpu.memory_space<vmem>>, vector<1000x1x128xf32>
    %swap3A_37 = vector.shape_cast %swap3A_36 : vector<1000x1x128xf32> to vector<1000x128xf32>
    %swap3A_38 = vector.shape_cast %add3A : vector<1000x128xf32> to vector<1000x1x128xf32>
    tpu.vector_store %arg7[%swap3A, %swap3A_34, %swap3A_35], %swap3A_38 {strides = array<i32>} : memref<1000x8x128xf32, #tpu.memory_space<vmem>>, vector<1000x1x128xf32>,
    %dot_general3A_39 = arith.constant dense<0.000000e+00> : vector<1000x16xf32>
    %dot_general3A_40 = tpu.matmul %add3A, %concatenate3A, %dot_general3A_39 {dimension_numbers = #tpu.dot_dimension_numbers<[1], [0], [0], [1], [0, 0, 1, 1], [], []>, transpose_lhs_hint = false} : vector<1000x128xf32>, vector<128x16xf32>, vector<1000x16xf32> -> vector<1000x16xf32>
    %dot_general3A_41 = arith.constant dense<0.000000e+00> : vector<1000x16xf32>
    %dot_general3A_42 = tpu.matmul %add3A, %concatenate3A_19, %dot_general3A_41 {dimension_numbers = #tpu.dot_dimension_numbers<[1], [0], [0], [1], [0, 0, 1, 1], [], []>, transpose_lhs_hint = false} : vector<1000x128xf32>, vector<128x16xf32>, vector<1000x16xf32> -> vector<1000x16xf32>
    %get3A_43 = arith.constant 1 : index
    %get3A_44 = arith.constant 0 : index
    %get3A_45 = arith.constant 0 : index
    %get3A_46 = vector.load %arg4[%get3A_43, %get3A_44, %get3A_45] : memref<8x160x128xf32, #tpu.memory_space<vmem>>, vector<1x128x128xf32>
    %get3A_47 = vector.shape_cast %get3A_46 : vector<1x128x128xf32> to vector<128x128xf32>
    %get3A_48 = arith.constant 1 : index
    %get3A_49 = arith.constant 128 : index
    %get3A_50 = arith.constant 0 : index
    %get3A_51 = vector.load %arg4[%get3A_48, %get3A_49, %get3A_50] : memref<8x160x128xf32, #tpu.memory_space<vmem>>, vector<1x32x128xf32>
    %get3A_52 = vector.shape_cast %get3A_51 : vector<1x32x128xf32> to vector<32x128xf32>
    %dot_general3A_53 = arith.constant dense<0.000000e+00> : vector<1000x128xf32>
    %dot_general3A_54 = tpu.matmul %get3A_1, %get3A_47, %dot_general3A_53 {dimension_numbers = #tpu.dot_dimension_numbers<[1], [0], [0], [1], [0, 0, 1, 1], [], []>, transpose_lhs_hint = false} : vector<1000x128xf32>, vector<128x128xf32>, vector<1000x128xf32> -> vector<1000x128xf32>
    %dot_general3A_55 = arith.constant dense<0.000000e+00> : vector<1000x128xf32>
    %dot_general3A_56 = tpu.matmul %dot_general3A_11, %get3A_52, %dot_general3A_55 {dimension_numbers = #tpu.dot_dimension_numbers<[1], [0], [0], [1], [0, 0, 1, 1], [], []>, transpose_lhs_hint = false} : vector<1000x32xf32>, vector<32x128xf32>, vector<1000x128xf32> -> vector<1000x128xf32>
    %add3A_57 = arith.addf %dot_general3A_54, %dot_general3A_56 : vector<1000x128xf32>
    %swap3A_58 = arith.constant 0 : index
    %swap3A_59 = arith.constant 1 : index
    %swap3A_60 = arith.constant 0 : index
    %swap3A_61 = vector.load %arg7[%swap3A_58, %swap3A_59, %swap3A_60] : memref<1000x8x128xf32, #tpu.memory_space<vmem>>, vector<1000x1x128xf32>
    %swap3A_62 = vector.shape_cast %swap3A_61 : vector<1000x1x128xf32> to vector<1000x128xf32>
    %swap3A_63 = vector.shape_cast %add3A_57 : vector<1000x128xf32> to vector<1000x1x128xf32>
    tpu.vector_store %arg7[%swap3A_58, %swap3A_59, %swap3A_60], %swap3A_63 {strides = array<i32>} : memref<1000x8x128xf32, #tpu.memory_space<vmem>>, vector<1000x1x128xf32>,
    %dot_general3A_64 = arith.constant dense<0.000000e+00> : vector<1000x16xf32>
    %dot_general3A_65 = tpu.matmul %add3A_57, %concatenate3A, %dot_general3A_64 {dimension_numbers = #tpu.dot_dimension_numbers<[1], [0], [0], [1], [0, 0, 1, 1], [], []>, transpose_lhs_hint = false} : vector<1000x128xf32>, vector<128x16xf32>, vector<1000x16xf32> -> vector<1000x16xf32>
    %dot_general3A_66 = arith.constant dense<0.000000e+00> : vector<1000x16xf32>
    %dot_general3A_67 = tpu.matmul %add3A_57, %concatenate3A_19, %dot_general3A_66 {dimension_numbers = #tpu.dot_dimension_numbers<[1], [0], [0], [1], [0, 0, 1, 1], [], []>, transpose_lhs_hint = false} : vector<1000x128xf32>, vector<128x16xf32>, vector<1000x16xf32> -> vector<1000x16xf32>
    %get3A_68 = arith.constant 2 : index
    %get3A_69 = arith.constant 0 : index
    %get3A_70 = arith.constant 0 : index
    %get3A_71 = vector.load %arg4[%get3A_68, %get3A_69, %get3A_70] : memref<8x160x128xf32, #tpu.memory_space<vmem>>, vector<1x128x128xf32>
    %get3A_72 = vector.shape_cast %get3A_71 : vector<1x128x128xf32> to vector<128x128xf32>
    %get3A_73 = arith.constant 2 : index
    %get3A_74 = arith.constant 128 : index
    %get3A_75 = arith.constant 0 : index
    %get3A_76 = vector.load %arg4[%get3A_73, %get3A_74, %get3A_75] : memref<8x160x128xf32, #tpu.memory_space<vmem>>, vector<1x32x128xf32>
    %get3A_77 = vector.shape_cast %get3A_76 : vector<1x32x128xf32> to vector<32x128xf32>
    %dot_general3A_78 = arith.constant dense<0.000000e+00> : vector<1000x128xf32>
    %dot_general3A_79 = tpu.matmul %get3A_1, %get3A_72, %dot_general3A_78 {dimension_numbers = #tpu.dot_dimension_numbers<[1], [0], [0], [1], [0, 0, 1, 1], [], []>, transpose_lhs_hint = false} : vector<1000x128xf32>, vector<128x128xf32>, vector<1000x128xf32> -> vector<1000x128xf32>
    %dot_general3A_80 = arith.constant dense<0.000000e+00> : vector<1000x128xf32>
    %dot_general3A_81 = tpu.matmul %dot_general3A_11, %get3A_77, %dot_general3A_80 {dimension_numbers = #tpu.dot_dimension_numbers<[1], [0], [0], [1], [0, 0, 1, 1], [], []>, transpose_lhs_hint = false} : vector<1000x32xf32>, vector<32x128xf32>, vector<1000x128xf32> -> vector<1000x128xf32>
    %add3A_82 = arith.addf %dot_general3A_79, %dot_general3A_81 : vector<1000x128xf32>
    %swap3A_83 = arith.constant 0 : index
    %swap3A_84 = arith.constant 2 : index
    %swap3A_85 = arith.constant 0 : index
    %swap3A_86 = vector.load %arg7[%swap3A_83, %swap3A_84, %swap3A_85] : memref<1000x8x128xf32, #tpu.memory_space<vmem>>, vector<1000x1x128xf32>
    %swap3A_87 = vector.shape_cast %swap3A_86 : vector<1000x1x128xf32> to vector<1000x128xf32>
    %swap3A_88 = vector.shape_cast %add3A_82 : vector<1000x128xf32> to vector<1000x1x128xf32>
    tpu.vector_store %arg7[%swap3A_83, %swap3A_84, %swap3A_85], %swap3A_88 {strides = array<i32>} : memref<1000x8x128xf32, #tpu.memory_space<vmem>>, vector<1000x1x128xf32>,
    %dot_general3A_89 = arith.constant dense<0.000000e+00> : vector<1000x16xf32>
    %dot_general3A_90 = tpu.matmul %add3A_82, %concatenate3A, %dot_general3A_89 {dimension_numbers = #tpu.dot_dimension_numbers<[1], [0], [0], [1], [0, 0, 1, 1], [], []>, transpose_lhs_hint = false} : vector<1000x128xf32>, vector<128x16xf32>, vector<1000x16xf32> -> vector<1000x16xf32>
    %dot_general3A_91 = arith.constant dense<0.000000e+00> : vector<1000x16xf32>
    %dot_general3A_92 = tpu.matmul %add3A_82, %concatenate3A_19, %dot_general3A_91 {dimension_numbers = #tpu.dot_dimension_numbers<[1], [0], [0], [1], [0, 0, 1, 1], [], []>, transpose_lhs_hint = false} : vector<1000x128xf32>, vector<128x16xf32>, vector<1000x16xf32> -> vector<1000x16xf32>
    %get3A_93 = arith.constant 3 : index
    %get3A_94 = arith.constant 0 : index
    %get3A_95 = arith.constant 0 : index
    %get3A_96 = vector.load %arg4[%get3A_93, %get3A_94, %get3A_95] : memref<8x160x128xf32, #tpu.memory_space<vmem>>, vector<1x128x128xf32>
    %get3A_97 = vector.shape_cast %get3A_96 : vector<1x128x128xf32> to vector<128x128xf32>
    %get3A_98 = arith.constant 3 : index
    %get3A_99 = arith.constant 128 : index
    %get3A_100 = arith.constant 0 : index
    %get3A_101 = vector.load %arg4[%get3A_98, %get3A_99, %get3A_100] : memref<8x160x128xf32, #tpu.memory_space<vmem>>, vector<1x32x128xf32>
    %get3A_102 = vector.shape_cast %get3A_101 : vector<1x32x128xf32> to vector<32x128xf32>
    %dot_general3A_103 = arith.constant dense<0.000000e+00> : vector<1000x128xf32>
    %dot_general3A_104 = tpu.matmul %get3A_1, %get3A_97, %dot_general3A_103 {dimension_numbers = #tpu.dot_dimension_numbers<[1], [0], [0], [1], [0, 0, 1, 1], [], []>, transpose_lhs_hint = false} : vector<1000x128xf32>, vector<128x128xf32>, vector<1000x128xf32> -> vector<1000x128xf32>
    %dot_general3A_105 = arith.constant dense<0.000000e+00> : vector<1000x128xf32>
    %dot_general3A_106 = tpu.matmul %dot_general3A_11, %get3A_102, %dot_general3A_105 {dimension_numbers = #tpu.dot_dimension_numbers<[1], [0], [0], [1], [0, 0, 1, 1], [], []>, transpose_lhs_hint = false} : vector<1000x32xf32>, vector<32x128xf32>, vector<1000x128xf32> -> vector<1000x128xf32>
    %add3A_107 = arith.addf %dot_general3A_104, %dot_general3A_106 : vector<1000x128xf32>
    %swap3A_108 = arith.constant 0 : index
    %swap3A_109 = arith.constant 3 : index
    %swap3A_110 = arith.constant 0 : index
    %swap3A_111 = vector.load %arg7[%swap3A_108, %swap3A_109, %swap3A_110] : memref<1000x8x128xf32, #tpu.memory_space<vmem>>, vector<1000x1x128xf32>
    %swap3A_112 = vector.shape_cast %swap3A_111 : vector<1000x1x128xf32> to vector<1000x128xf32>
    %swap3A_113 = vector.shape_cast %add3A_107 : vector<1000x128xf32> to vector<1000x1x128xf32>
    tpu.vector_store %arg7[%swap3A_108, %swap3A_109, %swap3A_110], %swap3A_113 {strides = array<i32>} : memref<1000x8x128xf32, #tpu.memory_space<vmem>>, vector<1000x1x128xf32>,
    %dot_general3A_114 = arith.constant dense<0.000000e+00> : vector<1000x16xf32>
    %dot_general3A_115 = tpu.matmul %add3A_107, %concatenate3A, %dot_general3A_114 {dimension_numbers = #tpu.dot_dimension_numbers<[1], [0], [0], [1], [0, 0, 1, 1], [], []>, transpose_lhs_hint = false} : vector<1000x128xf32>, vector<128x16xf32>, vector<1000x16xf32> -> vector<1000x16xf32>
    %dot_general3A_116 = arith.constant dense<0.000000e+00> : vector<1000x16xf32>
    %dot_general3A_117 = tpu.matmul %add3A_107, %concatenate3A_19, %dot_general3A_116 {dimension_numbers = #tpu.dot_dimension_numbers<[1], [0], [0], [1], [0, 0, 1, 1], [], []>, transpose_lhs_hint = false} : vector<1000x128xf32>, vector<128x16xf32>, vector<1000x16xf32> -> vector<1000x16xf32>
    %get3A_118 = arith.constant 4 : index
    %get3A_119 = arith.constant 0 : index
    %get3A_120 = arith.constant 0 : index
    %get3A_121 = vector.load %arg4[%get3A_118, %get3A_119, %get3A_120] : memref<8x160x128xf32, #tpu.memory_space<vmem>>, vector<1x128x128xf32>
    %get3A_122 = vector.shape_cast %get3A_121 : vector<1x128x128xf32> to vector<128x128xf32>
    %get3A_123 = arith.constant 4 : index
    %get3A_124 = arith.constant 128 : index
    %get3A_125 = arith.constant 0 : index
    %get3A_126 = vector.load %arg4[%get3A_123, %get3A_124, %get3A_125] : memref<8x160x128xf32, #tpu.memory_space<vmem>>, vector<1x32x128xf32>
    %get3A_127 = vector.shape_cast %get3A_126 : vector<1x32x128xf32> to vector<32x128xf32>
    %dot_general3A_128 = arith.constant dense<0.000000e+00> : vector<1000x128xf32>
    %dot_general3A_129 = tpu.matmul %get3A_1, %get3A_122, %dot_general3A_128 {dimension_numbers = #tpu.dot_dimension_numbers<[1], [0], [0], [1], [0, 0, 1, 1], [], []>, transpose_lhs_hint = false} : vector<1000x128xf32>, vector<128x128xf32>, vector<1000x128xf32> -> vector<1000x128xf32>
    %dot_general3A_130 = arith.constant dense<0.000000e+00> : vector<1000x128xf32>
    %dot_general3A_131 = tpu.matmul %dot_general3A_11, %get3A_127, %dot_general3A_130 {dimension_numbers = #tpu.dot_dimension_numbers<[1], [0], [0], [1], [0, 0, 1, 1], [], []>, transpose_lhs_hint = false} : vector<1000x32xf32>, vector<32x128xf32>, vector<1000x128xf32> -> vector<1000x128xf32>
    %add3A_132 = arith.addf %dot_general3A_129, %dot_general3A_131 : vector<1000x128xf32>
    %swap3A_133 = arith.constant 0 : index
    %swap3A_134 = arith.constant 4 : index
    %swap3A_135 = arith.constant 0 : index
    %swap3A_136 = vector.load %arg7[%swap3A_133, %swap3A_134, %swap3A_135] : memref<1000x8x128xf32, #tpu.memory_space<vmem>>, vector<1000x1x128xf32>
    %swap3A_137 = vector.shape_cast %swap3A_136 : vector<1000x1x128xf32> to vector<1000x128xf32>
    %swap3A_138 = vector.shape_cast %add3A_132 : vector<1000x128xf32> to vector<1000x1x128xf32>
    tpu.vector_store %arg7[%swap3A_133, %swap3A_134, %swap3A_135], %swap3A_138 {strides = array<i32>} : memref<1000x8x128xf32, #tpu.memory_space<vmem>>, vector<1000x1x128xf32>,
    %dot_general3A_139 = arith.constant dense<0.000000e+00> : vector<1000x16xf32>
    %dot_general3A_140 = tpu.matmul %add3A_132, %concatenate3A, %dot_general3A_139 {dimension_numbers = #tpu.dot_dimension_numbers<[1], [0], [0], [1], [0, 0, 1, 1], [], []>, transpose_lhs_hint = false} : vector<1000x128xf32>, vector<128x16xf32>, vector<1000x16xf32> -> vector<1000x16xf32>
    %dot_general3A_141 = arith.constant dense<0.000000e+00> : vector<1000x16xf32>
    %dot_general3A_142 = tpu.matmul %add3A_132, %concatenate3A_19, %dot_general3A_141 {dimension_numbers = #tpu.dot_dimension_numbers<[1], [0], [0], [1], [0, 0, 1, 1], [], []>, transpose_lhs_hint = false} : vector<1000x128xf32>, vector<128x16xf32>, vector<1000x16xf32> -> vector<1000x16xf32>
    %get3A_143 = arith.constant 5 : index
    %get3A_144 = arith.constant 0 : index
    %get3A_145 = arith.constant 0 : index
    %get3A_146 = vector.load %arg4[%get3A_143, %get3A_144, %get3A_145] : memref<8x160x128xf32, #tpu.memory_space<vmem>>, vector<1x128x128xf32>
    %get3A_147 = vector.shape_cast %get3A_146 : vector<1x128x128xf32> to vector<128x128xf32>
    %get3A_148 = arith.constant 5 : index
    %get3A_149 = arith.constant 128 : index
    %get3A_150 = arith.constant 0 : index
    %get3A_151 = vector.load %arg4[%get3A_148, %get3A_149, %get3A_150] : memref<8x160x128xf32, #tpu.memory_space<vmem>>, vector<1x32x128xf32>
    %get3A_152 = vector.shape_cast %get3A_151 : vector<1x32x128xf32> to vector<32x128xf32>
    %dot_general3A_153 = arith.constant dense<0.000000e+00> : vector<1000x128xf32>
    %dot_general3A_154 = tpu.matmul %get3A_1, %get3A_147, %dot_general3A_153 {dimension_numbers = #tpu.dot_dimension_numbers<[1], [0], [0], [1], [0, 0, 1, 1], [], []>, transpose_lhs_hint = false} : vector<1000x128xf32>, vector<128x128xf32>, vector<1000x128xf32> -> vector<1000x128xf32>
    %dot_general3A_155 = arith.constant dense<0.000000e+00> : vector<1000x128xf32>
    %dot_general3A_156 = tpu.matmul %dot_general3A_11, %get3A_152, %dot_general3A_155 {dimension_numbers = #tpu.dot_dimension_numbers<[1], [0], [0], [1], [0, 0, 1, 1], [], []>, transpose_lhs_hint = false} : vector<1000x32xf32>, vector<32x128xf32>, vector<1000x128xf32> -> vector<1000x128xf32>
    %add3A_157 = arith.addf %dot_general3A_154, %dot_general3A_156 : vector<1000x128xf32>
    %swap3A_158 = arith.constant 0 : index
    %swap3A_159 = arith.constant 5 : index
    %swap3A_160 = arith.constant 0 : index
    %swap3A_161 = vector.load %arg7[%swap3A_158, %swap3A_159, %swap3A_160] : memref<1000x8x128xf32, #tpu.memory_space<vmem>>, vector<1000x1x128xf32>
    %swap3A_162 = vector.shape_cast %swap3A_161 : vector<1000x1x128xf32> to vector<1000x128xf32>
    %swap3A_163 = vector.shape_cast %add3A_157 : vector<1000x128xf32> to vector<1000x1x128xf32>
    tpu.vector_store %arg7[%swap3A_158, %swap3A_159, %swap3A_160], %swap3A_163 {strides = array<i32>} : memref<1000x8x128xf32, #tpu.memory_space<vmem>>, vector<1000x1x128xf32>,
    %dot_general3A_164 = arith.constant dense<0.000000e+00> : vector<1000x16xf32>
    %dot_general3A_165 = tpu.matmul %add3A_157, %concatenate3A, %dot_general3A_164 {dimension_numbers = #tpu.dot_dimension_numbers<[1], [0], [0], [1], [0, 0, 1, 1], [], []>, transpose_lhs_hint = false} : vector<1000x128xf32>, vector<128x16xf32>, vector<1000x16xf32> -> vector<1000x16xf32>
    %dot_general3A_166 = arith.constant dense<0.000000e+00> : vector<1000x16xf32>
    %dot_general3A_167 = tpu.matmul %add3A_157, %concatenate3A_19, %dot_general3A_166 {dimension_numbers = #tpu.dot_dimension_numbers<[1], [0], [0], [1], [0, 0, 1, 1], [], []>, transpose_lhs_hint = false} : vector<1000x128xf32>, vector<128x16xf32>, vector<1000x16xf32> -> vector<1000x16xf32>
    %get3A_168 = arith.constant 6 : index
    %get3A_169 = arith.constant 0 : index
    %get3A_170 = arith.constant 0 : index
    %get3A_171 = vector.load %arg4[%get3A_168, %get3A_169, %get3A_170] : memref<8x160x128xf32, #tpu.memory_space<vmem>>, vector<1x128x128xf32>
    %get3A_172 = vector.shape_cast %get3A_171 : vector<1x128x128xf32> to vector<128x128xf32>
    %get3A_173 = arith.constant 6 : index
    %get3A_174 = arith.constant 128 : index
    %get3A_175 = arith.constant 0 : index
    %get3A_176 = vector.load %arg4[%get3A_173, %get3A_174, %get3A_175] : memref<8x160x128xf32, #tpu.memory_space<vmem>>, vector<1x32x128xf32>
    %get3A_177 = vector.shape_cast %get3A_176 : vector<1x32x128xf32> to vector<32x128xf32>
    %dot_general3A_178 = arith.constant dense<0.000000e+00> : vector<1000x128xf32>
    %dot_general3A_179 = tpu.matmul %get3A_1, %get3A_172, %dot_general3A_178 {dimension_numbers = #tpu.dot_dimension_numbers<[1], [0], [0], [1], [0, 0, 1, 1], [], []>, transpose_lhs_hint = false} : vector<1000x128xf32>, vector<128x128xf32>, vector<1000x128xf32> -> vector<1000x128xf32>
    %dot_general3A_180 = arith.constant dense<0.000000e+00> : vector<1000x128xf32>
    %dot_general3A_181 = tpu.matmul %dot_general3A_11, %get3A_177, %dot_general3A_180 {dimension_numbers = #tpu.dot_dimension_numbers<[1], [0], [0], [1], [0, 0, 1, 1], [], []>, transpose_lhs_hint = false} : vector<1000x32xf32>, vector<32x128xf32>, vector<1000x128xf32> -> vector<1000x128xf32>
    %add3A_182 = arith.addf %dot_general3A_179, %dot_general3A_181 : vector<1000x128xf32>
    %swap3A_183 = arith.constant 0 : index
    %swap3A_184 = arith.constant 6 : index
    %swap3A_185 = arith.constant 0 : index
    %swap3A_186 = vector.load %arg7[%swap3A_183, %swap3A_184, %swap3A_185] : memref<1000x8x128xf32, #tpu.memory_space<vmem>>, vector<1000x1x128xf32>
    %swap3A_187 = vector.shape_cast %swap3A_186 : vector<1000x1x128xf32> to vector<1000x128xf32>
    %swap3A_188 = vector.shape_cast %add3A_182 : vector<1000x128xf32> to vector<1000x1x128xf32>
    tpu.vector_store %arg7[%swap3A_183, %swap3A_184, %swap3A_185], %swap3A_188 {strides = array<i32>} : memref<1000x8x128xf32, #tpu.memory_space<vmem>>, vector<1000x1x128xf32>,
    %dot_general3A_189 = arith.constant dense<0.000000e+00> : vector<1000x16xf32>
    %dot_general3A_190 = tpu.matmul %add3A_182, %concatenate3A, %dot_general3A_189 {dimension_numbers = #tpu.dot_dimension_numbers<[1], [0], [0], [1], [0, 0, 1, 1], [], []>, transpose_lhs_hint = false} : vector<1000x128xf32>, vector<128x16xf32>, vector<1000x16xf32> -> vector<1000x16xf32>
    %dot_general3A_191 = arith.constant dense<0.000000e+00> : vector<1000x16xf32>
    %dot_general3A_192 = tpu.matmul %add3A_182, %concatenate3A_19, %dot_general3A_191 {dimension_numbers = #tpu.dot_dimension_numbers<[1], [0], [0], [1], [0, 0, 1, 1], [], []>, transpose_lhs_hint = false} : vector<1000x128xf32>, vector<128x16xf32>, vector<1000x16xf32> -> vector<1000x16xf32>
    %get3A_193 = arith.constant 7 : index
    %get3A_194 = arith.constant 0 : index
    %get3A_195 = arith.constant 0 : index
    %get3A_196 = vector.load %arg4[%get3A_193, %get3A_194, %get3A_195] : memref<8x160x128xf32, #tpu.memory_space<vmem>>, vector<1x128x128xf32>
    %get3A_197 = vector.shape_cast %get3A_196 : vector<1x128x128xf32> to vector<128x128xf32>
    %get3A_198 = arith.constant 7 : index
    %get3A_199 = arith.constant 128 : index
    %get3A_200 = arith.constant 0 : index
    %get3A_201 = vector.load %arg4[%get3A_198, %get3A_199, %get3A_200] : memref<8x160x128xf32, #tpu.memory_space<vmem>>, vector<1x32x128xf32>
    %get3A_202 = vector.shape_cast %get3A_201 : vector<1x32x128xf32> to vector<32x128xf32>
    %dot_general3A_203 = arith.constant dense<0.000000e+00> : vector<1000x128xf32>
    %dot_general3A_204 = tpu.matmul %get3A_1, %get3A_197, %dot_general3A_203 {dimension_numbers = #tpu.dot_dimension_numbers<[1], [0], [0], [1], [0, 0, 1, 1], [], []>, transpose_lhs_hint = false} : vector<1000x128xf32>, vector<128x128xf32>, vector<1000x128xf32> -> vector<1000x128xf32>
    %dot_general3A_205 = arith.constant dense<0.000000e+00> : vector<1000x128xf32>
    %dot_general3A_206 = tpu.matmul %dot_general3A_11, %get3A_202, %dot_general3A_205 {dimension_numbers = #tpu.dot_dimension_numbers<[1], [0], [0], [1], [0, 0, 1, 1], [], []>, transpose_lhs_hint = false} : vector<1000x32xf32>, vector<32x128xf32>, vector<1000x128xf32> -> vector<1000x128xf32>
    %add3A_207 = arith.addf %dot_general3A_204, %dot_general3A_206 : vector<1000x128xf32>
    %swap3A_208 = arith.constant 0 : index
    %swap3A_209 = arith.constant 7 : index
    %swap3A_210 = arith.constant 0 : index
    %swap3A_211 = vector.load %arg7[%swap3A_208, %swap3A_209, %swap3A_210] : memref<1000x8x128xf32, #tpu.memory_space<vmem>>, vector<1000x1x128xf32>
    %swap3A_212 = vector.shape_cast %swap3A_211 : vector<1000x1x128xf32> to vector<1000x128xf32>
    %swap3A_213 = vector.shape_cast %add3A_207 : vector<1000x128xf32> to vector<1000x1x128xf32>
    tpu.vector_store %arg7[%swap3A_208, %swap3A_209, %swap3A_210], %swap3A_213 {strides = array<i32>} : memref<1000x8x128xf32, #tpu.memory_space<vmem>>, vector<1000x1x128xf32>,
    %dot_general3A_214 = arith.constant dense<0.000000e+00> : vector<1000x16xf32>
    %dot_general3A_215 = tpu.matmul %add3A_207, %concatenate3A, %dot_general3A_214 {dimension_numbers = #tpu.dot_dimension_numbers<[1], [0], [0], [1], [0, 0, 1, 1], [], []>, transpose_lhs_hint = false} : vector<1000x128xf32>, vector<128x16xf32>, vector<1000x16xf32> -> vector<1000x16xf32>
    %dot_general3A_216 = arith.constant dense<0.000000e+00> : vector<1000x16xf32>
    %dot_general3A_217 = tpu.matmul %add3A_207, %concatenate3A_19, %dot_general3A_216 {dimension_numbers = #tpu.dot_dimension_numbers<[1], [0], [0], [1], [0, 0, 1, 1], [], []>, transpose_lhs_hint = false} : vector<1000x128xf32>, vector<128x16xf32>, vector<1000x16xf32> -> vector<1000x16xf32>
    %concatenate3A_218 = tpu.concatenate %dot_general3A_40, %dot_general3A_65, %dot_general3A_90, %dot_general3A_115, %dot_general3A_140, %dot_general3A_165, %dot_general3A_190, %dot_general3A_215 in 1 : vector<1000x16xf32>, vector<1000x16xf32>, vector<1000x16xf32>, vector<1000x16xf32>, vector<1000x16xf32>, vector<1000x16xf32>, vector<1000x16xf32>, vector<1000x16xf32> -> vector<1000x128xf32>
    %swap3A_219 = arith.constant 0 : index
    %swap3A_220 = arith.constant 0 : index
    %swap3A_221 = vector.load %arg8[%swap3A_219, %swap3A_220] : memref<1000x128xf32, #tpu.memory_space<vmem>>, vector<1000x128xf32>
    tpu.vector_store %arg8[%swap3A_219, %swap3A_220], %concatenate3A_218 {strides = array<i32>} : memref<1000x128xf32, #tpu.memory_space<vmem>>, vector<1000x128xf32>,
    %concatenate3A_222 = tpu.concatenate %dot_general3A_42, %dot_general3A_67, %dot_general3A_92, %dot_general3A_117, %dot_general3A_142, %dot_general3A_167, %dot_general3A_192, %dot_general3A_217 in 1 : vector<1000x16xf32>, vector<1000x16xf32>, vector<1000x16xf32>, vector<1000x16xf32>, vector<1000x16xf32>, vector<1000x16xf32>, vector<1000x16xf32>, vector<1000x16xf32> -> vector<1000x128xf32>
    %swap3A_223 = arith.constant 0 : index
    %swap3A_224 = arith.constant 0 : index
    %swap3A_225 = vector.load %arg9[%swap3A_223, %swap3A_224] : memref<1000x128xf32, #tpu.memory_space<vmem>>, vector<1000x128xf32>
    tpu.vector_store %arg9[%swap3A_223, %swap3A_224], %concatenate3A_222 {strides = array<i32>} : memref<1000x128xf32, #tpu.memory_space<vmem>>, vector<1000x128xf32>,
    return
  }
  func.func @transform_0(%arg0: i32) -> (i32, i32) {
    %c0_i32 = arith.constant 0 : i32
    %c0_i32_0 = arith.constant 0 : i32
    return %arg0, %c0_i32 : i32, i32
  }
  func.func @transform_1(%arg0: i32) -> (i32, i32) {
    %c0_i32 = arith.constant 0 : i32
    %c0_i32_0 = arith.constant 0 : i32
    return %arg0, %c0_i32 : i32, i32
  }
  func.func @transform_2(%arg0: i32) -> (i32, i32) {
    %c0_i32 = arith.constant 0 : i32
    %c0_i32_0 = arith.constant 0 : i32
    %c0_i32_1 = arith.constant 0 : i32
    return %c0_i32, %c0_i32_0 : i32, i32
  }
  func.func @transform_3(%arg0: i32) -> (i32, i32, i32) {
    %c0_i32 = arith.constant 0 : i32
    %c0_i32_0 = arith.constant 0 : i32
    %c0_i32_1 = arith.constant 0 : i32
    %c0_i32_2 = arith.constant 0 : i32
    return %c0_i32, %c0_i32_0, %c0_i32_1 : i32, i32, i32
  }
  func.func @transform_4(%arg0: i32) -> (i32, i32) {
    %c0_i32 = arith.constant 0 : i32
    %c0_i32_0 = arith.constant 0 : i32
    %c0_i32_1 = arith.constant 0 : i32
    return %c0_i32, %c0_i32_0 : i32, i32
  }
  func.func @transform_5(%arg0: i32) -> (i32, i32) {
    %c0_i32 = arith.constant 0 : i32
    %c0_i32_0 = arith.constant 0 : i32
    %c0_i32_1 = arith.constant 0 : i32
    return %c0_i32, %c0_i32_0 : i32, i32
  }
  func.func @transform_6(%arg0: i32) -> (i32, i32, i32) {
    %c0_i32 = arith.constant 0 : i32
    %c0_i32_0 = arith.constant 0 : i32
    %c0_i32_1 = arith.constant 0 : i32
    return %arg0, %c0_i32, %c0_i32_0 : i32, i32, i32
  }
  func.func @transform_7(%arg0: i32) -> (i32, i32) {
    %c0_i32 = arith.constant 0 : i32
    %c0_i32_0 = arith.constant 0 : i32
    return %arg0, %c0_i32 : i32, i32
  }
  func.func @transform_8(%arg0: i32) -> (i32, i32) {
    %c0_i32 = arith.constant 0 : i32
    %c0_i32_0 = arith.constant 0 : i32
    return %arg0, %c0_i32 : i32, i32
  }
}

module attributes {stable_mosaic.version = 14 : i64} {
  func.func @_dsum_body(%arg0: i32, %arg1: memref<32x128x128xf32, #tpu.memory_space<vmem>>, %arg2: memref<128x128xf32, #tpu.memory_space<vmem>>) attributes {dimension_semantics = [#tpu.dimension_semantics<arbitrary>], iteration_bounds = array<i64: 5>, scalar_prefetch = 0 : i64, scratch_operands = 0 : i64, tpu.core_type = #tpu.core_type<tc>, window_params = [{transform_indices = @transform_0, window_bounds = array<i64: 32, 128, 128>}, {transform_indices = @transform_1, window_bounds = array<i64: 128, 128>}]} {
    %get3A = arith.constant 0 : index
    %get3A_0 = arith.constant 0 : index
    %get3A_1 = arith.constant 0 : index
    %get3A_2 = vector.load %arg1[%get3A, %get3A_0, %get3A_1] : memref<32x128x128xf32, #tpu.memory_space<vmem>>, vector<32x128x128xf32>
    %reduce_sum3A = arith.constant dense<0.000000e+00> : vector<128x128xf32>
    %reduce_sum3A_3 = vector.multi_reduction <add>, %get3A_2, %reduce_sum3A [0] : vector<32x128x128xf32> to vector<128x128xf32>
    %swap3A = arith.constant 0 : index
    %swap3A_4 = arith.constant 0 : index
    %swap3A_5 = vector.load %arg2[%swap3A, %swap3A_4] : memref<128x128xf32, #tpu.memory_space<vmem>>, vector<128x128xf32>
    tpu.vector_store %arg2[%swap3A, %swap3A_4], %reduce_sum3A_3 {strides = array<i32>} : memref<128x128xf32, #tpu.memory_space<vmem>>, vector<128x128xf32>,
    return
  }
  func.func @transform_0(%arg0: i32) -> (i32, i32, i32) {
    %c0_i32 = arith.constant 0 : i32
    %c0_i32_0 = arith.constant 0 : i32
    %c0_i32_1 = arith.constant 0 : i32
    return %c0_i32, %arg0, %c0_i32_0 : i32, i32, i32
  }
  func.func @transform_1(%arg0: i32) -> (i32, i32) {
    %c0_i32 = arith.constant 0 : i32
    %c0_i32_0 = arith.constant 0 : i32
    return %arg0, %c0_i32 : i32, i32
  }
}

module attributes {stable_mosaic.version = 14 : i64} {
  func.func @_final_body(%arg0: i32, %arg1: memref<2x1000x128xf32, #tpu.memory_space<vmem>>, %arg2: memref<1000x128xf32, #tpu.memory_space<vmem>>, %arg3: memref<1x128xf32, #tpu.memory_space<vmem>>, %arg4: memref<1000x128xf32, #tpu.memory_space<vmem>>) attributes {dimension_semantics = [#tpu.dimension_semantics<arbitrary>], iteration_bounds = array<i64: 10>, scalar_prefetch = 0 : i64, scratch_operands = 0 : i64, tpu.core_type = #tpu.core_type<tc>, window_params = [{transform_indices = @transform_0, window_bounds = array<i64: 2, 1000, 128>}, {transform_indices = @transform_1, window_bounds = array<i64: 1000, 128>}, {pipeline_mode = #tpu.pipeline_mode<synchronous>, transform_indices = @transform_2, window_bounds = array<i64: 1, 128>}, {transform_indices = @transform_3, window_bounds = array<i64: 1000, 128>}]} {
    %get3A = arith.constant 0 : index
    %get3A_0 = arith.constant 0 : index
    %get3A_1 = arith.constant 0 : index
    %get3A_2 = vector.load %arg1[%get3A, %get3A_0, %get3A_1] : memref<2x1000x128xf32, #tpu.memory_space<vmem>>, vector<1x1000x128xf32>
    %get3A_3 = vector.shape_cast %get3A_2 : vector<1x1000x128xf32> to vector<1000x128xf32>
    %get3A_4 = arith.constant 1 : index
    %get3A_5 = arith.constant 0 : index
    %get3A_6 = arith.constant 0 : index
    %get3A_7 = vector.load %arg1[%get3A_4, %get3A_5, %get3A_6] : memref<2x1000x128xf32, #tpu.memory_space<vmem>>, vector<1x1000x128xf32>
    %get3A_8 = vector.shape_cast %get3A_7 : vector<1x1000x128xf32> to vector<1000x128xf32>
    %add3A = arith.addf %get3A_3, %get3A_8 : vector<1000x128xf32>
    %get3A_9 = arith.constant 0 : index
    %get3A_10 = arith.constant 0 : index
    %get3A_11 = vector.load %arg2[%get3A_9, %get3A_10] : memref<1000x128xf32, #tpu.memory_space<vmem>>, vector<1000x128xf32>
    %add3A_12 = arith.constant 1.000000e-16 : f32
    %add3A_13 = vector.broadcast %add3A_12 : f32 to vector<1000x128xf32>
    %add3A_14 = arith.addf %get3A_11, %add3A_13 : vector<1000x128xf32>
    %div3A = arith.divf %add3A, %add3A_14 : vector<1000x128xf32>
    %get3A_15 = arith.constant 0 : index
    %get3A_16 = arith.constant 0 : index
    %get3A_17 = vector.load %arg3[%get3A_15, %get3A_16] : memref<1x128xf32, #tpu.memory_space<vmem>>, vector<1x128xf32>
    %add3A_18 = vector.broadcast %get3A_17 : vector<1x128xf32> to vector<1000x128xf32>
    %add3A_19 = arith.addf %div3A, %add3A_18 : vector<1000x128xf32>
    %max3A = arith.constant 0.000000e+00 : f32
    %max3A_20 = vector.broadcast %max3A : f32 to vector<1000x128xf32>
    %max3A_21 = arith.maximumf %add3A_19, %max3A_20 : vector<1000x128xf32>
    %swap3A = arith.constant 0 : index
    %swap3A_22 = arith.constant 0 : index
    %swap3A_23 = vector.load %arg4[%swap3A, %swap3A_22] : memref<1000x128xf32, #tpu.memory_space<vmem>>, vector<1000x128xf32>
    tpu.vector_store %arg4[%swap3A, %swap3A_22], %max3A_21 {strides = array<i32>} : memref<1000x128xf32, #tpu.memory_space<vmem>>, vector<1000x128xf32>,
    return
  }
  func.func @transform_0(%arg0: i32) -> (i32, i32, i32) {
    %c0_i32 = arith.constant 0 : i32
    %c0_i32_0 = arith.constant 0 : i32
    %c0_i32_1 = arith.constant 0 : i32
    return %c0_i32, %arg0, %c0_i32_0 : i32, i32, i32
  }
  func.func @transform_1(%arg0: i32) -> (i32, i32) {
    %c0_i32 = arith.constant 0 : i32
    %c0_i32_0 = arith.constant 0 : i32
    return %arg0, %c0_i32 : i32, i32
  }
  func.func @transform_2(%arg0: i32) -> (i32, i32) {
    %c0_i32 = arith.constant 0 : i32
    %c0_i32_0 = arith.constant 0 : i32
    %c0_i32_1 = arith.constant 0 : i32
    return %c0_i32, %c0_i32_0 : i32, i32
  }
  func.func @transform_3(%arg0: i32) -> (i32, i32) {
    %c0_i32 = arith.constant 0 : i32
    %c0_i32_0 = arith.constant 0 : i32
    return %arg0, %c0_i32 : i32, i32
  }
}

</mosaic_0001>

<sc_bundles>
// kernel: kernel.10.cloned.1.call-start
scs
__scs_entry_jumppad:
0x0: {  	(pc) =	sbr.rel $0x88, $3  }
0x1: {  	(tag) =	ssettag $0x0;
	lr =	simm.s32 $0x1  }
0x2: {  	[smem:$0x3F98] =	sst lr;
	_ =	strace $0xD0000000  }
0x3: {  	_ = 	snop  }
0x4: {  	_ = 	snop  }
0x5: {  	_ = 	snop  }
0x6: {  	_ = 	snop  }
0x7: {  	_ = 	snop  }
__scs_overlays_trampoline_lowered:
0x8: {  	[smem:$0x3FA7] =	sst s0  }
0x9: {  	[smem:$0x3FA8] =	sst s1  }
0xa: {  	[smem:$0x3FA9] =	sst s2  }
0xb: {  	[smem:$0x3FAA] =	sst s3  }
0xc: {  	[smem:$0x3FAB] =	sst s4  }
0xd: {  	[smem:$0x3FAC] =	sst s5  }
0xe: {  	[smem:$0x3FAD] =	sst s6  }
0xf: {  	[smem:$0x3FAE] =	sst s7  }
0x10: {  	[smem:$0x3FAF] =	sst s8  }
0x11: {  	[smem:$0x3FB0] =	sst s9;
	s0 =	simm.s32 @!p0 $0x0  }
0x12: {  	s1 =	sld [smem:$0x3F96];
	s0 =	simm.s32 @p0 $0x1  }
0x13: {  	[smem:$0x3FB1] =	sst s0;
	s0 =	simm.s32 @!p1 $0x0  }
0x14: {  	s2 =	sld [smem:$0x3F95];
	s0 =	simm.s32 @p1 $0x1  }
0x15: {  	[smem:$0x3FB2] =	sst s0;
	s0 =	simm.s32 @!p2 $0x0  }
0x16: {  	s3 =	sld [smem:$0x3FDB];
	s0 =	simm.s32 @p2 $0x1  }
0x17: {  	s4 =	simm.s32 $0x1BF5;
	[smem:$0x3FB4] =	sst s0  }
0x18: {  	s0 =	sld [smem:$0x3F97];
	_ =	swait.ge [sflag:s4], $0x0  }
0x19: {  	s7 =	sld [smem:$0x3F98]  }
0x1a: {  	s8 =	sadd.s32 $0xFFFFE003, lr  }
0x1b: {  	s9 =	sadd.s32 $0xFFFFFEF7, lr;
	s5 =	simm.s32 $0xFFFFFFFF;
	p2 =	slt.u32 s8, $0xFFFFF086  }
0x1c: {  	p1 =	slt.u32 s9, $0xF7A;
	s5 =	simm.s32 @!p2 $0x0  }
0x1d: {  	s5 =	simm.s32 @p1 $0x1;
	p0 =	seq.s32 s7, s2  }
0x1e: {  	s7 =	smul.u32 @!p0 $0xF7A, s2;
	p2 =	seq.s32 @!p0 s5, $0x0  }
0x1f: {  	s9 =	smul.u32 $0xF7A, s1;
	s8 =	simm.s32 @!p0 $0x1BF5;
	p2 =	por !p2, p0  }
0x20: {  	[sflag:s8] =	ssyncset.s32 @!p0 $0xFFFFF086;
	s6 =	sadd.s32 @!p0 s3, s7;
	s7 =	simm.s32 @!p0 $0x108  }
0x21: {  	s3 =	sadd.s32 s3, s9;
	s6 =	sadd.s32 @!p0 $0x88, s6;
	s7 =	simm.s32 @p2 $0x1082  }
0x22: {  	[simem:s7], [sflag:s8] =	dma.local @!p0 [hbm:s6], $0xF7A  }
0x23: {  	s9 =	sor.u32 $0xD0000000, s2;
	s6 =	simm.s32 $0x108;
	_ =	swait.ge @!p0 [sflag:s8], $0x0  }
0x24: {  	s3 =	sadd.s32 $0x88, s3;
	s6 =	simm.s32 @!p1 $0x1082;
	[sflag:s4] =	ssyncset.s32 $0xFFFFF086  }
0x25: {  	[simem:s6], [sflag:s4] =	dma.local [hbm:s3], $0xF7A  }
0x26: {  	[smem:$0x3F98] =	sst s1;
	(tag) =	ssettag s2;
	_ =	strace s9  }
0x27: {  	s1 =	sld [smem:$0x3FA8]  }
0x28: {  	s2 =	sld [smem:$0x3FA9]  }
0x29: {  	s4 =	sld [smem:$0x3FAB]  }
0x2a: {  	p0 =	seq.s32 s5, $0x0;
	s5 =	sld [smem:$0x3FAC]  }
0x2b: {  	s6 =	sld [smem:$0x3FAD]  }
0x2c: {  	s7 =	sld [smem:$0x3FAE]  }
0x2d: {  	s3 =	simm.s32 $0x108;
	s8 =	sld [smem:$0x3FAF]  }
0x2e: {  	s3 =	simm.s32 @!p0 $0x1082;
	s9 =	sld [smem:$0x3FB0]  }
0x2f: {  	lr =	sadd.s32 s0, s3;
	s0 =	sld [smem:$0x3FA7]  }
0x30: {  	s3 =	sld [smem:$0x3FAA]  }
0x31: {  	[smem:$0x3FB3] =	sst s10  }
0x32: {  	s10 =	sld [smem:$0x3FB1];
	_ =	sdelay $0x3  }
0x33: {  	p0 =	seq.s32 s10, $0x1;
	s10 =	sld [smem:$0x3FB3];
	_ =	sdelay $0x3  }
0x34: {  	[smem:$0x3FB3] =	sst s10  }
0x35: {  	s10 =	sld [smem:$0x3FB2];
	_ =	sdelay $0x3  }
0x36: {  	p1 =	seq.s32 s10, $0x1;
	s10 =	sld [smem:$0x3FB3];
	_ =	sdelay $0x3  }
0x37: {  	[smem:$0x3FB3] =	sst s10  }
0x38: {  	s10 =	sld [smem:$0x3FB4]  }
0x39: {  	_ = 	snop;
	(pc) =	sbr.ind lr, $3  }
0x3a: {  	_ = 	snop  }
0x3b: {  	_ = 	snop  }
0x3c: {  	p2 =	seq.s32 s10, $0x1;
	s10 =	sld [smem:$0x3FB3]  }
0x3d: {  	_ =	shalt  }
0x3e: {  	_ =	shalt  }
0x3f: {  	_ =	shalt  }
0x40: {  	_ =	shalt  }
0x41: {  	_ =	shalt  }
0x42: {  	_ =	shalt  }
0x43: {  	_ =	shalt  }
0x44: {  	_ =	shalt  }
0x45: {  	_ =	shalt  }
0x46: {  	_ =	shalt  }
0x47: {  	_ =	shalt  }
0x48: {  	_ =	shalt  }
0x49: {  	_ =	shalt  }
0x4a: {  	_ =	shalt  }
0x4b: {  	_ =	shalt  }
0x4c: {  	_ =	shalt  }
0x4d: {  	_ =	shalt  }
0x4e: {  	_ =	shalt  }
0x4f: {  	_ =	shalt  }
0x50: {  	_ =	shalt  }
0x51: {  	_ =	shalt  }
0x52: {  	_ =	shalt  }
0x53: {  	_ =	shalt  }
0x54: {  	_ =	shalt  }
0x55: {  	_ =	shalt  }
0x56: {  	_ =	shalt  }
0x57: {  	_ =	shalt  }
0x58: {  	_ =	shalt  }
0x59: {  	_ =	shalt  }
0x5a: {  	_ =	shalt  }
0x5b: {  	_ =	shalt  }
0x5c: {  	_ =	shalt  }
0x5d: {  	_ =	shalt  }
0x5e: {  	_ =	shalt  }
0x5f: {  	_ =	shalt  }
0x60: {  	_ =	shalt  }
0x61: {  	_ =	shalt  }
0x62: {  	_ =	shalt  }
0x63: {  	_ =	shalt  }
0x64: {  	_ =	shalt  }
0x65: {  	_ =	shalt  }
0x66: {  	_ =	shalt  }
0x67: {  	_ =	shalt  }
0x68: {  	_ =	shalt  }
0x69: {  	_ =	shalt  }
0x6a: {  	_ =	shalt  }
0x6b: {  	_ =	shalt  }
0x6c: {  	_ =	shalt  }
0x6d: {  	_ =	shalt  }
0x6e: {  	_ =	shalt  }
0x6f: {  	_ =	shalt  }
0x70: {  	_ =	shalt  }
0x71: {  	_ =	shalt  }
0x72: {  	_ =	shalt  }
0x73: {  	_ =	shalt  }
0x74: {  	_ =	shalt  }
0x75: {  	_ =	shalt  }
0x76: {  	_ =	shalt  }
0x77: {  	_ =	shalt  }
0x78: {  	_ =	shalt  }
0x79: {  	_ =	shalt  }
0x7a: {  	_ =	shalt  }
0x7b: {  	_ =	shalt  }
0x7c: {  	_ =	shalt  }
0x7d: {  	_ =	shalt  }
0x7e: {  	_ =	shalt  }
0x7f: {  	_ =	shalt  }
0x80: {  	_ =	shalt  }
0x81: {  	_ =	shalt  }
0x82: {  	_ =	shalt  }
0x83: {  	_ =	shalt  }
0x84: {  	_ =	shalt  }
0x85: {  	_ =	shalt  }
0x86: {  	_ =	shalt  }
0x87: {  	_ =	shalt  }
.Lfunc_end0:
.L_simem_size_0:
called_computation.1_lowered:
.L_overlay_start_0:
0x88: {  	s2 =	sld [smem:$0x3FD9]  }
0x89: {  	s3 =	sld [smem:$0x3FFE];
	_ =	sdelay $0x1  }
0x8a: {  	s1 =	srdreg.scid  }
0x8b: {  	s0 =	sand.u32 $0x1, s1  }
0x8c: {  	s17 =	sshll.u32 s0, $0xA;
	s2 =	sadd.s32 s3, s2  }
0x8d: {  	s2 =	sadd.s32 s2, s17  }
0x8e: {  	[smem:$0x3FBF] =	sst s2  }
0x8f: {  	_ = 	snop  }
0x90: {  	s2 =	sld [smem:$0x3FC6];
	(tm) =	ssettm $0x1  }
0x91: {  	s18 =	sld [smem:$0x3FFB];
	_ =	sdelay $0x3  }
0x92: {  	_ =	strace s18  }
0x93: {  	s3 =	sld [smem:$0x3FFC];
	_ =	sdelay $0x3  }
0x94: {  	_ =	strace s3  }
0x95: {  	s3 =	sld [smem:$0x3FFD];
	_ =	sdelay $0x3  }
0x96: {  	_ =	strace s3  }
0x97: {  	_ =	strace $0x8FFFFFFF  }
0x98: {  	s19 =	sld [smem:$0x3FDB];
	_ =	sdelay $0x1  }
0x99: {  	s4 =	simm.s32 $_scs_section_size  }
0x9a: {  	s5 =	simm.s32 $_size__tile_overlayer_lowered;
	s6 =	simm.s32 $_tile_overlayer_lowered  }
0x9b: {  	s22 =	simm.s32 $0x1BFF;
	s21 =	sshll.u32 s6, $0x1;
	s3 =	sadd.s32 s4, s19  }
0x9c: {  	s7 =	simm.s32 $0x0;
	s20 =	sshll.u32 s5, $0x1;
	s5 =	sadd.s32 s21, s3  }
0x9d: {  	[timem:s7], [sflag:s22] =	dma.local [hbm:s5], s20  }
0x9e: {  	_ =	swait.ge [sflag:s22], s20  }
0x9f: {  	s4 =	ssub.s32 $0x0, s20;
	[sflag:s22] =	ssyncset.done $0x0  }
0xa0: {  	[sflag:s22] =	ssyncadd.s32 s4;
	_ =	sdelay $0x1  }
0xa1: {  	s23 =	simm.s32 $0x1B8B  }
0xa2: {  	_ =	swait.ge [sflag:s23], $0x1  }
0xa3: {  	[sflag:s23] =	ssyncset.done $0x0  }
0xa4: {  	s25 =	simm.s32 $0x1B8E;
	s24 =	sld [smem:$0x3FFE];
	[sflag:s23] =	ssyncadd.s32 $0xFFFFFFFF  }
0xa5: {  	s26 =	simm.s32 $execute0_lowered;
	[smem:$0x3FD2] =	sst s25  }
0xa6: {  	s5 =	sshll.u32 s26, $0x1;
	_ =	strace $0x80000049;
	[dreg:$0x1] =	wrdreg $0xFFFFFFFF  }
0xa7: {  	s28 =	simm.s32 $_size_execute0_lowered;
	s3 =	sadd.s32 s3, s5;
	[dreg:$0x0] =	wrdreg $0x0  }
0xa8: {  	s5 =	sshll.u32 s28, $0x1;
	[dreg:$0x2] =	wrdreg s3  }
0xa9: {  	[dreg:$0x3] =	wrdreg s5  }
0xaa: {  	[dreg:$0x4] =	wrdreg $0xC0  }
0xab: {  	_ =	task [dreg:s7], $0x5FFFF  }
0xac: {  	[dreg:$0x1] =	wrdreg $0xFFFFFFFF  }
0xad: {  	[dreg:$0x0] =	wrdreg $0x60  }
0xae: {  	[dreg:$0x2] =	wrdreg s24  }
0xaf: {  	[dreg:$0x3] =	wrdreg s2  }
0xb0: {  	[dreg:$0x4] =	wrdreg $0x0  }
0xb1: {  	[dreg:$0x5] =	wrdreg $0x9  }
0xb2: {  	_ =	task.clear_ibuf [dreg:s7], $0x6FFFF;
	_ =	strace $0x90000049  }
0xb3: {  	s29 =	simm.s32 $0x9;
	_ =	strace $0x8000004B  }
0xb4: {  	_ =	swait.ge [sflag:s29], $0x1  }
0xb5: {  	[sflag:s29] =	ssyncadd.s32 $0xFFFFFFFF  }
0xb6: {  	_ =	strace $0x9000004B  }
0xb7: {  	_ =	sfence  }
0xb8: {  	s30 =	sld [smem:$0x0];
	_ =	sdelay $0x2  }
0xb9: {  	s31 =	sshll.u32 s1, $0xD;
	s1 =	sshrl.u32 s1, $0x2  }
0xba: {  	s3 =	sand.u32 $0x4000, s31;
	s1 =	sadd.s32 s1, s30  }
0xbb: {  	s0 =	sor.u32 s3, s0;
	s1 =	sshll.u32 s1, $0x11  }
0xbc: {  	s0 =	sor.u32 s1, s0  }
0xbd: {  	s0 =	sadd.s32 $0x8F2B, s0  }
0xbe: {  	[sflag:s0] =	ssyncadd.remote.s32 $0x1  }
0xbf: {  	_ =	sfence.sel $0xFFFF  }
0xc0: {  	[dreg:$0x0] =	wrdreg $0xFFFFFFFF;
	(pc) =	sbr.abs _section_cstart, $3  }
0xc1: {  	[dreg:$0x1] =	wrdreg $0xFFFFFFFF  }
0xc2: {  	_ =	task.clear_ibuf [dreg:s7], $0x2FFFF;
	_ =	strace $0x9FFFFFFF  }
0xc3: {  	(tm) =	ssettm $0x7FFFFFFF  }
tec
execute0_lowered:
.L_overlay_start_1:
0x0: {  	(tag) =	ssettag $0x1  }
0x1: {  	s0 =	rddreg [dreg:$0x0]  }
0x2: {  	s1 =	rddreg [dreg:$0x1]  }
0x3: {  	s2 =	rddreg [dreg:$0x2]  }
0x4: {  	s3 =	srdreg.scid;
	s5 =	simm.s32 $0x0;
	s10 =	stileid.u32  }
0x5: {  	s30 =	simm.s32 $0x16F80;
	s28 =	simm.s32 $0x1C700;
	s29 =	simm.s32 $0x0  }
0x6: {  	s3 =	sand.u32 $0x1, s3;
	[smem:$0x7FF] =	sst s5;
	s8 =	smul.u32 $0x14000, s10  }
0x7: {  	s5 =	sadd.s32 $0xC600, s0;
	s6 =	sadd.s32 $0x2800, s0;
	s9 =	smul.u32 $0x50000, s10  }
0x8: {  	s7 =	sadd.s32 $0x16400, s0;
	s10 =	sshll.u32 s10, $0x1;
	s4 =	smul.u32 $0x140000, s3  }
0x9: {  	_ =	strace $0x8000004A;
	s31 =	ssub.s32 $0x2, s3;
	s3 =	sor.u32 s3, s10  }
0xa: {  	s11 =	sshrl.u32 s31, $0x1;
	s9 =	sshrl.u32 s9, $0x2;
	s10 =	smul.u32 $0x2710, s3  }
0xb: {  	s3 =	smul.u32 $0x4E20, s3;
	s4 =	sadd.s32 s8, s4;
	s17 =	sadd.s32 s9, s2  }
0xc: {  	s8 =	sadd.s32 $0x1C5E00, s0;
	s4 =	sshrl.u32 s4, $0x3;
	s9 =	sadd.s32 $0x2800, s17  }
0xd: {  	s12 =	sadd.s32 $0x7800, s17;
	s13 =	sadd.s32 $0xA000, s17;
	[dreg:$0x4] =	wrdreg s17  }
0xe: {  	s14 =	sshrl.u32 s10, $0x3;
	s15 =	sadd.s32 $0x50, s10;
	[dreg:$0x5] =	wrdreg s9  }
0xf: {  	s3 =	sadd.s32 s8, s3;
	s25 =	sadd.s32 $0xC800, s17;
	[dreg:$0x7] =	wrdreg s12  }
0x10: {  	s26 =	sadd.s32 $0xF000, s17;
	s0 =	sadd.s32 s4, s0;
	[dreg:$0x8] =	wrdreg s13  }
0x11: {  	s4 =	ssub.s32 s31, s11;
	s11 =	sadd.s32 $0x5000, s17;
	[dreg:$0xf] =	wrdreg s3  }
0x12: {  	s12 =	sadd.s32 s5, s14;
	s16 =	sadd.s32 s6, s14;
	[dreg:$0x13] =	wrdreg s25  }
0x13: {  	s18 =	sshrl.u32 s15, $0x3;
	s9 =	sadd.s32 s1, s14;
	[dreg:$0x14] =	wrdreg s26  }
0x14: {  	s22 =	sshll.u32 s15, $0x1;
	s31 =	sadd.s32 $0x11800, s17;
	[dreg:$0x6] =	wrdreg s11  }
0x15: {  	s3 =	simm.s32 $0x14080;
	s13 =	simm.s32 $0x14180;
	[dreg:$0x9] =	wrdreg s12  }
0x16: {  	s14 =	simm.s32 $0x14280;
	s15 =	simm.s32 $0x16A80;
	[dreg:$0xa] =	wrdreg s16  }
0x17: {  	s25 =	simm.s32 $0x7;
	[dreg:$0xb] =	wrdreg s9;
	s19 =	sadd.s32 s5, s18  }
0x18: {  	s20 =	sadd.s32 s6, s18;
	s21 =	sadd.s32 s1, s18;
	[dreg:$0x15] =	wrdreg s31  }
0x19: {  	s23 =	sadd.s32 s8, s22;
	s22 =	sadd.s32 $0xA0, s10;
	[dreg:$0xc] =	wrdreg s19  }
0x1a: {  	s0 =	sadd.s32 $0x262200, s0;
	s24 =	smax.u32 s4, $0x1;
	[dreg:$0xd] =	wrdreg s20  }
0x1b: {  	s9 =	simm.s32 $0x9;
	s11 =	simm.s32 $0x1;
	[dreg:$0xe] =	wrdreg s21  }
0x1c: {  	s12 =	simm.s32 $0x50;
	s16 =	simm.s32 $0x5;
	[dreg:$0x10] =	wrdreg s23  }
0x1d: {  	s4 =	simm.s32 $0x0;
	s23 =	sadd.s32 $0xF0, s10;
	[dreg:$0x11] =	wrdreg s0  }
0x1e: {  	[dreg:$0x12] =	wrdreg s24;
	s10 =	simm.s32 $0x14100;
	s19 =	simm.s32 $0x2  }
0x1f: {  	v0 =	vimm.f32 $0.0e+00;
	s20 =	simm.s32 $0x3;
	s21 =	simm.s32 $0x14200;
	s24 =	simm.s32 $0x6  }
.LBB2_1:
0x20: {  	[dreg:$0x16] =	wrdreg s4;
	s0 =	simm.s32 $0x0;
	s4 =	simm.s32 $0x200  }
.LBB2_2:
0x21: {  	p0 =	sne.s32 s4, $0x9E00;
	[tilespmem:s0+$0x16FF0] =	vst v0  }
0x22: {  	[tilespmem:s0+$0x16F80] =	vst v0  }
0x23: {  	[tilespmem:s0+$0x16F90] =	vst v0  }
.Ltmp0:
0x24: {  	[tilespmem:s0+$0x16FA0] =	vst v0;
	(pc) =	sbr.rel @p0 .LBB2_2-.Ltmp0, $4  }
0x25: {  	[tilespmem:s0+$0x16FB0] =	vst v0  }
0x26: {  	[tilespmem:s0+$0x16FC0] =	vst v0  }
0x27: {  	[tilespmem:s0+$0x16FD0] =	vst v0  }
0x28: {  	[tilespmem:s0+$0x16FE0] =	vst v0;
	s0 =	sshra.s32 s4, $0x2;
	s4 =	sadd.s32 $0x200, s4  }
0x29: {  	[tilespmem:s0+$0x16FF0] =	vst v0  }
0x2a: {  	[tilespmem:s0+$0x16F80] =	vst v0  }
0x2b: {  	[tilespmem:s0+$0x16F90] =	vst v0  }
0x2c: {  	[tilespmem:s0+$0x16FA0] =	vst v0  }
0x2d: {  	[tilespmem:s0+$0x16FB0] =	vst v0  }
0x2e: {  	[tilespmem:s0+$0x16FC0] =	vst v0  }
0x2f: {  	[tilespmem:s0+$0x16FD0] =	vst v0  }
0x30: {  	[tilespmem:s0+$0x16FE0] =	vst v0  }
0x31: {  	[spmem:s17] =	stream.linear.scatter [tilespmem:s30], [sflag:$0x9], $0x2800, $0x38;
	[tilespmem:$0x1EF00] =	vst v63  }
0x32: {  	_ =	swait.ge [sflag:s9], $0x2800  }
0x33: {  	[sflag:s9] =	ssyncset.done $0x0  }
0x34: {  	s18 =	rddreg [dreg:$0x5];
	[sflag:s9] =	ssyncadd.s32 $0xFFFFD800  }
0x35: {  	[spmem:s18] =	stream.linear.scatter [tilespmem:s30], [sflag:$0x9], $0x2800, $0x38;
	[tilespmem:$0x1EF00] =	vst v63  }
0x36: {  	_ =	swait.ge [sflag:s9], $0x2800  }
0x37: {  	[sflag:s9] =	ssyncset.done $0x0  }
0x38: {  	s26 =	rddreg [dreg:$0x6];
	[sflag:s9] =	ssyncadd.s32 $0xFFFFD800  }
0x39: {  	[spmem:s26] =	stream.linear.scatter [tilespmem:s30], [sflag:$0x9], $0x2800, $0x38;
	[tilespmem:$0x1EF00] =	vst v63  }
0x3a: {  	_ =	swait.ge [sflag:s9], $0x2800  }
0x3b: {  	[sflag:s9] =	ssyncset.done $0x0  }
0x3c: {  	s31 =	rddreg [dreg:$0x7];
	[sflag:s9] =	ssyncadd.s32 $0xFFFFD800  }
0x3d: {  	[spmem:s31] =	stream.linear.scatter [tilespmem:s30], [sflag:$0x9], $0x2800, $0x38;
	[tilespmem:$0x1EF00] =	vst v63  }
0x3e: {  	_ =	swait.ge [sflag:s9], $0x2800  }
0x3f: {  	[sflag:s9] =	ssyncset.done $0x0  }
0x40: {  	s4 =	rddreg [dreg:$0x8];
	[sflag:s9] =	ssyncadd.s32 $0xFFFFD800  }
0x41: {  	[spmem:s4] =	stream.linear.scatter [tilespmem:s30], [sflag:$0x9], $0x2800, $0x38;
	[tilespmem:$0x1EF00] =	vst v63  }
0x42: {  	_ =	swait.ge [sflag:s9], $0x2800  }
0x43: {  	[sflag:s9] =	ssyncset.done $0x0  }
0x44: {  	s17 =	rddreg [dreg:$0x13];
	[sflag:s9] =	ssyncadd.s32 $0xFFFFD800  }
0x45: {  	[spmem:s17] =	stream.linear.scatter [tilespmem:s30], [sflag:$0x9], $0x2800, $0x38;
	[tilespmem:$0x1EF00] =	vst v63  }
0x46: {  	_ =	swait.ge [sflag:s9], $0x2800  }
0x47: {  	[sflag:s9] =	ssyncset.done $0x0  }
0x48: {  	s18 =	rddreg [dreg:$0x14];
	[sflag:s9] =	ssyncadd.s32 $0xFFFFD800  }
0x49: {  	[spmem:s18] =	stream.linear.scatter [tilespmem:s30], [sflag:$0x9], $0x2800, $0x38;
	[tilespmem:$0x1EF00] =	vst v63  }
0x4a: {  	_ =	swait.ge [sflag:s9], $0x2800  }
0x4b: {  	[sflag:s9] =	ssyncset.done $0x0  }
0x4c: {  	s26 =	rddreg [dreg:$0x15];
	[sflag:s9] =	ssyncadd.s32 $0xFFFFD800  }
0x4d: {  	[spmem:s26] =	stream.linear.scatter [tilespmem:s30], [sflag:$0x9], $0x2800, $0x38;
	[tilespmem:$0x1EF00] =	vst v63  }
0x4e: {  	_ =	swait.ge [sflag:s9], $0x2800  }
0x4f: {  	[sflag:s9] =	ssyncset.done $0x0  }
0x50: {  	[sflag:s9] =	ssyncadd.s32 $0xFFFFD800  }
0x51: {  	[bflag:$0x0] =	sbarrier.arrive $0xFFFF  }
0x52: {  	s4 =	simm.s32 $0x14000;
	s31 =	rddreg [dreg:$0x9]  }
0x53: {  	[tilespmem:s4], [sflag:$0x1] =	stream.linear.gather [hbm4b:s31+s29], $0x50, $0x38;
	[tilespmem:$0x1EF00] =	vst v63  }
0x54: {  	s4 =	rddreg [dreg:$0xa]  }
0x55: {  	[tilespmem:s3], [sflag:$0x1] =	stream.linear.gather [hbm4b:s4+s29], $0x50, $0x38;
	[tilespmem:$0x1EF00] =	vst v63  }
0x56: {  	s9 =	rddreg [dreg:$0xb]  }
0x57: {  	[tilespmem:s10], [sflag:$0x1] =	stream.linear.gather [hbm4b:s9+s29], $0x50, $0x38;
	[tilespmem:$0x1EF00] =	vst v63  }
0x58: {  	_ =	swait.ge [sflag:s11], $0x50  }
0x59: {  	[sflag:s11] =	ssyncset.done $0x0  }
0x5a: {  	[sflag:s11] =	ssyncadd.s32 $0xFFFFFFB0  }
0x5b: {  	_ =	swait.ge [sflag:s11], $0x50  }
0x5c: {  	[sflag:s11] =	ssyncset.done $0x0  }
0x5d: {  	[sflag:s11] =	ssyncadd.s32 $0xFFFFFFB0  }
0x5e: {  	_ =	swait.ge [sflag:s11], $0x50  }
0x5f: {  	[sflag:s11] =	ssyncset.done $0x0  }
0x60: {  	[sflag:s11] =	ssyncadd.s32 $0xFFFFFFB0  }
0x61: {  	v1 =	vld [tilespmem:$0x14000]  }
0x62: {  	v2 =	vld [tilespmem:$0x14100]  }
0x63: {  	v3 =	vld [tilespmem:$0x14010]  }
0x64: {  	v4 =	vld [tilespmem:$0x14110]  }
0x65: {  	v5 =	vld [tilespmem:$0x14020]  }
0x66: {  	v6 =	vld [tilespmem:$0x14120]  }
0x67: {  	v7 =	vld [tilespmem:$0x14030]  }
0x68: {  	v8 =	vld [tilespmem:$0x14130]  }
0x69: {  	v9 =	vld [tilespmem:$0x14040]  }
0x6a: {  	v10 =	vld [tilespmem:$0x14140];
	v1 =	vshll.u32 v1, $0x3  }
0x6b: {  	v1 =	vadd.s32 v2, v1;
	v2 =	vshll.u32 v3, $0x3  }
0x6c: {  	[tilespmem:$0x14180] =	vst v1;
	v1 =	vadd.s32 v4, v2;
	v2 =	vshll.u32 v5, $0x3  }
0x6d: {  	[tilespmem:$0x14190] =	vst v1;
	v1 =	vadd.s32 v6, v2;
	v2 =	vshll.u32 v7, $0x3  }
0x6e: {  	[tilespmem:$0x141A0] =	vst v1;
	v1 =	vadd.s32 v8, v2;
	v2 =	vshll.u32 v9, $0x3  }
0x6f: {  	[tilespmem:$0x141B0] =	vst v1;
	v1 =	vadd.s32 v10, v2  }
0x70: {  	[tilespmem:$0x141C0] =	vst v1  }
0x71: {  	[tilespmem:s14], [sflag:$0x2] =	stream.indirect.gather [hbm4b:s7+s12], $0x80, s13, s12, $0xb8;
	[tilespmem:$0x1EF00] =	vst v63  }
0x72: {  	s18 =	simm.s32 $0x19780;
	s17 =	rddreg [dreg:$0xc]  }
0x73: {  	[tilespmem:s18], [sflag:$0x5] =	stream.linear.gather [hbm4b:s17+s29], $0x50, $0x38;
	[tilespmem:$0x1EF00] =	vst v63  }
0x74: {  	s31 =	simm.s32 $0x19800;
	s26 =	rddreg [dreg:$0xd]  }
0x75: {  	[tilespmem:s31], [sflag:$0x5] =	stream.linear.gather [hbm4b:s26+s29], $0x50, $0x38;
	[tilespmem:$0x1EF00] =	vst v63  }
0x76: {  	s9 =	rddreg [dreg:$0xe];
	s17 =	simm.s32 $0x19880  }
0x77: {  	[tilespmem:s17], [sflag:$0x5] =	stream.linear.gather [hbm4b:s9+s29], $0x50, $0x38;
	[tilespmem:$0x1EF00] =	vst v63  }
0x78: {  	s18 =	rddreg [dreg:$0xf]  }
0x79: {  	[tilespmem:s15], [sflag:$0x3] =	stream.linear.gather [hbm4b:s18+s29], $0x500, $0x38;
	[tilespmem:$0x1EF00] =	vst v63  }
0x7a: {  	s26 =	rddreg [dreg:$0x10];
	s31 =	simm.s32 $0x1C200;
	s9 =	simm.s32 $0x0  }
0x7b: {  	[tilespmem:s31], [sflag:$0x7] =	stream.linear.gather [hbm4b:s26+s29], $0x500, $0x38;
	[tilespmem:$0x1EF00] =	vst v63  }
.LBB2_4:
0x7c: {  	_ =	swait.ge [sflag:s16], $0x50  }
0x7d: {  	[sflag:s16] =	ssyncset.done $0x0  }
0x7e: {  	[sflag:s16] =	ssyncadd.s32 $0xFFFFFFB0  }
0x7f: {  	_ =	swait.ge [sflag:s16], $0x50  }
0x80: {  	[sflag:s16] =	ssyncset.done $0x0  }
0x81: {  	[sflag:s16] =	ssyncadd.s32 $0xFFFFFFB0  }
0x82: {  	_ =	swait.ge [sflag:s16], $0x50  }
0x83: {  	[sflag:s16] =	ssyncset.done $0x0  }
0x84: {  	[sflag:s16] =	ssyncadd.s32 $0xFFFFFFB0  }
0x85: {  	v1 =	vld [tilespmem:$0x19780]  }
0x86: {  	v2 =	vld [tilespmem:$0x19880]  }
0x87: {  	v3 =	vld [tilespmem:$0x19790]  }
0x88: {  	v4 =	vld [tilespmem:$0x19890]  }
0x89: {  	v5 =	vld [tilespmem:$0x197A0]  }
0x8a: {  	v6 =	vld [tilespmem:$0x198A0]  }
0x8b: {  	v7 =	vld [tilespmem:$0x197B0]  }
0x8c: {  	v8 =	vld [tilespmem:$0x198B0]  }
0x8d: {  	v9 =	vld [tilespmem:$0x197C0]  }
0x8e: {  	v10 =	vld [tilespmem:$0x198C0];
	v1 =	vshll.u32 v1, $0x3  }
0x8f: {  	v1 =	vadd.s32 v2, v1;
	v2 =	vshll.u32 v3, $0x3  }
0x90: {  	[tilespmem:$0x19900] =	vst v1;
	v1 =	vadd.s32 v4, v2;
	v2 =	vshll.u32 v5, $0x3  }
0x91: {  	[tilespmem:$0x19910] =	vst v1;
	v1 =	vadd.s32 v6, v2;
	v2 =	vshll.u32 v7, $0x3  }
0x92: {  	[tilespmem:$0x19920] =	vst v1;
	v1 =	vadd.s32 v8, v2;
	v2 =	vshll.u32 v9, $0x3  }
0x93: {  	[tilespmem:$0x19930] =	vst v1;
	v1 =	vadd.s32 v10, v2  }
0x94: {  	s0 =	simm.s32 $0x19900;
	s4 =	simm.s32 $0x19A00;
	[tilespmem:$0x19940] =	vst v1  }
0x95: {  	[tilespmem:s4], [sflag:$0x6] =	stream.indirect.gather [hbm4b:s7+s12], $0x80, s0, s12, $0xb8;
	[tilespmem:$0x1EF00] =	vst v63  }
0x96: {  	_ =	swait.ge [sflag:s19], $0x2800  }
0x97: {  	p0 =	seq.s32 s9, $0x0;
	[sflag:s19] =	ssyncset.done $0x0  }
0x98: {  	s0 =	simm.s32 @!p0 $0x4;
	[sflag:s19] =	ssyncadd.s32 $0xFFFFD800  }
0x99: {  	_ =	swait.ge @!p0 [sflag:s0], $0x2800  }
0x9a: {  	[sflag:s0] =	ssyncset.done @!p0 $0x0  }
0x9b: {  	[sflag:s0] =	ssyncadd.s32 @!p0 $0xFFFFD800  }
0x9c: {  	v1 =	vld [tilespmem:$0x14080]  }
0x9d: {  	v2 =	vld [tilespmem:$0x14090]  }
0x9e: {  	v3 =	vld [tilespmem:$0x140A0]  }
0x9f: {  	v62 =	vld [tilespmem:$0x140B0]  }
0xa0: {  	v63 =	vld [tilespmem:$0x140C0]  }
0xa1: {  	s31 =	smul.u32 $0xA0, s9;
	[tilespmem:$0x14200] =	vst v1  }
0xa2: {  	[tilespmem:$0x14210] =	vst v2  }
0xa3: {  	s4 =	sadd.s32 s31, s22;
	[tilespmem:$0x14220] =	vst v3  }
0xa4: {  	s0 =	sshrl.u32 s4, $0x3;
	[tilespmem:$0x14230] =	vst v62  }
0xa5: {  	s18 =	simm.s32 $0x14000;
	s17 =	sadd.s32 s5, s0;
	[tilespmem:$0x14240] =	vst v63  }
0xa6: {  	[tilespmem:s18], [sflag:$0x1] =	stream.linear.gather [hbm4b:s17+s29], $0x50, $0x38;
	[tilespmem:$0x1EF00] =	vst v63  }
0xa7: {  	s26 =	sadd.s32 s6, s0  }
0xa8: {  	[tilespmem:s3], [sflag:$0x1] =	stream.linear.gather [hbm4b:s26+s29], $0x50, $0x38;
	[tilespmem:$0x1EF00] =	vst v63  }
0xa9: {  	s0 =	sadd.s32 s1, s0  }
0xaa: {  	[tilespmem:s10], [sflag:$0x1] =	stream.linear.gather [hbm4b:s0+s29], $0x50, $0x38;
	[tilespmem:$0x1EF00] =	vst v63  }
0xab: {  	_ =	swait.ge [sflag:s20], $0x500  }
0xac: {  	[sflag:s20] =	ssyncset.done $0x0  }
0xad: {  	s17 =	simm.s32 $0x0;
	[sflag:s20] =	ssyncadd.s32 $0xFFFFFB00  }
0xae: {  	s18 =	simm.s32 $0x16A80;
	v2 =	vld [tilespmem:s17+$0x14280]  }
0xaf: {  	s0 =	simm.s32 $0x200;
	v1 =	vld [tilespmem:s18+$0x0]  }
.LBB2_5:
0xb0: {  	p1 =	sne.s32 s0, $0x9E00;
	v3 =	vld [tilespmem:s17+$0x14290]  }
0xb1: {  	v4 =	vld [tilespmem:s17+$0x142A0]  }
0xb2: {  	v5 =	vld [tilespmem:s17+$0x142B0]  }
0xb3: {  	v6 =	vld [tilespmem:s17+$0x142C0]  }
0xb4: {  	v7 =	vbroadcast v1, $0x0;
	v8 =	vbroadcast v1, $0x1;
	v9 =	vld [tilespmem:s17+$0x142D0]  }
0xb5: {  	v10 =	vbroadcast v1, $0x2;
	v11 =	vbroadcast v1, $0x3;
	v12 =	vld [tilespmem:s17+$0x142E0]  }
0xb6: {  	v2 =	vmul.f32 v7, v2;
	v3 =	vmul.f32 v3, v8;
	v7 =	vld [tilespmem:s17+$0x142F0]  }
0xb7: {  	v4 =	vmul.f32 v4, v10;
	v5 =	vmul.f32 v5, v11  }
0xb8: {  	v8 =	vbroadcast v1, $0x5;
	[tilespmem:s17+$0x16F80] =	vst v2;
	v2 =	vbroadcast v1, $0x4  }
0xb9: {  	[tilespmem:s17+$0x16F90] =	vst v3;
	v3 =	vbroadcast v1, $0x6;
	v1 =	vbroadcast v1, $0x7  }
0xba: {  	[tilespmem:s17+$0x16FA0] =	vst v4;
	v2 =	vmul.f32 v6, v2;
	v4 =	vmul.f32 v9, v8  }
0xbb: {  	[tilespmem:s17+$0x16FB0] =	vst v5;
	v3 =	vmul.f32 v12, v3;
	v1 =	vmul.f32 v7, v1  }
.Ltmp1:
0xbc: {  	[tilespmem:s17+$0x16FC0] =	vst v2;
	(pc) =	sbr.rel @p1 .LBB2_5-.Ltmp1, $4  }
0xbd: {  	[tilespmem:s17+$0x16FD0] =	vst v4  }
0xbe: {  	s26 =	sshra.s32 s0, $0x2;
	[tilespmem:s17+$0x16FE0] =	vst v3  }
0xbf: {  	s18 =	sadd.s32 $0x10, s18;
	v2 =	vld [tilespmem:s26+$0x14280];
	[tilespmem:s17+$0x16FF0] =	vst v1;
	s17 =	smov.u32 s26  }
0xc0: {  	s0 =	sadd.s32 $0x200, s0;
	v1 =	vld [tilespmem:s18+$0x0]  }
0xc1: {  	_ =	sdelay $0x1  }
0xc2: {  	v3 =	vld [tilespmem:s17+$0x14290]  }
0xc3: {  	v4 =	vld [tilespmem:s17+$0x142A0]  }
0xc4: {  	v5 =	vld [tilespmem:s17+$0x142B0];
	v7 =	vbroadcast v1, $0x0  }
0xc5: {  	v9 =	vld [tilespmem:s17+$0x142D0];
	v8 =	vbroadcast v1, $0x1  }
0xc6: {  	v6 =	vld [tilespmem:s17+$0x142C0];
	v10 =	vbroadcast v1, $0x2;
	v2 =	vmul.f32 v7, v2  }
0xc7: {  	v11 =	vld [tilespmem:s17+$0x142E0];
	v51 =	vbroadcast v1, $0x3;
	v3 =	vmul.f32 v3, v8  }
0xc8: {  	v52 =	vld [tilespmem:s17+$0x142F0];
	v53 =	vbroadcast v1, $0x5;
	v4 =	vmul.f32 v4, v10;
	[tilespmem:s17+$0x16F80] =	vst v2  }
0xc9: {  	v5 =	vmul.f32 v5, v51;
	v2 =	vbroadcast v1, $0x4;
	[tilespmem:s17+$0x16F90] =	vst v3  }
0xca: {  	v54 =	vmul.f32 v9, v53;
	v3 =	vbroadcast v1, $0x6;
	[tilespmem:s17+$0x16FA0] =	vst v4  }
0xcb: {  	v1 =	vbroadcast v1, $0x7;
	[tilespmem:s17+$0x16FB0] =	vst v5;
	v2 =	vmul.f32 v6, v2  }
0xcc: {  	[tilespmem:s17+$0x16FD0] =	vst v54;
	v3 =	vmul.f32 v11, v3  }
0xcd: {  	v1 =	vmul.f32 v52, v1;
	[tilespmem:s17+$0x16FC0] =	vst v2  }
0xce: {  	s0 =	sshll.u32 s4, $0x1;
	[tilespmem:s17+$0x16FE0] =	vst v3  }
0xcf: {  	s0 =	sand.u32 $0x1FFFFFE0, s0;
	[tilespmem:s17+$0x16FF0] =	vst v1  }
0xd0: {  	[spmem:s2] =	stream.indirect.scatter.add.f32 [tilespmem:s30], [sflag:$0x4], $0x80, s21, s12, $0xb8;
	[tilespmem:$0x1EF00] =	vst v63  }
0xd1: {  	s26 =	simm.s32 $0x0;
	s0 =	sadd.s32 s8, s0  }
0xd2: {  	[tilespmem:s15], [sflag:$0x3] =	stream.linear.gather [hbm4b:s0+s26], $0x500, $0x38;
	[tilespmem:$0x1EF00] =	vst v63  }
0xd3: {  	_ =	swait.ge [sflag:s11], $0x50  }
0xd4: {  	[sflag:s11] =	ssyncset.done $0x0  }
0xd5: {  	[sflag:s11] =	ssyncadd.s32 $0xFFFFFFB0  }
0xd6: {  	_ =	swait.ge [sflag:s11], $0x50  }
0xd7: {  	[sflag:s11] =	ssyncset.done $0x0  }
0xd8: {  	[sflag:s11] =	ssyncadd.s32 $0xFFFFFFB0  }
0xd9: {  	_ =	swait.ge [sflag:s11], $0x50  }
0xda: {  	[sflag:s11] =	ssyncset.done $0x0  }
0xdb: {  	[sflag:s11] =	ssyncadd.s32 $0xFFFFFFB0  }
0xdc: {  	v1 =	vld [tilespmem:$0x14000]  }
0xdd: {  	v2 =	vld [tilespmem:$0x14100]  }
0xde: {  	v3 =	vld [tilespmem:$0x14010]  }
0xdf: {  	v55 =	vld [tilespmem:$0x14110]  }
0xe0: {  	v56 =	vld [tilespmem:$0x14020]  }
0xe1: {  	v57 =	vld [tilespmem:$0x14120]  }
0xe2: {  	v58 =	vld [tilespmem:$0x14030]  }
0xe3: {  	v59 =	vld [tilespmem:$0x14130]  }
0xe4: {  	v60 =	vld [tilespmem:$0x14040]  }
0xe5: {  	v61 =	vld [tilespmem:$0x14140];
	v1 =	vshll.u32 v1, $0x3  }
0xe6: {  	v1 =	vadd.s32 v2, v1;
	v2 =	vshll.u32 v3, $0x3  }
0xe7: {  	[tilespmem:$0x14180] =	vst v1;
	v1 =	vadd.s32 v55, v2;
	v2 =	vshll.u32 v56, $0x3  }
0xe8: {  	[tilespmem:$0x14190] =	vst v1;
	v1 =	vadd.s32 v57, v2;
	v2 =	vshll.u32 v58, $0x3  }
0xe9: {  	[tilespmem:$0x141A0] =	vst v1;
	v1 =	vadd.s32 v59, v2;
	v2 =	vshll.u32 v60, $0x3  }
0xea: {  	[tilespmem:$0x141B0] =	vst v1;
	v1 =	vadd.s32 v61, v2  }
0xeb: {  	[tilespmem:$0x141C0] =	vst v1  }
0xec: {  	[tilespmem:s14], [sflag:$0x2] =	stream.indirect.gather [hbm4b:s7+s12], $0x80, s13, s12, $0xb8;
	[tilespmem:$0x1EF00] =	vst v63  }
0xed: {  	_ =	swait.ge [sflag:s24], $0x2800  }
0xee: {  	[sflag:s24] =	ssyncset.done $0x0  }
0xef: {  	s0 =	simm.s32 @!p0 $0x8;
	[sflag:s24] =	ssyncadd.s32 $0xFFFFD800  }
0xf0: {  	_ =	swait.ge @!p0 [sflag:s0], $0x2800  }
0xf1: {  	[sflag:s0] =	ssyncset.done @!p0 $0x0  }
0xf2: {  	[sflag:s0] =	ssyncadd.s32 @!p0 $0xFFFFD800  }
0xf3: {  	v1 =	vld [tilespmem:$0x19800]  }
0xf4: {  	v2 =	vld [tilespmem:$0x19810]  }
0xf5: {  	v3 =	vld [tilespmem:$0x19820]  }
0xf6: {  	v62 =	vld [tilespmem:$0x19830]  }
0xf7: {  	v63 =	vld [tilespmem:$0x19840]  }
0xf8: {  	[tilespmem:$0x19980] =	vst v1  }
0xf9: {  	p0 =	sgt.u32 s9, $0x3C;
	[tilespmem:$0x19990] =	vst v2  }
0xfa: {  	s31 =	sadd.s32 @!p0 s31, s23;
	[tilespmem:$0x199A0] =	vst v3  }
0xfb: {  	s0 =	sshrl.u32 @!p0 s31, $0x3;
	[tilespmem:$0x199B0] =	vst v62  }
0xfc: {  	s17 =	simm.s32 @!p0 $0x0;
	s18 =	simm.s32 @!p0 $0x19780;
	s4 =	sadd.s32 @!p0 s5, s0;
	[tilespmem:$0x199C0] =	vst v63  }
0xfd: {  	[tilespmem:s18], [sflag:$0x5] =	stream.linear.gather @!p0 [hbm4b:s4+s17], $0x50, $0x38;
	[tilespmem:$0x1EF00] =	vst v63  }
0xfe: {  	s4 =	sadd.s32 @!p0 s6, s0;
	s18 =	simm.s32 @!p0 $0x19800  }
0xff: {  	[tilespmem:s18], [sflag:$0x5] =	stream.linear.gather @!p0 [hbm4b:s4+s17], $0x50, $0x38;
	[tilespmem:$0x1EF00] =	vst v63  }
0x100: {  	s0 =	sadd.s32 @!p0 s1, s0;
	s4 =	simm.s32 @!p0 $0x19880  }
0x101: {  	[tilespmem:s4], [sflag:$0x5] =	stream.linear.gather @!p0 [hbm4b:s0+s17], $0x50, $0x38;
	[tilespmem:$0x1EF00] =	vst v63  }
0x102: {  	_ =	swait.ge [sflag:s25], $0x500  }
0x103: {  	[sflag:s25] =	ssyncset.done $0x0  }
0x104: {  	s4 =	simm.s32 $0x0;
	[sflag:s25] =	ssyncadd.s32 $0xFFFFFB00  }
0x105: {  	s17 =	simm.s32 $0x1C200;
	v2 =	vld [tilespmem:s4+$0x19A00]  }
0x106: {  	s0 =	simm.s32 $0x200;
	v1 =	vld [tilespmem:s17+$0x0]  }
.LBB2_7:
0x107: {  	p1 =	sne.s32 s0, $0x9E00;
	v3 =	vld [tilespmem:s4+$0x19A10]  }
0x108: {  	v4 =	vld [tilespmem:s4+$0x19A20]  }
0x109: {  	v5 =	vld [tilespmem:s4+$0x19A30]  }
0x10a: {  	v6 =	vld [tilespmem:s4+$0x19A40]  }
0x10b: {  	v7 =	vbroadcast v1, $0x0;
	v8 =	vbroadcast v1, $0x1;
	v9 =	vld [tilespmem:s4+$0x19A50]  }
0x10c: {  	v10 =	vbroadcast v1, $0x2;
	v11 =	vbroadcast v1, $0x3;
	v12 =	vld [tilespmem:s4+$0x19A60]  }
0x10d: {  	v2 =	vmul.f32 v7, v2;
	v3 =	vmul.f32 v3, v8;
	v7 =	vld [tilespmem:s4+$0x19A70]  }
0x10e: {  	v4 =	vmul.f32 v4, v10;
	v5 =	vmul.f32 v5, v11  }
0x10f: {  	v8 =	vbroadcast v1, $0x5;
	[tilespmem:s4+$0x1C700] =	vst v2;
	v2 =	vbroadcast v1, $0x4  }
0x110: {  	[tilespmem:s4+$0x1C710] =	vst v3;
	v3 =	vbroadcast v1, $0x6;
	v1 =	vbroadcast v1, $0x7  }
0x111: {  	[tilespmem:s4+$0x1C720] =	vst v4;
	v2 =	vmul.f32 v6, v2;
	v4 =	vmul.f32 v9, v8  }
0x112: {  	[tilespmem:s4+$0x1C730] =	vst v5;
	v3 =	vmul.f32 v12, v3;
	v1 =	vmul.f32 v7, v1  }
.Ltmp2:
0x113: {  	[tilespmem:s4+$0x1C740] =	vst v2;
	(pc) =	sbr.rel @p1 .LBB2_7-.Ltmp2, $4  }
0x114: {  	[tilespmem:s4+$0x1C750] =	vst v4  }
0x115: {  	s18 =	sshra.s32 s0, $0x2;
	[tilespmem:s4+$0x1C760] =	vst v3  }
0x116: {  	s17 =	sadd.s32 $0x10, s17;
	v2 =	vld [tilespmem:s18+$0x19A00];
	[tilespmem:s4+$0x1C770] =	vst v1;
	s4 =	smov.u32 s18  }
0x117: {  	s0 =	sadd.s32 $0x200, s0;
	v1 =	vld [tilespmem:s17+$0x0]  }
0x118: {  	_ =	sdelay $0x1  }
0x119: {  	v3 =	vld [tilespmem:s4+$0x19A10]  }
0x11a: {  	v4 =	vld [tilespmem:s4+$0x19A20]  }
0x11b: {  	v5 =	vld [tilespmem:s4+$0x19A30];
	v7 =	vbroadcast v1, $0x0  }
0x11c: {  	v9 =	vld [tilespmem:s4+$0x19A50];
	v8 =	vbroadcast v1, $0x1  }
0x11d: {  	v6 =	vld [tilespmem:s4+$0x19A40];
	v10 =	vbroadcast v1, $0x2;
	v2 =	vmul.f32 v7, v2  }
0x11e: {  	v11 =	vld [tilespmem:s4+$0x19A60];
	v60 =	vbroadcast v1, $0x3;
	v3 =	vmul.f32 v3, v8  }
0x11f: {  	v61 =	vld [tilespmem:s4+$0x19A70];
	v62 =	vbroadcast v1, $0x5;
	v4 =	vmul.f32 v4, v10;
	[tilespmem:s4+$0x1C700] =	vst v2  }
0x120: {  	v5 =	vmul.f32 v5, v60;
	v2 =	vbroadcast v1, $0x4;
	[tilespmem:s4+$0x1C710] =	vst v3  }
0x121: {  	v63 =	vmul.f32 v9, v62;
	v3 =	vbroadcast v1, $0x6;
	[tilespmem:s4+$0x1C720] =	vst v4  }
0x122: {  	v1 =	vbroadcast v1, $0x7;
	[tilespmem:s4+$0x1C730] =	vst v5;
	v2 =	vmul.f32 v6, v2  }
0x123: {  	[tilespmem:s4+$0x1C750] =	vst v63;
	v3 =	vmul.f32 v11, v3  }
0x124: {  	v1 =	vmul.f32 v61, v1;
	[tilespmem:s4+$0x1C740] =	vst v2  }
0x125: {  	[tilespmem:s4+$0x1C760] =	vst v3  }
0x126: {  	s0 =	simm.s32 $0x19980;
	[tilespmem:s4+$0x1C770] =	vst v1  }
0x127: {  	[spmem:s2] =	stream.indirect.scatter.add.f32 [tilespmem:s28], [sflag:$0x8], $0x80, s0, s12, $0xb8;
	[tilespmem:$0x1EF00] =	vst v63  }
0x128: {  	s0 =	sshll.u32 @!p0 s31, $0x1  }
0x129: {  	s17 =	simm.s32 @!p0 $0x1C200;
	s0 =	sand.u32 @!p0 $0x1FFFFFE0, s0  }
0x12a: {  	s9 =	sadd.s32 $0x1, s9;
	s4 =	simm.s32 @!p0 $0x0;
	s0 =	sadd.s32 @!p0 s8, s0  }
0x12b: {  	[tilespmem:s17], [sflag:$0x7] =	stream.linear.gather @!p0 [hbm4b:s0+s4], $0x500, $0x38;
	[tilespmem:$0x1EF00] =	vst v63  }
0x12c: {  	p0 =	sne.s32 s9, $0x3E  }
.Ltmp3:
0x12d: {  	_ = 	snop;
	(pc) =	sbr.rel @p0 .LBB2_4-.Ltmp3, $1  }
0x12e: {  	_ =	sdelay $0x3  }
0x12f: {  	_ =	swait.ge [sflag:s19], $0x2800  }
0x130: {  	[sflag:s19] =	ssyncset.done $0x0  }
0x131: {  	s18 =	simm.s32 $0x4;
	[sflag:s19] =	ssyncadd.s32 $0xFFFFD800  }
0x132: {  	_ =	swait.ge [sflag:s18], $0x2800  }
0x133: {  	[sflag:s18] =	ssyncset.done $0x0  }
0x134: {  	[sflag:s18] =	ssyncadd.s32 $0xFFFFD800  }
0x135: {  	v1 =	vld [tilespmem:$0x14080]  }
0x136: {  	v2 =	vld [tilespmem:$0x14090]  }
0x137: {  	v3 =	vld [tilespmem:$0x140A0]  }
0x138: {  	v4 =	vld [tilespmem:$0x140B0]  }
0x139: {  	v5 =	vld [tilespmem:$0x140C0]  }
0x13a: {  	[tilespmem:$0x14200] =	vst v1  }
0x13b: {  	[tilespmem:$0x14210] =	vst v2  }
0x13c: {  	[tilespmem:$0x14220] =	vst v3  }
0x13d: {  	[tilespmem:$0x14230] =	vst v4  }
0x13e: {  	[tilespmem:$0x14240] =	vst v5  }
0x13f: {  	_ =	swait.ge [sflag:s20], $0x500  }
0x140: {  	[sflag:s20] =	ssyncset.done $0x0  }
0x141: {  	s4 =	simm.s32 $0x0;
	[sflag:s20] =	ssyncadd.s32 $0xFFFFFB00  }
0x142: {  	s9 =	simm.s32 $0x16A80;
	v2 =	vld [tilespmem:s4+$0x14280]  }
0x143: {  	s0 =	simm.s32 $0x200;
	v1 =	vld [tilespmem:s9+$0x0]  }
.LBB2_10:
0x144: {  	p0 =	sne.s32 s0, $0x9E00;
	v3 =	vld [tilespmem:s4+$0x14290]  }
0x145: {  	v4 =	vld [tilespmem:s4+$0x142A0]  }
0x146: {  	v5 =	vld [tilespmem:s4+$0x142B0]  }
0x147: {  	v6 =	vld [tilespmem:s4+$0x142C0]  }
0x148: {  	v7 =	vbroadcast v1, $0x0;
	v8 =	vbroadcast v1, $0x1;
	v9 =	vld [tilespmem:s4+$0x142D0]  }
0x149: {  	v10 =	vbroadcast v1, $0x2;
	v11 =	vbroadcast v1, $0x3;
	v12 =	vld [tilespmem:s4+$0x142E0]  }
0x14a: {  	v2 =	vmul.f32 v7, v2;
	v3 =	vmul.f32 v3, v8;
	v7 =	vld [tilespmem:s4+$0x142F0]  }
0x14b: {  	v4 =	vmul.f32 v4, v10;
	v5 =	vmul.f32 v5, v11  }
0x14c: {  	v8 =	vbroadcast v1, $0x5;
	[tilespmem:s4+$0x16F80] =	vst v2;
	v2 =	vbroadcast v1, $0x4  }
0x14d: {  	[tilespmem:s4+$0x16F90] =	vst v3;
	v3 =	vbroadcast v1, $0x6;
	v1 =	vbroadcast v1, $0x7  }
0x14e: {  	[tilespmem:s4+$0x16FA0] =	vst v4;
	v2 =	vmul.f32 v6, v2;
	v4 =	vmul.f32 v9, v8  }
0x14f: {  	[tilespmem:s4+$0x16FB0] =	vst v5;
	v3 =	vmul.f32 v12, v3;
	v1 =	vmul.f32 v7, v1  }
.Ltmp4:
0x150: {  	[tilespmem:s4+$0x16FC0] =	vst v2;
	(pc) =	sbr.rel @p0 .LBB2_10-.Ltmp4, $4  }
0x151: {  	[tilespmem:s4+$0x16FD0] =	vst v4  }
0x152: {  	s17 =	sshra.s32 s0, $0x2;
	[tilespmem:s4+$0x16FE0] =	vst v3  }
0x153: {  	s9 =	sadd.s32 $0x10, s9;
	v2 =	vld [tilespmem:s17+$0x14280];
	[tilespmem:s4+$0x16FF0] =	vst v1;
	s4 =	smov.u32 s17  }
0x154: {  	s0 =	sadd.s32 $0x200, s0;
	v1 =	vld [tilespmem:s9+$0x0]  }
0x155: {  	_ =	sdelay $0x1  }
0x156: {  	v3 =	vld [tilespmem:s4+$0x14290]  }
0x157: {  	v4 =	vld [tilespmem:s4+$0x142A0]  }
0x158: {  	v5 =	vld [tilespmem:s4+$0x142B0];
	v7 =	vbroadcast v1, $0x0  }
0x159: {  	v9 =	vld [tilespmem:s4+$0x142D0];
	v8 =	vbroadcast v1, $0x1  }
0x15a: {  	v6 =	vld [tilespmem:s4+$0x142C0];
	v10 =	vbroadcast v1, $0x2;
	v2 =	vmul.f32 v7, v2  }
0x15b: {  	v11 =	vld [tilespmem:s4+$0x142E0];
	v60 =	vbroadcast v1, $0x3;
	v3 =	vmul.f32 v3, v8  }
0x15c: {  	v61 =	vld [tilespmem:s4+$0x142F0];
	v62 =	vbroadcast v1, $0x5;
	v4 =	vmul.f32 v4, v10;
	[tilespmem:s4+$0x16F80] =	vst v2  }
0x15d: {  	v5 =	vmul.f32 v5, v60;
	v2 =	vbroadcast v1, $0x4;
	[tilespmem:s4+$0x16F90] =	vst v3  }
0x15e: {  	v63 =	vmul.f32 v9, v62;
	v3 =	vbroadcast v1, $0x6;
	[tilespmem:s4+$0x16FA0] =	vst v4  }
0x15f: {  	v1 =	vbroadcast v1, $0x7;
	[tilespmem:s4+$0x16FB0] =	vst v5;
	v2 =	vmul.f32 v6, v2  }
0x160: {  	[tilespmem:s4+$0x16FD0] =	vst v63;
	v3 =	vmul.f32 v11, v3  }
0x161: {  	v1 =	vmul.f32 v61, v1;
	[tilespmem:s4+$0x16FC0] =	vst v2  }
0x162: {  	[tilespmem:s4+$0x16FE0] =	vst v3  }
0x163: {  	s0 =	simm.s32 $0x8;
	[tilespmem:s4+$0x16FF0] =	vst v1  }
0x164: {  	[spmem:s2] =	stream.indirect.scatter.add.f32 [tilespmem:s30], [sflag:$0x4], $0x80, s21, s12, $0xb8;
	[tilespmem:$0x1EF00] =	vst v63  }
0x165: {  	_ =	swait.ge [sflag:s0], $0x2800  }
0x166: {  	[sflag:s0] =	ssyncset.done $0x0  }
0x167: {  	[sflag:s0] =	ssyncadd.s32 $0xFFFFD800  }
0x168: {  	_ =	swait.ge [sflag:s18], $0x2800  }
0x169: {  	[sflag:s18] =	ssyncset.done $0x0  }
0x16a: {  	[sflag:s18] =	ssyncadd.s32 $0xFFFFD800  }
0x16b: {  	s17 =	stileid.u32;
	[bflag:$0x0] =	sbarrier.arrive $0xFFFF  }
0x16c: {  	s0 =	sshll.u32 s17, $0x6;
	s17 =	rddreg [dreg:$0x4]  }
0x16d: {  	s0 =	sor.u32 $0x1C09, s0;
	s9 =	rddreg [dreg:$0x11];
	s18 =	sshrl.u32 s17, $0x3  }
0x16e: {  	[hbm:s9], [sflag:s0] =	dma.local [spmem:s18], $0x2800  }
0x16f: {  	s9 =	simm.s32 $0x9  }
0x170: {  	_ =	swait.ge [sflag:s9], $0x2800  }
0x171: {  	s26 =	rddreg [dreg:$0x16]  }
0x172: {  	s31 =	rddreg [dreg:$0x12];
	s4 =	sadd.s32 $0x1, s26  }
0x173: {  	p0 =	sne.s32 s4, s31  }
.Ltmp5:
0x174: {  	_ = 	snop;
	(pc) =	sbr.rel @p0 .LBB2_1-.Ltmp5, $3  }
0x175: {  	_ =	sdelay $0x1  }
0x176: {  	[sflag:s9] =	ssyncset.done $0x0  }
0x177: {  	[sflag:s9] =	ssyncadd.s32 $0xFFFFD800  }
0x178: {  	_ =	sfence.sel $0x180000  }
0x179: {  	[bflag:$0x0] =	sbarrier.arrive $0xFFFF  }
0x17a: {  	_ =	strace $0x9000004A  }
0x17b: {  	s0 =	stileid.u32;
	[bflag:$0x2] =	sbarrier.arrive $0xFFFF  }
0x17c: {  	p0 =	sne.s32 s0, $0x0;
	s0 =	rddreg [dreg:$0x3]  }
0x17d: {  	s0 =	sadd.s32 @!p0 $0x100000, s0  }
0x17e: {  	[sflag:s0] =	ssyncadd.tile.s32 @!p0 $0x1;
	_ =	shalt  }
.Lfunc_end2:
_tile_overlayer_lowered:
.L_overlay_start_2:
0x17f: {  	(tag) =	ssettag $0x2  }
0x180: {  	s0 =	rddreg [dreg:$0x0];
	s2 =	stileid.u32  }
0x181: {  	s1 =	rddreg [dreg:$0x1];
	p0 =	sne.s32 s2, $0x0  }
0x182: {  	s3 =	rddreg [dreg:$0x2];
	[bflag:$0x3] =	sbarrier.arrive $0xFFFF;
	s2 =	simm.s32 @!p0 $0x1C09  }
0x183: {  	[timem:s3], [sflag:s2] =	dma.local @!p0 [hbm:s0], s1  }
0x184: {  	s0 =	simm.s32 @!p0 $0x9  }
0x185: {  	_ =	swait.ge @!p0 [sflag:s0], s1  }
0x186: {  	s1 =	ssub.s32 @!p0 $0x0, s1;
	[sflag:s0] =	ssyncset.done @!p0 $0x0  }
0x187: {  	[sflag:s0] =	ssyncadd.s32 @!p0 s1  }
0x188: {  	[bflag:$0x3] =	sbarrier.arrive $0xFFFF  }
0x189: {  	_ =	shalt  }

// kernel: kernel.7.cloned.1.call-start
scs
__scs_entry_jumppad:
0x0: {  	(pc) =	sbr.rel $0x88, $3  }
0x1: {  	(tag) =	ssettag $0x0;
	lr =	simm.s32 $0x1  }
0x2: {  	[smem:$0x3F98] =	sst lr;
	_ =	strace $0xD0000000  }
0x3: {  	_ = 	snop  }
0x4: {  	_ = 	snop  }
0x5: {  	_ = 	snop  }
0x6: {  	_ = 	snop  }
0x7: {  	_ = 	snop  }
__scs_overlays_trampoline_lowered:
0x8: {  	[smem:$0x3FA7] =	sst s0  }
0x9: {  	[smem:$0x3FA8] =	sst s1  }
0xa: {  	[smem:$0x3FA9] =	sst s2  }
0xb: {  	[smem:$0x3FAA] =	sst s3  }
0xc: {  	[smem:$0x3FAB] =	sst s4  }
0xd: {  	[smem:$0x3FAC] =	sst s5  }
0xe: {  	[smem:$0x3FAD] =	sst s6  }
0xf: {  	[smem:$0x3FAE] =	sst s7  }
0x10: {  	[smem:$0x3FAF] =	sst s8  }
0x11: {  	[smem:$0x3FB0] =	sst s9;
	s0 =	simm.s32 @!p0 $0x0  }
0x12: {  	s1 =	sld [smem:$0x3F96];
	s0 =	simm.s32 @p0 $0x1  }
0x13: {  	[smem:$0x3FB1] =	sst s0;
	s0 =	simm.s32 @!p1 $0x0  }
0x14: {  	s2 =	sld [smem:$0x3F95];
	s0 =	simm.s32 @p1 $0x1  }
0x15: {  	[smem:$0x3FB2] =	sst s0;
	s0 =	simm.s32 @!p2 $0x0  }
0x16: {  	s3 =	sld [smem:$0x3FDB];
	s0 =	simm.s32 @p2 $0x1  }
0x17: {  	s4 =	simm.s32 $0x1BF5;
	[smem:$0x3FB4] =	sst s0  }
0x18: {  	s0 =	sld [smem:$0x3F97];
	_ =	swait.ge [sflag:s4], $0x0  }
0x19: {  	s7 =	sld [smem:$0x3F98]  }
0x1a: {  	s8 =	sadd.s32 $0xFFFFE003, lr  }
0x1b: {  	s9 =	sadd.s32 $0xFFFFFEF7, lr;
	s5 =	simm.s32 $0xFFFFFFFF;
	p2 =	slt.u32 s8, $0xFFFFF086  }
0x1c: {  	p1 =	slt.u32 s9, $0xF7A;
	s5 =	simm.s32 @!p2 $0x0  }
0x1d: {  	s5 =	simm.s32 @p1 $0x1;
	p0 =	seq.s32 s7, s2  }
0x1e: {  	s7 =	smul.u32 @!p0 $0xF7A, s2;
	p2 =	seq.s32 @!p0 s5, $0x0  }
0x1f: {  	s9 =	smul.u32 $0xF7A, s1;
	s8 =	simm.s32 @!p0 $0x1BF5;
	p2 =	por !p2, p0  }
0x20: {  	[sflag:s8] =	ssyncset.s32 @!p0 $0xFFFFF086;
	s6 =	sadd.s32 @!p0 s3, s7;
	s7 =	simm.s32 @!p0 $0x108  }
0x21: {  	s3 =	sadd.s32 s3, s9;
	s6 =	sadd.s32 @!p0 $0x88, s6;
	s7 =	simm.s32 @p2 $0x1082  }
0x22: {  	[simem:s7], [sflag:s8] =	dma.local @!p0 [hbm:s6], $0xF7A  }
0x23: {  	s9 =	sor.u32 $0xD0000000, s2;
	s6 =	simm.s32 $0x108;
	_ =	swait.ge @!p0 [sflag:s8], $0x0  }
0x24: {  	s3 =	sadd.s32 $0x88, s3;
	s6 =	simm.s32 @!p1 $0x1082;
	[sflag:s4] =	ssyncset.s32 $0xFFFFF086  }
0x25: {  	[simem:s6], [sflag:s4] =	dma.local [hbm:s3], $0xF7A  }
0x26: {  	[smem:$0x3F98] =	sst s1;
	(tag) =	ssettag s2;
	_ =	strace s9  }
0x27: {  	s1 =	sld [smem:$0x3FA8]  }
0x28: {  	s2 =	sld [smem:$0x3FA9]  }
0x29: {  	s4 =	sld [smem:$0x3FAB]  }
0x2a: {  	p0 =	seq.s32 s5, $0x0;
	s5 =	sld [smem:$0x3FAC]  }
0x2b: {  	s6 =	sld [smem:$0x3FAD]  }
0x2c: {  	s7 =	sld [smem:$0x3FAE]  }
0x2d: {  	s3 =	simm.s32 $0x108;
	s8 =	sld [smem:$0x3FAF]  }
0x2e: {  	s3 =	simm.s32 @!p0 $0x1082;
	s9 =	sld [smem:$0x3FB0]  }
0x2f: {  	lr =	sadd.s32 s0, s3;
	s0 =	sld [smem:$0x3FA7]  }
0x30: {  	s3 =	sld [smem:$0x3FAA]  }
0x31: {  	[smem:$0x3FB3] =	sst s10  }
0x32: {  	s10 =	sld [smem:$0x3FB1];
	_ =	sdelay $0x3  }
0x33: {  	p0 =	seq.s32 s10, $0x1;
	s10 =	sld [smem:$0x3FB3];
	_ =	sdelay $0x3  }
0x34: {  	[smem:$0x3FB3] =	sst s10  }
0x35: {  	s10 =	sld [smem:$0x3FB2];
	_ =	sdelay $0x3  }
0x36: {  	p1 =	seq.s32 s10, $0x1;
	s10 =	sld [smem:$0x3FB3];
	_ =	sdelay $0x3  }
0x37: {  	[smem:$0x3FB3] =	sst s10  }
0x38: {  	s10 =	sld [smem:$0x3FB4]  }
0x39: {  	_ = 	snop;
	(pc) =	sbr.ind lr, $3  }
0x3a: {  	_ = 	snop  }
0x3b: {  	_ = 	snop  }
0x3c: {  	p2 =	seq.s32 s10, $0x1;
	s10 =	sld [smem:$0x3FB3]  }
0x3d: {  	_ =	shalt  }
0x3e: {  	_ =	shalt  }
0x3f: {  	_ =	shalt  }
0x40: {  	_ =	shalt  }
0x41: {  	_ =	shalt  }
0x42: {  	_ =	shalt  }
0x43: {  	_ =	shalt  }
0x44: {  	_ =	shalt  }
0x45: {  	_ =	shalt  }
0x46: {  	_ =	shalt  }
0x47: {  	_ =	shalt  }
0x48: {  	_ =	shalt  }
0x49: {  	_ =	shalt  }
0x4a: {  	_ =	shalt  }
0x4b: {  	_ =	shalt  }
0x4c: {  	_ =	shalt  }
0x4d: {  	_ =	shalt  }
0x4e: {  	_ =	shalt  }
0x4f: {  	_ =	shalt  }
0x50: {  	_ =	shalt  }
0x51: {  	_ =	shalt  }
0x52: {  	_ =	shalt  }
0x53: {  	_ =	shalt  }
0x54: {  	_ =	shalt  }
0x55: {  	_ =	shalt  }
0x56: {  	_ =	shalt  }
0x57: {  	_ =	shalt  }
0x58: {  	_ =	shalt  }
0x59: {  	_ =	shalt  }
0x5a: {  	_ =	shalt  }
0x5b: {  	_ =	shalt  }
0x5c: {  	_ =	shalt  }
0x5d: {  	_ =	shalt  }
0x5e: {  	_ =	shalt  }
0x5f: {  	_ =	shalt  }
0x60: {  	_ =	shalt  }
0x61: {  	_ =	shalt  }
0x62: {  	_ =	shalt  }
0x63: {  	_ =	shalt  }
0x64: {  	_ =	shalt  }
0x65: {  	_ =	shalt  }
0x66: {  	_ =	shalt  }
0x67: {  	_ =	shalt  }
0x68: {  	_ =	shalt  }
0x69: {  	_ =	shalt  }
0x6a: {  	_ =	shalt  }
0x6b: {  	_ =	shalt  }
0x6c: {  	_ =	shalt  }
0x6d: {  	_ =	shalt  }
0x6e: {  	_ =	shalt  }
0x6f: {  	_ =	shalt  }
0x70: {  	_ =	shalt  }
0x71: {  	_ =	shalt  }
0x72: {  	_ =	shalt  }
0x73: {  	_ =	shalt  }
0x74: {  	_ =	shalt  }
0x75: {  	_ =	shalt  }
0x76: {  	_ =	shalt  }
0x77: {  	_ =	shalt  }
0x78: {  	_ =	shalt  }
0x79: {  	_ =	shalt  }
0x7a: {  	_ =	shalt  }
0x7b: {  	_ =	shalt  }
0x7c: {  	_ =	shalt  }
0x7d: {  	_ =	shalt  }
0x7e: {  	_ =	shalt  }
0x7f: {  	_ =	shalt  }
0x80: {  	_ =	shalt  }
0x81: {  	_ =	shalt  }
0x82: {  	_ =	shalt  }
0x83: {  	_ =	shalt  }
0x84: {  	_ =	shalt  }
0x85: {  	_ =	shalt  }
0x86: {  	_ =	shalt  }
0x87: {  	_ =	shalt  }
.Lfunc_end0:
.L_simem_size_0:
called_computation_lowered:
.L_overlay_start_0:
0x88: {  	s2 =	sld [smem:$0x3FD9]  }
0x89: {  	s3 =	sld [smem:$0x3FFE];
	_ =	sdelay $0x1  }
0x8a: {  	s1 =	srdreg.scid  }
0x8b: {  	s0 =	sand.u32 $0x1, s1  }
0x8c: {  	s17 =	sshll.u32 s0, $0xA;
	s2 =	sadd.s32 s3, s2  }
0x8d: {  	s2 =	sadd.s32 s2, s17  }
0x8e: {  	[smem:$0x3FBF] =	sst s2  }
0x8f: {  	_ = 	snop  }
0x90: {  	s2 =	sld [smem:$0x3FC6]  }
0x91: {  	s18 =	sld [smem:$0x3FD0];
	(tm) =	ssettm $0x1  }
0x92: {  	s4 =	sld [smem:$0x3FFB];
	_ =	sdelay $0x3  }
0x93: {  	_ =	strace s4  }
0x94: {  	s4 =	sld [smem:$0x3FFC];
	_ =	sdelay $0x3  }
0x95: {  	_ =	strace s4  }
0x96: {  	s4 =	sld [smem:$0x3FFD];
	_ =	sdelay $0x3  }
0x97: {  	_ =	strace s4  }
0x98: {  	_ =	strace $0x8FFFFFFF  }
0x99: {  	s19 =	sld [smem:$0x3FDB];
	_ =	sdelay $0x1  }
0x9a: {  	s5 =	simm.s32 $_scs_section_size  }
0x9b: {  	s6 =	simm.s32 $_size__tile_overlayer_lowered;
	s7 =	simm.s32 $_tile_overlayer_lowered  }
0x9c: {  	s22 =	simm.s32 $0x1BFF;
	s21 =	sshll.u32 s7, $0x1;
	s4 =	sadd.s32 s5, s19  }
0x9d: {  	s8 =	simm.s32 $0x0;
	s20 =	sshll.u32 s6, $0x1;
	s6 =	sadd.s32 s21, s4  }
0x9e: {  	[timem:s8], [sflag:s22] =	dma.local [hbm:s6], s20  }
0x9f: {  	_ =	swait.ge [sflag:s22], s20  }
0xa0: {  	s5 =	ssub.s32 $0x0, s20;
	[sflag:s22] =	ssyncset.done $0x0  }
0xa1: {  	[sflag:s22] =	ssyncadd.s32 s5;
	_ =	sdelay $0x1  }
0xa2: {  	s23 =	simm.s32 $0x1B8B  }
0xa3: {  	_ =	swait.ge [sflag:s23], $0x1  }
0xa4: {  	[sflag:s23] =	ssyncset.done $0x0  }
0xa5: {  	s25 =	simm.s32 $0x1B8E;
	s24 =	sld [smem:$0x3FFE];
	[sflag:s23] =	ssyncadd.s32 $0xFFFFFFFF  }
0xa6: {  	s26 =	simm.s32 $execute0_lowered;
	[smem:$0x3FD2] =	sst s25  }
0xa7: {  	s6 =	sshll.u32 s26, $0x1;
	_ =	strace $0x80000046;
	[dreg:$0x1] =	wrdreg $0xFFFFFFFF  }
0xa8: {  	s28 =	simm.s32 $_size_execute0_lowered;
	s4 =	sadd.s32 s4, s6;
	[dreg:$0x0] =	wrdreg $0x0  }
0xa9: {  	s6 =	sshll.u32 s28, $0x1;
	[dreg:$0x2] =	wrdreg s4  }
0xaa: {  	[dreg:$0x3] =	wrdreg s6  }
0xab: {  	[dreg:$0x4] =	wrdreg $0xC0  }
0xac: {  	_ =	task [dreg:s8], $0x5FFFF  }
0xad: {  	[dreg:$0x1] =	wrdreg $0xFFFFFFFF  }
0xae: {  	[dreg:$0x0] =	wrdreg $0x60  }
0xaf: {  	[dreg:$0x2] =	wrdreg s24  }
0xb0: {  	[dreg:$0x3] =	wrdreg s2  }
0xb1: {  	[dreg:$0x4] =	wrdreg s18  }
0xb2: {  	[dreg:$0x5] =	wrdreg $0x9  }
0xb3: {  	_ =	task.clear_ibuf [dreg:s8], $0x6FFFF;
	_ =	strace $0x90000046  }
0xb4: {  	s29 =	simm.s32 $0x9;
	_ =	strace $0x80000048  }
0xb5: {  	_ =	swait.ge [sflag:s29], $0x1  }
0xb6: {  	[sflag:s29] =	ssyncadd.s32 $0xFFFFFFFF  }
0xb7: {  	_ =	strace $0x90000048  }
0xb8: {  	_ =	sfence  }
0xb9: {  	s30 =	sld [smem:$0x0];
	_ =	sdelay $0x2  }
0xba: {  	s31 =	sshll.u32 s1, $0xD;
	s1 =	sshrl.u32 s1, $0x2  }
0xbb: {  	s3 =	sand.u32 $0x4000, s31;
	s1 =	sadd.s32 s1, s30  }
0xbc: {  	s0 =	sor.u32 s3, s0;
	s1 =	sshll.u32 s1, $0x11  }
0xbd: {  	s0 =	sor.u32 s1, s0  }
0xbe: {  	s0 =	sadd.s32 $0x8F2B, s0  }
0xbf: {  	[sflag:s0] =	ssyncadd.remote.s32 $0x1  }
0xc0: {  	_ =	sfence.sel $0xFFFF  }
0xc1: {  	[dreg:$0x0] =	wrdreg $0xFFFFFFFF;
	(pc) =	sbr.abs _section_cstart, $3  }
0xc2: {  	[dreg:$0x1] =	wrdreg $0xFFFFFFFF  }
0xc3: {  	_ =	task.clear_ibuf [dreg:s8], $0x2FFFF;
	_ =	strace $0x9FFFFFFF  }
0xc4: {  	(tm) =	ssettm $0x7FFFFFFF  }
0xc5: {  	_ =	shalt  }
tec
execute0_lowered:
.L_overlay_start_1:
0x0: {  	(tag) =	ssettag $0x1  }
0x1: {  	s0 =	rddreg [dreg:$0x0]  }
0x2: {  	s1 =	rddreg [dreg:$0x1]  }
0x3: {  	s3 =	rddreg [dreg:$0x2];
	s4 =	simm.s32 $0x0  }
0x4: {  	s2 =	srdreg.scid;
	s6 =	stileid.u32;
	s21 =	simm.s32 $0x14000  }
0x5: {  	s22 =	simm.s32 $0x14080;
	s20 =	simm.s32 $0x2;
	s14 =	simm.s32 $0x6  }
0x6: {  	s15 =	simm.s32 $0x7;
	s19 =	simm.s32 $0x0;
	[smem:$0x7FF] =	sst s4  }
0x7: {  	s2 =	sand.u32 $0x1, s2;
	s5 =	sshll.u32 s6, $0x1;
	s6 =	sshrl.u32 s6, $0x2  }
0x8: {  	s7 =	sadd.s32 $0x14EC00, s0;
	_ =	strace $0x80000047;
	s10 =	sor.u32 s2, s5  }
0x9: {  	s5 =	sadd.s32 $0xC600, s0;
	s8 =	smul.u32 $0xA0000, s6;
	s2 =	ssub.s32 $0x2, s2  }
0xa: {  	s6 =	sadd.s32 $0x2800, s0;
	s9 =	sshll.u32 s10, $0x7;
	s12 =	sshrl.u32 s2, $0x1  }
0xb: {  	s9 =	sand.u32 $0x380, s9;
	s2 =	ssub.s32 s2, s12;
	s12 =	simm.s32 $0x3  }
0xc: {  	s11 =	sor.u32 s8, s9;
	s8 =	smul.u32 $0x2710, s10;
	s9 =	sadd.s32 $0x1C5E00, s0  }
0xd: {  	s10 =	smul.u32 $0x27100, s10;
	s31 =	smax.u32 s2, $0x1;
	s2 =	simm.s32 $0x19780  }
0xe: {  	s11 =	sshrl.u32 s11, $0x3;
	[dreg:$0xc] =	wrdreg s31;
	s24 =	sshrl.u32 s8, $0x3  }
0xf: {  	s0 =	sadd.s32 s11, s0;
	s10 =	sshrl.u32 s10, $0x3;
	s25 =	sadd.s32 s5, s24  }
0x10: {  	s16 =	sadd.s32 $0xA0, s8;
	s13 =	sadd.s32 s6, s24;
	[dreg:$0x4] =	wrdreg s25  }
0x11: {  	s17 =	sadd.s32 $0xF0, s8;
	s11 =	sadd.s32 s1, s24;
	[dreg:$0x5] =	wrdreg s13  }
0x12: {  	s26 =	sadd.s32 $0xA, s24;
	s0 =	sadd.s32 $0x175E00, s0;
	[dreg:$0x6] =	wrdreg s11  }
0x13: {  	s10 =	sadd.s32 s9, s10;
	s28 =	sadd.s32 s5, s26;
	[dreg:$0xb] =	wrdreg s0  }
0x14: {  	s24 =	simm.s32 $0x1;
	s29 =	sadd.s32 s6, s26;
	[dreg:$0x7] =	wrdreg s28  }
0x15: {  	s30 =	sadd.s32 s1, s26;
	s10 =	sadd.s32 $0x4D80, s10;
	[dreg:$0x8] =	wrdreg s29  }
0x16: {  	s25 =	simm.s32 $0x28;
	s11 =	simm.s32 $0x5;
	[dreg:$0x9] =	wrdreg s30  }
0x17: {  	v0 =	vimm.f32 $0.0e+00;
	vm0 =	vmmov $0xff;
	s13 =	simm.s32 $0x19280;
	[dreg:$0xa] =	wrdreg s10;
	s10 =	simm.s32 $0x19800  }
.LBB2_1:
0x18: {  	[dreg:$0xd] =	wrdreg s19;
	s0 =	simm.s32 $0x40;
	s18 =	simm.s32 $0x0  }
.LBB2_2:
0x19: {  	p0 =	sne.s32 s0, $0x4FFC0;
	[tilespmem:s18+$0x0] =	vst v0;
	s18 =	smov.u32 s0;
	s0 =	sadd.s32 $0x40, s0  }
.Ltmp0:
0x1a: {  	(pc) =	sbr.rel @p0 .LBB2_2-.Ltmp0, $2  }
0x1b: {  	_ =	sdelay $0x2  }
0x1c: {  	s18 =	sshra.s32 s18, $0x2  }
0x1d: {  	[tilespmem:s18+$0x0] =	vst v0;
	s19 =	simm.s32 $0x0;
	s0 =	rddreg [dreg:$0x4]  }
0x1e: {  	[tilespmem:s21], [sflag:$0x1] =	stream.linear.gather [hbm4b:s0+s19], $0x50, $0x38;
	[tilespmem:$0x1EF00] =	vst v63  }
0x1f: {  	s23 =	rddreg [dreg:$0x5]  }
0x20: {  	[tilespmem:s22], [sflag:$0x1] =	stream.linear.gather [hbm4b:s23+s19], $0x50, $0x38;
	[tilespmem:$0x1EF00] =	vst v63  }
0x21: {  	s26 =	rddreg [dreg:$0x6];
	s28 =	simm.s32 $0x14100  }
0x22: {  	[tilespmem:s28], [sflag:$0x1] =	stream.linear.gather [hbm4b:s26+s19], $0x50, $0x38;
	[tilespmem:$0x1EF00] =	vst v63  }
0x23: {  	_ =	swait.ge [sflag:s24], $0x50  }
0x24: {  	[sflag:s24] =	ssyncset.done $0x0  }
0x25: {  	[sflag:s24] =	ssyncadd.s32 $0xFFFFFFB0  }
0x26: {  	_ =	swait.ge [sflag:s24], $0x50  }
0x27: {  	[sflag:s24] =	ssyncset.done $0x0  }
0x28: {  	[sflag:s24] =	ssyncadd.s32 $0xFFFFFFB0  }
0x29: {  	_ =	swait.ge [sflag:s24], $0x50  }
0x2a: {  	[sflag:s24] =	ssyncset.done $0x0  }
0x2b: {  	[sflag:s24] =	ssyncadd.s32 $0xFFFFFFB0  }
0x2c: {  	v1 =	vld [tilespmem:$0x14080]  }
0x2d: {  	v2 =	vld [tilespmem:$0x14100]  }
0x2e: {  	v3 =	vld [tilespmem:$0x14090]  }
0x2f: {  	v4 =	vld [tilespmem:$0x14110]  }
0x30: {  	v5 =	vld [tilespmem:$0x140A0]  }
0x31: {  	v62 =	vld [tilespmem:$0x140C0];
	[tilespmem:$0x14180] =	vst v1  }
0x32: {  	v63 =	vld [tilespmem:$0x14140];
	[tilespmem:$0x14200] =	vst v2  }
0x33: {  	v1 =	vld [tilespmem:$0x14120];
	[tilespmem:$0x14190] =	vst v3  }
0x34: {  	v2 =	vld [tilespmem:$0x140B0];
	[tilespmem:$0x14210] =	vst v4  }
0x35: {  	v3 =	vld [tilespmem:$0x14130];
	[tilespmem:$0x141A0] =	vst v5  }
0x36: {  	[tilespmem:$0x141C0] =	vst v62  }
0x37: {  	[tilespmem:$0x14240] =	vst v63  }
0x38: {  	[tilespmem:$0x14220] =	vst v1  }
0x39: {  	[tilespmem:$0x141B0] =	vst v2  }
0x3a: {  	s29 =	simm.s32 $0x14280;
	[tilespmem:$0x14230] =	vst v3  }
0x3b: {  	[tilespmem:s29], [sflag:$0x2] =	stream.indirect.gather [hbm4b:s3+s25], $0x80, s22, s25, $0xb8;
	[tilespmem:$0x1EF00] =	vst v63  }
0x3c: {  	s30 =	simm.s32 $0x140A8;
	s31 =	simm.s32 $0x15680  }
0x3d: {  	[tilespmem:s31], [sflag:$0x2] =	stream.indirect.gather [hbm4b:s3+s25], $0x80, s30, s25, $0xb8;
	[tilespmem:$0x1EF00] =	vst v63  }
0x3e: {  	s18 =	simm.s32 $0x16A80  }
0x3f: {  	[tilespmem:s18], [sflag:$0x3] =	stream.indirect.gather [hbm4b:s7+s25], $0x80, s21, s25, $0xb8;
	[tilespmem:$0x1EF00] =	vst v63  }
0x40: {  	s23 =	simm.s32 $0x14028;
	s26 =	simm.s32 $0x17E80  }
0x41: {  	[tilespmem:s26], [sflag:$0x3] =	stream.indirect.gather [hbm4b:s7+s25], $0x80, s23, s25, $0xb8;
	[tilespmem:$0x1EF00] =	vst v63  }
0x42: {  	s28 =	rddreg [dreg:$0x7]  }
0x43: {  	[tilespmem:s2], [sflag:$0x5] =	stream.linear.gather [hbm4b:s28+s19], $0x50, $0x38;
	[tilespmem:$0x1EF00] =	vst v63  }
0x44: {  	s29 =	rddreg [dreg:$0x8]  }
0x45: {  	[tilespmem:s10], [sflag:$0x5] =	stream.linear.gather [hbm4b:s29+s19], $0x50, $0x38;
	[tilespmem:$0x1EF00] =	vst v63  }
0x46: {  	s30 =	rddreg [dreg:$0x9];
	s31 =	simm.s32 $0x19880  }
0x47: {  	[tilespmem:s31], [sflag:$0x5] =	stream.linear.gather [hbm4b:s30+s19], $0x50, $0x38;
	[tilespmem:$0x1EF00] =	vst v63  }
.LBB2_4:
0x48: {  	_ =	swait.ge [sflag:s11], $0x50  }
0x49: {  	[sflag:s11] =	ssyncset.done $0x0  }
0x4a: {  	[sflag:s11] =	ssyncadd.s32 $0xFFFFFFB0  }
0x4b: {  	_ =	swait.ge [sflag:s11], $0x50  }
0x4c: {  	[sflag:s11] =	ssyncset.done $0x0  }
0x4d: {  	[sflag:s11] =	ssyncadd.s32 $0xFFFFFFB0  }
0x4e: {  	_ =	swait.ge [sflag:s11], $0x50  }
0x4f: {  	[sflag:s11] =	ssyncset.done $0x0  }
0x50: {  	[sflag:s11] =	ssyncadd.s32 $0xFFFFFFB0  }
0x51: {  	v1 =	vld [tilespmem:$0x19800]  }
0x52: {  	v2 =	vld [tilespmem:$0x19880]  }
0x53: {  	v3 =	vld [tilespmem:$0x19810]  }
0x54: {  	v4 =	vld [tilespmem:$0x19890]  }
0x55: {  	v5 =	vld [tilespmem:$0x19820]  }
0x56: {  	v62 =	vld [tilespmem:$0x19840];
	[tilespmem:$0x19900] =	vst v1  }
0x57: {  	v63 =	vld [tilespmem:$0x198C0];
	[tilespmem:$0x19980] =	vst v2  }
0x58: {  	v1 =	vld [tilespmem:$0x198A0];
	[tilespmem:$0x19910] =	vst v3  }
0x59: {  	v2 =	vld [tilespmem:$0x19830];
	[tilespmem:$0x19990] =	vst v4  }
0x5a: {  	v3 =	vld [tilespmem:$0x198B0];
	[tilespmem:$0x19920] =	vst v5  }
0x5b: {  	[tilespmem:$0x19940] =	vst v62  }
0x5c: {  	[tilespmem:$0x199C0] =	vst v63  }
0x5d: {  	[tilespmem:$0x199A0] =	vst v1  }
0x5e: {  	[tilespmem:$0x19930] =	vst v2  }
0x5f: {  	s0 =	simm.s32 $0x19A00;
	[tilespmem:$0x199B0] =	vst v3  }
0x60: {  	[tilespmem:s0], [sflag:$0x6] =	stream.indirect.gather [hbm4b:s3+s25], $0x80, s10, s25, $0xb8;
	[tilespmem:$0x1EF00] =	vst v63  }
0x61: {  	s26 =	simm.s32 $0x19828;
	s18 =	simm.s32 $0x1AE00  }
0x62: {  	[tilespmem:s18], [sflag:$0x6] =	stream.indirect.gather [hbm4b:s3+s25], $0x80, s26, s25, $0xb8;
	[tilespmem:$0x1EF00] =	vst v63  }
0x63: {  	s18 =	simm.s32 $0x1C200  }
0x64: {  	[tilespmem:s18], [sflag:$0x7] =	stream.indirect.gather [hbm4b:s7+s25], $0x80, s2, s25, $0xb8;
	[tilespmem:$0x1EF00] =	vst v63  }
0x65: {  	s23 =	simm.s32 $0x197A8;
	s26 =	simm.s32 $0x1D600  }
0x66: {  	[tilespmem:s26], [sflag:$0x7] =	stream.indirect.gather [hbm4b:s7+s25], $0x80, s23, s25, $0xb8;
	[tilespmem:$0x1EF00] =	vst v63  }
0x67: {  	_ =	swait.ge [sflag:s20], $0x1400  }
0x68: {  	[sflag:s20] =	ssyncset.done $0x0  }
0x69: {  	[sflag:s20] =	ssyncadd.s32 $0xFFFFEC00  }
0x6a: {  	_ =	swait.ge [sflag:s20], $0x1400  }
0x6b: {  	[sflag:s20] =	ssyncset.done $0x0  }
0x6c: {  	[sflag:s20] =	ssyncadd.s32 $0xFFFFEC00  }
0x6d: {  	_ =	swait.ge [sflag:s12], $0x1400  }
0x6e: {  	s18 =	smul.u32 $0xA0, s19;
	[sflag:s12] =	ssyncset.done $0x0  }
0x6f: {  	[sflag:s12] =	ssyncadd.s32 $0xFFFFEC00  }
0x70: {  	s23 =	sadd.s32 s18, s16;
	_ =	swait.ge [sflag:s12], $0x1400  }
0x71: {  	s0 =	sshrl.u32 s23, $0x3;
	[sflag:s12] =	ssyncset.done $0x0  }
0x72: {  	s23 =	sadd.s32 s5, s0;
	[sflag:s12] =	ssyncadd.s32 $0xFFFFEC00  }
0x73: {  	[tilespmem:s21], [sflag:$0x1] =	stream.linear.gather [hbm4b:s23+s4], $0x50, $0x38;
	[tilespmem:$0x1EF00] =	vst v63  }
0x74: {  	s26 =	sadd.s32 s6, s0  }
0x75: {  	[tilespmem:s22], [sflag:$0x1] =	stream.linear.gather [hbm4b:s26+s4], $0x50, $0x38;
	[tilespmem:$0x1EF00] =	vst v63  }
0x76: {  	p0 =	seq.s32 s19, $0x0;
	s0 =	sadd.s32 s1, s0;
	s26 =	simm.s32 $0x14100  }
0x77: {  	[tilespmem:s26], [sflag:$0x1] =	stream.linear.gather [hbm4b:s0+s4], $0x50, $0x38;
	[tilespmem:$0x1EF00] =	vst v63  }
0x78: {  	s0 =	simm.s32 @!p0 $0x4  }
0x79: {  	_ =	swait.ge @!p0 [sflag:s0], $0x500  }
0x7a: {  	[sflag:s0] =	ssyncset.done @!p0 $0x0  }
0x7b: {  	s26 =	simm.s32 $0x14201;
	[sflag:s0] =	ssyncadd.s32 @!p0 $0xFFFFFB00  }
0x7c: {  	v1 =	vld [tilespmem:s26+$0xFFFFFFFF];
	_ =	sdelay $0x4  }
0x7d: {  	(v2sf) =	vpush v1, $0x0;
	_ =	sdelay $0xe  }
0x7e: {  	s0 =	spop (v2sf)  }
0x7f: {  	s23 =	simm.s32 $0x14181;
	s0 =	sshll.u32 s0, $0x4  }
0x80: {  	v1 =	vld [tilespmem:s23+$0xFFFFFFFF];
	s0 =	sadd.s32 $0x0, s0  }
0x81: {  	v2 =	vld [tilespmem:s0+$0x14280]  }
0x82: {  	v3 =	vld [tilespmem:s0+$0x16A80];
	_ =	sdelay $0x4  }
0x83: {  	(v2sf) =	vpush v1, $0x0;
	v1 =	vadd.f32 v3, v2;
	_ =	sdelay $0x1  }
0x84: {  	v2 =	vmul.f32 $2.000000030e-01, v1;
	_ =	sdelay $0x1  }
0x85: {  	v1 =	vmax.f32 v1, v2  }
0x86: {  	v1 =	vmul.f32 $1.442695020e+00, v1;
	_ =	sdelay $0x1  }
0x87: {  	(erf) = vpow2.f32 v1;
	_ =	sdelay $0x7  }
0x88: {  	s0 =	spop (v2sf)  }
0x89: {  	s29 =	simm.s32 $0x19290;
	s0 =	sshll.u32 s0, $0x5;
	v1 =	vpop (erf)  }
0x8a: {  	s0 =	sshra.s32 s0, $0x2;
	[tilespmem:s29+$0xFFFFFFF0] =	vst v1  }
0x8b: {  	v2 =	vld [tilespmem:s0+$0x0];
	_ =	sdelay $0x3  }
0x8c: {  	v1 =	vnsel vm0, $0x0, v1  }
0x8d: {  	v1 =	vadd.f32 v1, v2;
	_ =	sdelay $0x1  }
0x8e: {  	[tilespmem:s0+$0x0] =	vst v1  }
0x8f: {  	v1 =	vld [tilespmem:s26+$0x0];
	_ =	sdelay $0x4  }
0x90: {  	(v2sf) =	vpush v1, $0x0;
	_ =	sdelay $0xe  }
0x91: {  	s0 =	spop (v2sf)  }
0x92: {  	s0 =	sshll.u32 s0, $0x4  }
0x93: {  	v1 =	vld [tilespmem:s23+$0x0];
	s0 =	sadd.s32 $0x0, s0  }
0x94: {  	v2 =	vld [tilespmem:s0+$0x14300]  }
0x95: {  	v3 =	vld [tilespmem:s0+$0x16B00];
	_ =	sdelay $0x4  }
0x96: {  	(v2sf) =	vpush v1, $0x0;
	v1 =	vadd.f32 v3, v2;
	_ =	sdelay $0x1  }
0x97: {  	v2 =	vmul.f32 $2.000000030e-01, v1;
	_ =	sdelay $0x1  }
0x98: {  	v1 =	vmax.f32 v1, v2  }
0x99: {  	v1 =	vmul.f32 $1.442695020e+00, v1;
	_ =	sdelay $0x1  }
0x9a: {  	(erf) = vpow2.f32 v1;
	_ =	sdelay $0x7  }
0x9b: {  	s23 =	spop (v2sf)  }
0x9c: {  	s0 =	sshll.u32 s23, $0x5;
	v2 =	vpop (erf)  }
0x9d: {  	s0 =	sshra.s32 s0, $0x2;
	[tilespmem:s29+$0x0] =	vst v2  }
0x9e: {  	v1 =	vld [tilespmem:s0+$0x0];
	_ =	sdelay $0x2  }
0x9f: {  	s28 =	simm.s32 $0x0;
	s30 =	simm.s32 $0x192B0  }
0xa0: {  	s31 =	simm.s32 $0x0;
	s23 =	sshll.u32 s19, $0x1;
	v2 =	vnsel vm0, $0x0, v2;
	s29 =	simm.s32 $0x14183  }
.LBB2_5:
0xa1: {  	s28 =	sadd.s32 $0x2, s28;
	v1 =	vadd.f32 v2, v1;
	s31 =	sadd.s32 $0x100, s31;
	s26 =	sadd.s32 $0x2, s26  }
0xa2: {  	p1 =	slt.u32 s28, $0x4E  }
0xa3: {  	[tilespmem:s0+$0x0] =	vst v1  }
0xa4: {  	v1 =	vld [tilespmem:s26+$0xFFFFFFFF];
	_ =	sdelay $0x4  }
0xa5: {  	(v2sf) =	vpush v1, $0x0;
	_ =	sdelay $0xe  }
0xa6: {  	s0 =	spop (v2sf)  }
0xa7: {  	s0 =	sshll.u32 s0, $0x4  }
0xa8: {  	v1 =	vld [tilespmem:s29+$0xFFFFFFFF];
	s0 =	sadd.s32 s0, s31  }
0xa9: {  	v2 =	vld [tilespmem:s0+$0x14280]  }
0xaa: {  	v3 =	vld [tilespmem:s0+$0x16A80];
	_ =	sdelay $0x2  }
0xab: {  	(v2sf) =	vpush v1, $0x0;
	_ =	sdelay $0x1  }
0xac: {  	v1 =	vadd.f32 v3, v2;
	_ =	sdelay $0x1  }
0xad: {  	v2 =	vmul.f32 $2.000000030e-01, v1;
	_ =	sdelay $0x1  }
0xae: {  	v1 =	vmax.f32 v1, v2  }
0xaf: {  	v1 =	vmul.f32 $1.442695020e+00, v1;
	_ =	sdelay $0x1  }
0xb0: {  	(erf) = vpow2.f32 v1;
	_ =	sdelay $0x5  }
0xb1: {  	s0 =	spop (v2sf)  }
0xb2: {  	s0 =	sshll.u32 s0, $0x5;
	_ =	sdelay $0x1  }
0xb3: {  	s0 =	sshra.s32 s0, $0x2;
	v1 =	vpop (erf)  }
0xb4: {  	[tilespmem:s30+$0xFFFFFFF0] =	vst v1  }
0xb5: {  	v2 =	vld [tilespmem:s0+$0x0];
	_ =	sdelay $0x2  }
0xb6: {  	v1 =	vnsel vm0, $0x0, v1;
	_ =	sdelay $0x1  }
0xb7: {  	v1 =	vadd.f32 v1, v2;
	_ =	sdelay $0x1  }
0xb8: {  	[tilespmem:s0+$0x0] =	vst v1  }
0xb9: {  	v1 =	vld [tilespmem:s26+$0x0];
	_ =	sdelay $0x4  }
0xba: {  	(v2sf) =	vpush v1, $0x0;
	_ =	sdelay $0xe  }
0xbb: {  	s0 =	spop (v2sf)  }
0xbc: {  	s0 =	sshll.u32 s0, $0x4  }
0xbd: {  	v1 =	vld [tilespmem:s29+$0x0];
	s0 =	sadd.s32 s0, s31  }
0xbe: {  	v2 =	vld [tilespmem:s0+$0x14300]  }
0xbf: {  	v3 =	vld [tilespmem:s0+$0x16B00];
	_ =	sdelay $0x2  }
0xc0: {  	(v2sf) =	vpush v1, $0x0;
	_ =	sdelay $0x1  }
0xc1: {  	v1 =	vadd.f32 v3, v2;
	_ =	sdelay $0x1  }
0xc2: {  	v2 =	vmul.f32 $2.000000030e-01, v1;
	_ =	sdelay $0x1  }
0xc3: {  	v1 =	vmax.f32 v1, v2  }
0xc4: {  	v1 =	vmul.f32 $1.442695020e+00, v1;
	_ =	sdelay $0x1  }
0xc5: {  	(erf) = vpow2.f32 v1;
	_ =	sdelay $0x5  }
0xc6: {  	s0 =	spop (v2sf)  }
0xc7: {  	s0 =	sshll.u32 s0, $0x5  }
0xc8: {  	s0 =	sshra.s32 s0, $0x2  }
0xc9: {  	v2 =	vpop (erf)  }
0xca: {  	[tilespmem:s30+$0x0] =	vst v2  }
.Ltmp1:
0xcb: {  	v1 =	vld [tilespmem:s0+$0x0];
	(pc) =	sbr.rel @p1 .LBB2_5-.Ltmp1, $3  }
0xcc: {  	_ = 	snop  }
0xcd: {  	v2 =	vnsel vm0, $0x0, v2;
	_ =	sdelay $0x1  }
0xce: {  	s29 =	sadd.s32 $0x2, s29;
	s30 =	sadd.s32 $0x20, s30  }
0xcf: {  	v1 =	vadd.f32 v2, v1;
	s26 =	sadd.s32 s8, s18  }
0xd0: {  	s26 =	sshll.u32 s26, $0x1  }
0xd1: {  	[tilespmem:s0+$0x0] =	vst v1;
	s26 =	sadd.s32 s9, s26  }
0xd2: {  	[hbm4b:s26+s4] =	stream.linear.scatter [tilespmem:s13], [sflag:$0x4], $0x500, $0x38;
	[tilespmem:$0x1EF00] =	vst v63  }
0xd3: {  	_ =	swait.ge [sflag:s24], $0x50  }
0xd4: {  	[sflag:s24] =	ssyncset.done $0x0  }
0xd5: {  	[sflag:s24] =	ssyncadd.s32 $0xFFFFFFB0  }
0xd6: {  	_ =	swait.ge [sflag:s24], $0x50  }
0xd7: {  	[sflag:s24] =	ssyncset.done $0x0  }
0xd8: {  	[sflag:s24] =	ssyncadd.s32 $0xFFFFFFB0  }
0xd9: {  	_ =	swait.ge [sflag:s24], $0x50  }
0xda: {  	[sflag:s24] =	ssyncset.done $0x0  }
0xdb: {  	[sflag:s24] =	ssyncadd.s32 $0xFFFFFFB0  }
0xdc: {  	v1 =	vld [tilespmem:$0x14080]  }
0xdd: {  	v2 =	vld [tilespmem:$0x14100]  }
0xde: {  	v3 =	vld [tilespmem:$0x14090]  }
0xdf: {  	v4 =	vld [tilespmem:$0x14110]  }
0xe0: {  	v5 =	vld [tilespmem:$0x140A0]  }
0xe1: {  	v62 =	vld [tilespmem:$0x140C0];
	[tilespmem:$0x14180] =	vst v1  }
0xe2: {  	v63 =	vld [tilespmem:$0x14140];
	[tilespmem:$0x14200] =	vst v2  }
0xe3: {  	v1 =	vld [tilespmem:$0x14120];
	[tilespmem:$0x14190] =	vst v3  }
0xe4: {  	v2 =	vld [tilespmem:$0x140B0];
	[tilespmem:$0x14210] =	vst v4  }
0xe5: {  	v3 =	vld [tilespmem:$0x14130];
	[tilespmem:$0x141A0] =	vst v5  }
0xe6: {  	[tilespmem:$0x141C0] =	vst v62  }
0xe7: {  	[tilespmem:$0x14240] =	vst v63  }
0xe8: {  	[tilespmem:$0x14220] =	vst v1  }
0xe9: {  	[tilespmem:$0x141B0] =	vst v2  }
0xea: {  	s26 =	simm.s32 $0x14280;
	[tilespmem:$0x14230] =	vst v3  }
0xeb: {  	[tilespmem:s26], [sflag:$0x2] =	stream.indirect.gather [hbm4b:s3+s25], $0x80, s22, s25, $0xb8;
	[tilespmem:$0x1EF00] =	vst v63  }
0xec: {  	s0 =	simm.s32 $0x140A8;
	s26 =	simm.s32 $0x15680  }
0xed: {  	[tilespmem:s26], [sflag:$0x2] =	stream.indirect.gather [hbm4b:s3+s25], $0x80, s0, s25, $0xb8;
	[tilespmem:$0x1EF00] =	vst v63  }
0xee: {  	s26 =	simm.s32 $0x16A80  }
0xef: {  	[tilespmem:s26], [sflag:$0x3] =	stream.indirect.gather [hbm4b:s7+s25], $0x80, s21, s25, $0xb8;
	[tilespmem:$0x1EF00] =	vst v63  }
0xf0: {  	s0 =	simm.s32 $0x14028;
	s26 =	simm.s32 $0x17E80  }
0xf1: {  	[tilespmem:s26], [sflag:$0x3] =	stream.indirect.gather [hbm4b:s7+s25], $0x80, s0, s25, $0xb8;
	[tilespmem:$0x1EF00] =	vst v63  }
0xf2: {  	_ =	swait.ge [sflag:s14], $0x1400  }
0xf3: {  	[sflag:s14] =	ssyncset.done $0x0  }
0xf4: {  	[sflag:s14] =	ssyncadd.s32 $0xFFFFEC00  }
0xf5: {  	_ =	swait.ge [sflag:s14], $0x1400  }
0xf6: {  	[sflag:s14] =	ssyncset.done $0x0  }
0xf7: {  	[sflag:s14] =	ssyncadd.s32 $0xFFFFEC00  }
0xf8: {  	_ =	swait.ge [sflag:s15], $0x1400  }
0xf9: {  	s23 =	sor.u32 $0x1, s23;
	[sflag:s15] =	ssyncset.done $0x0  }
0xfa: {  	p1 =	sgt.u32 s23, $0x7A;
	[sflag:s15] =	ssyncadd.s32 $0xFFFFEC00  }
0xfb: {  	s0 =	sadd.s32 @!p1 s18, s17;
	_ =	swait.ge [sflag:s15], $0x1400  }
0xfc: {  	s28 =	simm.s32 @!p1 $0x19780;
	s0 =	sshrl.u32 @!p1 s0, $0x3;
	[sflag:s15] =	ssyncset.done $0x0  }
0xfd: {  	s26 =	simm.s32 @!p1 $0x0;
	s18 =	sadd.s32 @!p1 s5, s0;
	[sflag:s15] =	ssyncadd.s32 $0xFFFFEC00  }
0xfe: {  	[tilespmem:s28], [sflag:$0x5] =	stream.linear.gather @!p1 [hbm4b:s18+s26], $0x50, $0x38;
	[tilespmem:$0x1EF00] =	vst v63  }
0xff: {  	s18 =	sadd.s32 @!p1 s6, s0;
	s28 =	simm.s32 @!p1 $0x19800  }
0x100: {  	[tilespmem:s28], [sflag:$0x5] =	stream.linear.gather @!p1 [hbm4b:s18+s26], $0x50, $0x38;
	[tilespmem:$0x1EF00] =	vst v63  }
0x101: {  	s0 =	sadd.s32 @!p1 s1, s0;
	s18 =	simm.s32 @!p1 $0x19880  }
0x102: {  	[tilespmem:s18], [sflag:$0x5] =	stream.linear.gather @!p1 [hbm4b:s0+s26], $0x50, $0x38;
	[tilespmem:$0x1EF00] =	vst v63  }
0x103: {  	s0 =	simm.s32 @!p0 $0x8  }
0x104: {  	_ =	swait.ge @!p0 [sflag:s0], $0x500  }
0x105: {  	[sflag:s0] =	ssyncset.done @!p0 $0x0  }
0x106: {  	s18 =	simm.s32 $0x19981;
	[sflag:s0] =	ssyncadd.s32 @!p0 $0xFFFFFB00  }
0x107: {  	v1 =	vld [tilespmem:s18+$0xFFFFFFFF];
	_ =	sdelay $0x4  }
0x108: {  	(v2sf) =	vpush v1, $0x0;
	_ =	sdelay $0xe  }
0x109: {  	s0 =	spop (v2sf)  }
0x10a: {  	s26 =	simm.s32 $0x19901;
	s0 =	sshll.u32 s0, $0x4  }
0x10b: {  	v1 =	vld [tilespmem:s26+$0xFFFFFFFF];
	s0 =	sadd.s32 $0x0, s0  }
0x10c: {  	v2 =	vld [tilespmem:s0+$0x19A00]  }
0x10d: {  	v3 =	vld [tilespmem:s0+$0x1C200];
	_ =	sdelay $0x4  }
0x10e: {  	(v2sf) =	vpush v1, $0x0;
	v1 =	vadd.f32 v3, v2;
	_ =	sdelay $0x1  }
0x10f: {  	v2 =	vmul.f32 $2.000000030e-01, v1;
	_ =	sdelay $0x1  }
0x110: {  	v1 =	vmax.f32 v1, v2  }
0x111: {  	v1 =	vmul.f32 $1.442695020e+00, v1;
	_ =	sdelay $0x1  }
0x112: {  	(erf) = vpow2.f32 v1;
	_ =	sdelay $0x7  }
0x113: {  	s0 =	spop (v2sf)  }
0x114: {  	s28 =	simm.s32 $0x1EA10;
	s0 =	sshll.u32 s0, $0x5;
	v1 =	vpop (erf)  }
0x115: {  	s0 =	sshra.s32 s0, $0x2;
	[tilespmem:s28+$0xFFFFFFF0] =	vst v1  }
0x116: {  	v2 =	vld [tilespmem:s0+$0x0];
	_ =	sdelay $0x3  }
0x117: {  	v1 =	vnsel vm0, $0x0, v1  }
0x118: {  	v1 =	vadd.f32 v1, v2;
	_ =	sdelay $0x1  }
0x119: {  	[tilespmem:s0+$0x0] =	vst v1  }
0x11a: {  	v1 =	vld [tilespmem:s18+$0x0];
	_ =	sdelay $0x4  }
0x11b: {  	(v2sf) =	vpush v1, $0x0;
	_ =	sdelay $0xe  }
0x11c: {  	s0 =	spop (v2sf)  }
0x11d: {  	s0 =	sshll.u32 s0, $0x4  }
0x11e: {  	v1 =	vld [tilespmem:s26+$0x0];
	s0 =	sadd.s32 $0x0, s0  }
0x11f: {  	v2 =	vld [tilespmem:s0+$0x19A80]  }
0x120: {  	v3 =	vld [tilespmem:s0+$0x1C280];
	_ =	sdelay $0x4  }
0x121: {  	(v2sf) =	vpush v1, $0x0;
	v1 =	vadd.f32 v3, v2;
	_ =	sdelay $0x1  }
0x122: {  	v2 =	vmul.f32 $2.000000030e-01, v1;
	_ =	sdelay $0x1  }
0x123: {  	v1 =	vmax.f32 v1, v2  }
0x124: {  	v1 =	vmul.f32 $1.442695020e+00, v1;
	_ =	sdelay $0x1  }
0x125: {  	(erf) = vpow2.f32 v1;
	_ =	sdelay $0x7  }
0x126: {  	s26 =	spop (v2sf)  }
0x127: {  	s0 =	sshll.u32 s26, $0x5;
	v2 =	vpop (erf)  }
0x128: {  	s31 =	sshra.s32 s0, $0x2;
	[tilespmem:s28+$0x0] =	vst v2  }
0x129: {  	v1 =	vld [tilespmem:s31+$0x0];
	_ =	sdelay $0x2  }
0x12a: {  	s29 =	simm.s32 $0x19903  }
0x12b: {  	s30 =	simm.s32 $0x1EA30;
	s26 =	simm.s32 $0x0;
	s28 =	simm.s32 $0x0;
	v2 =	vnsel vm0, $0x0, v2  }
.LBB2_7:
0x12c: {  	s28 =	sadd.s32 $0x2, s28;
	v1 =	vadd.f32 v2, v1;
	s26 =	sadd.s32 $0x100, s26;
	s18 =	sadd.s32 $0x2, s18  }
0x12d: {  	p0 =	slt.u32 s28, $0x4E  }
0x12e: {  	[tilespmem:s31+$0x0] =	vst v1  }
0x12f: {  	v1 =	vld [tilespmem:s18+$0xFFFFFFFF];
	_ =	sdelay $0x4  }
0x130: {  	(v2sf) =	vpush v1, $0x0;
	_ =	sdelay $0xe  }
0x131: {  	s0 =	spop (v2sf)  }
0x132: {  	s0 =	sshll.u32 s0, $0x4  }
0x133: {  	v1 =	vld [tilespmem:s29+$0xFFFFFFFF];
	s0 =	sadd.s32 s0, s26  }
0x134: {  	v2 =	vld [tilespmem:s0+$0x19A00]  }
0x135: {  	v3 =	vld [tilespmem:s0+$0x1C200];
	_ =	sdelay $0x2  }
0x136: {  	(v2sf) =	vpush v1, $0x0;
	_ =	sdelay $0x1  }
0x137: {  	v1 =	vadd.f32 v3, v2;
	_ =	sdelay $0x1  }
0x138: {  	v2 =	vmul.f32 $2.000000030e-01, v1;
	_ =	sdelay $0x1  }
0x139: {  	v1 =	vmax.f32 v1, v2  }
0x13a: {  	v1 =	vmul.f32 $1.442695020e+00, v1;
	_ =	sdelay $0x1  }
0x13b: {  	(erf) = vpow2.f32 v1;
	_ =	sdelay $0x5  }
0x13c: {  	s0 =	spop (v2sf)  }
0x13d: {  	s0 =	sshll.u32 s0, $0x5;
	_ =	sdelay $0x1  }
0x13e: {  	s0 =	sshra.s32 s0, $0x2;
	v1 =	vpop (erf)  }
0x13f: {  	[tilespmem:s30+$0xFFFFFFF0] =	vst v1  }
0x140: {  	v2 =	vld [tilespmem:s0+$0x0];
	_ =	sdelay $0x2  }
0x141: {  	v1 =	vnsel vm0, $0x0, v1;
	_ =	sdelay $0x1  }
0x142: {  	v1 =	vadd.f32 v1, v2;
	_ =	sdelay $0x1  }
0x143: {  	[tilespmem:s0+$0x0] =	vst v1  }
0x144: {  	v1 =	vld [tilespmem:s18+$0x0];
	_ =	sdelay $0x4  }
0x145: {  	(v2sf) =	vpush v1, $0x0;
	_ =	sdelay $0xe  }
0x146: {  	s0 =	spop (v2sf)  }
0x147: {  	s0 =	sshll.u32 s0, $0x4  }
0x148: {  	v1 =	vld [tilespmem:s29+$0x0];
	s0 =	sadd.s32 s0, s26  }
0x149: {  	v2 =	vld [tilespmem:s0+$0x19A80]  }
0x14a: {  	v3 =	vld [tilespmem:s0+$0x1C280];
	_ =	sdelay $0x2  }
0x14b: {  	(v2sf) =	vpush v1, $0x0;
	_ =	sdelay $0x1  }
0x14c: {  	v1 =	vadd.f32 v3, v2;
	_ =	sdelay $0x1  }
0x14d: {  	v2 =	vmul.f32 $2.000000030e-01, v1;
	_ =	sdelay $0x1  }
0x14e: {  	v1 =	vmax.f32 v1, v2  }
0x14f: {  	v1 =	vmul.f32 $1.442695020e+00, v1;
	_ =	sdelay $0x1  }
0x150: {  	(erf) = vpow2.f32 v1;
	_ =	sdelay $0x5  }
0x151: {  	s0 =	spop (v2sf)  }
0x152: {  	s0 =	sshll.u32 s0, $0x5  }
0x153: {  	s31 =	sshra.s32 s0, $0x2  }
0x154: {  	v2 =	vpop (erf)  }
0x155: {  	[tilespmem:s30+$0x0] =	vst v2  }
.Ltmp2:
0x156: {  	v1 =	vld [tilespmem:s31+$0x0];
	(pc) =	sbr.rel @p0 .LBB2_7-.Ltmp2, $3  }
0x157: {  	_ = 	snop  }
0x158: {  	v2 =	vnsel vm0, $0x0, v2;
	_ =	sdelay $0x1  }
0x159: {  	s29 =	sadd.s32 $0x2, s29;
	s30 =	sadd.s32 $0x20, s30  }
0x15a: {  	s0 =	smul.u32 $0x50, s23;
	s19 =	sadd.s32 $0x1, s19  }
0x15b: {  	p0 =	sne.s32 s19, $0x3E  }
.Ltmp3:
0x15c: {  	s0 =	sadd.s32 s8, s0;
	(pc) =	sbr.rel @p0 .LBB2_4-.Ltmp3, $4  }
0x15d: {  	v1 =	vadd.f32 v2, v1;
	s0 =	sshll.u32 s0, $0x1  }
0x15e: {  	s0 =	sand.u32 $0x1FFFFFE0, s0  }
0x15f: {  	s18 =	simm.s32 $0x1EA00;
	[tilespmem:s31+$0x0] =	vst v1;
	s0 =	sadd.s32 s9, s0  }
0x160: {  	[hbm4b:s0+s4] =	stream.linear.scatter [tilespmem:s18], [sflag:$0x8], $0x500, $0x38;
	[tilespmem:$0x1EF00] =	vst v63  }
0x161: {  	_ =	swait.ge [sflag:s20], $0x1400  }
0x162: {  	[sflag:s20] =	ssyncset.done $0x0  }
0x163: {  	[sflag:s20] =	ssyncadd.s32 $0xFFFFEC00  }
0x164: {  	_ =	swait.ge [sflag:s20], $0x1400  }
0x165: {  	[sflag:s20] =	ssyncset.done $0x0  }
0x166: {  	[sflag:s20] =	ssyncadd.s32 $0xFFFFEC00  }
0x167: {  	_ =	swait.ge [sflag:s12], $0x1400  }
0x168: {  	[sflag:s12] =	ssyncset.done $0x0  }
0x169: {  	[sflag:s12] =	ssyncadd.s32 $0xFFFFEC00  }
0x16a: {  	_ =	swait.ge [sflag:s12], $0x1400  }
0x16b: {  	[sflag:s12] =	ssyncset.done $0x0  }
0x16c: {  	s29 =	simm.s32 $0x4;
	[sflag:s12] =	ssyncadd.s32 $0xFFFFEC00  }
0x16d: {  	_ =	swait.ge [sflag:s29], $0x500  }
0x16e: {  	[sflag:s29] =	ssyncset.done $0x0  }
0x16f: {  	s18 =	simm.s32 $0x14201;
	[sflag:s29] =	ssyncadd.s32 $0xFFFFFB00  }
0x170: {  	v1 =	vld [tilespmem:s18+$0xFFFFFFFF];
	_ =	sdelay $0x4  }
0x171: {  	(v2sf) =	vpush v1, $0x0;
	_ =	sdelay $0xe  }
0x172: {  	s0 =	spop (v2sf)  }
0x173: {  	s19 =	simm.s32 $0x14181;
	s0 =	sshll.u32 s0, $0x4  }
0x174: {  	v1 =	vld [tilespmem:s19+$0xFFFFFFFF];
	s0 =	sadd.s32 $0x0, s0  }
0x175: {  	v2 =	vld [tilespmem:s0+$0x14280]  }
0x176: {  	v3 =	vld [tilespmem:s0+$0x16A80];
	_ =	sdelay $0x4  }
0x177: {  	(v2sf) =	vpush v1, $0x0;
	v1 =	vadd.f32 v3, v2;
	_ =	sdelay $0x1  }
0x178: {  	v2 =	vmul.f32 $2.000000030e-01, v1;
	_ =	sdelay $0x1  }
0x179: {  	v1 =	vmax.f32 v1, v2  }
0x17a: {  	v1 =	vmul.f32 $1.442695020e+00, v1;
	_ =	sdelay $0x1  }
0x17b: {  	(erf) = vpow2.f32 v1;
	_ =	sdelay $0x7  }
0x17c: {  	s26 =	spop (v2sf)  }
0x17d: {  	s23 =	simm.s32 $0x19290;
	s0 =	sshll.u32 s26, $0x5;
	v1 =	vpop (erf)  }
0x17e: {  	s0 =	sshra.s32 s0, $0x2;
	[tilespmem:s23+$0xFFFFFFF0] =	vst v1  }
0x17f: {  	v2 =	vld [tilespmem:s0+$0x0];
	_ =	sdelay $0x3  }
0x180: {  	v1 =	vnsel vm0, $0x0, v1  }
0x181: {  	v1 =	vadd.f32 v1, v2;
	_ =	sdelay $0x1  }
0x182: {  	[tilespmem:s0+$0x0] =	vst v1  }
0x183: {  	v1 =	vld [tilespmem:s18+$0x0];
	_ =	sdelay $0x4  }
0x184: {  	(v2sf) =	vpush v1, $0x0;
	_ =	sdelay $0xe  }
0x185: {  	s30 =	spop (v2sf)  }
0x186: {  	s0 =	sshll.u32 s30, $0x4  }
0x187: {  	v1 =	vld [tilespmem:s19+$0x0];
	s0 =	sadd.s32 $0x0, s0  }
0x188: {  	v2 =	vld [tilespmem:s0+$0x14300]  }
0x189: {  	v3 =	vld [tilespmem:s0+$0x16B00];
	_ =	sdelay $0x4  }
0x18a: {  	(v2sf) =	vpush v1, $0x0;
	v1 =	vadd.f32 v3, v2;
	_ =	sdelay $0x1  }
0x18b: {  	v2 =	vmul.f32 $2.000000030e-01, v1;
	_ =	sdelay $0x1  }
0x18c: {  	v1 =	vmax.f32 v1, v2  }
0x18d: {  	v1 =	vmul.f32 $1.442695020e+00, v1;
	_ =	sdelay $0x1  }
0x18e: {  	(erf) = vpow2.f32 v1;
	_ =	sdelay $0x7  }
0x18f: {  	s31 =	spop (v2sf)  }
0x190: {  	s0 =	sshll.u32 s31, $0x5;
	v2 =	vpop (erf)  }
0x191: {  	s0 =	sshra.s32 s0, $0x2;
	[tilespmem:s23+$0x0] =	vst v2  }
0x192: {  	v1 =	vld [tilespmem:s0+$0x0];
	_ =	sdelay $0x2  }
0x193: {  	s28 =	simm.s32 $0x192B0  }
0x194: {  	s26 =	simm.s32 $0x14183;
	s19 =	simm.s32 $0x0;
	s23 =	simm.s32 $0x0;
	v2 =	vnsel vm0, $0x0, v2  }
.LBB2_10:
0x195: {  	s23 =	sadd.s32 $0x2, s23;
	v1 =	vadd.f32 v2, v1;
	s19 =	sadd.s32 $0x100, s19;
	s18 =	sadd.s32 $0x2, s18  }
0x196: {  	p0 =	slt.u32 s23, $0x4E  }
0x197: {  	[tilespmem:s0+$0x0] =	vst v1  }
0x198: {  	v1 =	vld [tilespmem:s18+$0xFFFFFFFF];
	_ =	sdelay $0x4  }
0x199: {  	(v2sf) =	vpush v1, $0x0;
	_ =	sdelay $0xe  }
0x19a: {  	s0 =	spop (v2sf)  }
0x19b: {  	s0 =	sshll.u32 s0, $0x4  }
0x19c: {  	v1 =	vld [tilespmem:s26+$0xFFFFFFFF];
	s0 =	sadd.s32 s0, s19  }
0x19d: {  	v2 =	vld [tilespmem:s0+$0x14280]  }
0x19e: {  	v3 =	vld [tilespmem:s0+$0x16A80];
	_ =	sdelay $0x2  }
0x19f: {  	(v2sf) =	vpush v1, $0x0;
	_ =	sdelay $0x1  }
0x1a0: {  	v1 =	vadd.f32 v3, v2;
	_ =	sdelay $0x1  }
0x1a1: {  	v2 =	vmul.f32 $2.000000030e-01, v1;
	_ =	sdelay $0x1  }
0x1a2: {  	v1 =	vmax.f32 v1, v2  }
0x1a3: {  	v1 =	vmul.f32 $1.442695020e+00, v1;
	_ =	sdelay $0x1  }
0x1a4: {  	(erf) = vpow2.f32 v1;
	_ =	sdelay $0x5  }
0x1a5: {  	s0 =	spop (v2sf)  }
0x1a6: {  	s0 =	sshll.u32 s0, $0x5;
	_ =	sdelay $0x1  }
0x1a7: {  	s0 =	sshra.s32 s0, $0x2;
	v1 =	vpop (erf)  }
0x1a8: {  	[tilespmem:s28+$0xFFFFFFF0] =	vst v1  }
0x1a9: {  	v2 =	vld [tilespmem:s0+$0x0];
	_ =	sdelay $0x2  }
0x1aa: {  	v1 =	vnsel vm0, $0x0, v1;
	_ =	sdelay $0x1  }
0x1ab: {  	v1 =	vadd.f32 v1, v2;
	_ =	sdelay $0x1  }
0x1ac: {  	[tilespmem:s0+$0x0] =	vst v1  }
0x1ad: {  	v1 =	vld [tilespmem:s18+$0x0];
	_ =	sdelay $0x4  }
0x1ae: {  	(v2sf) =	vpush v1, $0x0;
	_ =	sdelay $0xe  }
0x1af: {  	s0 =	spop (v2sf)  }
0x1b0: {  	s0 =	sshll.u32 s0, $0x4  }
0x1b1: {  	v1 =	vld [tilespmem:s26+$0x0];
	s0 =	sadd.s32 s0, s19  }
0x1b2: {  	v2 =	vld [tilespmem:s0+$0x14300]  }
0x1b3: {  	v3 =	vld [tilespmem:s0+$0x16B00];
	_ =	sdelay $0x2  }
0x1b4: {  	(v2sf) =	vpush v1, $0x0;
	_ =	sdelay $0x1  }
0x1b5: {  	v1 =	vadd.f32 v3, v2;
	_ =	sdelay $0x1  }
0x1b6: {  	v2 =	vmul.f32 $2.000000030e-01, v1;
	_ =	sdelay $0x1  }
0x1b7: {  	v1 =	vmax.f32 v1, v2  }
0x1b8: {  	v1 =	vmul.f32 $1.442695020e+00, v1;
	_ =	sdelay $0x1  }
0x1b9: {  	(erf) = vpow2.f32 v1;
	_ =	sdelay $0x5  }
0x1ba: {  	s0 =	spop (v2sf)  }
0x1bb: {  	s0 =	sshll.u32 s0, $0x5  }
0x1bc: {  	s0 =	sshra.s32 s0, $0x2  }
0x1bd: {  	v2 =	vpop (erf)  }
0x1be: {  	[tilespmem:s28+$0x0] =	vst v2  }
.Ltmp4:
0x1bf: {  	v1 =	vld [tilespmem:s0+$0x0];
	(pc) =	sbr.rel @p0 .LBB2_10-.Ltmp4, $3  }
0x1c0: {  	_ = 	snop  }
0x1c1: {  	v2 =	vnsel vm0, $0x0, v2;
	_ =	sdelay $0x1  }
0x1c2: {  	s26 =	sadd.s32 $0x2, s26;
	s28 =	sadd.s32 $0x20, s28  }
0x1c3: {  	v1 =	vadd.f32 v2, v1;
	_ =	sdelay $0x1  }
0x1c4: {  	s23 =	rddreg [dreg:$0xa];
	s26 =	simm.s32 $0x8;
	[tilespmem:s0+$0x0] =	vst v1  }
0x1c5: {  	[hbm4b:s23+s4] =	stream.linear.scatter [tilespmem:s13], [sflag:$0x4], $0x500, $0x38;
	[tilespmem:$0x1EF00] =	vst v63  }
0x1c6: {  	_ =	swait.ge [sflag:s26], $0x500  }
0x1c7: {  	[sflag:s26] =	ssyncset.done $0x0  }
0x1c8: {  	[sflag:s26] =	ssyncadd.s32 $0xFFFFFB00  }
0x1c9: {  	_ =	swait.ge [sflag:s29], $0x500  }
0x1ca: {  	s18 =	simm.s32 $0x80;
	s19 =	simm.s32 $0x400;
	[sflag:s29] =	ssyncset.done $0x0  }
0x1cb: {  	s28 =	rddreg [dreg:$0xb];
	[sflag:s29] =	ssyncadd.s32 $0xFFFFFB00;
	s29 =	simm.s32 $0x9  }
0x1cc: {  	[hbm4b:s28+s18] =	stream.strided.scatter [tilespmem:s4], [sflag:$0x9], $0x14000, s19, s18, $0x38;
	[tilespmem:$0x1EF00] =	vst v63  }
0x1cd: {  	_ =	swait.ge [sflag:s29], $0x14000  }
0x1ce: {  	s30 =	rddreg [dreg:$0xd]  }
0x1cf: {  	s31 =	rddreg [dreg:$0xc];
	s19 =	sadd.s32 $0x1, s30  }
0x1d0: {  	p0 =	sne.s32 s19, s31  }
.Ltmp5:
0x1d1: {  	_ = 	snop;
	(pc) =	sbr.rel @p0 .LBB2_1-.Ltmp5, $3  }
0x1d2: {  	_ =	sdelay $0x1  }
0x1d3: {  	[sflag:s29] =	ssyncset.done $0x0  }
0x1d4: {  	[sflag:s29] =	ssyncadd.s32 $0xFFFEC000  }
0x1d5: {  	_ =	sfence.sel $0x180000  }
0x1d6: {  	[bflag:$0x0] =	sbarrier.arrive $0xFFFF  }
0x1d7: {  	_ =	strace $0x90000047  }
0x1d8: {  	s0 =	stileid.u32;
	[bflag:$0x2] =	sbarrier.arrive $0xFFFF  }
0x1d9: {  	p0 =	sne.s32 s0, $0x0;
	s0 =	rddreg [dreg:$0x3]  }
0x1da: {  	s0 =	sadd.s32 @!p0 $0x100000, s0  }
0x1db: {  	[sflag:s0] =	ssyncadd.tile.s32 @!p0 $0x1;
	_ =	shalt  }
.Lfunc_end2:
_tile_overlayer_lowered:
.L_overlay_start_2:
0x1dc: {  	(tag) =	ssettag $0x2  }
0x1dd: {  	s0 =	rddreg [dreg:$0x0];
	s2 =	stileid.u32  }
0x1de: {  	s1 =	rddreg [dreg:$0x1];
	p0 =	sne.s32 s2, $0x0  }
0x1df: {  	s3 =	rddreg [dreg:$0x2];
	[bflag:$0x3] =	sbarrier.arrive $0xFFFF;
	s2 =	simm.s32 @!p0 $0x1C09  }
0x1e0: {  	[timem:s3], [sflag:s2] =	dma.local @!p0 [hbm:s0], s1  }
0x1e1: {  	s0 =	simm.s32 @!p0 $0x9  }
0x1e2: {  	_ =	swait.ge @!p0 [sflag:s0], s1  }
0x1e3: {  	s1 =	ssub.s32 @!p0 $0x0, s1;
	[sflag:s0] =	ssyncset.done @!p0 $0x0  }
0x1e4: {  	[sflag:s0] =	ssyncadd.s32 @!p0 s1  }
0x1e5: {  	[bflag:$0x3] =	sbarrier.arrive $0xFFFF  }
0x1e6: {  	_ =	shalt  }

</sc_bundles>
